<compile_context>
chip_gen: v7x
topology: tpu7x:2x2x1
jax: 0.10.2.dev20260603
libtpu: 0.0.44.dev20260713+nightly
codegen_flags: <defaults>
</compile_context>

<pallas_src>
import functools

import jax
import jax.numpy as jnp
import numpy as np
from jax import lax
from jax.experimental import pallas as pl
from jax.experimental.pallas import tpu as pltpu
from jax.experimental.pallas import tpu_sc as plsc

N = 4096
E = 65536
K = 2048
D = 128

_NC = 2
_NS = 16
_NW = _NC * _NS
_CH = 128

_MESH = plsc.VectorSubcoreMesh(core_axis_name="c", subcore_axis_name="s",
                               num_cores=_NC, num_subcores=_NS)


def _sc_segsum(table, idxr2d, idxc2d, nacc, width, adjust=False,
               q_tab=None, p_tab=None, gather=True):
    nchunks = E // _CH
    chunks_w = nchunks // _NW
    rows_w = nacc // _NS

    def body(table_ref, idxr_ref, idxc_ref, zeros_ref, q_ref, p_ref, out_ref,
             idxr_v, idxc_v, row_buf, row_buf2, q_v, p_v, acc_sh, sem):
        cid = lax.axis_index("c")
        sid = lax.axis_index("s")
        wid = sid * _NC + cid
        pltpu.sync_copy(zeros_ref.at[pl.ds(sid * rows_w, rows_w)],
                        acc_sh.at[pl.ds(sid * rows_w, rows_w)])
        base = wid * chunks_w
        if gather:
            pltpu.sync_copy(idxr_ref.at[pl.ds(base, chunks_w)], idxr_v)
        pltpu.sync_copy(idxc_ref.at[pl.ds(base, chunks_w)], idxc_v)
        if adjust:
            pltpu.sync_copy(q_ref, q_v)
            pltpu.sync_copy(p_ref, p_v)
        plsc.subcore_barrier()

        def adjust_chunk(j):
            for l in range(_CH // 16):
                rv = idxr_v[j, pl.ds(l * 16, 16)]
                cv = idxc_v[j, pl.ds(l * 16, 16)]
                qv = plsc.load_gather(q_v, [cv])
                pv = plsc.load_gather(p_v, [rv])
                off = jnp.where(qv + pv < 0.0,
                                jnp.full((16,), nacc // 2, jnp.int32),
                                jnp.zeros((16,), jnp.int32))
                idxr_v[j, pl.ds(l * 16, 16)] = rv + off
                idxc_v[j, pl.ds(l * 16, 16)] = cv + off

        if gather:
            if adjust:
                def adj(j, c):
                    adjust_chunk(j)
                    return c
                lax.fori_loop(0, chunks_w, adj, 0)
            bufs = (row_buf, row_buf2)
            pltpu.async_copy(table_ref.at[idxr_v.at[0]], bufs[0], sem)

            def step(j, c):
                even = j % 2 == 0

                @pl.when(j + 1 < chunks_w)
                def _():
                    @pl.when(even)
                    def _():
                        pltpu.async_copy(table_ref.at[idxr_v.at[j + 1]],
                                         bufs[1], sem)

                    @pl.when(jnp.logical_not(even))
                    def _():
                        pltpu.async_copy(table_ref.at[idxr_v.at[j + 1]],
                                         bufs[0], sem)

                @pl.when(even)
                def _():
                    pltpu.make_async_copy(table_ref.at[idxr_v.at[j]],
                                          bufs[0], sem).wait()
                    pltpu.sync_copy(bufs[0], acc_sh.at[idxc_v.at[j]],
                                    add=True)

                @pl.when(jnp.logical_not(even))
                def _():
                    pltpu.make_async_copy(table_ref.at[idxr_v.at[j]],
                                          bufs[1], sem).wait()
                    pltpu.sync_copy(bufs[1], acc_sh.at[idxc_v.at[j]],
                                    add=True)
                return c
            lax.fori_loop(0, chunks_w, step, 0)
        else:
            pltpu.sync_copy(table_ref.at[pl.ds(0, _CH)], row_buf)

            def step0(j, c):
                pltpu.sync_copy(row_buf, acc_sh.at[idxc_v.at[j]], add=True)
                return c
            lax.fori_loop(0, chunks_w, step0, 0)
        plsc.subcore_barrier()
        pltpu.sync_copy(acc_sh.at[pl.ds(sid * rows_w, rows_w)],
                        out_ref.at[pl.ds(cid * nacc + sid * rows_w, rows_w)])

    tdim = 2 if adjust else 1
    k = pl.kernel(
        body,
        out_type=jax.ShapeDtypeStruct((2 * nacc, width), jnp.float32),
        mesh=_MESH,
        compiler_params=pltpu.CompilerParams(needs_layout_passes=False),
        scratch_types=[
            pltpu.VMEM((chunks_w, _CH), jnp.int32),
            pltpu.VMEM((chunks_w, _CH), jnp.int32),
            pltpu.VMEM((_CH, width), jnp.float32),
            pltpu.VMEM((_CH, width), jnp.float32),
            pltpu.VMEM((N,), jnp.float32),
            pltpu.VMEM((N,), jnp.float32),
            pltpu.VMEM_SHARED((nacc, width), jnp.float32),
            pltpu.SemaphoreType.DMA,
        ],
    )
    zeros = jnp.zeros((nacc, width), jnp.float32)
    if not adjust:
        q_tab = jnp.zeros((N,), jnp.float32)
        p_tab = q_tab
    return k(table, idxr2d, idxc2d, zeros, q_tab, p_tab)


def _zp_kernel(zc_ref, zp_ref):
    i = pl.program_id(0)
    bm = zp_ref.shape[0]
    rowi = i * bm + jax.lax.broadcasted_iota(jnp.int32, zp_ref.shape, 0)
    coli = jax.lax.broadcasted_iota(jnp.int32, zp_ref.shape, 1)
    zp_ref[...] = ((zc_ref[...] > 0) | (rowi == coli)).astype(jnp.bfloat16)


def _zp_build(zc, bm=512):
    return pl.pallas_call(
        _zp_kernel,
        grid=(N // bm,),
        in_specs=[pl.BlockSpec((bm, N), lambda i: (i, 0))],
        out_specs=pl.BlockSpec((bm, N), lambda i: (i, 0)),
        out_shape=jax.ShapeDtypeStruct((N, N), jnp.bfloat16),
    )(zc)


def _upat_kernel(a_ref, b_ref, mb_ref, o_ref, acc_ref):
    k = pl.program_id(2)

    @pl.when(k == 0)
    def _():
        acc_ref[...] = jnp.zeros_like(acc_ref)

    bblk = b_ref[...] * mb_ref[0, :][None, :]
    acc_ref[...] += jnp.dot(a_ref[...], bblk,
                            preferred_element_type=jnp.float32)

    @pl.when(k == pl.num_programs(2) - 1)
    def _():
        o_ref[...] = (acc_ref[...] > 0).astype(jnp.bfloat16)


def _upat(zp, mb, bm=1024, bn=2048, bk=512):
    return pl.pallas_call(
        _upat_kernel,
        grid=(N // bm, N // bn, N // bk),
        in_specs=[pl.BlockSpec((bm, bk), lambda i, j, k: (i, k)),
                  pl.BlockSpec((bk, bn), lambda i, j, k: (k, j)),
                  pl.BlockSpec((1, bn), lambda i, j, k: (0, j))],
        out_specs=pl.BlockSpec((bm, bn), lambda i, j, k: (i, j)),
        out_shape=jax.ShapeDtypeStruct((N, N), jnp.bfloat16),
        scratch_shapes=[pltpu.VMEM((bm, bn), jnp.float32)],
    )(zp, zp, mb)


def _vpat_kernel(a_ref, b_ref, ma_ref, vp_ref, deg_ref, acc_ref):
    j, i, k = pl.program_id(0), pl.program_id(1), pl.program_id(2)

    @pl.when(k == 0)
    def _():
        acc_ref[...] = jnp.zeros_like(acc_ref)

    ablk = a_ref[...] * ma_ref[0, :][None, :]
    acc_ref[...] += jax.lax.dot_general(
        ablk, b_ref[...], (((0,), (0,)), ((), ())),
        preferred_element_type=jnp.float32)

    @pl.when(k == pl.num_programs(2) - 1)
    def _():
        bm, bn = acc_ref.shape
        rowi = i * bm + jax.lax.broadcasted_iota(jnp.int32, (bm, bn), 0)
        coli = j * bn + jax.lax.broadcasted_iota(jnp.int32, (bm, bn), 1)
        vp = jnp.where((acc_ref[...] > 0) & (rowi != coli), 1.0, 0.0)
        vp_ref[...] = vp.astype(jnp.bfloat16)

        @pl.when(i == 0)
        def _():
            deg_ref[...] = jnp.zeros_like(deg_ref)

        deg_ref[...] += jnp.sum(vp, axis=0)[None, :]


def _vpat(zp, mb, upat, bm=1024, bn=2048, bk=512):
    return pl.pallas_call(
        _vpat_kernel,
        grid=(N // bn, N // bm, N // bk),
        in_specs=[
            pl.BlockSpec((bk, bm), lambda j, i, k: (k, i)),
            pl.BlockSpec((bk, bn), lambda j, i, k: (k, j)),
            pl.BlockSpec((1, bm), lambda j, i, k: (0, i)),
        ],
        out_specs=[
            pl.BlockSpec((bm, bn), lambda j, i, k: (i, j)),
            pl.BlockSpec((1, bn), lambda j, i, k: (0, j)),
        ],
        out_shape=[jax.ShapeDtypeStruct((N, N), jnp.bfloat16),
                   jax.ShapeDtypeStruct((1, N), jnp.float32)],
        scratch_shapes=[pltpu.VMEM((bm, bn), jnp.float32)],
    )(zp, upat, mb)


def _dinv2_of(deg_row, m_row):
    return jnp.where(m_row > 0,
                     jax.lax.rsqrt(jnp.maximum(deg_row + m_row, 1.0)), 0.0)


def _final_kernel(vp_ref, deg_ref, m_ref, degb_ref, mb_ref, fitb_ref,
                  xnew_ref, w2_ref, b2_ref, o_ref, y_ref):
    i = pl.program_id(0)

    dinv2_all = _dinv2_of(deg_ref[0, :], m_ref[0, :])
    dinv2_blk = _dinv2_of(degb_ref[0, :], mb_ref[0, :])
    r_blk = jnp.sum(vp_ref[...].astype(jnp.float32) * dinv2_all[None, :],
                    axis=1) + mb_ref[0, :] * dinv2_blk
    coeff = (fitb_ref[0, :] * dinv2_blk * r_blk * (1.0 / K))[None, :]

    @pl.when(i == 0)
    def _():
        y_ref[...] = jnp.zeros_like(y_ref)
        o_ref[...] = jnp.zeros_like(o_ref)

    y_ref[...] += jnp.dot(coeff, xnew_ref[...],
                          preferred_element_type=jnp.float32)

    @pl.when(i == pl.num_programs(0) - 1)
    def _():
        o_ref[...] = jnp.dot(y_ref[...], w2_ref[...],
                             preferred_element_type=jnp.float32) \
            + b2_ref[0, :][None, :]


def _final(vp, deg_cols, m, fitness, x_new, W2, b2, bm=512):
    out, _ = pl.pallas_call(
        _final_kernel,
        grid=(N // bm,),
        in_specs=[
            pl.BlockSpec((bm, N), lambda i: (i, 0)),
            pl.BlockSpec((1, N), lambda i: (0, 0)),
            pl.BlockSpec((1, N), lambda i: (0, 0)),
            pl.BlockSpec((1, bm), lambda i: (0, i)),
            pl.BlockSpec((1, bm), lambda i: (0, i)),
            pl.BlockSpec((1, bm), lambda i: (0, i)),
            pl.BlockSpec((bm, D), lambda i: (i, 0)),
            pl.BlockSpec((D, D), lambda i: (0, 0)),
            pl.BlockSpec((1, D), lambda i: (0, 0)),
        ],
        out_specs=[pl.BlockSpec((1, D), lambda i: (0, 0)),
                   pl.BlockSpec((1, D), lambda i: (0, 0))],
        out_shape=[jax.ShapeDtypeStruct((1, D), jnp.float32),
                   jax.ShapeDtypeStruct((1, D), jnp.float32)],
    )(vp, deg_cols, m, deg_cols, m, fitness, x_new, W2, b2)
    return out


def _mm_kernel(a_ref, b_ref, o_ref):
    o_ref[...] = jnp.dot(a_ref[...], b_ref[...],
                         preferred_element_type=jnp.float32)


def _matmul(a, b):
    return pl.pallas_call(
        _mm_kernel,
        out_shape=jax.ShapeDtypeStruct((a.shape[0], b.shape[1]), jnp.float32),
    )(a, b)


def _mm_acc_kernel(a_ref, b_ref, o_ref):
    @pl.when(pl.program_id(2) == 0)
    def _():
        o_ref[...] = jnp.zeros_like(o_ref)

    o_ref[...] += jnp.dot(a_ref[...], b_ref[...],
                          preferred_element_type=jnp.float32)


def _matmul_big(a, b, bm=512, bn=1024, bk=1024):
    M, Kd = a.shape
    _, Nd = b.shape
    return pl.pallas_call(
        _mm_acc_kernel,
        grid=(M // bm, Nd // bn, Kd // bk),
        in_specs=[pl.BlockSpec((bm, bk), lambda i, j, k: (i, k)),
                  pl.BlockSpec((bk, bn), lambda i, j, k: (k, j))],
        out_specs=pl.BlockSpec((bm, bn), lambda i, j, k: (i, j)),
        out_shape=jax.ShapeDtypeStruct((M, Nd), jnp.float32),
    )(a, b)


def _mm_at_acc_kernel(a_ref, b_ref, o_ref):
    @pl.when(pl.program_id(2) == 0)
    def _():
        o_ref[...] = jnp.zeros_like(o_ref)

    o_ref[...] += jax.lax.dot_general(
        a_ref[...], b_ref[...], (((0,), (0,)), ((), ())),
        preferred_element_type=jnp.float32)


def _matmul_at(a, b, bm=512, bn=1024, bk=1024):
    Kd, M = a.shape
    _, Nd = b.shape
    return pl.pallas_call(
        _mm_at_acc_kernel,
        grid=(M // bm, Nd // bn, Kd // bk),
        in_specs=[pl.BlockSpec((bk, bm), lambda i, j, k: (k, i)),
                  pl.BlockSpec((bk, bn), lambda i, j, k: (k, j))],
        out_specs=pl.BlockSpec((bm, bn), lambda i, j, k: (i, j)),
        out_shape=jax.ShapeDtypeStruct((M, Nd), jnp.float32),
    )(a, b)


def kernel(x, edge_index, batch, W1, b1, lin_W, lin_b, att_W, att_b,
           le1_W, le1_b, le2_W, le3_W, le3_b, W2, b2):
    row = edge_index[0].astype(jnp.int32)
    col = edge_index[1].astype(jnp.int32)
    f32 = jnp.float32
    row2d = row.reshape(E // _CH, _CH)
    col2d = col.reshape(E // _CH, _CH)

    ones_tab = jnp.zeros((_CH, 128), f32).at[:, 0].set(1.0)
    dega = _sc_segsum(ones_tab, col2d, col2d, N, 128, gather=False)
    deg = dega[:N, 0] + dega[N:, 0] + 1.0
    dinv = jax.lax.rsqrt(deg)
    xw1 = _matmul(x, W1)
    Y = dinv[:, None] * xw1
    ab = _sc_segsum(Y, row2d, col2d, N, D)
    agg1 = ab[:N] + ab[N:] + Y
    h = jax.nn.relu(dinv[:, None] * agg1 + b1)

    x_q = jnp.maximum(jax.ops.segment_max(h[row], col, num_segments=N), h)
    u = att_W[0, :D]
    v = att_W[0, D:]
    g = lin_W.T @ u
    c0 = jnp.dot(u, lin_b) + att_b[0]
    q = x_q @ g + c0
    p = h @ v
    pm = jnp.max(p)
    shift = jax.nn.leaky_relu(q + pm, 0.2)

    ep = jnp.exp(p)
    em = jnp.exp(0.2 * p)
    hpm = jnp.concatenate([h * ep[:, None], h * em[:, None]], axis=0)
    dd = _sc_segsum(hpm, row2d, col2d, 2 * N, 128, adjust=True,
                    q_tab=q, p_tab=p)
    acc = dd[:2 * N] + dd[2 * N:]
    epm = jnp.concatenate([ep[:, None], em[:, None]], axis=0)
    epm = jnp.concatenate([epm, jnp.zeros((2 * N, 127), f32)], axis=1)
    d2 = _sc_segsum(epm, row2d, col2d, 2 * N, 128, adjust=True,
                    q_tab=q, p_tab=p)
    acc2 = d2[:2 * N, 0] + d2[2 * N:, 0]
    eqp = jnp.exp(q - shift)
    eqm = jnp.exp(0.2 * q - shift)
    sexp_self = jnp.exp(jax.nn.leaky_relu(q + p, 0.2) - shift)
    ssum = eqp * acc2[:N] + eqm * acc2[N:] + sexp_self
    den = ssum + 1e-16
    xnew_num = (eqp[:, None] * acc[:N, :D] + eqm[:, None] * acc[N:, :D]
                + sexp_self[:, None] * h)
    x_new = xnew_num / den[:, None]

    a_s = x_new @ le1_W[0] + le1_b[0]
    bb_s = x_new @ le2_W[0]
    t_s = x_new @ le3_W[0] + le3_b[0]
    as_tab = jnp.concatenate([a_s[:, None], jnp.zeros((N, 127), f32)], axis=1)
    asum_a = _sc_segsum(as_tab, row2d, col2d, N, 128)
    asum = asum_a[:N, 0] + asum_a[N:, 0] + a_s
    fitness = jax.nn.sigmoid(asum - deg * bb_s + t_s)

    _, perm = jax.lax.top_k(fitness, K)
    m = jnp.zeros((N,), f32).at[perm].set(1.0)

    Zc = jnp.zeros((N, N), f32).at[row, col].add(1.0)
    Zp = _zp_build(Zc)
    mbf = m.astype(jnp.bfloat16)[None, :]
    Up = _upat(Zp, mbf)
    Vp, deg_cols = _vpat(Zp, mbf, Up)

    return _final(Vp, deg_cols, m[None, :], fitness[None, :], x_new, W2,
                  b2[None, :])

# --- scband reference (transcript-rebuilt; emitter-appended) ---
"""Pipeline reference for scband-gcn-net-asap-72060961292407 (READ-ONLY COPY).

The authoritative reference and input builder live on the scoring server;
editing this copy changes nothing except your own understanding.
"""

import jax, jax.numpy as jnp
import numpy as np

N_NODES = 4096
N_EDGES = 65536
D_IN = 128
HID = 128
D_OUT = 128
RATIO = 0.5


def _gcn_conv_sparse(x, row, col, W, b):
    n = x.shape[0]
    sl = jnp.arange(n)
    r = jnp.concatenate([row, sl])
    c = jnp.concatenate([col, sl])
    w = jnp.ones(r.shape[0], dtype=x.dtype)
    deg = jax.ops.segment_sum(w, c, num_segments=n)
    dinv = jnp.where(deg > 0, 1.0 / jnp.sqrt(deg), 0.0)
    norm = dinv[r] * dinv[c]
    xw = x @ W
    msg = xw[r] * norm[:, None]
    return jax.ops.segment_sum(msg, c, num_segments=n) + b


def _leconv(x, row, col, w1, b1, w2, w3, b3):
    n = x.shape[0]
    a = x @ w1.T + b1
    bb = x @ w2.T
    msg = a[row] - bb[col]
    agg = jax.ops.segment_sum(msg, col, num_segments=n)
    return agg + (x @ w3.T + b3)


def _asap_pool(x, row0, col0, batch, lin_W, lin_b, att_W, att_b, le1_W, le1_b, le2_W, le3_W, le3_b):
    n = x.shape[0]
    sl = jnp.arange(n)
    row = jnp.concatenate([row0, sl])
    col = jnp.concatenate([col0, sl])
    ew = jnp.ones(row.shape[0], dtype=x.dtype)
    x_pool_j = x[row]
    x_q = jax.ops.segment_max(x_pool_j, col, num_segments=n)
    x_q = x_q @ lin_W.T + lin_b
    score = jnp.concatenate([x_q[col], x_pool_j], axis=-1) @ att_W.T + att_b
    score = jax.nn.leaky_relu(score.reshape(-1), 0.2)
    smax = jax.ops.segment_max(score, col, num_segments=n)
    sexp = jnp.exp(score - smax[col])
    ssum = jax.ops.segment_sum(sexp, col, num_segments=n)
    score = sexp / (ssum[col] + 1e-16)
    v_j = x[row] * score[:, None]
    x_new = jax.ops.segment_sum(v_j, col, num_segments=n)
    fitness = jax.nn.sigmoid(_leconv(x_new, row, col, le1_W, le1_b, le2_W, le3_W, le3_b).reshape(-1))
    k = int(np.ceil(RATIO * n))
    _, perm = jax.lax.top_k(fitness, k)
    x_out = x_new[perm] * fitness[perm][:, None]
    batch_out = batch[perm]
    A_d = jnp.zeros((n, n), x.dtype).at[row, col].add(ew)
    S_d = jnp.zeros((n, n), x.dtype).at[row, col].add(score)
    S_sel = S_d[:, perm]
    A2 = S_sel.T @ (A_d @ S_sel)
    A2 = A2 * (1.0 - jnp.eye(k, dtype=x.dtype))
    return x_out, A2, batch_out


def _gcn_conv_dense(x, A2, W, b):
    k = A2.shape[0]
    Bm = (A2 != 0).astype(x.dtype) + jnp.eye(k, dtype=x.dtype)
    deg = Bm.sum(axis=0)
    dinv = jnp.where(deg > 0, 1.0 / jnp.sqrt(deg), 0.0)
    xw = x @ W
    return (Bm * dinv[:, None] * dinv[None, :]).T @ xw + b


def _global_mean_pool(x, batch, num_graphs):
    ones = jnp.ones(x.shape[0], x.dtype)
    cnt = jax.ops.segment_sum(ones, batch, num_segments=num_graphs)
    s = jax.ops.segment_sum(x, batch, num_segments=num_graphs)
    return s / jnp.maximum(cnt, 1.0)[:, None]


def setup_inputs(seed: int = 0):
    key = jax.random.key(seed)
    ks = jax.random.split(key, 16)
    s = 0.05
    return {
        'x': jax.random.normal(ks[0], (N_NODES, D_IN), jnp.float32),
        'edge_index': jax.random.randint(ks[1], (2, N_EDGES), 0, N_NODES),
        'batch': jnp.zeros((N_NODES,), jnp.int32),
        'W1': jax.random.normal(ks[2], (D_IN, HID), jnp.float32) * s,
        'b1': jax.random.normal(ks[3], (HID,), jnp.float32) * s,
        'lin_W': jax.random.normal(ks[4], (HID, HID), jnp.float32) * s,
        'lin_b': jax.random.normal(ks[5], (HID,), jnp.float32) * s,
        'att_W': jax.random.normal(ks[6], (1, 2 * HID), jnp.float32) * s,
        'att_b': jax.random.normal(ks[7], (1,), jnp.float32) * s,
        'le1_W': jax.random.normal(ks[8], (1, HID), jnp.float32) * s,
        'le1_b': jax.random.normal(ks[9], (1,), jnp.float32) * s,
        'le2_W': jax.random.normal(ks[10], (1, HID), jnp.float32) * s,
        'le3_W': jax.random.normal(ks[11], (1, HID), jnp.float32) * s,
        'le3_b': jax.random.normal(ks[12], (1,), jnp.float32) * s,
        'W2': jax.random.normal(ks[13], (HID, D_OUT), jnp.float32) * s,
        'b2': jax.random.normal(ks[14], (D_OUT,), jnp.float32) * s,
    }


def reference(x, edge_index, batch, W1, b1, lin_W, lin_b, att_W, att_b, le1_W, le1_b, le2_W, le3_W, le3_b, W2, b2):
    row, col = edge_index[0], edge_index[1]
    h = jax.nn.relu(_gcn_conv_sparse(x, row, col, W1, b1))
    # F.dropout in eval mode is identity
    x_p, A2, batch_p = _asap_pool(h, row, col, batch, lin_W, lin_b, att_W, att_b, le1_W, le1_b, le2_W, le3_W, le3_b)
    h2 = _gcn_conv_dense(x_p, A2, W2, b2)
    return _global_mean_pool(h2, batch_p, 1)

if __name__ == "__main__":
    import jax
    _d = setup_inputs()
    print(jax.jit(kernel)(*tuple(_d.values())))

</pallas_src>

<mosaic_0001>
#map = affine_map<(d0, d1) -> (0, 0)>
#map1 = affine_map<(d0, d1) -> (0)>
module attributes {stable_mosaic.version = 14 : i64} {
  func.func @body(%arg0: i32, %arg1: i32, %arg2: memref<128x128xf32, #tpu.memory_space<hbm>>, %arg3: memref<512x128xi32, #tpu.memory_space<hbm>>, %arg4: memref<512x128xi32, #tpu.memory_space<hbm>>, %arg5: memref<4096x128xf32, #tpu.memory_space<hbm>>, %arg6: memref<4096xf32, #tpu.memory_space<hbm>>, %arg7: memref<4096xf32, #tpu.memory_space<hbm>>, %arg8: memref<8192x128xf32, #tpu.memory_space<hbm>>, %arg9: memref<16x128xi32, #tpu.memory_space<vmem>>, %arg10: memref<16x128xi32, #tpu.memory_space<vmem>>, %arg11: memref<128x128xf32, #tpu.memory_space<vmem>>, %arg12: memref<128x128xf32, #tpu.memory_space<vmem>>, %arg13: memref<4096xf32, #tpu.memory_space<vmem>>, %arg14: memref<4096xf32, #tpu.memory_space<vmem>>, %arg15: memref<4096x128xf32, #tpu.memory_space<vmem_shared>>, %arg16: memref<!tpu.dma_semaphore, #tpu.memory_space<semaphore_mem>>) attributes {dimension_semantics = [#tpu.dimension_semantics<core_parallel>, #tpu.dimension_semantics<subcore_parallel>], iteration_bounds = array<i64: 2, 16>, scalar_prefetch = 0 : i64, scratch_operands = 8 : i64, tpu.core_type = #tpu.core_type<sc_vector_subcore>, window_params = [{transform_indices = #map}, {transform_indices = #map}, {transform_indices = #map}, {transform_indices = #map}, {transform_indices = #map1}, {transform_indices = #map1}, {transform_indices = #map}]} {
    %mul3A = arith.constant 2 : i32
    %mul3A_0 = arith.muli %arg1, %mul3A : i32
    %add3A = arith.addi %mul3A_0, %arg0 : i32
    %mul3A_1 = arith.constant 256 : i32
    %mul3A_2 = arith.muli %arg1, %mul3A_1 : i32
    %mul3A_3 = arith.constant 256 : i32
    %mul3A_4 = arith.muli %arg1, %mul3A_3 : i32
    "tpu.region"() ({
      %run_scoped3A = tpu.sem_alloc : memref<!tpu.dma_semaphore, #tpu.memory_space<semaphore_mem>>
      %dma_start3A = arith.constant 0 : i32
      %dma_start3A_20 = tpu.memref_slice %arg15[%mul3A_4, %dma_start3A] : memref<4096x128xf32, #tpu.memory_space<vmem_shared>> -> memref<256x128xf32, #tpu.memory_space<vmem_shared>>
      %dma_start3A_21 = arith.constant 0 : i32
      %dma_start3A_22 = tpu.memref_slice %arg5[%mul3A_2, %dma_start3A_21] : memref<4096x128xf32, #tpu.memory_space<hbm>> -> memref<256x128xf32, #tpu.memory_space<hbm>>
      tpu.enqueue_dma source(%dma_start3A_22 : memref<256x128xf32, #tpu.memory_space<hbm>>) target(%dma_start3A_20 : memref<256x128xf32, #tpu.memory_space<vmem_shared>>) target_semaphore(%run_scoped3A : memref<!tpu.dma_semaphore, #tpu.memory_space<semaphore_mem>>)
      %dma_wait3A = arith.constant 0 : i32
      %dma_wait3A_23 = tpu.memref_slice %arg15[%mul3A_4, %dma_wait3A] : memref<4096x128xf32, #tpu.memory_space<vmem_shared>> -> memref<256x128xf32, #tpu.memory_space<vmem_shared>>
      %dma_wait3A_24 = arith.constant 0 : i32
      %dma_wait3A_25 = tpu.memref_slice %arg5[%mul3A_2, %dma_wait3A_24] : memref<4096x128xf32, #tpu.memory_space<hbm>> -> memref<256x128xf32, #tpu.memory_space<hbm>>
      tpu.wait_dma2 semaphore(%run_scoped3A : memref<!tpu.dma_semaphore, #tpu.memory_space<semaphore_mem>>) src(%dma_wait3A_25 : memref<256x128xf32, #tpu.memory_space<hbm>>) dst(%dma_wait3A_23 : memref<256x128xf32, #tpu.memory_space<vmem_shared>>)
      tpu.yield
    }) : () -> ()
    %mul3A_5 = arith.constant 16 : i32
    %mul3A_6 = arith.muli %add3A, %mul3A_5 : i32
    "tpu.region"() ({
      %run_scoped3A = tpu.sem_alloc : memref<!tpu.dma_semaphore, #tpu.memory_space<semaphore_mem>>
      %dma_start3A = arith.constant 0 : i32
      %dma_start3A_20 = tpu.memref_slice %arg4[%mul3A_6, %dma_start3A] : memref<512x128xi32, #tpu.memory_space<hbm>> -> memref<16x128xi32, #tpu.memory_space<hbm>>
      %dma_start3A_21 = arith.constant 0 : i32
      %dma_start3A_22 = tpu.memref_slice %arg4[%mul3A_6, %dma_start3A_21] : memref<512x128xi32, #tpu.memory_space<hbm>> -> memref<16x128xi32, #tpu.memory_space<hbm>>
      tpu.enqueue_dma source(%dma_start3A_22 : memref<16x128xi32, #tpu.memory_space<hbm>>) target(%arg10 : memref<16x128xi32, #tpu.memory_space<vmem>>) target_semaphore(%run_scoped3A : memref<!tpu.dma_semaphore, #tpu.memory_space<semaphore_mem>>)
      %dma_wait3A = arith.constant 0 : i32
      %dma_wait3A_23 = tpu.memref_slice %arg4[%mul3A_6, %dma_wait3A] : memref<512x128xi32, #tpu.memory_space<hbm>> -> memref<16x128xi32, #tpu.memory_space<hbm>>
      %dma_wait3A_24 = arith.constant 0 : i32
      %dma_wait3A_25 = tpu.memref_slice %arg4[%mul3A_6, %dma_wait3A_24] : memref<512x128xi32, #tpu.memory_space<hbm>> -> memref<16x128xi32, #tpu.memory_space<hbm>>
      tpu.wait_dma2 semaphore(%run_scoped3A : memref<!tpu.dma_semaphore, #tpu.memory_space<semaphore_mem>>) src(%dma_wait3A_25 : memref<16x128xi32, #tpu.memory_space<hbm>>) dst(%arg10 : memref<16x128xi32, #tpu.memory_space<vmem>>)
      tpu.yield
    }) : () -> ()
    %barrier3A = arith.constant 0 : index
    tpu.barrier barrier_id(%barrier3A)
    "tpu.region"() ({
      %run_scoped3A = tpu.sem_alloc : memref<!tpu.dma_semaphore, #tpu.memory_space<semaphore_mem>>
      %dma_start3A = arith.constant 0 : i32
      %dma_start3A_20 = arith.constant 0 : i32
      %dma_start3A_21 = tpu.memref_slice %arg2[%dma_start3A, %dma_start3A_20] : memref<128x128xf32, #tpu.memory_space<hbm>> -> memref<128x128xf32, #tpu.memory_space<hbm>>
      %dma_start3A_22 = arith.constant 0 : i32
      %dma_start3A_23 = arith.constant 0 : i32
      %dma_start3A_24 = tpu.memref_slice %arg2[%dma_start3A_22, %dma_start3A_23] : memref<128x128xf32, #tpu.memory_space<hbm>> -> memref<128x128xf32, #tpu.memory_space<hbm>>
      tpu.enqueue_dma source(%dma_start3A_24 : memref<128x128xf32, #tpu.memory_space<hbm>>) target(%arg11 : memref<128x128xf32, #tpu.memory_space<vmem>>) target_semaphore(%run_scoped3A : memref<!tpu.dma_semaphore, #tpu.memory_space<semaphore_mem>>)
      %dma_wait3A = arith.constant 0 : i32
      %dma_wait3A_25 = arith.constant 0 : i32
      %dma_wait3A_26 = tpu.memref_slice %arg2[%dma_wait3A, %dma_wait3A_25] : memref<128x128xf32, #tpu.memory_space<hbm>> -> memref<128x128xf32, #tpu.memory_space<hbm>>
      %dma_wait3A_27 = arith.constant 0 : i32
      %dma_wait3A_28 = arith.constant 0 : i32
      %dma_wait3A_29 = tpu.memref_slice %arg2[%dma_wait3A_27, %dma_wait3A_28] : memref<128x128xf32, #tpu.memory_space<hbm>> -> memref<128x128xf32, #tpu.memory_space<hbm>>
      tpu.wait_dma2 semaphore(%run_scoped3A : memref<!tpu.dma_semaphore, #tpu.memory_space<semaphore_mem>>) src(%dma_wait3A_29 : memref<128x128xf32, #tpu.memory_space<hbm>>) dst(%arg11 : memref<128x128xf32, #tpu.memory_space<vmem>>)
      tpu.yield
    }) : () -> ()
    %scan3A = arith.constant 0 : i32
    %scan3A_7 = arith.constant 0 : i32
    %scan3A_8 = arith.constant 16 : i32
    %scan3A_9 = arith.addi %scan3A_7, %scan3A_8 : i32
    %scan3A_10 = arith.constant 1 : i32
    scf.for %scan3A_20 = %scan3A_7 to %scan3A_9 step %scan3A_10  : i32 {
      "tpu.region"() ({
        %run_scoped3A = tpu.sem_alloc : memref<!tpu.dma_semaphore, #tpu.memory_space<semaphore_mem>>
        %dma_start3A = arith.constant 0 : i32
        %dma_start3A_21 = tpu.memref_slice %arg10[%scan3A_20, %dma_start3A] : memref<16x128xi32, #tpu.memory_space<vmem>> -> memref<1x128xi32, #tpu.memory_space<vmem>>
        %dma_start3A_22 = tpu.memref_squeeze %dma_start3A_21 : memref<1x128xi32, #tpu.memory_space<vmem>> -> memref<128xi32, #tpu.memory_space<vmem>>
        %dma_start3A_23 = arith.constant 0 : i32
        %dma_start3A_24 = arith.constant 0 : i32
        %dma_start3A_25 = tpu.memref_slice %arg15[%dma_start3A_23, %dma_start3A_24] : memref<4096x128xf32, #tpu.memory_space<vmem_shared>> -> memref<4096x128xf32, #tpu.memory_space<vmem_shared>>
        tpu.enqueue_indirect_dma source(%arg11 : memref<128x128xf32, #tpu.memory_space<vmem>>) target(%dma_start3A_25 : memref<4096x128xf32, #tpu.memory_space<vmem_shared>>) offsets(%dma_start3A_22 : memref<128xi32, #tpu.memory_space<vmem>>) semaphore(%run_scoped3A : memref<!tpu.dma_semaphore, #tpu.memory_space<semaphore_mem>>) {add = true}
        %dma_wait3A = arith.constant 0 : i32
        %dma_wait3A_26 = tpu.memref_slice %arg10[%scan3A_20, %dma_wait3A] : memref<16x128xi32, #tpu.memory_space<vmem>> -> memref<1x128xi32, #tpu.memory_space<vmem>>
        %dma_wait3A_27 = tpu.memref_squeeze %dma_wait3A_26 : memref<1x128xi32, #tpu.memory_space<vmem>> -> memref<128xi32, #tpu.memory_space<vmem>>
        %dma_wait3A_28 = arith.constant 0 : i32
        %dma_wait3A_29 = arith.constant 0 : i32
        %dma_wait3A_30 = tpu.memref_slice %arg15[%dma_wait3A_28, %dma_wait3A_29] : memref<4096x128xf32, #tpu.memory_space<vmem_shared>> -> memref<4096x128xf32, #tpu.memory_space<vmem_shared>>
        tpu.wait_indirect_dma semaphore(%run_scoped3A : memref<!tpu.dma_semaphore, #tpu.memory_space<semaphore_mem>>) src(%arg11 : memref<128x128xf32, #tpu.memory_space<vmem>>) dst(%dma_wait3A_30 : memref<4096x128xf32, #tpu.memory_space<vmem_shared>>)
        tpu.yield
      }) : () -> ()
    }
    %scan3A_11 = arith.constant 16 : i32
    %barrier3A_12 = arith.constant 0 : index
    tpu.barrier barrier_id(%barrier3A_12)
    %mul3A_13 = arith.constant 256 : i32
    %mul3A_14 = arith.muli %arg1, %mul3A_13 : i32
    %mul3A_15 = arith.constant 4096 : i32
    %mul3A_16 = arith.muli %arg0, %mul3A_15 : i32
    %mul3A_17 = arith.constant 256 : i32
    %mul3A_18 = arith.muli %arg1, %mul3A_17 : i32
    %add3A_19 = arith.addi %mul3A_16, %mul3A_18 : i32
    "tpu.region"() ({
      %run_scoped3A = tpu.sem_alloc : memref<!tpu.dma_semaphore, #tpu.memory_space<semaphore_mem>>
      %dma_start3A = arith.constant 0 : i32
      %dma_start3A_20 = tpu.memref_slice %arg8[%add3A_19, %dma_start3A] : memref<8192x128xf32, #tpu.memory_space<hbm>> -> memref<256x128xf32, #tpu.memory_space<hbm>>
      %dma_start3A_21 = arith.constant 0 : i32
      %dma_start3A_22 = tpu.memref_slice %arg15[%mul3A_14, %dma_start3A_21] : memref<4096x128xf32, #tpu.memory_space<vmem_shared>> -> memref<256x128xf32, #tpu.memory_space<vmem_shared>>
      tpu.enqueue_dma source(%dma_start3A_22 : memref<256x128xf32, #tpu.memory_space<vmem_shared>>) target(%dma_start3A_20 : memref<256x128xf32, #tpu.memory_space<hbm>>) target_semaphore(%run_scoped3A : memref<!tpu.dma_semaphore, #tpu.memory_space<semaphore_mem>>)
      %dma_wait3A = arith.constant 0 : i32
      %dma_wait3A_23 = tpu.memref_slice %arg8[%add3A_19, %dma_wait3A] : memref<8192x128xf32, #tpu.memory_space<hbm>> -> memref<256x128xf32, #tpu.memory_space<hbm>>
      %dma_wait3A_24 = arith.constant 0 : i32
      %dma_wait3A_25 = tpu.memref_slice %arg15[%mul3A_14, %dma_wait3A_24] : memref<4096x128xf32, #tpu.memory_space<vmem_shared>> -> memref<256x128xf32, #tpu.memory_space<vmem_shared>>
      tpu.wait_dma2 semaphore(%run_scoped3A : memref<!tpu.dma_semaphore, #tpu.memory_space<semaphore_mem>>) src(%dma_wait3A_25 : memref<256x128xf32, #tpu.memory_space<vmem_shared>>) dst(%dma_wait3A_23 : memref<256x128xf32, #tpu.memory_space<hbm>>)
      tpu.yield
    }) : () -> ()
    return
  }
}

#map = affine_map<(d0, d1) -> (0, 0)>
#map1 = affine_map<(d0, d1) -> (0)>
module attributes {stable_mosaic.version = 14 : i64} {
  func.func @body(%arg0: i32, %arg1: i32, %arg2: memref<4096x128xf32, #tpu.memory_space<hbm>>, %arg3: memref<512x128xi32, #tpu.memory_space<hbm>>, %arg4: memref<512x128xi32, #tpu.memory_space<hbm>>, %arg5: memref<4096x128xf32, #tpu.memory_space<hbm>>, %arg6: memref<4096xf32, #tpu.memory_space<hbm>>, %arg7: memref<4096xf32, #tpu.memory_space<hbm>>, %arg8: memref<8192x128xf32, #tpu.memory_space<hbm>>, %arg9: memref<16x128xi32, #tpu.memory_space<vmem>>, %arg10: memref<16x128xi32, #tpu.memory_space<vmem>>, %arg11: memref<128x128xf32, #tpu.memory_space<vmem>>, %arg12: memref<128x128xf32, #tpu.memory_space<vmem>>, %arg13: memref<4096xf32, #tpu.memory_space<vmem>>, %arg14: memref<4096xf32, #tpu.memory_space<vmem>>, %arg15: memref<4096x128xf32, #tpu.memory_space<vmem_shared>>, %arg16: memref<!tpu.dma_semaphore, #tpu.memory_space<semaphore_mem>>) attributes {dimension_semantics = [#tpu.dimension_semantics<core_parallel>, #tpu.dimension_semantics<subcore_parallel>], iteration_bounds = array<i64: 2, 16>, scalar_prefetch = 0 : i64, scratch_operands = 8 : i64, tpu.core_type = #tpu.core_type<sc_vector_subcore>, window_params = [{transform_indices = #map}, {transform_indices = #map}, {transform_indices = #map}, {transform_indices = #map}, {transform_indices = #map1}, {transform_indices = #map1}, {transform_indices = #map}]} {
    %mul3A = arith.constant 2 : i32
    %mul3A_0 = arith.muli %arg1, %mul3A : i32
    %add3A = arith.addi %mul3A_0, %arg0 : i32
    %mul3A_1 = arith.constant 256 : i32
    %mul3A_2 = arith.muli %arg1, %mul3A_1 : i32
    %mul3A_3 = arith.constant 256 : i32
    %mul3A_4 = arith.muli %arg1, %mul3A_3 : i32
    "tpu.region"() ({
      %run_scoped3A = tpu.sem_alloc : memref<!tpu.dma_semaphore, #tpu.memory_space<semaphore_mem>>
      %dma_start3A_26 = arith.constant 0 : i32
      %dma_start3A_27 = tpu.memref_slice %arg15[%mul3A_4, %dma_start3A_26] : memref<4096x128xf32, #tpu.memory_space<vmem_shared>> -> memref<256x128xf32, #tpu.memory_space<vmem_shared>>
      %dma_start3A_28 = arith.constant 0 : i32
      %dma_start3A_29 = tpu.memref_slice %arg5[%mul3A_2, %dma_start3A_28] : memref<4096x128xf32, #tpu.memory_space<hbm>> -> memref<256x128xf32, #tpu.memory_space<hbm>>
      tpu.enqueue_dma source(%dma_start3A_29 : memref<256x128xf32, #tpu.memory_space<hbm>>) target(%dma_start3A_27 : memref<256x128xf32, #tpu.memory_space<vmem_shared>>) target_semaphore(%run_scoped3A : memref<!tpu.dma_semaphore, #tpu.memory_space<semaphore_mem>>)
      %dma_wait3A = arith.constant 0 : i32
      %dma_wait3A_30 = tpu.memref_slice %arg15[%mul3A_4, %dma_wait3A] : memref<4096x128xf32, #tpu.memory_space<vmem_shared>> -> memref<256x128xf32, #tpu.memory_space<vmem_shared>>
      %dma_wait3A_31 = arith.constant 0 : i32
      %dma_wait3A_32 = tpu.memref_slice %arg5[%mul3A_2, %dma_wait3A_31] : memref<4096x128xf32, #tpu.memory_space<hbm>> -> memref<256x128xf32, #tpu.memory_space<hbm>>
      tpu.wait_dma2 semaphore(%run_scoped3A : memref<!tpu.dma_semaphore, #tpu.memory_space<semaphore_mem>>) src(%dma_wait3A_32 : memref<256x128xf32, #tpu.memory_space<hbm>>) dst(%dma_wait3A_30 : memref<256x128xf32, #tpu.memory_space<vmem_shared>>)
      tpu.yield
    }) : () -> ()
    %mul3A_5 = arith.constant 16 : i32
    %mul3A_6 = arith.muli %add3A, %mul3A_5 : i32
    "tpu.region"() ({
      %run_scoped3A = tpu.sem_alloc : memref<!tpu.dma_semaphore, #tpu.memory_space<semaphore_mem>>
      %dma_start3A_26 = arith.constant 0 : i32
      %dma_start3A_27 = tpu.memref_slice %arg3[%mul3A_6, %dma_start3A_26] : memref<512x128xi32, #tpu.memory_space<hbm>> -> memref<16x128xi32, #tpu.memory_space<hbm>>
      %dma_start3A_28 = arith.constant 0 : i32
      %dma_start3A_29 = tpu.memref_slice %arg3[%mul3A_6, %dma_start3A_28] : memref<512x128xi32, #tpu.memory_space<hbm>> -> memref<16x128xi32, #tpu.memory_space<hbm>>
      tpu.enqueue_dma source(%dma_start3A_29 : memref<16x128xi32, #tpu.memory_space<hbm>>) target(%arg9 : memref<16x128xi32, #tpu.memory_space<vmem>>) target_semaphore(%run_scoped3A : memref<!tpu.dma_semaphore, #tpu.memory_space<semaphore_mem>>)
      %dma_wait3A = arith.constant 0 : i32
      %dma_wait3A_30 = tpu.memref_slice %arg3[%mul3A_6, %dma_wait3A] : memref<512x128xi32, #tpu.memory_space<hbm>> -> memref<16x128xi32, #tpu.memory_space<hbm>>
      %dma_wait3A_31 = arith.constant 0 : i32
      %dma_wait3A_32 = tpu.memref_slice %arg3[%mul3A_6, %dma_wait3A_31] : memref<512x128xi32, #tpu.memory_space<hbm>> -> memref<16x128xi32, #tpu.memory_space<hbm>>
      tpu.wait_dma2 semaphore(%run_scoped3A : memref<!tpu.dma_semaphore, #tpu.memory_space<semaphore_mem>>) src(%dma_wait3A_32 : memref<16x128xi32, #tpu.memory_space<hbm>>) dst(%arg9 : memref<16x128xi32, #tpu.memory_space<vmem>>)
      tpu.yield
    }) : () -> ()
    "tpu.region"() ({
      %run_scoped3A = tpu.sem_alloc : memref<!tpu.dma_semaphore, #tpu.memory_space<semaphore_mem>>
      %dma_start3A_26 = arith.constant 0 : i32
      %dma_start3A_27 = tpu.memref_slice %arg4[%mul3A_6, %dma_start3A_26] : memref<512x128xi32, #tpu.memory_space<hbm>> -> memref<16x128xi32, #tpu.memory_space<hbm>>
      %dma_start3A_28 = arith.constant 0 : i32
      %dma_start3A_29 = tpu.memref_slice %arg4[%mul3A_6, %dma_start3A_28] : memref<512x128xi32, #tpu.memory_space<hbm>> -> memref<16x128xi32, #tpu.memory_space<hbm>>
      tpu.enqueue_dma source(%dma_start3A_29 : memref<16x128xi32, #tpu.memory_space<hbm>>) target(%arg10 : memref<16x128xi32, #tpu.memory_space<vmem>>) target_semaphore(%run_scoped3A : memref<!tpu.dma_semaphore, #tpu.memory_space<semaphore_mem>>)
      %dma_wait3A = arith.constant 0 : i32
      %dma_wait3A_30 = tpu.memref_slice %arg4[%mul3A_6, %dma_wait3A] : memref<512x128xi32, #tpu.memory_space<hbm>> -> memref<16x128xi32, #tpu.memory_space<hbm>>
      %dma_wait3A_31 = arith.constant 0 : i32
      %dma_wait3A_32 = tpu.memref_slice %arg4[%mul3A_6, %dma_wait3A_31] : memref<512x128xi32, #tpu.memory_space<hbm>> -> memref<16x128xi32, #tpu.memory_space<hbm>>
      tpu.wait_dma2 semaphore(%run_scoped3A : memref<!tpu.dma_semaphore, #tpu.memory_space<semaphore_mem>>) src(%dma_wait3A_32 : memref<16x128xi32, #tpu.memory_space<hbm>>) dst(%arg10 : memref<16x128xi32, #tpu.memory_space<vmem>>)
      tpu.yield
    }) : () -> ()
    %barrier3A = arith.constant 0 : index
    tpu.barrier barrier_id(%barrier3A)
    %dma_start3A = arith.constant 0 : i32
    %dma_start3A_7 = arith.constant 0 : i32
    %dma_start3A_8 = tpu.memref_slice %arg9[%dma_start3A, %dma_start3A_7] : memref<16x128xi32, #tpu.memory_space<vmem>> -> memref<1x128xi32, #tpu.memory_space<vmem>>
    %dma_start3A_9 = tpu.memref_squeeze %dma_start3A_8 : memref<1x128xi32, #tpu.memory_space<vmem>> -> memref<128xi32, #tpu.memory_space<vmem>>
    %dma_start3A_10 = arith.constant 0 : i32
    %dma_start3A_11 = arith.constant 0 : i32
    %dma_start3A_12 = tpu.memref_slice %arg2[%dma_start3A_10, %dma_start3A_11] : memref<4096x128xf32, #tpu.memory_space<hbm>> -> memref<4096x128xf32, #tpu.memory_space<hbm>>
    tpu.enqueue_indirect_dma source(%dma_start3A_12 : memref<4096x128xf32, #tpu.memory_space<hbm>>) target(%arg11 : memref<128x128xf32, #tpu.memory_space<vmem>>) offsets(%dma_start3A_9 : memref<128xi32, #tpu.memory_space<vmem>>) semaphore(%arg16 : memref<!tpu.dma_semaphore, #tpu.memory_space<semaphore_mem>>)
    %scan3A = arith.constant 0 : i32
    %scan3A_13 = arith.constant 0 : i32
    %scan3A_14 = arith.constant 16 : i32
    %scan3A_15 = arith.addi %scan3A_13, %scan3A_14 : i32
    %scan3A_16 = arith.constant 1 : i32
    scf.for %scan3A_26 = %scan3A_13 to %scan3A_15 step %scan3A_16  : i32 {
      %jit3A = arith.constant 2 : i32
      %eq3A = arith.constant 0 : i32
      %eq3A_27 = arith.cmpi eq, %jit3A, %eq3A : i32
      %jit3A_28 = arith.constant 1 : i32
      %select_n3A = arith.select %eq3A_27, %jit3A_28, %jit3A : i32
      %rem3A = arith.remsi %scan3A_26, %select_n3A : i32
      %ne3A = arith.constant 0 : i32
      %ne3A_29 = arith.cmpi ne, %rem3A, %ne3A : i32
      %lt3A = arith.constant 0 : i32
      %lt3A_30 = arith.cmpi slt, %rem3A, %lt3A : i32
      %lt3A_31 = arith.constant 0 : i32
      %lt3A_32 = arith.cmpi slt, %select_n3A, %lt3A_31 : i32
      %ne3A_33 = arith.xori %lt3A_30, %lt3A_32 : i1
      %and3A = arith.andi %ne3A_33, %ne3A_29 : i1
      %add3A_34 = arith.addi %rem3A, %select_n3A : i32
      %select_n3A_35 = arith.select %and3A, %add3A_34, %rem3A : i32
      %eq3A_36 = arith.constant 0 : i32
      %eq3A_37 = arith.cmpi eq, %select_n3A_35, %eq3A_36 : i32
      %add3A_38 = arith.constant 1 : i32
      %add3A_39 = arith.addi %scan3A_26, %add3A_38 : i32
      %lt3A_40 = arith.constant 16 : i32
      %lt3A_41 = arith.cmpi slt, %add3A_39, %lt3A_40 : i32
      %convert_element_type3A = arith.extui %lt3A_41 : i1 to i32
      %cond3A = arith.constant 0 : i32
      %cond3A_42 = arith.cmpi ne, %convert_element_type3A, %cond3A : i32
      scf.if %cond3A_42 {
        %convert_element_type3A_50 = arith.extui %eq3A_37 : i1 to i32
        %cond3A_51 = arith.constant 0 : i32
        %cond3A_52 = arith.cmpi ne, %convert_element_type3A_50, %cond3A_51 : i32
        scf.if %cond3A_52 {
          %add3A_58 = arith.constant 1 : i32
          %add3A_59 = arith.addi %scan3A_26, %add3A_58 : i32
          %dma_start3A_60 = arith.constant 0 : i32
          %dma_start3A_61 = tpu.memref_slice %arg9[%add3A_59, %dma_start3A_60] : memref<16x128xi32, #tpu.memory_space<vmem>> -> memref<1x128xi32, #tpu.memory_space<vmem>>
          %dma_start3A_62 = tpu.memref_squeeze %dma_start3A_61 : memref<1x128xi32, #tpu.memory_space<vmem>> -> memref<128xi32, #tpu.memory_space<vmem>>
          %dma_start3A_63 = arith.constant 0 : i32
          %dma_start3A_64 = arith.constant 0 : i32
          %dma_start3A_65 = tpu.memref_slice %arg2[%dma_start3A_63, %dma_start3A_64] : memref<4096x128xf32, #tpu.memory_space<hbm>> -> memref<4096x128xf32, #tpu.memory_space<hbm>>
          tpu.enqueue_indirect_dma source(%dma_start3A_65 : memref<4096x128xf32, #tpu.memory_space<hbm>>) target(%arg12 : memref<128x128xf32, #tpu.memory_space<vmem>>) offsets(%dma_start3A_62 : memref<128xi32, #tpu.memory_space<vmem>>) semaphore(%arg16 : memref<!tpu.dma_semaphore, #tpu.memory_space<semaphore_mem>>)
        } else {
        }
        %not3A_53 = arith.constant true
        %not3A_54 = arith.xori %eq3A_37, %not3A_53 : i1
        %convert_element_type3A_55 = arith.extui %not3A_54 : i1 to i32
        %cond3A_56 = arith.constant 0 : i32
        %cond3A_57 = arith.cmpi ne, %convert_element_type3A_55, %cond3A_56 : i32
        scf.if %cond3A_57 {
          %add3A_58 = arith.constant 1 : i32
          %add3A_59 = arith.addi %scan3A_26, %add3A_58 : i32
          %dma_start3A_60 = arith.constant 0 : i32
          %dma_start3A_61 = tpu.memref_slice %arg9[%add3A_59, %dma_start3A_60] : memref<16x128xi32, #tpu.memory_space<vmem>> -> memref<1x128xi32, #tpu.memory_space<vmem>>
          %dma_start3A_62 = tpu.memref_squeeze %dma_start3A_61 : memref<1x128xi32, #tpu.memory_space<vmem>> -> memref<128xi32, #tpu.memory_space<vmem>>
          %dma_start3A_63 = arith.constant 0 : i32
          %dma_start3A_64 = arith.constant 0 : i32
          %dma_start3A_65 = tpu.memref_slice %arg2[%dma_start3A_63, %dma_start3A_64] : memref<4096x128xf32, #tpu.memory_space<hbm>> -> memref<4096x128xf32, #tpu.memory_space<hbm>>
          tpu.enqueue_indirect_dma source(%dma_start3A_65 : memref<4096x128xf32, #tpu.memory_space<hbm>>) target(%arg11 : memref<128x128xf32, #tpu.memory_space<vmem>>) offsets(%dma_start3A_62 : memref<128xi32, #tpu.memory_space<vmem>>) semaphore(%arg16 : memref<!tpu.dma_semaphore, #tpu.memory_space<semaphore_mem>>)
        } else {
        }
      } else {
      }
      %convert_element_type3A_43 = arith.extui %eq3A_37 : i1 to i32
      %cond3A_44 = arith.constant 0 : i32
      %cond3A_45 = arith.cmpi ne, %convert_element_type3A_43, %cond3A_44 : i32
      scf.if %cond3A_45 {
        %dma_wait3A = arith.constant 0 : i32
        %dma_wait3A_50 = tpu.memref_slice %arg9[%scan3A_26, %dma_wait3A] : memref<16x128xi32, #tpu.memory_space<vmem>> -> memref<1x128xi32, #tpu.memory_space<vmem>>
        %dma_wait3A_51 = tpu.memref_squeeze %dma_wait3A_50 : memref<1x128xi32, #tpu.memory_space<vmem>> -> memref<128xi32, #tpu.memory_space<vmem>>
        %dma_wait3A_52 = arith.constant 0 : i32
        %dma_wait3A_53 = arith.constant 0 : i32
        %dma_wait3A_54 = tpu.memref_slice %arg2[%dma_wait3A_52, %dma_wait3A_53] : memref<4096x128xf32, #tpu.memory_space<hbm>> -> memref<4096x128xf32, #tpu.memory_space<hbm>>
        tpu.wait_indirect_dma semaphore(%arg16 : memref<!tpu.dma_semaphore, #tpu.memory_space<semaphore_mem>>) src(%dma_wait3A_54 : memref<4096x128xf32, #tpu.memory_space<hbm>>) dst(%arg11 : memref<128x128xf32, #tpu.memory_space<vmem>>)
        "tpu.region"() ({
          %run_scoped3A = tpu.sem_alloc : memref<!tpu.dma_semaphore, #tpu.memory_space<semaphore_mem>>
          %dma_start3A_55 = arith.constant 0 : i32
          %dma_start3A_56 = tpu.memref_slice %arg10[%scan3A_26, %dma_start3A_55] : memref<16x128xi32, #tpu.memory_space<vmem>> -> memref<1x128xi32, #tpu.memory_space<vmem>>
          %dma_start3A_57 = tpu.memref_squeeze %dma_start3A_56 : memref<1x128xi32, #tpu.memory_space<vmem>> -> memref<128xi32, #tpu.memory_space<vmem>>
          %dma_start3A_58 = arith.constant 0 : i32
          %dma_start3A_59 = arith.constant 0 : i32
          %dma_start3A_60 = tpu.memref_slice %arg15[%dma_start3A_58, %dma_start3A_59] : memref<4096x128xf32, #tpu.memory_space<vmem_shared>> -> memref<4096x128xf32, #tpu.memory_space<vmem_shared>>
          tpu.enqueue_indirect_dma source(%arg11 : memref<128x128xf32, #tpu.memory_space<vmem>>) target(%dma_start3A_60 : memref<4096x128xf32, #tpu.memory_space<vmem_shared>>) offsets(%dma_start3A_57 : memref<128xi32, #tpu.memory_space<vmem>>) semaphore(%run_scoped3A : memref<!tpu.dma_semaphore, #tpu.memory_space<semaphore_mem>>) {add = true}
          %dma_wait3A_61 = arith.constant 0 : i32
          %dma_wait3A_62 = tpu.memref_slice %arg10[%scan3A_26, %dma_wait3A_61] : memref<16x128xi32, #tpu.memory_space<vmem>> -> memref<1x128xi32, #tpu.memory_space<vmem>>
          %dma_wait3A_63 = tpu.memref_squeeze %dma_wait3A_62 : memref<1x128xi32, #tpu.memory_space<vmem>> -> memref<128xi32, #tpu.memory_space<vmem>>
          %dma_wait3A_64 = arith.constant 0 : i32
          %dma_wait3A_65 = arith.constant 0 : i32
          %dma_wait3A_66 = tpu.memref_slice %arg15[%dma_wait3A_64, %dma_wait3A_65] : memref<4096x128xf32, #tpu.memory_space<vmem_shared>> -> memref<4096x128xf32, #tpu.memory_space<vmem_shared>>
          tpu.wait_indirect_dma semaphore(%run_scoped3A : memref<!tpu.dma_semaphore, #tpu.memory_space<semaphore_mem>>) src(%arg11 : memref<128x128xf32, #tpu.memory_space<vmem>>) dst(%dma_wait3A_66 : memref<4096x128xf32, #tpu.memory_space<vmem_shared>>)
          tpu.yield
        }) : () -> ()
      } else {
      }
      %not3A = arith.constant true
      %not3A_46 = arith.xori %eq3A_37, %not3A : i1
      %convert_element_type3A_47 = arith.extui %not3A_46 : i1 to i32
      %cond3A_48 = arith.constant 0 : i32
      %cond3A_49 = arith.cmpi ne, %convert_element_type3A_47, %cond3A_48 : i32
      scf.if %cond3A_49 {
        %dma_wait3A = arith.constant 0 : i32
        %dma_wait3A_50 = tpu.memref_slice %arg9[%scan3A_26, %dma_wait3A] : memref<16x128xi32, #tpu.memory_space<vmem>> -> memref<1x128xi32, #tpu.memory_space<vmem>>
        %dma_wait3A_51 = tpu.memref_squeeze %dma_wait3A_50 : memref<1x128xi32, #tpu.memory_space<vmem>> -> memref<128xi32, #tpu.memory_space<vmem>>
        %dma_wait3A_52 = arith.constant 0 : i32
        %dma_wait3A_53 = arith.constant 0 : i32
        %dma_wait3A_54 = tpu.memref_slice %arg2[%dma_wait3A_52, %dma_wait3A_53] : memref<4096x128xf32, #tpu.memory_space<hbm>> -> memref<4096x128xf32, #tpu.memory_space<hbm>>
        tpu.wait_indirect_dma semaphore(%arg16 : memref<!tpu.dma_semaphore, #tpu.memory_space<semaphore_mem>>) src(%dma_wait3A_54 : memref<4096x128xf32, #tpu.memory_space<hbm>>) dst(%arg12 : memref<128x128xf32, #tpu.memory_space<vmem>>)
        "tpu.region"() ({
          %run_scoped3A = tpu.sem_alloc : memref<!tpu.dma_semaphore, #tpu.memory_space<semaphore_mem>>
          %dma_start3A_55 = arith.constant 0 : i32
          %dma_start3A_56 = tpu.memref_slice %arg10[%scan3A_26, %dma_start3A_55] : memref<16x128xi32, #tpu.memory_space<vmem>> -> memref<1x128xi32, #tpu.memory_space<vmem>>
          %dma_start3A_57 = tpu.memref_squeeze %dma_start3A_56 : memref<1x128xi32, #tpu.memory_space<vmem>> -> memref<128xi32, #tpu.memory_space<vmem>>
          %dma_start3A_58 = arith.constant 0 : i32
          %dma_start3A_59 = arith.constant 0 : i32
          %dma_start3A_60 = tpu.memref_slice %arg15[%dma_start3A_58, %dma_start3A_59] : memref<4096x128xf32, #tpu.memory_space<vmem_shared>> -> memref<4096x128xf32, #tpu.memory_space<vmem_shared>>
          tpu.enqueue_indirect_dma source(%arg12 : memref<128x128xf32, #tpu.memory_space<vmem>>) target(%dma_start3A_60 : memref<4096x128xf32, #tpu.memory_space<vmem_shared>>) offsets(%dma_start3A_57 : memref<128xi32, #tpu.memory_space<vmem>>) semaphore(%run_scoped3A : memref<!tpu.dma_semaphore, #tpu.memory_space<semaphore_mem>>) {add = true}
          %dma_wait3A_61 = arith.constant 0 : i32
          %dma_wait3A_62 = tpu.memref_slice %arg10[%scan3A_26, %dma_wait3A_61] : memref<16x128xi32, #tpu.memory_space<vmem>> -> memref<1x128xi32, #tpu.memory_space<vmem>>
          %dma_wait3A_63 = tpu.memref_squeeze %dma_wait3A_62 : memref<1x128xi32, #tpu.memory_space<vmem>> -> memref<128xi32, #tpu.memory_space<vmem>>
          %dma_wait3A_64 = arith.constant 0 : i32
          %dma_wait3A_65 = arith.constant 0 : i32
          %dma_wait3A_66 = tpu.memref_slice %arg15[%dma_wait3A_64, %dma_wait3A_65] : memref<4096x128xf32, #tpu.memory_space<vmem_shared>> -> memref<4096x128xf32, #tpu.memory_space<vmem_shared>>
          tpu.wait_indirect_dma semaphore(%run_scoped3A : memref<!tpu.dma_semaphore, #tpu.memory_space<semaphore_mem>>) src(%arg12 : memref<128x128xf32, #tpu.memory_space<vmem>>) dst(%dma_wait3A_66 : memref<4096x128xf32, #tpu.memory_space<vmem_shared>>)
          tpu.yield
        }) : () -> ()
      } else {
      }
    }
    %scan3A_17 = arith.constant 16 : i32
    %barrier3A_18 = arith.constant 0 : index
    tpu.barrier barrier_id(%barrier3A_18)
    %mul3A_19 = arith.constant 256 : i32
    %mul3A_20 = arith.muli %arg1, %mul3A_19 : i32
    %mul3A_21 = arith.constant 4096 : i32
    %mul3A_22 = arith.muli %arg0, %mul3A_21 : i32
    %mul3A_23 = arith.constant 256 : i32
    %mul3A_24 = arith.muli %arg1, %mul3A_23 : i32
    %add3A_25 = arith.addi %mul3A_22, %mul3A_24 : i32
    "tpu.region"() ({
      %run_scoped3A = tpu.sem_alloc : memref<!tpu.dma_semaphore, #tpu.memory_space<semaphore_mem>>
      %dma_start3A_26 = arith.constant 0 : i32
      %dma_start3A_27 = tpu.memref_slice %arg8[%add3A_25, %dma_start3A_26] : memref<8192x128xf32, #tpu.memory_space<hbm>> -> memref<256x128xf32, #tpu.memory_space<hbm>>
      %dma_start3A_28 = arith.constant 0 : i32
      %dma_start3A_29 = tpu.memref_slice %arg15[%mul3A_20, %dma_start3A_28] : memref<4096x128xf32, #tpu.memory_space<vmem_shared>> -> memref<256x128xf32, #tpu.memory_space<vmem_shared>>
      tpu.enqueue_dma source(%dma_start3A_29 : memref<256x128xf32, #tpu.memory_space<vmem_shared>>) target(%dma_start3A_27 : memref<256x128xf32, #tpu.memory_space<hbm>>) target_semaphore(%run_scoped3A : memref<!tpu.dma_semaphore, #tpu.memory_space<semaphore_mem>>)
      %dma_wait3A = arith.constant 0 : i32
      %dma_wait3A_30 = tpu.memref_slice %arg8[%add3A_25, %dma_wait3A] : memref<8192x128xf32, #tpu.memory_space<hbm>> -> memref<256x128xf32, #tpu.memory_space<hbm>>
      %dma_wait3A_31 = arith.constant 0 : i32
      %dma_wait3A_32 = tpu.memref_slice %arg15[%mul3A_20, %dma_wait3A_31] : memref<4096x128xf32, #tpu.memory_space<vmem_shared>> -> memref<256x128xf32, #tpu.memory_space<vmem_shared>>
      tpu.wait_dma2 semaphore(%run_scoped3A : memref<!tpu.dma_semaphore, #tpu.memory_space<semaphore_mem>>) src(%dma_wait3A_32 : memref<256x128xf32, #tpu.memory_space<vmem_shared>>) dst(%dma_wait3A_30 : memref<256x128xf32, #tpu.memory_space<hbm>>)
      tpu.yield
    }) : () -> ()
    return
  }
}

#map = affine_map<(d0, d1) -> (0, 0)>
#map1 = affine_map<(d0, d1) -> (0)>
module attributes {stable_mosaic.version = 14 : i64} {
  func.func @body(%arg0: i32, %arg1: i32, %arg2: memref<8192x128xf32, #tpu.memory_space<hbm>>, %arg3: memref<512x128xi32, #tpu.memory_space<hbm>>, %arg4: memref<512x128xi32, #tpu.memory_space<hbm>>, %arg5: memref<8192x128xf32, #tpu.memory_space<hbm>>, %arg6: memref<4096xf32, #tpu.memory_space<hbm>>, %arg7: memref<4096xf32, #tpu.memory_space<hbm>>, %arg8: memref<16384x128xf32, #tpu.memory_space<hbm>>, %arg9: memref<16x128xi32, #tpu.memory_space<vmem>>, %arg10: memref<16x128xi32, #tpu.memory_space<vmem>>, %arg11: memref<128x128xf32, #tpu.memory_space<vmem>>, %arg12: memref<128x128xf32, #tpu.memory_space<vmem>>, %arg13: memref<4096xf32, #tpu.memory_space<vmem>>, %arg14: memref<4096xf32, #tpu.memory_space<vmem>>, %arg15: memref<8192x128xf32, #tpu.memory_space<vmem_shared>>, %arg16: memref<!tpu.dma_semaphore, #tpu.memory_space<semaphore_mem>>) attributes {dimension_semantics = [#tpu.dimension_semantics<core_parallel>, #tpu.dimension_semantics<subcore_parallel>], iteration_bounds = array<i64: 2, 16>, scalar_prefetch = 0 : i64, scratch_operands = 8 : i64, tpu.core_type = #tpu.core_type<sc_vector_subcore>, window_params = [{transform_indices = #map}, {transform_indices = #map}, {transform_indices = #map}, {transform_indices = #map}, {transform_indices = #map1}, {transform_indices = #map1}, {transform_indices = #map}]} {
    %mul3A = arith.constant 2 : i32
    %mul3A_0 = arith.muli %arg1, %mul3A : i32
    %add3A = arith.addi %mul3A_0, %arg0 : i32
    %mul3A_1 = arith.constant 512 : i32
    %mul3A_2 = arith.muli %arg1, %mul3A_1 : i32
    %mul3A_3 = arith.constant 512 : i32
    %mul3A_4 = arith.muli %arg1, %mul3A_3 : i32
    "tpu.region"() ({
      %run_scoped3A = tpu.sem_alloc : memref<!tpu.dma_semaphore, #tpu.memory_space<semaphore_mem>>
      %dma_start3A_32 = arith.constant 0 : i32
      %dma_start3A_33 = tpu.memref_slice %arg15[%mul3A_4, %dma_start3A_32] : memref<8192x128xf32, #tpu.memory_space<vmem_shared>> -> memref<512x128xf32, #tpu.memory_space<vmem_shared>>
      %dma_start3A_34 = arith.constant 0 : i32
      %dma_start3A_35 = tpu.memref_slice %arg5[%mul3A_2, %dma_start3A_34] : memref<8192x128xf32, #tpu.memory_space<hbm>> -> memref<512x128xf32, #tpu.memory_space<hbm>>
      tpu.enqueue_dma source(%dma_start3A_35 : memref<512x128xf32, #tpu.memory_space<hbm>>) target(%dma_start3A_33 : memref<512x128xf32, #tpu.memory_space<vmem_shared>>) target_semaphore(%run_scoped3A : memref<!tpu.dma_semaphore, #tpu.memory_space<semaphore_mem>>)
      %dma_wait3A = arith.constant 0 : i32
      %dma_wait3A_36 = tpu.memref_slice %arg15[%mul3A_4, %dma_wait3A] : memref<8192x128xf32, #tpu.memory_space<vmem_shared>> -> memref<512x128xf32, #tpu.memory_space<vmem_shared>>
      %dma_wait3A_37 = arith.constant 0 : i32
      %dma_wait3A_38 = tpu.memref_slice %arg5[%mul3A_2, %dma_wait3A_37] : memref<8192x128xf32, #tpu.memory_space<hbm>> -> memref<512x128xf32, #tpu.memory_space<hbm>>
      tpu.wait_dma2 semaphore(%run_scoped3A : memref<!tpu.dma_semaphore, #tpu.memory_space<semaphore_mem>>) src(%dma_wait3A_38 : memref<512x128xf32, #tpu.memory_space<hbm>>) dst(%dma_wait3A_36 : memref<512x128xf32, #tpu.memory_space<vmem_shared>>)
      tpu.yield
    }) : () -> ()
    %mul3A_5 = arith.constant 16 : i32
    %mul3A_6 = arith.muli %add3A, %mul3A_5 : i32
    "tpu.region"() ({
      %run_scoped3A = tpu.sem_alloc : memref<!tpu.dma_semaphore, #tpu.memory_space<semaphore_mem>>
      %dma_start3A_32 = arith.constant 0 : i32
      %dma_start3A_33 = tpu.memref_slice %arg3[%mul3A_6, %dma_start3A_32] : memref<512x128xi32, #tpu.memory_space<hbm>> -> memref<16x128xi32, #tpu.memory_space<hbm>>
      %dma_start3A_34 = arith.constant 0 : i32
      %dma_start3A_35 = tpu.memref_slice %arg3[%mul3A_6, %dma_start3A_34] : memref<512x128xi32, #tpu.memory_space<hbm>> -> memref<16x128xi32, #tpu.memory_space<hbm>>
      tpu.enqueue_dma source(%dma_start3A_35 : memref<16x128xi32, #tpu.memory_space<hbm>>) target(%arg9 : memref<16x128xi32, #tpu.memory_space<vmem>>) target_semaphore(%run_scoped3A : memref<!tpu.dma_semaphore, #tpu.memory_space<semaphore_mem>>)
      %dma_wait3A = arith.constant 0 : i32
      %dma_wait3A_36 = tpu.memref_slice %arg3[%mul3A_6, %dma_wait3A] : memref<512x128xi32, #tpu.memory_space<hbm>> -> memref<16x128xi32, #tpu.memory_space<hbm>>
      %dma_wait3A_37 = arith.constant 0 : i32
      %dma_wait3A_38 = tpu.memref_slice %arg3[%mul3A_6, %dma_wait3A_37] : memref<512x128xi32, #tpu.memory_space<hbm>> -> memref<16x128xi32, #tpu.memory_space<hbm>>
      tpu.wait_dma2 semaphore(%run_scoped3A : memref<!tpu.dma_semaphore, #tpu.memory_space<semaphore_mem>>) src(%dma_wait3A_38 : memref<16x128xi32, #tpu.memory_space<hbm>>) dst(%arg9 : memref<16x128xi32, #tpu.memory_space<vmem>>)
      tpu.yield
    }) : () -> ()
    "tpu.region"() ({
      %run_scoped3A = tpu.sem_alloc : memref<!tpu.dma_semaphore, #tpu.memory_space<semaphore_mem>>
      %dma_start3A_32 = arith.constant 0 : i32
      %dma_start3A_33 = tpu.memref_slice %arg4[%mul3A_6, %dma_start3A_32] : memref<512x128xi32, #tpu.memory_space<hbm>> -> memref<16x128xi32, #tpu.memory_space<hbm>>
      %dma_start3A_34 = arith.constant 0 : i32
      %dma_start3A_35 = tpu.memref_slice %arg4[%mul3A_6, %dma_start3A_34] : memref<512x128xi32, #tpu.memory_space<hbm>> -> memref<16x128xi32, #tpu.memory_space<hbm>>
      tpu.enqueue_dma source(%dma_start3A_35 : memref<16x128xi32, #tpu.memory_space<hbm>>) target(%arg10 : memref<16x128xi32, #tpu.memory_space<vmem>>) target_semaphore(%run_scoped3A : memref<!tpu.dma_semaphore, #tpu.memory_space<semaphore_mem>>)
      %dma_wait3A = arith.constant 0 : i32
      %dma_wait3A_36 = tpu.memref_slice %arg4[%mul3A_6, %dma_wait3A] : memref<512x128xi32, #tpu.memory_space<hbm>> -> memref<16x128xi32, #tpu.memory_space<hbm>>
      %dma_wait3A_37 = arith.constant 0 : i32
      %dma_wait3A_38 = tpu.memref_slice %arg4[%mul3A_6, %dma_wait3A_37] : memref<512x128xi32, #tpu.memory_space<hbm>> -> memref<16x128xi32, #tpu.memory_space<hbm>>
      tpu.wait_dma2 semaphore(%run_scoped3A : memref<!tpu.dma_semaphore, #tpu.memory_space<semaphore_mem>>) src(%dma_wait3A_38 : memref<16x128xi32, #tpu.memory_space<hbm>>) dst(%arg10 : memref<16x128xi32, #tpu.memory_space<vmem>>)
      tpu.yield
    }) : () -> ()
    "tpu.region"() ({
      %run_scoped3A = tpu.sem_alloc : memref<!tpu.dma_semaphore, #tpu.memory_space<semaphore_mem>>
      tpu.enqueue_dma source(%arg6 : memref<4096xf32, #tpu.memory_space<hbm>>) target(%arg13 : memref<4096xf32, #tpu.memory_space<vmem>>) target_semaphore(%run_scoped3A : memref<!tpu.dma_semaphore, #tpu.memory_space<semaphore_mem>>)
      tpu.wait_dma2 semaphore(%run_scoped3A : memref<!tpu.dma_semaphore, #tpu.memory_space<semaphore_mem>>) src(%arg6 : memref<4096xf32, #tpu.memory_space<hbm>>) dst(%arg13 : memref<4096xf32, #tpu.memory_space<vmem>>)
      tpu.yield
    }) : () -> ()
    "tpu.region"() ({
      %run_scoped3A = tpu.sem_alloc : memref<!tpu.dma_semaphore, #tpu.memory_space<semaphore_mem>>
      tpu.enqueue_dma source(%arg7 : memref<4096xf32, #tpu.memory_space<hbm>>) target(%arg14 : memref<4096xf32, #tpu.memory_space<vmem>>) target_semaphore(%run_scoped3A : memref<!tpu.dma_semaphore, #tpu.memory_space<semaphore_mem>>)
      tpu.wait_dma2 semaphore(%run_scoped3A : memref<!tpu.dma_semaphore, #tpu.memory_space<semaphore_mem>>) src(%arg7 : memref<4096xf32, #tpu.memory_space<hbm>>) dst(%arg14 : memref<4096xf32, #tpu.memory_space<vmem>>)
      tpu.yield
    }) : () -> ()
    %barrier3A = arith.constant 0 : index
    tpu.barrier barrier_id(%barrier3A)
    %scan3A = arith.constant 0 : i32
    %scan3A_7 = arith.constant 0 : i32
    %scan3A_8 = arith.constant 16 : i32
    %scan3A_9 = arith.addi %scan3A_7, %scan3A_8 : i32
    %scan3A_10 = arith.constant 1 : i32
    scf.for %scan3A_32 = %scan3A_7 to %scan3A_9 step %scan3A_10  : i32 {
      %get3A = arith.index_cast %scan3A_32 : i32 to index
      %get3A_33 = arith.constant 0 : index
      %get3A_34 = tpu.vector_load %arg9[%get3A, %get3A_33] {strides = array<i32>} : memref<16x128xi32, #tpu.memory_space<vmem>>, vector<16xi32>,
      %get3A_35 = arith.index_cast %scan3A_32 : i32 to index
      %get3A_36 = arith.constant 0 : index
      %get3A_37 = tpu.vector_load %arg10[%get3A_35, %get3A_36] {strides = array<i32>} : memref<16x128xi32, #tpu.memory_space<vmem>>, vector<16xi32>,
      %gather3A = tpu.vector_load_idx %arg13[%get3A_37] : memref<4096xf32, #tpu.memory_space<vmem>>[vector<16xi32>], vector<16xf32>,
      %gather3A_38 = tpu.vector_load_idx %arg14[%get3A_34] : memref<4096xf32, #tpu.memory_space<vmem>>[vector<16xi32>], vector<16xf32>,
      %add3A_39 = arith.addf %gather3A, %gather3A_38 : vector<16xf32>
      %lt3A = arith.constant 0.000000e+00 : f32
      %lt3A_40 = vector.broadcast %lt3A : f32 to vector<16xf32>
      %lt3A_41 = arith.cmpf olt, %add3A_39, %lt3A_40 : vector<16xf32>
      %broadcast_in_dim3A = arith.constant 4096 : i32
      %broadcast_in_dim3A_42 = vector.broadcast %broadcast_in_dim3A : i32 to vector<16xi32>
      %broadcast_in_dim3A_43 = arith.constant 0 : i32
      %broadcast_in_dim3A_44 = vector.broadcast %broadcast_in_dim3A_43 : i32 to vector<16xi32>
      %select_n3A = arith.select %lt3A_41, %broadcast_in_dim3A_42, %broadcast_in_dim3A_44 : vector<16xi1>, vector<16xi32>
      %add3A_45 = arith.addi %get3A_34, %select_n3A : vector<16xi32>
      %swap3A = arith.index_cast %scan3A_32 : i32 to index
      %swap3A_46 = arith.constant 0 : index
      %swap3A_47 = tpu.vector_load %arg9[%swap3A, %swap3A_46] {strides = array<i32>} : memref<16x128xi32, #tpu.memory_space<vmem>>, vector<16xi32>,
      tpu.vector_store %arg9[%swap3A, %swap3A_46], %add3A_45 {strides = array<i32>} : memref<16x128xi32, #tpu.memory_space<vmem>>, vector<16xi32>,
      %add3A_48 = arith.addi %get3A_37, %select_n3A : vector<16xi32>
      %swap3A_49 = arith.index_cast %scan3A_32 : i32 to index
      %swap3A_50 = arith.constant 0 : index
      %swap3A_51 = tpu.vector_load %arg10[%swap3A_49, %swap3A_50] {strides = array<i32>} : memref<16x128xi32, #tpu.memory_space<vmem>>, vector<16xi32>,
      tpu.vector_store %arg10[%swap3A_49, %swap3A_50], %add3A_48 {strides = array<i32>} : memref<16x128xi32, #tpu.memory_space<vmem>>, vector<16xi32>,
      %get3A_52 = arith.index_cast %scan3A_32 : i32 to index
      %get3A_53 = arith.constant 16 : index
      %get3A_54 = tpu.vector_load %arg9[%get3A_52, %get3A_53] {strides = array<i32>} : memref<16x128xi32, #tpu.memory_space<vmem>>, vector<16xi32>,
      %get3A_55 = arith.index_cast %scan3A_32 : i32 to index
      %get3A_56 = arith.constant 16 : index
      %get3A_57 = tpu.vector_load %arg10[%get3A_55, %get3A_56] {strides = array<i32>} : memref<16x128xi32, #tpu.memory_space<vmem>>, vector<16xi32>,
      %gather3A_58 = tpu.vector_load_idx %arg13[%get3A_57] : memref<4096xf32, #tpu.memory_space<vmem>>[vector<16xi32>], vector<16xf32>,
      %gather3A_59 = tpu.vector_load_idx %arg14[%get3A_54] : memref<4096xf32, #tpu.memory_space<vmem>>[vector<16xi32>], vector<16xf32>,
      %add3A_60 = arith.addf %gather3A_58, %gather3A_59 : vector<16xf32>
      %lt3A_61 = arith.constant 0.000000e+00 : f32
      %lt3A_62 = vector.broadcast %lt3A_61 : f32 to vector<16xf32>
      %lt3A_63 = arith.cmpf olt, %add3A_60, %lt3A_62 : vector<16xf32>
      %broadcast_in_dim3A_64 = arith.constant 4096 : i32
      %broadcast_in_dim3A_65 = vector.broadcast %broadcast_in_dim3A_64 : i32 to vector<16xi32>
      %broadcast_in_dim3A_66 = arith.constant 0 : i32
      %broadcast_in_dim3A_67 = vector.broadcast %broadcast_in_dim3A_66 : i32 to vector<16xi32>
      %select_n3A_68 = arith.select %lt3A_63, %broadcast_in_dim3A_65, %broadcast_in_dim3A_67 : vector<16xi1>, vector<16xi32>
      %add3A_69 = arith.addi %get3A_54, %select_n3A_68 : vector<16xi32>
      %swap3A_70 = arith.index_cast %scan3A_32 : i32 to index
      %swap3A_71 = arith.constant 16 : index
      %swap3A_72 = tpu.vector_load %arg9[%swap3A_70, %swap3A_71] {strides = array<i32>} : memref<16x128xi32, #tpu.memory_space<vmem>>, vector<16xi32>,
      tpu.vector_store %arg9[%swap3A_70, %swap3A_71], %add3A_69 {strides = array<i32>} : memref<16x128xi32, #tpu.memory_space<vmem>>, vector<16xi32>,
      %add3A_73 = arith.addi %get3A_57, %select_n3A_68 : vector<16xi32>
      %swap3A_74 = arith.index_cast %scan3A_32 : i32 to index
      %swap3A_75 = arith.constant 16 : index
      %swap3A_76 = tpu.vector_load %arg10[%swap3A_74, %swap3A_75] {strides = array<i32>} : memref<16x128xi32, #tpu.memory_space<vmem>>, vector<16xi32>,
      tpu.vector_store %arg10[%swap3A_74, %swap3A_75], %add3A_73 {strides = array<i32>} : memref<16x128xi32, #tpu.memory_space<vmem>>, vector<16xi32>,
      %get3A_77 = arith.index_cast %scan3A_32 : i32 to index
      %get3A_78 = arith.constant 32 : index
      %get3A_79 = tpu.vector_load %arg9[%get3A_77, %get3A_78] {strides = array<i32>} : memref<16x128xi32, #tpu.memory_space<vmem>>, vector<16xi32>,
      %get3A_80 = arith.index_cast %scan3A_32 : i32 to index
      %get3A_81 = arith.constant 32 : index
      %get3A_82 = tpu.vector_load %arg10[%get3A_80, %get3A_81] {strides = array<i32>} : memref<16x128xi32, #tpu.memory_space<vmem>>, vector<16xi32>,
      %gather3A_83 = tpu.vector_load_idx %arg13[%get3A_82] : memref<4096xf32, #tpu.memory_space<vmem>>[vector<16xi32>], vector<16xf32>,
      %gather3A_84 = tpu.vector_load_idx %arg14[%get3A_79] : memref<4096xf32, #tpu.memory_space<vmem>>[vector<16xi32>], vector<16xf32>,
      %add3A_85 = arith.addf %gather3A_83, %gather3A_84 : vector<16xf32>
      %lt3A_86 = arith.constant 0.000000e+00 : f32
      %lt3A_87 = vector.broadcast %lt3A_86 : f32 to vector<16xf32>
      %lt3A_88 = arith.cmpf olt, %add3A_85, %lt3A_87 : vector<16xf32>
      %broadcast_in_dim3A_89 = arith.constant 4096 : i32
      %broadcast_in_dim3A_90 = vector.broadcast %broadcast_in_dim3A_89 : i32 to vector<16xi32>
      %broadcast_in_dim3A_91 = arith.constant 0 : i32
      %broadcast_in_dim3A_92 = vector.broadcast %broadcast_in_dim3A_91 : i32 to vector<16xi32>
      %select_n3A_93 = arith.select %lt3A_88, %broadcast_in_dim3A_90, %broadcast_in_dim3A_92 : vector<16xi1>, vector<16xi32>
      %add3A_94 = arith.addi %get3A_79, %select_n3A_93 : vector<16xi32>
      %swap3A_95 = arith.index_cast %scan3A_32 : i32 to index
      %swap3A_96 = arith.constant 32 : index
      %swap3A_97 = tpu.vector_load %arg9[%swap3A_95, %swap3A_96] {strides = array<i32>} : memref<16x128xi32, #tpu.memory_space<vmem>>, vector<16xi32>,
      tpu.vector_store %arg9[%swap3A_95, %swap3A_96], %add3A_94 {strides = array<i32>} : memref<16x128xi32, #tpu.memory_space<vmem>>, vector<16xi32>,
      %add3A_98 = arith.addi %get3A_82, %select_n3A_93 : vector<16xi32>
      %swap3A_99 = arith.index_cast %scan3A_32 : i32 to index
      %swap3A_100 = arith.constant 32 : index
      %swap3A_101 = tpu.vector_load %arg10[%swap3A_99, %swap3A_100] {strides = array<i32>} : memref<16x128xi32, #tpu.memory_space<vmem>>, vector<16xi32>,
      tpu.vector_store %arg10[%swap3A_99, %swap3A_100], %add3A_98 {strides = array<i32>} : memref<16x128xi32, #tpu.memory_space<vmem>>, vector<16xi32>,
      %get3A_102 = arith.index_cast %scan3A_32 : i32 to index
      %get3A_103 = arith.constant 48 : index
      %get3A_104 = tpu.vector_load %arg9[%get3A_102, %get3A_103] {strides = array<i32>} : memref<16x128xi32, #tpu.memory_space<vmem>>, vector<16xi32>,
      %get3A_105 = arith.index_cast %scan3A_32 : i32 to index
      %get3A_106 = arith.constant 48 : index
      %get3A_107 = tpu.vector_load %arg10[%get3A_105, %get3A_106] {strides = array<i32>} : memref<16x128xi32, #tpu.memory_space<vmem>>, vector<16xi32>,
      %gather3A_108 = tpu.vector_load_idx %arg13[%get3A_107] : memref<4096xf32, #tpu.memory_space<vmem>>[vector<16xi32>], vector<16xf32>,
      %gather3A_109 = tpu.vector_load_idx %arg14[%get3A_104] : memref<4096xf32, #tpu.memory_space<vmem>>[vector<16xi32>], vector<16xf32>,
      %add3A_110 = arith.addf %gather3A_108, %gather3A_109 : vector<16xf32>
      %lt3A_111 = arith.constant 0.000000e+00 : f32
      %lt3A_112 = vector.broadcast %lt3A_111 : f32 to vector<16xf32>
      %lt3A_113 = arith.cmpf olt, %add3A_110, %lt3A_112 : vector<16xf32>
      %broadcast_in_dim3A_114 = arith.constant 4096 : i32
      %broadcast_in_dim3A_115 = vector.broadcast %broadcast_in_dim3A_114 : i32 to vector<16xi32>
      %broadcast_in_dim3A_116 = arith.constant 0 : i32
      %broadcast_in_dim3A_117 = vector.broadcast %broadcast_in_dim3A_116 : i32 to vector<16xi32>
      %select_n3A_118 = arith.select %lt3A_113, %broadcast_in_dim3A_115, %broadcast_in_dim3A_117 : vector<16xi1>, vector<16xi32>
      %add3A_119 = arith.addi %get3A_104, %select_n3A_118 : vector<16xi32>
      %swap3A_120 = arith.index_cast %scan3A_32 : i32 to index
      %swap3A_121 = arith.constant 48 : index
      %swap3A_122 = tpu.vector_load %arg9[%swap3A_120, %swap3A_121] {strides = array<i32>} : memref<16x128xi32, #tpu.memory_space<vmem>>, vector<16xi32>,
      tpu.vector_store %arg9[%swap3A_120, %swap3A_121], %add3A_119 {strides = array<i32>} : memref<16x128xi32, #tpu.memory_space<vmem>>, vector<16xi32>,
      %add3A_123 = arith.addi %get3A_107, %select_n3A_118 : vector<16xi32>
      %swap3A_124 = arith.index_cast %scan3A_32 : i32 to index
      %swap3A_125 = arith.constant 48 : index
      %swap3A_126 = tpu.vector_load %arg10[%swap3A_124, %swap3A_125] {strides = array<i32>} : memref<16x128xi32, #tpu.memory_space<vmem>>, vector<16xi32>,
      tpu.vector_store %arg10[%swap3A_124, %swap3A_125], %add3A_123 {strides = array<i32>} : memref<16x128xi32, #tpu.memory_space<vmem>>, vector<16xi32>,
      %get3A_127 = arith.index_cast %scan3A_32 : i32 to index
      %get3A_128 = arith.constant 64 : index
      %get3A_129 = tpu.vector_load %arg9[%get3A_127, %get3A_128] {strides = array<i32>} : memref<16x128xi32, #tpu.memory_space<vmem>>, vector<16xi32>,
      %get3A_130 = arith.index_cast %scan3A_32 : i32 to index
      %get3A_131 = arith.constant 64 : index
      %get3A_132 = tpu.vector_load %arg10[%get3A_130, %get3A_131] {strides = array<i32>} : memref<16x128xi32, #tpu.memory_space<vmem>>, vector<16xi32>,
      %gather3A_133 = tpu.vector_load_idx %arg13[%get3A_132] : memref<4096xf32, #tpu.memory_space<vmem>>[vector<16xi32>], vector<16xf32>,
      %gather3A_134 = tpu.vector_load_idx %arg14[%get3A_129] : memref<4096xf32, #tpu.memory_space<vmem>>[vector<16xi32>], vector<16xf32>,
      %add3A_135 = arith.addf %gather3A_133, %gather3A_134 : vector<16xf32>
      %lt3A_136 = arith.constant 0.000000e+00 : f32
      %lt3A_137 = vector.broadcast %lt3A_136 : f32 to vector<16xf32>
      %lt3A_138 = arith.cmpf olt, %add3A_135, %lt3A_137 : vector<16xf32>
      %broadcast_in_dim3A_139 = arith.constant 4096 : i32
      %broadcast_in_dim3A_140 = vector.broadcast %broadcast_in_dim3A_139 : i32 to vector<16xi32>
      %broadcast_in_dim3A_141 = arith.constant 0 : i32
      %broadcast_in_dim3A_142 = vector.broadcast %broadcast_in_dim3A_141 : i32 to vector<16xi32>
      %select_n3A_143 = arith.select %lt3A_138, %broadcast_in_dim3A_140, %broadcast_in_dim3A_142 : vector<16xi1>, vector<16xi32>
      %add3A_144 = arith.addi %get3A_129, %select_n3A_143 : vector<16xi32>
      %swap3A_145 = arith.index_cast %scan3A_32 : i32 to index
      %swap3A_146 = arith.constant 64 : index
      %swap3A_147 = tpu.vector_load %arg9[%swap3A_145, %swap3A_146] {strides = array<i32>} : memref<16x128xi32, #tpu.memory_space<vmem>>, vector<16xi32>,
      tpu.vector_store %arg9[%swap3A_145, %swap3A_146], %add3A_144 {strides = array<i32>} : memref<16x128xi32, #tpu.memory_space<vmem>>, vector<16xi32>,
      %add3A_148 = arith.addi %get3A_132, %select_n3A_143 : vector<16xi32>
      %swap3A_149 = arith.index_cast %scan3A_32 : i32 to index
      %swap3A_150 = arith.constant 64 : index
      %swap3A_151 = tpu.vector_load %arg10[%swap3A_149, %swap3A_150] {strides = array<i32>} : memref<16x128xi32, #tpu.memory_space<vmem>>, vector<16xi32>,
      tpu.vector_store %arg10[%swap3A_149, %swap3A_150], %add3A_148 {strides = array<i32>} : memref<16x128xi32, #tpu.memory_space<vmem>>, vector<16xi32>,
      %get3A_152 = arith.index_cast %scan3A_32 : i32 to index
      %get3A_153 = arith.constant 80 : index
      %get3A_154 = tpu.vector_load %arg9[%get3A_152, %get3A_153] {strides = array<i32>} : memref<16x128xi32, #tpu.memory_space<vmem>>, vector<16xi32>,
      %get3A_155 = arith.index_cast %scan3A_32 : i32 to index
      %get3A_156 = arith.constant 80 : index
      %get3A_157 = tpu.vector_load %arg10[%get3A_155, %get3A_156] {strides = array<i32>} : memref<16x128xi32, #tpu.memory_space<vmem>>, vector<16xi32>,
      %gather3A_158 = tpu.vector_load_idx %arg13[%get3A_157] : memref<4096xf32, #tpu.memory_space<vmem>>[vector<16xi32>], vector<16xf32>,
      %gather3A_159 = tpu.vector_load_idx %arg14[%get3A_154] : memref<4096xf32, #tpu.memory_space<vmem>>[vector<16xi32>], vector<16xf32>,
      %add3A_160 = arith.addf %gather3A_158, %gather3A_159 : vector<16xf32>
      %lt3A_161 = arith.constant 0.000000e+00 : f32
      %lt3A_162 = vector.broadcast %lt3A_161 : f32 to vector<16xf32>
      %lt3A_163 = arith.cmpf olt, %add3A_160, %lt3A_162 : vector<16xf32>
      %broadcast_in_dim3A_164 = arith.constant 4096 : i32
      %broadcast_in_dim3A_165 = vector.broadcast %broadcast_in_dim3A_164 : i32 to vector<16xi32>
      %broadcast_in_dim3A_166 = arith.constant 0 : i32
      %broadcast_in_dim3A_167 = vector.broadcast %broadcast_in_dim3A_166 : i32 to vector<16xi32>
      %select_n3A_168 = arith.select %lt3A_163, %broadcast_in_dim3A_165, %broadcast_in_dim3A_167 : vector<16xi1>, vector<16xi32>
      %add3A_169 = arith.addi %get3A_154, %select_n3A_168 : vector<16xi32>
      %swap3A_170 = arith.index_cast %scan3A_32 : i32 to index
      %swap3A_171 = arith.constant 80 : index
      %swap3A_172 = tpu.vector_load %arg9[%swap3A_170, %swap3A_171] {strides = array<i32>} : memref<16x128xi32, #tpu.memory_space<vmem>>, vector<16xi32>,
      tpu.vector_store %arg9[%swap3A_170, %swap3A_171], %add3A_169 {strides = array<i32>} : memref<16x128xi32, #tpu.memory_space<vmem>>, vector<16xi32>,
      %add3A_173 = arith.addi %get3A_157, %select_n3A_168 : vector<16xi32>
      %swap3A_174 = arith.index_cast %scan3A_32 : i32 to index
      %swap3A_175 = arith.constant 80 : index
      %swap3A_176 = tpu.vector_load %arg10[%swap3A_174, %swap3A_175] {strides = array<i32>} : memref<16x128xi32, #tpu.memory_space<vmem>>, vector<16xi32>,
      tpu.vector_store %arg10[%swap3A_174, %swap3A_175], %add3A_173 {strides = array<i32>} : memref<16x128xi32, #tpu.memory_space<vmem>>, vector<16xi32>,
      %get3A_177 = arith.index_cast %scan3A_32 : i32 to index
      %get3A_178 = arith.constant 96 : index
      %get3A_179 = tpu.vector_load %arg9[%get3A_177, %get3A_178] {strides = array<i32>} : memref<16x128xi32, #tpu.memory_space<vmem>>, vector<16xi32>,
      %get3A_180 = arith.index_cast %scan3A_32 : i32 to index
      %get3A_181 = arith.constant 96 : index
      %get3A_182 = tpu.vector_load %arg10[%get3A_180, %get3A_181] {strides = array<i32>} : memref<16x128xi32, #tpu.memory_space<vmem>>, vector<16xi32>,
      %gather3A_183 = tpu.vector_load_idx %arg13[%get3A_182] : memref<4096xf32, #tpu.memory_space<vmem>>[vector<16xi32>], vector<16xf32>,
      %gather3A_184 = tpu.vector_load_idx %arg14[%get3A_179] : memref<4096xf32, #tpu.memory_space<vmem>>[vector<16xi32>], vector<16xf32>,
      %add3A_185 = arith.addf %gather3A_183, %gather3A_184 : vector<16xf32>
      %lt3A_186 = arith.constant 0.000000e+00 : f32
      %lt3A_187 = vector.broadcast %lt3A_186 : f32 to vector<16xf32>
      %lt3A_188 = arith.cmpf olt, %add3A_185, %lt3A_187 : vector<16xf32>
      %broadcast_in_dim3A_189 = arith.constant 4096 : i32
      %broadcast_in_dim3A_190 = vector.broadcast %broadcast_in_dim3A_189 : i32 to vector<16xi32>
      %broadcast_in_dim3A_191 = arith.constant 0 : i32
      %broadcast_in_dim3A_192 = vector.broadcast %broadcast_in_dim3A_191 : i32 to vector<16xi32>
      %select_n3A_193 = arith.select %lt3A_188, %broadcast_in_dim3A_190, %broadcast_in_dim3A_192 : vector<16xi1>, vector<16xi32>
      %add3A_194 = arith.addi %get3A_179, %select_n3A_193 : vector<16xi32>
      %swap3A_195 = arith.index_cast %scan3A_32 : i32 to index
      %swap3A_196 = arith.constant 96 : index
      %swap3A_197 = tpu.vector_load %arg9[%swap3A_195, %swap3A_196] {strides = array<i32>} : memref<16x128xi32, #tpu.memory_space<vmem>>, vector<16xi32>,
      tpu.vector_store %arg9[%swap3A_195, %swap3A_196], %add3A_194 {strides = array<i32>} : memref<16x128xi32, #tpu.memory_space<vmem>>, vector<16xi32>,
      %add3A_198 = arith.addi %get3A_182, %select_n3A_193 : vector<16xi32>
      %swap3A_199 = arith.index_cast %scan3A_32 : i32 to index
      %swap3A_200 = arith.constant 96 : index
      %swap3A_201 = tpu.vector_load %arg10[%swap3A_199, %swap3A_200] {strides = array<i32>} : memref<16x128xi32, #tpu.memory_space<vmem>>, vector<16xi32>,
      tpu.vector_store %arg10[%swap3A_199, %swap3A_200], %add3A_198 {strides = array<i32>} : memref<16x128xi32, #tpu.memory_space<vmem>>, vector<16xi32>,
      %get3A_202 = arith.index_cast %scan3A_32 : i32 to index
      %get3A_203 = arith.constant 112 : index
      %get3A_204 = tpu.vector_load %arg9[%get3A_202, %get3A_203] {strides = array<i32>} : memref<16x128xi32, #tpu.memory_space<vmem>>, vector<16xi32>,
      %get3A_205 = arith.index_cast %scan3A_32 : i32 to index
      %get3A_206 = arith.constant 112 : index
      %get3A_207 = tpu.vector_load %arg10[%get3A_205, %get3A_206] {strides = array<i32>} : memref<16x128xi32, #tpu.memory_space<vmem>>, vector<16xi32>,
      %gather3A_208 = tpu.vector_load_idx %arg13[%get3A_207] : memref<4096xf32, #tpu.memory_space<vmem>>[vector<16xi32>], vector<16xf32>,
      %gather3A_209 = tpu.vector_load_idx %arg14[%get3A_204] : memref<4096xf32, #tpu.memory_space<vmem>>[vector<16xi32>], vector<16xf32>,
      %add3A_210 = arith.addf %gather3A_208, %gather3A_209 : vector<16xf32>
      %lt3A_211 = arith.constant 0.000000e+00 : f32
      %lt3A_212 = vector.broadcast %lt3A_211 : f32 to vector<16xf32>
      %lt3A_213 = arith.cmpf olt, %add3A_210, %lt3A_212 : vector<16xf32>
      %broadcast_in_dim3A_214 = arith.constant 4096 : i32
      %broadcast_in_dim3A_215 = vector.broadcast %broadcast_in_dim3A_214 : i32 to vector<16xi32>
      %broadcast_in_dim3A_216 = arith.constant 0 : i32
      %broadcast_in_dim3A_217 = vector.broadcast %broadcast_in_dim3A_216 : i32 to vector<16xi32>
      %select_n3A_218 = arith.select %lt3A_213, %broadcast_in_dim3A_215, %broadcast_in_dim3A_217 : vector<16xi1>, vector<16xi32>
      %add3A_219 = arith.addi %get3A_204, %select_n3A_218 : vector<16xi32>
      %swap3A_220 = arith.index_cast %scan3A_32 : i32 to index
      %swap3A_221 = arith.constant 112 : index
      %swap3A_222 = tpu.vector_load %arg9[%swap3A_220, %swap3A_221] {strides = array<i32>} : memref<16x128xi32, #tpu.memory_space<vmem>>, vector<16xi32>,
      tpu.vector_store %arg9[%swap3A_220, %swap3A_221], %add3A_219 {strides = array<i32>} : memref<16x128xi32, #tpu.memory_space<vmem>>, vector<16xi32>,
      %add3A_223 = arith.addi %get3A_207, %select_n3A_218 : vector<16xi32>
      %swap3A_224 = arith.index_cast %scan3A_32 : i32 to index
      %swap3A_225 = arith.constant 112 : index
      %swap3A_226 = tpu.vector_load %arg10[%swap3A_224, %swap3A_225] {strides = array<i32>} : memref<16x128xi32, #tpu.memory_space<vmem>>, vector<16xi32>,
      tpu.vector_store %arg10[%swap3A_224, %swap3A_225], %add3A_223 {strides = array<i32>} : memref<16x128xi32, #tpu.memory_space<vmem>>, vector<16xi32>,
    }
    %scan3A_11 = arith.constant 16 : i32
    %dma_start3A = arith.constant 0 : i32
    %dma_start3A_12 = arith.constant 0 : i32
    %dma_start3A_13 = tpu.memref_slice %arg9[%dma_start3A, %dma_start3A_12] : memref<16x128xi32, #tpu.memory_space<vmem>> -> memref<1x128xi32, #tpu.memory_space<vmem>>
    %dma_start3A_14 = tpu.memref_squeeze %dma_start3A_13 : memref<1x128xi32, #tpu.memory_space<vmem>> -> memref<128xi32, #tpu.memory_space<vmem>>
    %dma_start3A_15 = arith.constant 0 : i32
    %dma_start3A_16 = arith.constant 0 : i32
    %dma_start3A_17 = tpu.memref_slice %arg2[%dma_start3A_15, %dma_start3A_16] : memref<8192x128xf32, #tpu.memory_space<hbm>> -> memref<8192x128xf32, #tpu.memory_space<hbm>>
    tpu.enqueue_indirect_dma source(%dma_start3A_17 : memref<8192x128xf32, #tpu.memory_space<hbm>>) target(%arg11 : memref<128x128xf32, #tpu.memory_space<vmem>>) offsets(%dma_start3A_14 : memref<128xi32, #tpu.memory_space<vmem>>) semaphore(%arg16 : memref<!tpu.dma_semaphore, #tpu.memory_space<semaphore_mem>>)
    %scan3A_18 = arith.constant 0 : i32
    %scan3A_19 = arith.constant 0 : i32
    %scan3A_20 = arith.constant 16 : i32
    %scan3A_21 = arith.addi %scan3A_19, %scan3A_20 : i32
    %scan3A_22 = arith.constant 1 : i32
    scf.for %scan3A_32 = %scan3A_19 to %scan3A_21 step %scan3A_22  : i32 {
      %jit3A = arith.constant 2 : i32
      %eq3A = arith.constant 0 : i32
      %eq3A_33 = arith.cmpi eq, %jit3A, %eq3A : i32
      %jit3A_34 = arith.constant 1 : i32
      %select_n3A = arith.select %eq3A_33, %jit3A_34, %jit3A : i32
      %rem3A = arith.remsi %scan3A_32, %select_n3A : i32
      %ne3A = arith.constant 0 : i32
      %ne3A_35 = arith.cmpi ne, %rem3A, %ne3A : i32
      %lt3A = arith.constant 0 : i32
      %lt3A_36 = arith.cmpi slt, %rem3A, %lt3A : i32
      %lt3A_37 = arith.constant 0 : i32
      %lt3A_38 = arith.cmpi slt, %select_n3A, %lt3A_37 : i32
      %ne3A_39 = arith.xori %lt3A_36, %lt3A_38 : i1
      %and3A = arith.andi %ne3A_39, %ne3A_35 : i1
      %add3A_40 = arith.addi %rem3A, %select_n3A : i32
      %select_n3A_41 = arith.select %and3A, %add3A_40, %rem3A : i32
      %eq3A_42 = arith.constant 0 : i32
      %eq3A_43 = arith.cmpi eq, %select_n3A_41, %eq3A_42 : i32
      %add3A_44 = arith.constant 1 : i32
      %add3A_45 = arith.addi %scan3A_32, %add3A_44 : i32
      %lt3A_46 = arith.constant 16 : i32
      %lt3A_47 = arith.cmpi slt, %add3A_45, %lt3A_46 : i32
      %convert_element_type3A = arith.extui %lt3A_47 : i1 to i32
      %cond3A = arith.constant 0 : i32
      %cond3A_48 = arith.cmpi ne, %convert_element_type3A, %cond3A : i32
      scf.if %cond3A_48 {
        %convert_element_type3A_56 = arith.extui %eq3A_43 : i1 to i32
        %cond3A_57 = arith.constant 0 : i32
        %cond3A_58 = arith.cmpi ne, %convert_element_type3A_56, %cond3A_57 : i32
        scf.if %cond3A_58 {
          %add3A_64 = arith.constant 1 : i32
          %add3A_65 = arith.addi %scan3A_32, %add3A_64 : i32
          %dma_start3A_66 = arith.constant 0 : i32
          %dma_start3A_67 = tpu.memref_slice %arg9[%add3A_65, %dma_start3A_66] : memref<16x128xi32, #tpu.memory_space<vmem>> -> memref<1x128xi32, #tpu.memory_space<vmem>>
          %dma_start3A_68 = tpu.memref_squeeze %dma_start3A_67 : memref<1x128xi32, #tpu.memory_space<vmem>> -> memref<128xi32, #tpu.memory_space<vmem>>
          %dma_start3A_69 = arith.constant 0 : i32
          %dma_start3A_70 = arith.constant 0 : i32
          %dma_start3A_71 = tpu.memref_slice %arg2[%dma_start3A_69, %dma_start3A_70] : memref<8192x128xf32, #tpu.memory_space<hbm>> -> memref<8192x128xf32, #tpu.memory_space<hbm>>
          tpu.enqueue_indirect_dma source(%dma_start3A_71 : memref<8192x128xf32, #tpu.memory_space<hbm>>) target(%arg12 : memref<128x128xf32, #tpu.memory_space<vmem>>) offsets(%dma_start3A_68 : memref<128xi32, #tpu.memory_space<vmem>>) semaphore(%arg16 : memref<!tpu.dma_semaphore, #tpu.memory_space<semaphore_mem>>)
        } else {
        }
        %not3A_59 = arith.constant true
        %not3A_60 = arith.xori %eq3A_43, %not3A_59 : i1
        %convert_element_type3A_61 = arith.extui %not3A_60 : i1 to i32
        %cond3A_62 = arith.constant 0 : i32
        %cond3A_63 = arith.cmpi ne, %convert_element_type3A_61, %cond3A_62 : i32
        scf.if %cond3A_63 {
          %add3A_64 = arith.constant 1 : i32
          %add3A_65 = arith.addi %scan3A_32, %add3A_64 : i32
          %dma_start3A_66 = arith.constant 0 : i32
          %dma_start3A_67 = tpu.memref_slice %arg9[%add3A_65, %dma_start3A_66] : memref<16x128xi32, #tpu.memory_space<vmem>> -> memref<1x128xi32, #tpu.memory_space<vmem>>
          %dma_start3A_68 = tpu.memref_squeeze %dma_start3A_67 : memref<1x128xi32, #tpu.memory_space<vmem>> -> memref<128xi32, #tpu.memory_space<vmem>>
          %dma_start3A_69 = arith.constant 0 : i32
          %dma_start3A_70 = arith.constant 0 : i32
          %dma_start3A_71 = tpu.memref_slice %arg2[%dma_start3A_69, %dma_start3A_70] : memref<8192x128xf32, #tpu.memory_space<hbm>> -> memref<8192x128xf32, #tpu.memory_space<hbm>>
          tpu.enqueue_indirect_dma source(%dma_start3A_71 : memref<8192x128xf32, #tpu.memory_space<hbm>>) target(%arg11 : memref<128x128xf32, #tpu.memory_space<vmem>>) offsets(%dma_start3A_68 : memref<128xi32, #tpu.memory_space<vmem>>) semaphore(%arg16 : memref<!tpu.dma_semaphore, #tpu.memory_space<semaphore_mem>>)
        } else {
        }
      } else {
      }
      %convert_element_type3A_49 = arith.extui %eq3A_43 : i1 to i32
      %cond3A_50 = arith.constant 0 : i32
      %cond3A_51 = arith.cmpi ne, %convert_element_type3A_49, %cond3A_50 : i32
      scf.if %cond3A_51 {
        %dma_wait3A = arith.constant 0 : i32
        %dma_wait3A_56 = tpu.memref_slice %arg9[%scan3A_32, %dma_wait3A] : memref<16x128xi32, #tpu.memory_space<vmem>> -> memref<1x128xi32, #tpu.memory_space<vmem>>
        %dma_wait3A_57 = tpu.memref_squeeze %dma_wait3A_56 : memref<1x128xi32, #tpu.memory_space<vmem>> -> memref<128xi32, #tpu.memory_space<vmem>>
        %dma_wait3A_58 = arith.constant 0 : i32
        %dma_wait3A_59 = arith.constant 0 : i32
        %dma_wait3A_60 = tpu.memref_slice %arg2[%dma_wait3A_58, %dma_wait3A_59] : memref<8192x128xf32, #tpu.memory_space<hbm>> -> memref<8192x128xf32, #tpu.memory_space<hbm>>
        tpu.wait_indirect_dma semaphore(%arg16 : memref<!tpu.dma_semaphore, #tpu.memory_space<semaphore_mem>>) src(%dma_wait3A_60 : memref<8192x128xf32, #tpu.memory_space<hbm>>) dst(%arg11 : memref<128x128xf32, #tpu.memory_space<vmem>>)
        "tpu.region"() ({
          %run_scoped3A = tpu.sem_alloc : memref<!tpu.dma_semaphore, #tpu.memory_space<semaphore_mem>>
          %dma_start3A_61 = arith.constant 0 : i32
          %dma_start3A_62 = tpu.memref_slice %arg10[%scan3A_32, %dma_start3A_61] : memref<16x128xi32, #tpu.memory_space<vmem>> -> memref<1x128xi32, #tpu.memory_space<vmem>>
          %dma_start3A_63 = tpu.memref_squeeze %dma_start3A_62 : memref<1x128xi32, #tpu.memory_space<vmem>> -> memref<128xi32, #tpu.memory_space<vmem>>
          %dma_start3A_64 = arith.constant 0 : i32
          %dma_start3A_65 = arith.constant 0 : i32
          %dma_start3A_66 = tpu.memref_slice %arg15[%dma_start3A_64, %dma_start3A_65] : memref<8192x128xf32, #tpu.memory_space<vmem_shared>> -> memref<8192x128xf32, #tpu.memory_space<vmem_shared>>
          tpu.enqueue_indirect_dma source(%arg11 : memref<128x128xf32, #tpu.memory_space<vmem>>) target(%dma_start3A_66 : memref<8192x128xf32, #tpu.memory_space<vmem_shared>>) offsets(%dma_start3A_63 : memref<128xi32, #tpu.memory_space<vmem>>) semaphore(%run_scoped3A : memref<!tpu.dma_semaphore, #tpu.memory_space<semaphore_mem>>) {add = true}
          %dma_wait3A_67 = arith.constant 0 : i32
          %dma_wait3A_68 = tpu.memref_slice %arg10[%scan3A_32, %dma_wait3A_67] : memref<16x128xi32, #tpu.memory_space<vmem>> -> memref<1x128xi32, #tpu.memory_space<vmem>>
          %dma_wait3A_69 = tpu.memref_squeeze %dma_wait3A_68 : memref<1x128xi32, #tpu.memory_space<vmem>> -> memref<128xi32, #tpu.memory_space<vmem>>
          %dma_wait3A_70 = arith.constant 0 : i32
          %dma_wait3A_71 = arith.constant 0 : i32
          %dma_wait3A_72 = tpu.memref_slice %arg15[%dma_wait3A_70, %dma_wait3A_71] : memref<8192x128xf32, #tpu.memory_space<vmem_shared>> -> memref<8192x128xf32, #tpu.memory_space<vmem_shared>>
          tpu.wait_indirect_dma semaphore(%run_scoped3A : memref<!tpu.dma_semaphore, #tpu.memory_space<semaphore_mem>>) src(%arg11 : memref<128x128xf32, #tpu.memory_space<vmem>>) dst(%dma_wait3A_72 : memref<8192x128xf32, #tpu.memory_space<vmem_shared>>)
          tpu.yield
        }) : () -> ()
      } else {
      }
      %not3A = arith.constant true
      %not3A_52 = arith.xori %eq3A_43, %not3A : i1
      %convert_element_type3A_53 = arith.extui %not3A_52 : i1 to i32
      %cond3A_54 = arith.constant 0 : i32
      %cond3A_55 = arith.cmpi ne, %convert_element_type3A_53, %cond3A_54 : i32
      scf.if %cond3A_55 {
        %dma_wait3A = arith.constant 0 : i32
        %dma_wait3A_56 = tpu.memref_slice %arg9[%scan3A_32, %dma_wait3A] : memref<16x128xi32, #tpu.memory_space<vmem>> -> memref<1x128xi32, #tpu.memory_space<vmem>>
        %dma_wait3A_57 = tpu.memref_squeeze %dma_wait3A_56 : memref<1x128xi32, #tpu.memory_space<vmem>> -> memref<128xi32, #tpu.memory_space<vmem>>
        %dma_wait3A_58 = arith.constant 0 : i32
        %dma_wait3A_59 = arith.constant 0 : i32
        %dma_wait3A_60 = tpu.memref_slice %arg2[%dma_wait3A_58, %dma_wait3A_59] : memref<8192x128xf32, #tpu.memory_space<hbm>> -> memref<8192x128xf32, #tpu.memory_space<hbm>>
        tpu.wait_indirect_dma semaphore(%arg16 : memref<!tpu.dma_semaphore, #tpu.memory_space<semaphore_mem>>) src(%dma_wait3A_60 : memref<8192x128xf32, #tpu.memory_space<hbm>>) dst(%arg12 : memref<128x128xf32, #tpu.memory_space<vmem>>)
        "tpu.region"() ({
          %run_scoped3A = tpu.sem_alloc : memref<!tpu.dma_semaphore, #tpu.memory_space<semaphore_mem>>
          %dma_start3A_61 = arith.constant 0 : i32
          %dma_start3A_62 = tpu.memref_slice %arg10[%scan3A_32, %dma_start3A_61] : memref<16x128xi32, #tpu.memory_space<vmem>> -> memref<1x128xi32, #tpu.memory_space<vmem>>
          %dma_start3A_63 = tpu.memref_squeeze %dma_start3A_62 : memref<1x128xi32, #tpu.memory_space<vmem>> -> memref<128xi32, #tpu.memory_space<vmem>>
          %dma_start3A_64 = arith.constant 0 : i32
          %dma_start3A_65 = arith.constant 0 : i32
          %dma_start3A_66 = tpu.memref_slice %arg15[%dma_start3A_64, %dma_start3A_65] : memref<8192x128xf32, #tpu.memory_space<vmem_shared>> -> memref<8192x128xf32, #tpu.memory_space<vmem_shared>>
          tpu.enqueue_indirect_dma source(%arg12 : memref<128x128xf32, #tpu.memory_space<vmem>>) target(%dma_start3A_66 : memref<8192x128xf32, #tpu.memory_space<vmem_shared>>) offsets(%dma_start3A_63 : memref<128xi32, #tpu.memory_space<vmem>>) semaphore(%run_scoped3A : memref<!tpu.dma_semaphore, #tpu.memory_space<semaphore_mem>>) {add = true}
          %dma_wait3A_67 = arith.constant 0 : i32
          %dma_wait3A_68 = tpu.memref_slice %arg10[%scan3A_32, %dma_wait3A_67] : memref<16x128xi32, #tpu.memory_space<vmem>> -> memref<1x128xi32, #tpu.memory_space<vmem>>
          %dma_wait3A_69 = tpu.memref_squeeze %dma_wait3A_68 : memref<1x128xi32, #tpu.memory_space<vmem>> -> memref<128xi32, #tpu.memory_space<vmem>>
          %dma_wait3A_70 = arith.constant 0 : i32
          %dma_wait3A_71 = arith.constant 0 : i32
          %dma_wait3A_72 = tpu.memref_slice %arg15[%dma_wait3A_70, %dma_wait3A_71] : memref<8192x128xf32, #tpu.memory_space<vmem_shared>> -> memref<8192x128xf32, #tpu.memory_space<vmem_shared>>
          tpu.wait_indirect_dma semaphore(%run_scoped3A : memref<!tpu.dma_semaphore, #tpu.memory_space<semaphore_mem>>) src(%arg12 : memref<128x128xf32, #tpu.memory_space<vmem>>) dst(%dma_wait3A_72 : memref<8192x128xf32, #tpu.memory_space<vmem_shared>>)
          tpu.yield
        }) : () -> ()
      } else {
      }
    }
    %scan3A_23 = arith.constant 16 : i32
    %barrier3A_24 = arith.constant 0 : index
    tpu.barrier barrier_id(%barrier3A_24)
    %mul3A_25 = arith.constant 512 : i32
    %mul3A_26 = arith.muli %arg1, %mul3A_25 : i32
    %mul3A_27 = arith.constant 8192 : i32
    %mul3A_28 = arith.muli %arg0, %mul3A_27 : i32
    %mul3A_29 = arith.constant 512 : i32
    %mul3A_30 = arith.muli %arg1, %mul3A_29 : i32
    %add3A_31 = arith.addi %mul3A_28, %mul3A_30 : i32
    "tpu.region"() ({
      %run_scoped3A = tpu.sem_alloc : memref<!tpu.dma_semaphore, #tpu.memory_space<semaphore_mem>>
      %dma_start3A_32 = arith.constant 0 : i32
      %dma_start3A_33 = tpu.memref_slice %arg8[%add3A_31, %dma_start3A_32] : memref<16384x128xf32, #tpu.memory_space<hbm>> -> memref<512x128xf32, #tpu.memory_space<hbm>>
      %dma_start3A_34 = arith.constant 0 : i32
      %dma_start3A_35 = tpu.memref_slice %arg15[%mul3A_26, %dma_start3A_34] : memref<8192x128xf32, #tpu.memory_space<vmem_shared>> -> memref<512x128xf32, #tpu.memory_space<vmem_shared>>
      tpu.enqueue_dma source(%dma_start3A_35 : memref<512x128xf32, #tpu.memory_space<vmem_shared>>) target(%dma_start3A_33 : memref<512x128xf32, #tpu.memory_space<hbm>>) target_semaphore(%run_scoped3A : memref<!tpu.dma_semaphore, #tpu.memory_space<semaphore_mem>>)
      %dma_wait3A = arith.constant 0 : i32
      %dma_wait3A_36 = tpu.memref_slice %arg8[%add3A_31, %dma_wait3A] : memref<16384x128xf32, #tpu.memory_space<hbm>> -> memref<512x128xf32, #tpu.memory_space<hbm>>
      %dma_wait3A_37 = arith.constant 0 : i32
      %dma_wait3A_38 = tpu.memref_slice %arg15[%mul3A_26, %dma_wait3A_37] : memref<8192x128xf32, #tpu.memory_space<vmem_shared>> -> memref<512x128xf32, #tpu.memory_space<vmem_shared>>
      tpu.wait_dma2 semaphore(%run_scoped3A : memref<!tpu.dma_semaphore, #tpu.memory_space<semaphore_mem>>) src(%dma_wait3A_38 : memref<512x128xf32, #tpu.memory_space<vmem_shared>>) dst(%dma_wait3A_36 : memref<512x128xf32, #tpu.memory_space<hbm>>)
      tpu.yield
    }) : () -> ()
    return
  }
}

#map = affine_map<(d0, d1) -> (0, 0)>
#map1 = affine_map<(d0, d1) -> (0)>
module attributes {stable_mosaic.version = 14 : i64} {
  func.func @body(%arg0: i32, %arg1: i32, %arg2: memref<8192x128xf32, #tpu.memory_space<hbm>>, %arg3: memref<512x128xi32, #tpu.memory_space<hbm>>, %arg4: memref<512x128xi32, #tpu.memory_space<hbm>>, %arg5: memref<8192x128xf32, #tpu.memory_space<hbm>>, %arg6: memref<4096xf32, #tpu.memory_space<hbm>>, %arg7: memref<4096xf32, #tpu.memory_space<hbm>>, %arg8: memref<16384x128xf32, #tpu.memory_space<hbm>>, %arg9: memref<16x128xi32, #tpu.memory_space<vmem>>, %arg10: memref<16x128xi32, #tpu.memory_space<vmem>>, %arg11: memref<128x128xf32, #tpu.memory_space<vmem>>, %arg12: memref<128x128xf32, #tpu.memory_space<vmem>>, %arg13: memref<4096xf32, #tpu.memory_space<vmem>>, %arg14: memref<4096xf32, #tpu.memory_space<vmem>>, %arg15: memref<8192x128xf32, #tpu.memory_space<vmem_shared>>, %arg16: memref<!tpu.dma_semaphore, #tpu.memory_space<semaphore_mem>>) attributes {dimension_semantics = [#tpu.dimension_semantics<core_parallel>, #tpu.dimension_semantics<subcore_parallel>], iteration_bounds = array<i64: 2, 16>, scalar_prefetch = 0 : i64, scratch_operands = 8 : i64, tpu.core_type = #tpu.core_type<sc_vector_subcore>, window_params = [{transform_indices = #map}, {transform_indices = #map}, {transform_indices = #map}, {transform_indices = #map}, {transform_indices = #map1}, {transform_indices = #map1}, {transform_indices = #map}]} {
    %mul3A = arith.constant 2 : i32
    %mul3A_0 = arith.muli %arg1, %mul3A : i32
    %add3A = arith.addi %mul3A_0, %arg0 : i32
    %mul3A_1 = arith.constant 512 : i32
    %mul3A_2 = arith.muli %arg1, %mul3A_1 : i32
    %mul3A_3 = arith.constant 512 : i32
    %mul3A_4 = arith.muli %arg1, %mul3A_3 : i32
    "tpu.region"() ({
      %run_scoped3A = tpu.sem_alloc : memref<!tpu.dma_semaphore, #tpu.memory_space<semaphore_mem>>
      %dma_start3A_32 = arith.constant 0 : i32
      %dma_start3A_33 = tpu.memref_slice %arg15[%mul3A_4, %dma_start3A_32] : memref<8192x128xf32, #tpu.memory_space<vmem_shared>> -> memref<512x128xf32, #tpu.memory_space<vmem_shared>>
      %dma_start3A_34 = arith.constant 0 : i32
      %dma_start3A_35 = tpu.memref_slice %arg5[%mul3A_2, %dma_start3A_34] : memref<8192x128xf32, #tpu.memory_space<hbm>> -> memref<512x128xf32, #tpu.memory_space<hbm>>
      tpu.enqueue_dma source(%dma_start3A_35 : memref<512x128xf32, #tpu.memory_space<hbm>>) target(%dma_start3A_33 : memref<512x128xf32, #tpu.memory_space<vmem_shared>>) target_semaphore(%run_scoped3A : memref<!tpu.dma_semaphore, #tpu.memory_space<semaphore_mem>>)
      %dma_wait3A = arith.constant 0 : i32
      %dma_wait3A_36 = tpu.memref_slice %arg15[%mul3A_4, %dma_wait3A] : memref<8192x128xf32, #tpu.memory_space<vmem_shared>> -> memref<512x128xf32, #tpu.memory_space<vmem_shared>>
      %dma_wait3A_37 = arith.constant 0 : i32
      %dma_wait3A_38 = tpu.memref_slice %arg5[%mul3A_2, %dma_wait3A_37] : memref<8192x128xf32, #tpu.memory_space<hbm>> -> memref<512x128xf32, #tpu.memory_space<hbm>>
      tpu.wait_dma2 semaphore(%run_scoped3A : memref<!tpu.dma_semaphore, #tpu.memory_space<semaphore_mem>>) src(%dma_wait3A_38 : memref<512x128xf32, #tpu.memory_space<hbm>>) dst(%dma_wait3A_36 : memref<512x128xf32, #tpu.memory_space<vmem_shared>>)
      tpu.yield
    }) : () -> ()
    %mul3A_5 = arith.constant 16 : i32
    %mul3A_6 = arith.muli %add3A, %mul3A_5 : i32
    "tpu.region"() ({
      %run_scoped3A = tpu.sem_alloc : memref<!tpu.dma_semaphore, #tpu.memory_space<semaphore_mem>>
      %dma_start3A_32 = arith.constant 0 : i32
      %dma_start3A_33 = tpu.memref_slice %arg3[%mul3A_6, %dma_start3A_32] : memref<512x128xi32, #tpu.memory_space<hbm>> -> memref<16x128xi32, #tpu.memory_space<hbm>>
      %dma_start3A_34 = arith.constant 0 : i32
      %dma_start3A_35 = tpu.memref_slice %arg3[%mul3A_6, %dma_start3A_34] : memref<512x128xi32, #tpu.memory_space<hbm>> -> memref<16x128xi32, #tpu.memory_space<hbm>>
      tpu.enqueue_dma source(%dma_start3A_35 : memref<16x128xi32, #tpu.memory_space<hbm>>) target(%arg9 : memref<16x128xi32, #tpu.memory_space<vmem>>) target_semaphore(%run_scoped3A : memref<!tpu.dma_semaphore, #tpu.memory_space<semaphore_mem>>)
      %dma_wait3A = arith.constant 0 : i32
      %dma_wait3A_36 = tpu.memref_slice %arg3[%mul3A_6, %dma_wait3A] : memref<512x128xi32, #tpu.memory_space<hbm>> -> memref<16x128xi32, #tpu.memory_space<hbm>>
      %dma_wait3A_37 = arith.constant 0 : i32
      %dma_wait3A_38 = tpu.memref_slice %arg3[%mul3A_6, %dma_wait3A_37] : memref<512x128xi32, #tpu.memory_space<hbm>> -> memref<16x128xi32, #tpu.memory_space<hbm>>
      tpu.wait_dma2 semaphore(%run_scoped3A : memref<!tpu.dma_semaphore, #tpu.memory_space<semaphore_mem>>) src(%dma_wait3A_38 : memref<16x128xi32, #tpu.memory_space<hbm>>) dst(%arg9 : memref<16x128xi32, #tpu.memory_space<vmem>>)
      tpu.yield
    }) : () -> ()
    "tpu.region"() ({
      %run_scoped3A = tpu.sem_alloc : memref<!tpu.dma_semaphore, #tpu.memory_space<semaphore_mem>>
      %dma_start3A_32 = arith.constant 0 : i32
      %dma_start3A_33 = tpu.memref_slice %arg4[%mul3A_6, %dma_start3A_32] : memref<512x128xi32, #tpu.memory_space<hbm>> -> memref<16x128xi32, #tpu.memory_space<hbm>>
      %dma_start3A_34 = arith.constant 0 : i32
      %dma_start3A_35 = tpu.memref_slice %arg4[%mul3A_6, %dma_start3A_34] : memref<512x128xi32, #tpu.memory_space<hbm>> -> memref<16x128xi32, #tpu.memory_space<hbm>>
      tpu.enqueue_dma source(%dma_start3A_35 : memref<16x128xi32, #tpu.memory_space<hbm>>) target(%arg10 : memref<16x128xi32, #tpu.memory_space<vmem>>) target_semaphore(%run_scoped3A : memref<!tpu.dma_semaphore, #tpu.memory_space<semaphore_mem>>)
      %dma_wait3A = arith.constant 0 : i32
      %dma_wait3A_36 = tpu.memref_slice %arg4[%mul3A_6, %dma_wait3A] : memref<512x128xi32, #tpu.memory_space<hbm>> -> memref<16x128xi32, #tpu.memory_space<hbm>>
      %dma_wait3A_37 = arith.constant 0 : i32
      %dma_wait3A_38 = tpu.memref_slice %arg4[%mul3A_6, %dma_wait3A_37] : memref<512x128xi32, #tpu.memory_space<hbm>> -> memref<16x128xi32, #tpu.memory_space<hbm>>
      tpu.wait_dma2 semaphore(%run_scoped3A : memref<!tpu.dma_semaphore, #tpu.memory_space<semaphore_mem>>) src(%dma_wait3A_38 : memref<16x128xi32, #tpu.memory_space<hbm>>) dst(%arg10 : memref<16x128xi32, #tpu.memory_space<vmem>>)
      tpu.yield
    }) : () -> ()
    "tpu.region"() ({
      %run_scoped3A = tpu.sem_alloc : memref<!tpu.dma_semaphore, #tpu.memory_space<semaphore_mem>>
      tpu.enqueue_dma source(%arg6 : memref<4096xf32, #tpu.memory_space<hbm>>) target(%arg13 : memref<4096xf32, #tpu.memory_space<vmem>>) target_semaphore(%run_scoped3A : memref<!tpu.dma_semaphore, #tpu.memory_space<semaphore_mem>>)
      tpu.wait_dma2 semaphore(%run_scoped3A : memref<!tpu.dma_semaphore, #tpu.memory_space<semaphore_mem>>) src(%arg6 : memref<4096xf32, #tpu.memory_space<hbm>>) dst(%arg13 : memref<4096xf32, #tpu.memory_space<vmem>>)
      tpu.yield
    }) : () -> ()
    "tpu.region"() ({
      %run_scoped3A = tpu.sem_alloc : memref<!tpu.dma_semaphore, #tpu.memory_space<semaphore_mem>>
      tpu.enqueue_dma source(%arg7 : memref<4096xf32, #tpu.memory_space<hbm>>) target(%arg14 : memref<4096xf32, #tpu.memory_space<vmem>>) target_semaphore(%run_scoped3A : memref<!tpu.dma_semaphore, #tpu.memory_space<semaphore_mem>>)
      tpu.wait_dma2 semaphore(%run_scoped3A : memref<!tpu.dma_semaphore, #tpu.memory_space<semaphore_mem>>) src(%arg7 : memref<4096xf32, #tpu.memory_space<hbm>>) dst(%arg14 : memref<4096xf32, #tpu.memory_space<vmem>>)
      tpu.yield
    }) : () -> ()
    %barrier3A = arith.constant 0 : index
    tpu.barrier barrier_id(%barrier3A)
    %scan3A = arith.constant 0 : i32
    %scan3A_7 = arith.constant 0 : i32
    %scan3A_8 = arith.constant 16 : i32
    %scan3A_9 = arith.addi %scan3A_7, %scan3A_8 : i32
    %scan3A_10 = arith.constant 1 : i32
    scf.for %scan3A_32 = %scan3A_7 to %scan3A_9 step %scan3A_10  : i32 {
      %get3A = arith.index_cast %scan3A_32 : i32 to index
      %get3A_33 = arith.constant 0 : index
      %get3A_34 = tpu.vector_load %arg9[%get3A, %get3A_33] {strides = array<i32>} : memref<16x128xi32, #tpu.memory_space<vmem>>, vector<16xi32>,
      %get3A_35 = arith.index_cast %scan3A_32 : i32 to index
      %get3A_36 = arith.constant 0 : index
      %get3A_37 = tpu.vector_load %arg10[%get3A_35, %get3A_36] {strides = array<i32>} : memref<16x128xi32, #tpu.memory_space<vmem>>, vector<16xi32>,
      %gather3A = tpu.vector_load_idx %arg13[%get3A_37] : memref<4096xf32, #tpu.memory_space<vmem>>[vector<16xi32>], vector<16xf32>,
      %gather3A_38 = tpu.vector_load_idx %arg14[%get3A_34] : memref<4096xf32, #tpu.memory_space<vmem>>[vector<16xi32>], vector<16xf32>,
      %add3A_39 = arith.addf %gather3A, %gather3A_38 : vector<16xf32>
      %lt3A = arith.constant 0.000000e+00 : f32
      %lt3A_40 = vector.broadcast %lt3A : f32 to vector<16xf32>
      %lt3A_41 = arith.cmpf olt, %add3A_39, %lt3A_40 : vector<16xf32>
      %broadcast_in_dim3A = arith.constant 4096 : i32
      %broadcast_in_dim3A_42 = vector.broadcast %broadcast_in_dim3A : i32 to vector<16xi32>
      %broadcast_in_dim3A_43 = arith.constant 0 : i32
      %broadcast_in_dim3A_44 = vector.broadcast %broadcast_in_dim3A_43 : i32 to vector<16xi32>
      %select_n3A = arith.select %lt3A_41, %broadcast_in_dim3A_42, %broadcast_in_dim3A_44 : vector<16xi1>, vector<16xi32>
      %add3A_45 = arith.addi %get3A_34, %select_n3A : vector<16xi32>
      %swap3A = arith.index_cast %scan3A_32 : i32 to index
      %swap3A_46 = arith.constant 0 : index
      %swap3A_47 = tpu.vector_load %arg9[%swap3A, %swap3A_46] {strides = array<i32>} : memref<16x128xi32, #tpu.memory_space<vmem>>, vector<16xi32>,
      tpu.vector_store %arg9[%swap3A, %swap3A_46], %add3A_45 {strides = array<i32>} : memref<16x128xi32, #tpu.memory_space<vmem>>, vector<16xi32>,
      %add3A_48 = arith.addi %get3A_37, %select_n3A : vector<16xi32>
      %swap3A_49 = arith.index_cast %scan3A_32 : i32 to index
      %swap3A_50 = arith.constant 0 : index
      %swap3A_51 = tpu.vector_load %arg10[%swap3A_49, %swap3A_50] {strides = array<i32>} : memref<16x128xi32, #tpu.memory_space<vmem>>, vector<16xi32>,
      tpu.vector_store %arg10[%swap3A_49, %swap3A_50], %add3A_48 {strides = array<i32>} : memref<16x128xi32, #tpu.memory_space<vmem>>, vector<16xi32>,
      %get3A_52 = arith.index_cast %scan3A_32 : i32 to index
      %get3A_53 = arith.constant 16 : index
      %get3A_54 = tpu.vector_load %arg9[%get3A_52, %get3A_53] {strides = array<i32>} : memref<16x128xi32, #tpu.memory_space<vmem>>, vector<16xi32>,
      %get3A_55 = arith.index_cast %scan3A_32 : i32 to index
      %get3A_56 = arith.constant 16 : index
      %get3A_57 = tpu.vector_load %arg10[%get3A_55, %get3A_56] {strides = array<i32>} : memref<16x128xi32, #tpu.memory_space<vmem>>, vector<16xi32>,
      %gather3A_58 = tpu.vector_load_idx %arg13[%get3A_57] : memref<4096xf32, #tpu.memory_space<vmem>>[vector<16xi32>], vector<16xf32>,
      %gather3A_59 = tpu.vector_load_idx %arg14[%get3A_54] : memref<4096xf32, #tpu.memory_space<vmem>>[vector<16xi32>], vector<16xf32>,
      %add3A_60 = arith.addf %gather3A_58, %gather3A_59 : vector<16xf32>
      %lt3A_61 = arith.constant 0.000000e+00 : f32
      %lt3A_62 = vector.broadcast %lt3A_61 : f32 to vector<16xf32>
      %lt3A_63 = arith.cmpf olt, %add3A_60, %lt3A_62 : vector<16xf32>
      %broadcast_in_dim3A_64 = arith.constant 4096 : i32
      %broadcast_in_dim3A_65 = vector.broadcast %broadcast_in_dim3A_64 : i32 to vector<16xi32>
      %broadcast_in_dim3A_66 = arith.constant 0 : i32
      %broadcast_in_dim3A_67 = vector.broadcast %broadcast_in_dim3A_66 : i32 to vector<16xi32>
      %select_n3A_68 = arith.select %lt3A_63, %broadcast_in_dim3A_65, %broadcast_in_dim3A_67 : vector<16xi1>, vector<16xi32>
      %add3A_69 = arith.addi %get3A_54, %select_n3A_68 : vector<16xi32>
      %swap3A_70 = arith.index_cast %scan3A_32 : i32 to index
      %swap3A_71 = arith.constant 16 : index
      %swap3A_72 = tpu.vector_load %arg9[%swap3A_70, %swap3A_71] {strides = array<i32>} : memref<16x128xi32, #tpu.memory_space<vmem>>, vector<16xi32>,
      tpu.vector_store %arg9[%swap3A_70, %swap3A_71], %add3A_69 {strides = array<i32>} : memref<16x128xi32, #tpu.memory_space<vmem>>, vector<16xi32>,
      %add3A_73 = arith.addi %get3A_57, %select_n3A_68 : vector<16xi32>
      %swap3A_74 = arith.index_cast %scan3A_32 : i32 to index
      %swap3A_75 = arith.constant 16 : index
      %swap3A_76 = tpu.vector_load %arg10[%swap3A_74, %swap3A_75] {strides = array<i32>} : memref<16x128xi32, #tpu.memory_space<vmem>>, vector<16xi32>,
      tpu.vector_store %arg10[%swap3A_74, %swap3A_75], %add3A_73 {strides = array<i32>} : memref<16x128xi32, #tpu.memory_space<vmem>>, vector<16xi32>,
      %get3A_77 = arith.index_cast %scan3A_32 : i32 to index
      %get3A_78 = arith.constant 32 : index
      %get3A_79 = tpu.vector_load %arg9[%get3A_77, %get3A_78] {strides = array<i32>} : memref<16x128xi32, #tpu.memory_space<vmem>>, vector<16xi32>,
      %get3A_80 = arith.index_cast %scan3A_32 : i32 to index
      %get3A_81 = arith.constant 32 : index
      %get3A_82 = tpu.vector_load %arg10[%get3A_80, %get3A_81] {strides = array<i32>} : memref<16x128xi32, #tpu.memory_space<vmem>>, vector<16xi32>,
      %gather3A_83 = tpu.vector_load_idx %arg13[%get3A_82] : memref<4096xf32, #tpu.memory_space<vmem>>[vector<16xi32>], vector<16xf32>,
      %gather3A_84 = tpu.vector_load_idx %arg14[%get3A_79] : memref<4096xf32, #tpu.memory_space<vmem>>[vector<16xi32>], vector<16xf32>,
      %add3A_85 = arith.addf %gather3A_83, %gather3A_84 : vector<16xf32>
      %lt3A_86 = arith.constant 0.000000e+00 : f32
      %lt3A_87 = vector.broadcast %lt3A_86 : f32 to vector<16xf32>
      %lt3A_88 = arith.cmpf olt, %add3A_85, %lt3A_87 : vector<16xf32>
      %broadcast_in_dim3A_89 = arith.constant 4096 : i32
      %broadcast_in_dim3A_90 = vector.broadcast %broadcast_in_dim3A_89 : i32 to vector<16xi32>
      %broadcast_in_dim3A_91 = arith.constant 0 : i32
      %broadcast_in_dim3A_92 = vector.broadcast %broadcast_in_dim3A_91 : i32 to vector<16xi32>
      %select_n3A_93 = arith.select %lt3A_88, %broadcast_in_dim3A_90, %broadcast_in_dim3A_92 : vector<16xi1>, vector<16xi32>
      %add3A_94 = arith.addi %get3A_79, %select_n3A_93 : vector<16xi32>
      %swap3A_95 = arith.index_cast %scan3A_32 : i32 to index
      %swap3A_96 = arith.constant 32 : index
      %swap3A_97 = tpu.vector_load %arg9[%swap3A_95, %swap3A_96] {strides = array<i32>} : memref<16x128xi32, #tpu.memory_space<vmem>>, vector<16xi32>,
      tpu.vector_store %arg9[%swap3A_95, %swap3A_96], %add3A_94 {strides = array<i32>} : memref<16x128xi32, #tpu.memory_space<vmem>>, vector<16xi32>,
      %add3A_98 = arith.addi %get3A_82, %select_n3A_93 : vector<16xi32>
      %swap3A_99 = arith.index_cast %scan3A_32 : i32 to index
      %swap3A_100 = arith.constant 32 : index
      %swap3A_101 = tpu.vector_load %arg10[%swap3A_99, %swap3A_100] {strides = array<i32>} : memref<16x128xi32, #tpu.memory_space<vmem>>, vector<16xi32>,
      tpu.vector_store %arg10[%swap3A_99, %swap3A_100], %add3A_98 {strides = array<i32>} : memref<16x128xi32, #tpu.memory_space<vmem>>, vector<16xi32>,
      %get3A_102 = arith.index_cast %scan3A_32 : i32 to index
      %get3A_103 = arith.constant 48 : index
      %get3A_104 = tpu.vector_load %arg9[%get3A_102, %get3A_103] {strides = array<i32>} : memref<16x128xi32, #tpu.memory_space<vmem>>, vector<16xi32>,
      %get3A_105 = arith.index_cast %scan3A_32 : i32 to index
      %get3A_106 = arith.constant 48 : index
      %get3A_107 = tpu.vector_load %arg10[%get3A_105, %get3A_106] {strides = array<i32>} : memref<16x128xi32, #tpu.memory_space<vmem>>, vector<16xi32>,
      %gather3A_108 = tpu.vector_load_idx %arg13[%get3A_107] : memref<4096xf32, #tpu.memory_space<vmem>>[vector<16xi32>], vector<16xf32>,
      %gather3A_109 = tpu.vector_load_idx %arg14[%get3A_104] : memref<4096xf32, #tpu.memory_space<vmem>>[vector<16xi32>], vector<16xf32>,
      %add3A_110 = arith.addf %gather3A_108, %gather3A_109 : vector<16xf32>
      %lt3A_111 = arith.constant 0.000000e+00 : f32
      %lt3A_112 = vector.broadcast %lt3A_111 : f32 to vector<16xf32>
      %lt3A_113 = arith.cmpf olt, %add3A_110, %lt3A_112 : vector<16xf32>
      %broadcast_in_dim3A_114 = arith.constant 4096 : i32
      %broadcast_in_dim3A_115 = vector.broadcast %broadcast_in_dim3A_114 : i32 to vector<16xi32>
      %broadcast_in_dim3A_116 = arith.constant 0 : i32
      %broadcast_in_dim3A_117 = vector.broadcast %broadcast_in_dim3A_116 : i32 to vector<16xi32>
      %select_n3A_118 = arith.select %lt3A_113, %broadcast_in_dim3A_115, %broadcast_in_dim3A_117 : vector<16xi1>, vector<16xi32>
      %add3A_119 = arith.addi %get3A_104, %select_n3A_118 : vector<16xi32>
      %swap3A_120 = arith.index_cast %scan3A_32 : i32 to index
      %swap3A_121 = arith.constant 48 : index
      %swap3A_122 = tpu.vector_load %arg9[%swap3A_120, %swap3A_121] {strides = array<i32>} : memref<16x128xi32, #tpu.memory_space<vmem>>, vector<16xi32>,
      tpu.vector_store %arg9[%swap3A_120, %swap3A_121], %add3A_119 {strides = array<i32>} : memref<16x128xi32, #tpu.memory_space<vmem>>, vector<16xi32>,
      %add3A_123 = arith.addi %get3A_107, %select_n3A_118 : vector<16xi32>
      %swap3A_124 = arith.index_cast %scan3A_32 : i32 to index
      %swap3A_125 = arith.constant 48 : index
      %swap3A_126 = tpu.vector_load %arg10[%swap3A_124, %swap3A_125] {strides = array<i32>} : memref<16x128xi32, #tpu.memory_space<vmem>>, vector<16xi32>,
      tpu.vector_store %arg10[%swap3A_124, %swap3A_125], %add3A_123 {strides = array<i32>} : memref<16x128xi32, #tpu.memory_space<vmem>>, vector<16xi32>,
      %get3A_127 = arith.index_cast %scan3A_32 : i32 to index
      %get3A_128 = arith.constant 64 : index
      %get3A_129 = tpu.vector_load %arg9[%get3A_127, %get3A_128] {strides = array<i32>} : memref<16x128xi32, #tpu.memory_space<vmem>>, vector<16xi32>,
      %get3A_130 = arith.index_cast %scan3A_32 : i32 to index
      %get3A_131 = arith.constant 64 : index
      %get3A_132 = tpu.vector_load %arg10[%get3A_130, %get3A_131] {strides = array<i32>} : memref<16x128xi32, #tpu.memory_space<vmem>>, vector<16xi32>,
      %gather3A_133 = tpu.vector_load_idx %arg13[%get3A_132] : memref<4096xf32, #tpu.memory_space<vmem>>[vector<16xi32>], vector<16xf32>,
      %gather3A_134 = tpu.vector_load_idx %arg14[%get3A_129] : memref<4096xf32, #tpu.memory_space<vmem>>[vector<16xi32>], vector<16xf32>,
      %add3A_135 = arith.addf %gather3A_133, %gather3A_134 : vector<16xf32>
      %lt3A_136 = arith.constant 0.000000e+00 : f32
      %lt3A_137 = vector.broadcast %lt3A_136 : f32 to vector<16xf32>
      %lt3A_138 = arith.cmpf olt, %add3A_135, %lt3A_137 : vector<16xf32>
      %broadcast_in_dim3A_139 = arith.constant 4096 : i32
      %broadcast_in_dim3A_140 = vector.broadcast %broadcast_in_dim3A_139 : i32 to vector<16xi32>
      %broadcast_in_dim3A_141 = arith.constant 0 : i32
      %broadcast_in_dim3A_142 = vector.broadcast %broadcast_in_dim3A_141 : i32 to vector<16xi32>
      %select_n3A_143 = arith.select %lt3A_138, %broadcast_in_dim3A_140, %broadcast_in_dim3A_142 : vector<16xi1>, vector<16xi32>
      %add3A_144 = arith.addi %get3A_129, %select_n3A_143 : vector<16xi32>
      %swap3A_145 = arith.index_cast %scan3A_32 : i32 to index
      %swap3A_146 = arith.constant 64 : index
      %swap3A_147 = tpu.vector_load %arg9[%swap3A_145, %swap3A_146] {strides = array<i32>} : memref<16x128xi32, #tpu.memory_space<vmem>>, vector<16xi32>,
      tpu.vector_store %arg9[%swap3A_145, %swap3A_146], %add3A_144 {strides = array<i32>} : memref<16x128xi32, #tpu.memory_space<vmem>>, vector<16xi32>,
      %add3A_148 = arith.addi %get3A_132, %select_n3A_143 : vector<16xi32>
      %swap3A_149 = arith.index_cast %scan3A_32 : i32 to index
      %swap3A_150 = arith.constant 64 : index
      %swap3A_151 = tpu.vector_load %arg10[%swap3A_149, %swap3A_150] {strides = array<i32>} : memref<16x128xi32, #tpu.memory_space<vmem>>, vector<16xi32>,
      tpu.vector_store %arg10[%swap3A_149, %swap3A_150], %add3A_148 {strides = array<i32>} : memref<16x128xi32, #tpu.memory_space<vmem>>, vector<16xi32>,
      %get3A_152 = arith.index_cast %scan3A_32 : i32 to index
      %get3A_153 = arith.constant 80 : index
      %get3A_154 = tpu.vector_load %arg9[%get3A_152, %get3A_153] {strides = array<i32>} : memref<16x128xi32, #tpu.memory_space<vmem>>, vector<16xi32>,
      %get3A_155 = arith.index_cast %scan3A_32 : i32 to index
      %get3A_156 = arith.constant 80 : index
      %get3A_157 = tpu.vector_load %arg10[%get3A_155, %get3A_156] {strides = array<i32>} : memref<16x128xi32, #tpu.memory_space<vmem>>, vector<16xi32>,
      %gather3A_158 = tpu.vector_load_idx %arg13[%get3A_157] : memref<4096xf32, #tpu.memory_space<vmem>>[vector<16xi32>], vector<16xf32>,
      %gather3A_159 = tpu.vector_load_idx %arg14[%get3A_154] : memref<4096xf32, #tpu.memory_space<vmem>>[vector<16xi32>], vector<16xf32>,
      %add3A_160 = arith.addf %gather3A_158, %gather3A_159 : vector<16xf32>
      %lt3A_161 = arith.constant 0.000000e+00 : f32
      %lt3A_162 = vector.broadcast %lt3A_161 : f32 to vector<16xf32>
      %lt3A_163 = arith.cmpf olt, %add3A_160, %lt3A_162 : vector<16xf32>
      %broadcast_in_dim3A_164 = arith.constant 4096 : i32
      %broadcast_in_dim3A_165 = vector.broadcast %broadcast_in_dim3A_164 : i32 to vector<16xi32>
      %broadcast_in_dim3A_166 = arith.constant 0 : i32
      %broadcast_in_dim3A_167 = vector.broadcast %broadcast_in_dim3A_166 : i32 to vector<16xi32>
      %select_n3A_168 = arith.select %lt3A_163, %broadcast_in_dim3A_165, %broadcast_in_dim3A_167 : vector<16xi1>, vector<16xi32>
      %add3A_169 = arith.addi %get3A_154, %select_n3A_168 : vector<16xi32>
      %swap3A_170 = arith.index_cast %scan3A_32 : i32 to index
      %swap3A_171 = arith.constant 80 : index
      %swap3A_172 = tpu.vector_load %arg9[%swap3A_170, %swap3A_171] {strides = array<i32>} : memref<16x128xi32, #tpu.memory_space<vmem>>, vector<16xi32>,
      tpu.vector_store %arg9[%swap3A_170, %swap3A_171], %add3A_169 {strides = array<i32>} : memref<16x128xi32, #tpu.memory_space<vmem>>, vector<16xi32>,
      %add3A_173 = arith.addi %get3A_157, %select_n3A_168 : vector<16xi32>
      %swap3A_174 = arith.index_cast %scan3A_32 : i32 to index
      %swap3A_175 = arith.constant 80 : index
      %swap3A_176 = tpu.vector_load %arg10[%swap3A_174, %swap3A_175] {strides = array<i32>} : memref<16x128xi32, #tpu.memory_space<vmem>>, vector<16xi32>,
      tpu.vector_store %arg10[%swap3A_174, %swap3A_175], %add3A_173 {strides = array<i32>} : memref<16x128xi32, #tpu.memory_space<vmem>>, vector<16xi32>,
      %get3A_177 = arith.index_cast %scan3A_32 : i32 to index
      %get3A_178 = arith.constant 96 : index
      %get3A_179 = tpu.vector_load %arg9[%get3A_177, %get3A_178] {strides = array<i32>} : memref<16x128xi32, #tpu.memory_space<vmem>>, vector<16xi32>,
      %get3A_180 = arith.index_cast %scan3A_32 : i32 to index
      %get3A_181 = arith.constant 96 : index
      %get3A_182 = tpu.vector_load %arg10[%get3A_180, %get3A_181] {strides = array<i32>} : memref<16x128xi32, #tpu.memory_space<vmem>>, vector<16xi32>,
      %gather3A_183 = tpu.vector_load_idx %arg13[%get3A_182] : memref<4096xf32, #tpu.memory_space<vmem>>[vector<16xi32>], vector<16xf32>,
      %gather3A_184 = tpu.vector_load_idx %arg14[%get3A_179] : memref<4096xf32, #tpu.memory_space<vmem>>[vector<16xi32>], vector<16xf32>,
      %add3A_185 = arith.addf %gather3A_183, %gather3A_184 : vector<16xf32>
      %lt3A_186 = arith.constant 0.000000e+00 : f32
      %lt3A_187 = vector.broadcast %lt3A_186 : f32 to vector<16xf32>
      %lt3A_188 = arith.cmpf olt, %add3A_185, %lt3A_187 : vector<16xf32>
      %broadcast_in_dim3A_189 = arith.constant 4096 : i32
      %broadcast_in_dim3A_190 = vector.broadcast %broadcast_in_dim3A_189 : i32 to vector<16xi32>
      %broadcast_in_dim3A_191 = arith.constant 0 : i32
      %broadcast_in_dim3A_192 = vector.broadcast %broadcast_in_dim3A_191 : i32 to vector<16xi32>
      %select_n3A_193 = arith.select %lt3A_188, %broadcast_in_dim3A_190, %broadcast_in_dim3A_192 : vector<16xi1>, vector<16xi32>
      %add3A_194 = arith.addi %get3A_179, %select_n3A_193 : vector<16xi32>
      %swap3A_195 = arith.index_cast %scan3A_32 : i32 to index
      %swap3A_196 = arith.constant 96 : index
      %swap3A_197 = tpu.vector_load %arg9[%swap3A_195, %swap3A_196] {strides = array<i32>} : memref<16x128xi32, #tpu.memory_space<vmem>>, vector<16xi32>,
      tpu.vector_store %arg9[%swap3A_195, %swap3A_196], %add3A_194 {strides = array<i32>} : memref<16x128xi32, #tpu.memory_space<vmem>>, vector<16xi32>,
      %add3A_198 = arith.addi %get3A_182, %select_n3A_193 : vector<16xi32>
      %swap3A_199 = arith.index_cast %scan3A_32 : i32 to index
      %swap3A_200 = arith.constant 96 : index
      %swap3A_201 = tpu.vector_load %arg10[%swap3A_199, %swap3A_200] {strides = array<i32>} : memref<16x128xi32, #tpu.memory_space<vmem>>, vector<16xi32>,
      tpu.vector_store %arg10[%swap3A_199, %swap3A_200], %add3A_198 {strides = array<i32>} : memref<16x128xi32, #tpu.memory_space<vmem>>, vector<16xi32>,
      %get3A_202 = arith.index_cast %scan3A_32 : i32 to index
      %get3A_203 = arith.constant 112 : index
      %get3A_204 = tpu.vector_load %arg9[%get3A_202, %get3A_203] {strides = array<i32>} : memref<16x128xi32, #tpu.memory_space<vmem>>, vector<16xi32>,
      %get3A_205 = arith.index_cast %scan3A_32 : i32 to index
      %get3A_206 = arith.constant 112 : index
      %get3A_207 = tpu.vector_load %arg10[%get3A_205, %get3A_206] {strides = array<i32>} : memref<16x128xi32, #tpu.memory_space<vmem>>, vector<16xi32>,
      %gather3A_208 = tpu.vector_load_idx %arg13[%get3A_207] : memref<4096xf32, #tpu.memory_space<vmem>>[vector<16xi32>], vector<16xf32>,
      %gather3A_209 = tpu.vector_load_idx %arg14[%get3A_204] : memref<4096xf32, #tpu.memory_space<vmem>>[vector<16xi32>], vector<16xf32>,
      %add3A_210 = arith.addf %gather3A_208, %gather3A_209 : vector<16xf32>
      %lt3A_211 = arith.constant 0.000000e+00 : f32
      %lt3A_212 = vector.broadcast %lt3A_211 : f32 to vector<16xf32>
      %lt3A_213 = arith.cmpf olt, %add3A_210, %lt3A_212 : vector<16xf32>
      %broadcast_in_dim3A_214 = arith.constant 4096 : i32
      %broadcast_in_dim3A_215 = vector.broadcast %broadcast_in_dim3A_214 : i32 to vector<16xi32>
      %broadcast_in_dim3A_216 = arith.constant 0 : i32
      %broadcast_in_dim3A_217 = vector.broadcast %broadcast_in_dim3A_216 : i32 to vector<16xi32>
      %select_n3A_218 = arith.select %lt3A_213, %broadcast_in_dim3A_215, %broadcast_in_dim3A_217 : vector<16xi1>, vector<16xi32>
      %add3A_219 = arith.addi %get3A_204, %select_n3A_218 : vector<16xi32>
      %swap3A_220 = arith.index_cast %scan3A_32 : i32 to index
      %swap3A_221 = arith.constant 112 : index
      %swap3A_222 = tpu.vector_load %arg9[%swap3A_220, %swap3A_221] {strides = array<i32>} : memref<16x128xi32, #tpu.memory_space<vmem>>, vector<16xi32>,
      tpu.vector_store %arg9[%swap3A_220, %swap3A_221], %add3A_219 {strides = array<i32>} : memref<16x128xi32, #tpu.memory_space<vmem>>, vector<16xi32>,
      %add3A_223 = arith.addi %get3A_207, %select_n3A_218 : vector<16xi32>
      %swap3A_224 = arith.index_cast %scan3A_32 : i32 to index
      %swap3A_225 = arith.constant 112 : index
      %swap3A_226 = tpu.vector_load %arg10[%swap3A_224, %swap3A_225] {strides = array<i32>} : memref<16x128xi32, #tpu.memory_space<vmem>>, vector<16xi32>,
      tpu.vector_store %arg10[%swap3A_224, %swap3A_225], %add3A_223 {strides = array<i32>} : memref<16x128xi32, #tpu.memory_space<vmem>>, vector<16xi32>,
    }
    %scan3A_11 = arith.constant 16 : i32
    %dma_start3A = arith.constant 0 : i32
    %dma_start3A_12 = arith.constant 0 : i32
    %dma_start3A_13 = tpu.memref_slice %arg9[%dma_start3A, %dma_start3A_12] : memref<16x128xi32, #tpu.memory_space<vmem>> -> memref<1x128xi32, #tpu.memory_space<vmem>>
    %dma_start3A_14 = tpu.memref_squeeze %dma_start3A_13 : memref<1x128xi32, #tpu.memory_space<vmem>> -> memref<128xi32, #tpu.memory_space<vmem>>
    %dma_start3A_15 = arith.constant 0 : i32
    %dma_start3A_16 = arith.constant 0 : i32
    %dma_start3A_17 = tpu.memref_slice %arg2[%dma_start3A_15, %dma_start3A_16] : memref<8192x128xf32, #tpu.memory_space<hbm>> -> memref<8192x128xf32, #tpu.memory_space<hbm>>
    tpu.enqueue_indirect_dma source(%dma_start3A_17 : memref<8192x128xf32, #tpu.memory_space<hbm>>) target(%arg11 : memref<128x128xf32, #tpu.memory_space<vmem>>) offsets(%dma_start3A_14 : memref<128xi32, #tpu.memory_space<vmem>>) semaphore(%arg16 : memref<!tpu.dma_semaphore, #tpu.memory_space<semaphore_mem>>)
    %scan3A_18 = arith.constant 0 : i32
    %scan3A_19 = arith.constant 0 : i32
    %scan3A_20 = arith.constant 16 : i32
    %scan3A_21 = arith.addi %scan3A_19, %scan3A_20 : i32
    %scan3A_22 = arith.constant 1 : i32
    scf.for %scan3A_32 = %scan3A_19 to %scan3A_21 step %scan3A_22  : i32 {
      %jit3A = arith.constant 2 : i32
      %eq3A = arith.constant 0 : i32
      %eq3A_33 = arith.cmpi eq, %jit3A, %eq3A : i32
      %jit3A_34 = arith.constant 1 : i32
      %select_n3A = arith.select %eq3A_33, %jit3A_34, %jit3A : i32
      %rem3A = arith.remsi %scan3A_32, %select_n3A : i32
      %ne3A = arith.constant 0 : i32
      %ne3A_35 = arith.cmpi ne, %rem3A, %ne3A : i32
      %lt3A = arith.constant 0 : i32
      %lt3A_36 = arith.cmpi slt, %rem3A, %lt3A : i32
      %lt3A_37 = arith.constant 0 : i32
      %lt3A_38 = arith.cmpi slt, %select_n3A, %lt3A_37 : i32
      %ne3A_39 = arith.xori %lt3A_36, %lt3A_38 : i1
      %and3A = arith.andi %ne3A_39, %ne3A_35 : i1
      %add3A_40 = arith.addi %rem3A, %select_n3A : i32
      %select_n3A_41 = arith.select %and3A, %add3A_40, %rem3A : i32
      %eq3A_42 = arith.constant 0 : i32
      %eq3A_43 = arith.cmpi eq, %select_n3A_41, %eq3A_42 : i32
      %add3A_44 = arith.constant 1 : i32
      %add3A_45 = arith.addi %scan3A_32, %add3A_44 : i32
      %lt3A_46 = arith.constant 16 : i32
      %lt3A_47 = arith.cmpi slt, %add3A_45, %lt3A_46 : i32
      %convert_element_type3A = arith.extui %lt3A_47 : i1 to i32
      %cond3A = arith.constant 0 : i32
      %cond3A_48 = arith.cmpi ne, %convert_element_type3A, %cond3A : i32
      scf.if %cond3A_48 {
        %convert_element_type3A_56 = arith.extui %eq3A_43 : i1 to i32
        %cond3A_57 = arith.constant 0 : i32
        %cond3A_58 = arith.cmpi ne, %convert_element_type3A_56, %cond3A_57 : i32
        scf.if %cond3A_58 {
          %add3A_64 = arith.constant 1 : i32
          %add3A_65 = arith.addi %scan3A_32, %add3A_64 : i32
          %dma_start3A_66 = arith.constant 0 : i32
          %dma_start3A_67 = tpu.memref_slice %arg9[%add3A_65, %dma_start3A_66] : memref<16x128xi32, #tpu.memory_space<vmem>> -> memref<1x128xi32, #tpu.memory_space<vmem>>
          %dma_start3A_68 = tpu.memref_squeeze %dma_start3A_67 : memref<1x128xi32, #tpu.memory_space<vmem>> -> memref<128xi32, #tpu.memory_space<vmem>>
          %dma_start3A_69 = arith.constant 0 : i32
          %dma_start3A_70 = arith.constant 0 : i32
          %dma_start3A_71 = tpu.memref_slice %arg2[%dma_start3A_69, %dma_start3A_70] : memref<8192x128xf32, #tpu.memory_space<hbm>> -> memref<8192x128xf32, #tpu.memory_space<hbm>>
          tpu.enqueue_indirect_dma source(%dma_start3A_71 : memref<8192x128xf32, #tpu.memory_space<hbm>>) target(%arg12 : memref<128x128xf32, #tpu.memory_space<vmem>>) offsets(%dma_start3A_68 : memref<128xi32, #tpu.memory_space<vmem>>) semaphore(%arg16 : memref<!tpu.dma_semaphore, #tpu.memory_space<semaphore_mem>>)
        } else {
        }
        %not3A_59 = arith.constant true
        %not3A_60 = arith.xori %eq3A_43, %not3A_59 : i1
        %convert_element_type3A_61 = arith.extui %not3A_60 : i1 to i32
        %cond3A_62 = arith.constant 0 : i32
        %cond3A_63 = arith.cmpi ne, %convert_element_type3A_61, %cond3A_62 : i32
        scf.if %cond3A_63 {
          %add3A_64 = arith.constant 1 : i32
          %add3A_65 = arith.addi %scan3A_32, %add3A_64 : i32
          %dma_start3A_66 = arith.constant 0 : i32
          %dma_start3A_67 = tpu.memref_slice %arg9[%add3A_65, %dma_start3A_66] : memref<16x128xi32, #tpu.memory_space<vmem>> -> memref<1x128xi32, #tpu.memory_space<vmem>>
          %dma_start3A_68 = tpu.memref_squeeze %dma_start3A_67 : memref<1x128xi32, #tpu.memory_space<vmem>> -> memref<128xi32, #tpu.memory_space<vmem>>
          %dma_start3A_69 = arith.constant 0 : i32
          %dma_start3A_70 = arith.constant 0 : i32
          %dma_start3A_71 = tpu.memref_slice %arg2[%dma_start3A_69, %dma_start3A_70] : memref<8192x128xf32, #tpu.memory_space<hbm>> -> memref<8192x128xf32, #tpu.memory_space<hbm>>
          tpu.enqueue_indirect_dma source(%dma_start3A_71 : memref<8192x128xf32, #tpu.memory_space<hbm>>) target(%arg11 : memref<128x128xf32, #tpu.memory_space<vmem>>) offsets(%dma_start3A_68 : memref<128xi32, #tpu.memory_space<vmem>>) semaphore(%arg16 : memref<!tpu.dma_semaphore, #tpu.memory_space<semaphore_mem>>)
        } else {
        }
      } else {
      }
      %convert_element_type3A_49 = arith.extui %eq3A_43 : i1 to i32
      %cond3A_50 = arith.constant 0 : i32
      %cond3A_51 = arith.cmpi ne, %convert_element_type3A_49, %cond3A_50 : i32
      scf.if %cond3A_51 {
        %dma_wait3A = arith.constant 0 : i32
        %dma_wait3A_56 = tpu.memref_slice %arg9[%scan3A_32, %dma_wait3A] : memref<16x128xi32, #tpu.memory_space<vmem>> -> memref<1x128xi32, #tpu.memory_space<vmem>>
        %dma_wait3A_57 = tpu.memref_squeeze %dma_wait3A_56 : memref<1x128xi32, #tpu.memory_space<vmem>> -> memref<128xi32, #tpu.memory_space<vmem>>
        %dma_wait3A_58 = arith.constant 0 : i32
        %dma_wait3A_59 = arith.constant 0 : i32
        %dma_wait3A_60 = tpu.memref_slice %arg2[%dma_wait3A_58, %dma_wait3A_59] : memref<8192x128xf32, #tpu.memory_space<hbm>> -> memref<8192x128xf32, #tpu.memory_space<hbm>>
        tpu.wait_indirect_dma semaphore(%arg16 : memref<!tpu.dma_semaphore, #tpu.memory_space<semaphore_mem>>) src(%dma_wait3A_60 : memref<8192x128xf32, #tpu.memory_space<hbm>>) dst(%arg11 : memref<128x128xf32, #tpu.memory_space<vmem>>)
        "tpu.region"() ({
          %run_scoped3A = tpu.sem_alloc : memref<!tpu.dma_semaphore, #tpu.memory_space<semaphore_mem>>
          %dma_start3A_61 = arith.constant 0 : i32
          %dma_start3A_62 = tpu.memref_slice %arg10[%scan3A_32, %dma_start3A_61] : memref<16x128xi32, #tpu.memory_space<vmem>> -> memref<1x128xi32, #tpu.memory_space<vmem>>
          %dma_start3A_63 = tpu.memref_squeeze %dma_start3A_62 : memref<1x128xi32, #tpu.memory_space<vmem>> -> memref<128xi32, #tpu.memory_space<vmem>>
          %dma_start3A_64 = arith.constant 0 : i32
          %dma_start3A_65 = arith.constant 0 : i32
          %dma_start3A_66 = tpu.memref_slice %arg15[%dma_start3A_64, %dma_start3A_65] : memref<8192x128xf32, #tpu.memory_space<vmem_shared>> -> memref<8192x128xf32, #tpu.memory_space<vmem_shared>>
          tpu.enqueue_indirect_dma source(%arg11 : memref<128x128xf32, #tpu.memory_space<vmem>>) target(%dma_start3A_66 : memref<8192x128xf32, #tpu.memory_space<vmem_shared>>) offsets(%dma_start3A_63 : memref<128xi32, #tpu.memory_space<vmem>>) semaphore(%run_scoped3A : memref<!tpu.dma_semaphore, #tpu.memory_space<semaphore_mem>>) {add = true}
          %dma_wait3A_67 = arith.constant 0 : i32
          %dma_wait3A_68 = tpu.memref_slice %arg10[%scan3A_32, %dma_wait3A_67] : memref<16x128xi32, #tpu.memory_space<vmem>> -> memref<1x128xi32, #tpu.memory_space<vmem>>
          %dma_wait3A_69 = tpu.memref_squeeze %dma_wait3A_68 : memref<1x128xi32, #tpu.memory_space<vmem>> -> memref<128xi32, #tpu.memory_space<vmem>>
          %dma_wait3A_70 = arith.constant 0 : i32
          %dma_wait3A_71 = arith.constant 0 : i32
          %dma_wait3A_72 = tpu.memref_slice %arg15[%dma_wait3A_70, %dma_wait3A_71] : memref<8192x128xf32, #tpu.memory_space<vmem_shared>> -> memref<8192x128xf32, #tpu.memory_space<vmem_shared>>
          tpu.wait_indirect_dma semaphore(%run_scoped3A : memref<!tpu.dma_semaphore, #tpu.memory_space<semaphore_mem>>) src(%arg11 : memref<128x128xf32, #tpu.memory_space<vmem>>) dst(%dma_wait3A_72 : memref<8192x128xf32, #tpu.memory_space<vmem_shared>>)
          tpu.yield
        }) : () -> ()
      } else {
      }
      %not3A = arith.constant true
      %not3A_52 = arith.xori %eq3A_43, %not3A : i1
      %convert_element_type3A_53 = arith.extui %not3A_52 : i1 to i32
      %cond3A_54 = arith.constant 0 : i32
      %cond3A_55 = arith.cmpi ne, %convert_element_type3A_53, %cond3A_54 : i32
      scf.if %cond3A_55 {
        %dma_wait3A = arith.constant 0 : i32
        %dma_wait3A_56 = tpu.memref_slice %arg9[%scan3A_32, %dma_wait3A] : memref<16x128xi32, #tpu.memory_space<vmem>> -> memref<1x128xi32, #tpu.memory_space<vmem>>
        %dma_wait3A_57 = tpu.memref_squeeze %dma_wait3A_56 : memref<1x128xi32, #tpu.memory_space<vmem>> -> memref<128xi32, #tpu.memory_space<vmem>>
        %dma_wait3A_58 = arith.constant 0 : i32
        %dma_wait3A_59 = arith.constant 0 : i32
        %dma_wait3A_60 = tpu.memref_slice %arg2[%dma_wait3A_58, %dma_wait3A_59] : memref<8192x128xf32, #tpu.memory_space<hbm>> -> memref<8192x128xf32, #tpu.memory_space<hbm>>
        tpu.wait_indirect_dma semaphore(%arg16 : memref<!tpu.dma_semaphore, #tpu.memory_space<semaphore_mem>>) src(%dma_wait3A_60 : memref<8192x128xf32, #tpu.memory_space<hbm>>) dst(%arg12 : memref<128x128xf32, #tpu.memory_space<vmem>>)
        "tpu.region"() ({
          %run_scoped3A = tpu.sem_alloc : memref<!tpu.dma_semaphore, #tpu.memory_space<semaphore_mem>>
          %dma_start3A_61 = arith.constant 0 : i32
          %dma_start3A_62 = tpu.memref_slice %arg10[%scan3A_32, %dma_start3A_61] : memref<16x128xi32, #tpu.memory_space<vmem>> -> memref<1x128xi32, #tpu.memory_space<vmem>>
          %dma_start3A_63 = tpu.memref_squeeze %dma_start3A_62 : memref<1x128xi32, #tpu.memory_space<vmem>> -> memref<128xi32, #tpu.memory_space<vmem>>
          %dma_start3A_64 = arith.constant 0 : i32
          %dma_start3A_65 = arith.constant 0 : i32
          %dma_start3A_66 = tpu.memref_slice %arg15[%dma_start3A_64, %dma_start3A_65] : memref<8192x128xf32, #tpu.memory_space<vmem_shared>> -> memref<8192x128xf32, #tpu.memory_space<vmem_shared>>
          tpu.enqueue_indirect_dma source(%arg12 : memref<128x128xf32, #tpu.memory_space<vmem>>) target(%dma_start3A_66 : memref<8192x128xf32, #tpu.memory_space<vmem_shared>>) offsets(%dma_start3A_63 : memref<128xi32, #tpu.memory_space<vmem>>) semaphore(%run_scoped3A : memref<!tpu.dma_semaphore, #tpu.memory_space<semaphore_mem>>) {add = true}
          %dma_wait3A_67 = arith.constant 0 : i32
          %dma_wait3A_68 = tpu.memref_slice %arg10[%scan3A_32, %dma_wait3A_67] : memref<16x128xi32, #tpu.memory_space<vmem>> -> memref<1x128xi32, #tpu.memory_space<vmem>>
          %dma_wait3A_69 = tpu.memref_squeeze %dma_wait3A_68 : memref<1x128xi32, #tpu.memory_space<vmem>> -> memref<128xi32, #tpu.memory_space<vmem>>
          %dma_wait3A_70 = arith.constant 0 : i32
          %dma_wait3A_71 = arith.constant 0 : i32
          %dma_wait3A_72 = tpu.memref_slice %arg15[%dma_wait3A_70, %dma_wait3A_71] : memref<8192x128xf32, #tpu.memory_space<vmem_shared>> -> memref<8192x128xf32, #tpu.memory_space<vmem_shared>>
          tpu.wait_indirect_dma semaphore(%run_scoped3A : memref<!tpu.dma_semaphore, #tpu.memory_space<semaphore_mem>>) src(%arg12 : memref<128x128xf32, #tpu.memory_space<vmem>>) dst(%dma_wait3A_72 : memref<8192x128xf32, #tpu.memory_space<vmem_shared>>)
          tpu.yield
        }) : () -> ()
      } else {
      }
    }
    %scan3A_23 = arith.constant 16 : i32
    %barrier3A_24 = arith.constant 0 : index
    tpu.barrier barrier_id(%barrier3A_24)
    %mul3A_25 = arith.constant 512 : i32
    %mul3A_26 = arith.muli %arg1, %mul3A_25 : i32
    %mul3A_27 = arith.constant 8192 : i32
    %mul3A_28 = arith.muli %arg0, %mul3A_27 : i32
    %mul3A_29 = arith.constant 512 : i32
    %mul3A_30 = arith.muli %arg1, %mul3A_29 : i32
    %add3A_31 = arith.addi %mul3A_28, %mul3A_30 : i32
    "tpu.region"() ({
      %run_scoped3A = tpu.sem_alloc : memref<!tpu.dma_semaphore, #tpu.memory_space<semaphore_mem>>
      %dma_start3A_32 = arith.constant 0 : i32
      %dma_start3A_33 = tpu.memref_slice %arg8[%add3A_31, %dma_start3A_32] : memref<16384x128xf32, #tpu.memory_space<hbm>> -> memref<512x128xf32, #tpu.memory_space<hbm>>
      %dma_start3A_34 = arith.constant 0 : i32
      %dma_start3A_35 = tpu.memref_slice %arg15[%mul3A_26, %dma_start3A_34] : memref<8192x128xf32, #tpu.memory_space<vmem_shared>> -> memref<512x128xf32, #tpu.memory_space<vmem_shared>>
      tpu.enqueue_dma source(%dma_start3A_35 : memref<512x128xf32, #tpu.memory_space<vmem_shared>>) target(%dma_start3A_33 : memref<512x128xf32, #tpu.memory_space<hbm>>) target_semaphore(%run_scoped3A : memref<!tpu.dma_semaphore, #tpu.memory_space<semaphore_mem>>)
      %dma_wait3A = arith.constant 0 : i32
      %dma_wait3A_36 = tpu.memref_slice %arg8[%add3A_31, %dma_wait3A] : memref<16384x128xf32, #tpu.memory_space<hbm>> -> memref<512x128xf32, #tpu.memory_space<hbm>>
      %dma_wait3A_37 = arith.constant 0 : i32
      %dma_wait3A_38 = tpu.memref_slice %arg15[%mul3A_26, %dma_wait3A_37] : memref<8192x128xf32, #tpu.memory_space<vmem_shared>> -> memref<512x128xf32, #tpu.memory_space<vmem_shared>>
      tpu.wait_dma2 semaphore(%run_scoped3A : memref<!tpu.dma_semaphore, #tpu.memory_space<semaphore_mem>>) src(%dma_wait3A_38 : memref<512x128xf32, #tpu.memory_space<vmem_shared>>) dst(%dma_wait3A_36 : memref<512x128xf32, #tpu.memory_space<hbm>>)
      tpu.yield
    }) : () -> ()
    return
  }
}

#map = affine_map<(d0, d1) -> (0, 0)>
#map1 = affine_map<(d0, d1) -> (0)>
module attributes {stable_mosaic.version = 14 : i64} {
  func.func @body(%arg0: i32, %arg1: i32, %arg2: memref<4096x128xf32, #tpu.memory_space<hbm>>, %arg3: memref<512x128xi32, #tpu.memory_space<hbm>>, %arg4: memref<512x128xi32, #tpu.memory_space<hbm>>, %arg5: memref<4096x128xf32, #tpu.memory_space<hbm>>, %arg6: memref<4096xf32, #tpu.memory_space<hbm>>, %arg7: memref<4096xf32, #tpu.memory_space<hbm>>, %arg8: memref<8192x128xf32, #tpu.memory_space<hbm>>, %arg9: memref<16x128xi32, #tpu.memory_space<vmem>>, %arg10: memref<16x128xi32, #tpu.memory_space<vmem>>, %arg11: memref<128x128xf32, #tpu.memory_space<vmem>>, %arg12: memref<128x128xf32, #tpu.memory_space<vmem>>, %arg13: memref<4096xf32, #tpu.memory_space<vmem>>, %arg14: memref<4096xf32, #tpu.memory_space<vmem>>, %arg15: memref<4096x128xf32, #tpu.memory_space<vmem_shared>>, %arg16: memref<!tpu.dma_semaphore, #tpu.memory_space<semaphore_mem>>) attributes {dimension_semantics = [#tpu.dimension_semantics<core_parallel>, #tpu.dimension_semantics<subcore_parallel>], iteration_bounds = array<i64: 2, 16>, scalar_prefetch = 0 : i64, scratch_operands = 8 : i64, tpu.core_type = #tpu.core_type<sc_vector_subcore>, window_params = [{transform_indices = #map}, {transform_indices = #map}, {transform_indices = #map}, {transform_indices = #map}, {transform_indices = #map1}, {transform_indices = #map1}, {transform_indices = #map}]} {
    %mul3A = arith.constant 2 : i32
    %mul3A_0 = arith.muli %arg1, %mul3A : i32
    %add3A = arith.addi %mul3A_0, %arg0 : i32
    %mul3A_1 = arith.constant 256 : i32
    %mul3A_2 = arith.muli %arg1, %mul3A_1 : i32
    %mul3A_3 = arith.constant 256 : i32
    %mul3A_4 = arith.muli %arg1, %mul3A_3 : i32
    "tpu.region"() ({
      %run_scoped3A = tpu.sem_alloc : memref<!tpu.dma_semaphore, #tpu.memory_space<semaphore_mem>>
      %dma_start3A_26 = arith.constant 0 : i32
      %dma_start3A_27 = tpu.memref_slice %arg15[%mul3A_4, %dma_start3A_26] : memref<4096x128xf32, #tpu.memory_space<vmem_shared>> -> memref<256x128xf32, #tpu.memory_space<vmem_shared>>
      %dma_start3A_28 = arith.constant 0 : i32
      %dma_start3A_29 = tpu.memref_slice %arg5[%mul3A_2, %dma_start3A_28] : memref<4096x128xf32, #tpu.memory_space<hbm>> -> memref<256x128xf32, #tpu.memory_space<hbm>>
      tpu.enqueue_dma source(%dma_start3A_29 : memref<256x128xf32, #tpu.memory_space<hbm>>) target(%dma_start3A_27 : memref<256x128xf32, #tpu.memory_space<vmem_shared>>) target_semaphore(%run_scoped3A : memref<!tpu.dma_semaphore, #tpu.memory_space<semaphore_mem>>)
      %dma_wait3A = arith.constant 0 : i32
      %dma_wait3A_30 = tpu.memref_slice %arg15[%mul3A_4, %dma_wait3A] : memref<4096x128xf32, #tpu.memory_space<vmem_shared>> -> memref<256x128xf32, #tpu.memory_space<vmem_shared>>
      %dma_wait3A_31 = arith.constant 0 : i32
      %dma_wait3A_32 = tpu.memref_slice %arg5[%mul3A_2, %dma_wait3A_31] : memref<4096x128xf32, #tpu.memory_space<hbm>> -> memref<256x128xf32, #tpu.memory_space<hbm>>
      tpu.wait_dma2 semaphore(%run_scoped3A : memref<!tpu.dma_semaphore, #tpu.memory_space<semaphore_mem>>) src(%dma_wait3A_32 : memref<256x128xf32, #tpu.memory_space<hbm>>) dst(%dma_wait3A_30 : memref<256x128xf32, #tpu.memory_space<vmem_shared>>)
      tpu.yield
    }) : () -> ()
    %mul3A_5 = arith.constant 16 : i32
    %mul3A_6 = arith.muli %add3A, %mul3A_5 : i32
    "tpu.region"() ({
      %run_scoped3A = tpu.sem_alloc : memref<!tpu.dma_semaphore, #tpu.memory_space<semaphore_mem>>
      %dma_start3A_26 = arith.constant 0 : i32
      %dma_start3A_27 = tpu.memref_slice %arg3[%mul3A_6, %dma_start3A_26] : memref<512x128xi32, #tpu.memory_space<hbm>> -> memref<16x128xi32, #tpu.memory_space<hbm>>
      %dma_start3A_28 = arith.constant 0 : i32
      %dma_start3A_29 = tpu.memref_slice %arg3[%mul3A_6, %dma_start3A_28] : memref<512x128xi32, #tpu.memory_space<hbm>> -> memref<16x128xi32, #tpu.memory_space<hbm>>
      tpu.enqueue_dma source(%dma_start3A_29 : memref<16x128xi32, #tpu.memory_space<hbm>>) target(%arg9 : memref<16x128xi32, #tpu.memory_space<vmem>>) target_semaphore(%run_scoped3A : memref<!tpu.dma_semaphore, #tpu.memory_space<semaphore_mem>>)
      %dma_wait3A = arith.constant 0 : i32
      %dma_wait3A_30 = tpu.memref_slice %arg3[%mul3A_6, %dma_wait3A] : memref<512x128xi32, #tpu.memory_space<hbm>> -> memref<16x128xi32, #tpu.memory_space<hbm>>
      %dma_wait3A_31 = arith.constant 0 : i32
      %dma_wait3A_32 = tpu.memref_slice %arg3[%mul3A_6, %dma_wait3A_31] : memref<512x128xi32, #tpu.memory_space<hbm>> -> memref<16x128xi32, #tpu.memory_space<hbm>>
      tpu.wait_dma2 semaphore(%run_scoped3A : memref<!tpu.dma_semaphore, #tpu.memory_space<semaphore_mem>>) src(%dma_wait3A_32 : memref<16x128xi32, #tpu.memory_space<hbm>>) dst(%arg9 : memref<16x128xi32, #tpu.memory_space<vmem>>)
      tpu.yield
    }) : () -> ()
    "tpu.region"() ({
      %run_scoped3A = tpu.sem_alloc : memref<!tpu.dma_semaphore, #tpu.memory_space<semaphore_mem>>
      %dma_start3A_26 = arith.constant 0 : i32
      %dma_start3A_27 = tpu.memref_slice %arg4[%mul3A_6, %dma_start3A_26] : memref<512x128xi32, #tpu.memory_space<hbm>> -> memref<16x128xi32, #tpu.memory_space<hbm>>
      %dma_start3A_28 = arith.constant 0 : i32
      %dma_start3A_29 = tpu.memref_slice %arg4[%mul3A_6, %dma_start3A_28] : memref<512x128xi32, #tpu.memory_space<hbm>> -> memref<16x128xi32, #tpu.memory_space<hbm>>
      tpu.enqueue_dma source(%dma_start3A_29 : memref<16x128xi32, #tpu.memory_space<hbm>>) target(%arg10 : memref<16x128xi32, #tpu.memory_space<vmem>>) target_semaphore(%run_scoped3A : memref<!tpu.dma_semaphore, #tpu.memory_space<semaphore_mem>>)
      %dma_wait3A = arith.constant 0 : i32
      %dma_wait3A_30 = tpu.memref_slice %arg4[%mul3A_6, %dma_wait3A] : memref<512x128xi32, #tpu.memory_space<hbm>> -> memref<16x128xi32, #tpu.memory_space<hbm>>
      %dma_wait3A_31 = arith.constant 0 : i32
      %dma_wait3A_32 = tpu.memref_slice %arg4[%mul3A_6, %dma_wait3A_31] : memref<512x128xi32, #tpu.memory_space<hbm>> -> memref<16x128xi32, #tpu.memory_space<hbm>>
      tpu.wait_dma2 semaphore(%run_scoped3A : memref<!tpu.dma_semaphore, #tpu.memory_space<semaphore_mem>>) src(%dma_wait3A_32 : memref<16x128xi32, #tpu.memory_space<hbm>>) dst(%arg10 : memref<16x128xi32, #tpu.memory_space<vmem>>)
      tpu.yield
    }) : () -> ()
    %barrier3A = arith.constant 0 : index
    tpu.barrier barrier_id(%barrier3A)
    %dma_start3A = arith.constant 0 : i32
    %dma_start3A_7 = arith.constant 0 : i32
    %dma_start3A_8 = tpu.memref_slice %arg9[%dma_start3A, %dma_start3A_7] : memref<16x128xi32, #tpu.memory_space<vmem>> -> memref<1x128xi32, #tpu.memory_space<vmem>>
    %dma_start3A_9 = tpu.memref_squeeze %dma_start3A_8 : memref<1x128xi32, #tpu.memory_space<vmem>> -> memref<128xi32, #tpu.memory_space<vmem>>
    %dma_start3A_10 = arith.constant 0 : i32
    %dma_start3A_11 = arith.constant 0 : i32
    %dma_start3A_12 = tpu.memref_slice %arg2[%dma_start3A_10, %dma_start3A_11] : memref<4096x128xf32, #tpu.memory_space<hbm>> -> memref<4096x128xf32, #tpu.memory_space<hbm>>
    tpu.enqueue_indirect_dma source(%dma_start3A_12 : memref<4096x128xf32, #tpu.memory_space<hbm>>) target(%arg11 : memref<128x128xf32, #tpu.memory_space<vmem>>) offsets(%dma_start3A_9 : memref<128xi32, #tpu.memory_space<vmem>>) semaphore(%arg16 : memref<!tpu.dma_semaphore, #tpu.memory_space<semaphore_mem>>)
    %scan3A = arith.constant 0 : i32
    %scan3A_13 = arith.constant 0 : i32
    %scan3A_14 = arith.constant 16 : i32
    %scan3A_15 = arith.addi %scan3A_13, %scan3A_14 : i32
    %scan3A_16 = arith.constant 1 : i32
    scf.for %scan3A_26 = %scan3A_13 to %scan3A_15 step %scan3A_16  : i32 {
      %jit3A = arith.constant 2 : i32
      %eq3A = arith.constant 0 : i32
      %eq3A_27 = arith.cmpi eq, %jit3A, %eq3A : i32
      %jit3A_28 = arith.constant 1 : i32
      %select_n3A = arith.select %eq3A_27, %jit3A_28, %jit3A : i32
      %rem3A = arith.remsi %scan3A_26, %select_n3A : i32
      %ne3A = arith.constant 0 : i32
      %ne3A_29 = arith.cmpi ne, %rem3A, %ne3A : i32
      %lt3A = arith.constant 0 : i32
      %lt3A_30 = arith.cmpi slt, %rem3A, %lt3A : i32
      %lt3A_31 = arith.constant 0 : i32
      %lt3A_32 = arith.cmpi slt, %select_n3A, %lt3A_31 : i32
      %ne3A_33 = arith.xori %lt3A_30, %lt3A_32 : i1
      %and3A = arith.andi %ne3A_33, %ne3A_29 : i1
      %add3A_34 = arith.addi %rem3A, %select_n3A : i32
      %select_n3A_35 = arith.select %and3A, %add3A_34, %rem3A : i32
      %eq3A_36 = arith.constant 0 : i32
      %eq3A_37 = arith.cmpi eq, %select_n3A_35, %eq3A_36 : i32
      %add3A_38 = arith.constant 1 : i32
      %add3A_39 = arith.addi %scan3A_26, %add3A_38 : i32
      %lt3A_40 = arith.constant 16 : i32
      %lt3A_41 = arith.cmpi slt, %add3A_39, %lt3A_40 : i32
      %convert_element_type3A = arith.extui %lt3A_41 : i1 to i32
      %cond3A = arith.constant 0 : i32
      %cond3A_42 = arith.cmpi ne, %convert_element_type3A, %cond3A : i32
      scf.if %cond3A_42 {
        %convert_element_type3A_50 = arith.extui %eq3A_37 : i1 to i32
        %cond3A_51 = arith.constant 0 : i32
        %cond3A_52 = arith.cmpi ne, %convert_element_type3A_50, %cond3A_51 : i32
        scf.if %cond3A_52 {
          %add3A_58 = arith.constant 1 : i32
          %add3A_59 = arith.addi %scan3A_26, %add3A_58 : i32
          %dma_start3A_60 = arith.constant 0 : i32
          %dma_start3A_61 = tpu.memref_slice %arg9[%add3A_59, %dma_start3A_60] : memref<16x128xi32, #tpu.memory_space<vmem>> -> memref<1x128xi32, #tpu.memory_space<vmem>>
          %dma_start3A_62 = tpu.memref_squeeze %dma_start3A_61 : memref<1x128xi32, #tpu.memory_space<vmem>> -> memref<128xi32, #tpu.memory_space<vmem>>
          %dma_start3A_63 = arith.constant 0 : i32
          %dma_start3A_64 = arith.constant 0 : i32
          %dma_start3A_65 = tpu.memref_slice %arg2[%dma_start3A_63, %dma_start3A_64] : memref<4096x128xf32, #tpu.memory_space<hbm>> -> memref<4096x128xf32, #tpu.memory_space<hbm>>
          tpu.enqueue_indirect_dma source(%dma_start3A_65 : memref<4096x128xf32, #tpu.memory_space<hbm>>) target(%arg12 : memref<128x128xf32, #tpu.memory_space<vmem>>) offsets(%dma_start3A_62 : memref<128xi32, #tpu.memory_space<vmem>>) semaphore(%arg16 : memref<!tpu.dma_semaphore, #tpu.memory_space<semaphore_mem>>)
        } else {
        }
        %not3A_53 = arith.constant true
        %not3A_54 = arith.xori %eq3A_37, %not3A_53 : i1
        %convert_element_type3A_55 = arith.extui %not3A_54 : i1 to i32
        %cond3A_56 = arith.constant 0 : i32
        %cond3A_57 = arith.cmpi ne, %convert_element_type3A_55, %cond3A_56 : i32
        scf.if %cond3A_57 {
          %add3A_58 = arith.constant 1 : i32
          %add3A_59 = arith.addi %scan3A_26, %add3A_58 : i32
          %dma_start3A_60 = arith.constant 0 : i32
          %dma_start3A_61 = tpu.memref_slice %arg9[%add3A_59, %dma_start3A_60] : memref<16x128xi32, #tpu.memory_space<vmem>> -> memref<1x128xi32, #tpu.memory_space<vmem>>
          %dma_start3A_62 = tpu.memref_squeeze %dma_start3A_61 : memref<1x128xi32, #tpu.memory_space<vmem>> -> memref<128xi32, #tpu.memory_space<vmem>>
          %dma_start3A_63 = arith.constant 0 : i32
          %dma_start3A_64 = arith.constant 0 : i32
          %dma_start3A_65 = tpu.memref_slice %arg2[%dma_start3A_63, %dma_start3A_64] : memref<4096x128xf32, #tpu.memory_space<hbm>> -> memref<4096x128xf32, #tpu.memory_space<hbm>>
          tpu.enqueue_indirect_dma source(%dma_start3A_65 : memref<4096x128xf32, #tpu.memory_space<hbm>>) target(%arg11 : memref<128x128xf32, #tpu.memory_space<vmem>>) offsets(%dma_start3A_62 : memref<128xi32, #tpu.memory_space<vmem>>) semaphore(%arg16 : memref<!tpu.dma_semaphore, #tpu.memory_space<semaphore_mem>>)
        } else {
        }
      } else {
      }
      %convert_element_type3A_43 = arith.extui %eq3A_37 : i1 to i32
      %cond3A_44 = arith.constant 0 : i32
      %cond3A_45 = arith.cmpi ne, %convert_element_type3A_43, %cond3A_44 : i32
      scf.if %cond3A_45 {
        %dma_wait3A = arith.constant 0 : i32
        %dma_wait3A_50 = tpu.memref_slice %arg9[%scan3A_26, %dma_wait3A] : memref<16x128xi32, #tpu.memory_space<vmem>> -> memref<1x128xi32, #tpu.memory_space<vmem>>
        %dma_wait3A_51 = tpu.memref_squeeze %dma_wait3A_50 : memref<1x128xi32, #tpu.memory_space<vmem>> -> memref<128xi32, #tpu.memory_space<vmem>>
        %dma_wait3A_52 = arith.constant 0 : i32
        %dma_wait3A_53 = arith.constant 0 : i32
        %dma_wait3A_54 = tpu.memref_slice %arg2[%dma_wait3A_52, %dma_wait3A_53] : memref<4096x128xf32, #tpu.memory_space<hbm>> -> memref<4096x128xf32, #tpu.memory_space<hbm>>
        tpu.wait_indirect_dma semaphore(%arg16 : memref<!tpu.dma_semaphore, #tpu.memory_space<semaphore_mem>>) src(%dma_wait3A_54 : memref<4096x128xf32, #tpu.memory_space<hbm>>) dst(%arg11 : memref<128x128xf32, #tpu.memory_space<vmem>>)
        "tpu.region"() ({
          %run_scoped3A = tpu.sem_alloc : memref<!tpu.dma_semaphore, #tpu.memory_space<semaphore_mem>>
          %dma_start3A_55 = arith.constant 0 : i32
          %dma_start3A_56 = tpu.memref_slice %arg10[%scan3A_26, %dma_start3A_55] : memref<16x128xi32, #tpu.memory_space<vmem>> -> memref<1x128xi32, #tpu.memory_space<vmem>>
          %dma_start3A_57 = tpu.memref_squeeze %dma_start3A_56 : memref<1x128xi32, #tpu.memory_space<vmem>> -> memref<128xi32, #tpu.memory_space<vmem>>
          %dma_start3A_58 = arith.constant 0 : i32
          %dma_start3A_59 = arith.constant 0 : i32
          %dma_start3A_60 = tpu.memref_slice %arg15[%dma_start3A_58, %dma_start3A_59] : memref<4096x128xf32, #tpu.memory_space<vmem_shared>> -> memref<4096x128xf32, #tpu.memory_space<vmem_shared>>
          tpu.enqueue_indirect_dma source(%arg11 : memref<128x128xf32, #tpu.memory_space<vmem>>) target(%dma_start3A_60 : memref<4096x128xf32, #tpu.memory_space<vmem_shared>>) offsets(%dma_start3A_57 : memref<128xi32, #tpu.memory_space<vmem>>) semaphore(%run_scoped3A : memref<!tpu.dma_semaphore, #tpu.memory_space<semaphore_mem>>) {add = true}
          %dma_wait3A_61 = arith.constant 0 : i32
          %dma_wait3A_62 = tpu.memref_slice %arg10[%scan3A_26, %dma_wait3A_61] : memref<16x128xi32, #tpu.memory_space<vmem>> -> memref<1x128xi32, #tpu.memory_space<vmem>>
          %dma_wait3A_63 = tpu.memref_squeeze %dma_wait3A_62 : memref<1x128xi32, #tpu.memory_space<vmem>> -> memref<128xi32, #tpu.memory_space<vmem>>
          %dma_wait3A_64 = arith.constant 0 : i32
          %dma_wait3A_65 = arith.constant 0 : i32
          %dma_wait3A_66 = tpu.memref_slice %arg15[%dma_wait3A_64, %dma_wait3A_65] : memref<4096x128xf32, #tpu.memory_space<vmem_shared>> -> memref<4096x128xf32, #tpu.memory_space<vmem_shared>>
          tpu.wait_indirect_dma semaphore(%run_scoped3A : memref<!tpu.dma_semaphore, #tpu.memory_space<semaphore_mem>>) src(%arg11 : memref<128x128xf32, #tpu.memory_space<vmem>>) dst(%dma_wait3A_66 : memref<4096x128xf32, #tpu.memory_space<vmem_shared>>)
          tpu.yield
        }) : () -> ()
      } else {
      }
      %not3A = arith.constant true
      %not3A_46 = arith.xori %eq3A_37, %not3A : i1
      %convert_element_type3A_47 = arith.extui %not3A_46 : i1 to i32
      %cond3A_48 = arith.constant 0 : i32
      %cond3A_49 = arith.cmpi ne, %convert_element_type3A_47, %cond3A_48 : i32
      scf.if %cond3A_49 {
        %dma_wait3A = arith.constant 0 : i32
        %dma_wait3A_50 = tpu.memref_slice %arg9[%scan3A_26, %dma_wait3A] : memref<16x128xi32, #tpu.memory_space<vmem>> -> memref<1x128xi32, #tpu.memory_space<vmem>>
        %dma_wait3A_51 = tpu.memref_squeeze %dma_wait3A_50 : memref<1x128xi32, #tpu.memory_space<vmem>> -> memref<128xi32, #tpu.memory_space<vmem>>
        %dma_wait3A_52 = arith.constant 0 : i32
        %dma_wait3A_53 = arith.constant 0 : i32
        %dma_wait3A_54 = tpu.memref_slice %arg2[%dma_wait3A_52, %dma_wait3A_53] : memref<4096x128xf32, #tpu.memory_space<hbm>> -> memref<4096x128xf32, #tpu.memory_space<hbm>>
        tpu.wait_indirect_dma semaphore(%arg16 : memref<!tpu.dma_semaphore, #tpu.memory_space<semaphore_mem>>) src(%dma_wait3A_54 : memref<4096x128xf32, #tpu.memory_space<hbm>>) dst(%arg12 : memref<128x128xf32, #tpu.memory_space<vmem>>)
        "tpu.region"() ({
          %run_scoped3A = tpu.sem_alloc : memref<!tpu.dma_semaphore, #tpu.memory_space<semaphore_mem>>
          %dma_start3A_55 = arith.constant 0 : i32
          %dma_start3A_56 = tpu.memref_slice %arg10[%scan3A_26, %dma_start3A_55] : memref<16x128xi32, #tpu.memory_space<vmem>> -> memref<1x128xi32, #tpu.memory_space<vmem>>
          %dma_start3A_57 = tpu.memref_squeeze %dma_start3A_56 : memref<1x128xi32, #tpu.memory_space<vmem>> -> memref<128xi32, #tpu.memory_space<vmem>>
          %dma_start3A_58 = arith.constant 0 : i32
          %dma_start3A_59 = arith.constant 0 : i32
          %dma_start3A_60 = tpu.memref_slice %arg15[%dma_start3A_58, %dma_start3A_59] : memref<4096x128xf32, #tpu.memory_space<vmem_shared>> -> memref<4096x128xf32, #tpu.memory_space<vmem_shared>>
          tpu.enqueue_indirect_dma source(%arg12 : memref<128x128xf32, #tpu.memory_space<vmem>>) target(%dma_start3A_60 : memref<4096x128xf32, #tpu.memory_space<vmem_shared>>) offsets(%dma_start3A_57 : memref<128xi32, #tpu.memory_space<vmem>>) semaphore(%run_scoped3A : memref<!tpu.dma_semaphore, #tpu.memory_space<semaphore_mem>>) {add = true}
          %dma_wait3A_61 = arith.constant 0 : i32
          %dma_wait3A_62 = tpu.memref_slice %arg10[%scan3A_26, %dma_wait3A_61] : memref<16x128xi32, #tpu.memory_space<vmem>> -> memref<1x128xi32, #tpu.memory_space<vmem>>
          %dma_wait3A_63 = tpu.memref_squeeze %dma_wait3A_62 : memref<1x128xi32, #tpu.memory_space<vmem>> -> memref<128xi32, #tpu.memory_space<vmem>>
          %dma_wait3A_64 = arith.constant 0 : i32
          %dma_wait3A_65 = arith.constant 0 : i32
          %dma_wait3A_66 = tpu.memref_slice %arg15[%dma_wait3A_64, %dma_wait3A_65] : memref<4096x128xf32, #tpu.memory_space<vmem_shared>> -> memref<4096x128xf32, #tpu.memory_space<vmem_shared>>
          tpu.wait_indirect_dma semaphore(%run_scoped3A : memref<!tpu.dma_semaphore, #tpu.memory_space<semaphore_mem>>) src(%arg12 : memref<128x128xf32, #tpu.memory_space<vmem>>) dst(%dma_wait3A_66 : memref<4096x128xf32, #tpu.memory_space<vmem_shared>>)
          tpu.yield
        }) : () -> ()
      } else {
      }
    }
    %scan3A_17 = arith.constant 16 : i32
    %barrier3A_18 = arith.constant 0 : index
    tpu.barrier barrier_id(%barrier3A_18)
    %mul3A_19 = arith.constant 256 : i32
    %mul3A_20 = arith.muli %arg1, %mul3A_19 : i32
    %mul3A_21 = arith.constant 4096 : i32
    %mul3A_22 = arith.muli %arg0, %mul3A_21 : i32
    %mul3A_23 = arith.constant 256 : i32
    %mul3A_24 = arith.muli %arg1, %mul3A_23 : i32
    %add3A_25 = arith.addi %mul3A_22, %mul3A_24 : i32
    "tpu.region"() ({
      %run_scoped3A = tpu.sem_alloc : memref<!tpu.dma_semaphore, #tpu.memory_space<semaphore_mem>>
      %dma_start3A_26 = arith.constant 0 : i32
      %dma_start3A_27 = tpu.memref_slice %arg8[%add3A_25, %dma_start3A_26] : memref<8192x128xf32, #tpu.memory_space<hbm>> -> memref<256x128xf32, #tpu.memory_space<hbm>>
      %dma_start3A_28 = arith.constant 0 : i32
      %dma_start3A_29 = tpu.memref_slice %arg15[%mul3A_20, %dma_start3A_28] : memref<4096x128xf32, #tpu.memory_space<vmem_shared>> -> memref<256x128xf32, #tpu.memory_space<vmem_shared>>
      tpu.enqueue_dma source(%dma_start3A_29 : memref<256x128xf32, #tpu.memory_space<vmem_shared>>) target(%dma_start3A_27 : memref<256x128xf32, #tpu.memory_space<hbm>>) target_semaphore(%run_scoped3A : memref<!tpu.dma_semaphore, #tpu.memory_space<semaphore_mem>>)
      %dma_wait3A = arith.constant 0 : i32
      %dma_wait3A_30 = tpu.memref_slice %arg8[%add3A_25, %dma_wait3A] : memref<8192x128xf32, #tpu.memory_space<hbm>> -> memref<256x128xf32, #tpu.memory_space<hbm>>
      %dma_wait3A_31 = arith.constant 0 : i32
      %dma_wait3A_32 = tpu.memref_slice %arg15[%mul3A_20, %dma_wait3A_31] : memref<4096x128xf32, #tpu.memory_space<vmem_shared>> -> memref<256x128xf32, #tpu.memory_space<vmem_shared>>
      tpu.wait_dma2 semaphore(%run_scoped3A : memref<!tpu.dma_semaphore, #tpu.memory_space<semaphore_mem>>) src(%dma_wait3A_32 : memref<256x128xf32, #tpu.memory_space<vmem_shared>>) dst(%dma_wait3A_30 : memref<256x128xf32, #tpu.memory_space<hbm>>)
      tpu.yield
    }) : () -> ()
    return
  }
}

module attributes {stable_mosaic.version = 14 : i64} {
  func.func @_mm_kernel(%arg0: memref<4096x128xf32, #tpu.memory_space<vmem>>, %arg1: memref<128x128xf32, #tpu.memory_space<vmem>>, %arg2: memref<4096x128xf32, #tpu.memory_space<vmem>>) attributes {dimension_semantics = [], scalar_prefetch = 0 : i64, scratch_operands = 0 : i64, tpu.core_type = #tpu.core_type<tc>} {
    %get3A = arith.constant 0 : index
    %get3A_0 = arith.constant 0 : index
    %get3A_1 = vector.load %arg0[%get3A, %get3A_0] : memref<4096x128xf32, #tpu.memory_space<vmem>>, vector<4096x128xf32>
    %get3A_2 = arith.constant 0 : index
    %get3A_3 = arith.constant 0 : index
    %get3A_4 = vector.load %arg1[%get3A_2, %get3A_3] : memref<128x128xf32, #tpu.memory_space<vmem>>, vector<128x128xf32>
    %dot_general3A = arith.constant dense<0.000000e+00> : vector<4096x128xf32>
    %dot_general3A_5 = tpu.matmul %get3A_1, %get3A_4, %dot_general3A {dimension_numbers = #tpu.dot_dimension_numbers<[1], [0], [0], [1], [0, 0, 1, 1], [], []>, transpose_lhs_hint = false} : vector<4096x128xf32>, vector<128x128xf32>, vector<4096x128xf32> -> vector<4096x128xf32>
    %swap3A = arith.constant 0 : index
    %swap3A_6 = arith.constant 0 : index
    %swap3A_7 = vector.load %arg2[%swap3A, %swap3A_6] : memref<4096x128xf32, #tpu.memory_space<vmem>>, vector<4096x128xf32>
    tpu.vector_store %arg2[%swap3A, %swap3A_6], %dot_general3A_5 {strides = array<i32>} : memref<4096x128xf32, #tpu.memory_space<vmem>>, vector<4096x128xf32>,
    return
  }
}

module attributes {stable_mosaic.version = 14 : i64} {
  func.func @_zp_kernel(%arg0: i32, %arg1: memref<512x4096xf32, #tpu.memory_space<vmem>>, %arg2: memref<512x4096xbf16, #tpu.memory_space<vmem>>) attributes {dimension_semantics = [#tpu.dimension_semantics<arbitrary>], iteration_bounds = array<i64: 8>, scalar_prefetch = 0 : i64, scratch_operands = 0 : i64, tpu.core_type = #tpu.core_type<tc>, window_params = [{transform_indices = @transform_0, window_bounds = array<i64: 512, 4096>}, {transform_indices = @transform_1, window_bounds = array<i64: 512, 4096>}]} {
    %mul3A = arith.constant 512 : i32
    %mul3A_0 = arith.muli %arg0, %mul3A : i32
    %iota3A = tpu.iota {dimensions = array<i32: 0>} : vector<512x4096xi32>
    %add3A = vector.broadcast %mul3A_0 : i32 to vector<512x4096xi32>
    %add3A_1 = arith.addi %add3A, %iota3A : vector<512x4096xi32>
    %iota3A_2 = tpu.iota {dimensions = array<i32: 1>} : vector<512x4096xi32>
    %get3A = arith.constant 0 : index
    %get3A_3 = arith.constant 0 : index
    %get3A_4 = vector.load %arg1[%get3A, %get3A_3] : memref<512x4096xf32, #tpu.memory_space<vmem>>, vector<512x4096xf32>
    %gt3A = arith.constant 0.000000e+00 : f32
    %gt3A_5 = vector.broadcast %gt3A : f32 to vector<512x4096xf32>
    %gt3A_6 = arith.cmpf ogt, %get3A_4, %gt3A_5 : vector<512x4096xf32>
    %eq3A = arith.cmpi eq, %add3A_1, %iota3A_2 : vector<512x4096xi32>
    %or3A = arith.ori %gt3A_6, %eq3A : vector<512x4096xi1>
    %convert_element_type3A = arith.extui %or3A : vector<512x4096xi1> to vector<512x4096xi32>
    %convert_element_type3A_7 = arith.sitofp %convert_element_type3A : vector<512x4096xi32> to vector<512x4096xf32>
    %convert_element_type3A_8 = arith.truncf %convert_element_type3A_7 : vector<512x4096xf32> to vector<512x4096xbf16>
    %swap3A = arith.constant 0 : index
    %swap3A_9 = arith.constant 0 : index
    %swap3A_10 = vector.load %arg2[%swap3A, %swap3A_9] : memref<512x4096xbf16, #tpu.memory_space<vmem>>, vector<512x4096xbf16>
    tpu.vector_store %arg2[%swap3A, %swap3A_9], %convert_element_type3A_8 {strides = array<i32>} : memref<512x4096xbf16, #tpu.memory_space<vmem>>, vector<512x4096xbf16>,
    return
  }
  func.func @transform_0(%arg0: i32) -> (i32, i32) {
    %c0_i32 = arith.constant 0 : i32
    %c0_i32_0 = arith.constant 0 : i32
    return %arg0, %c0_i32 : i32, i32
  }
  func.func @transform_1(%arg0: i32) -> (i32, i32) {
    %c0_i32 = arith.constant 0 : i32
    %c0_i32_0 = arith.constant 0 : i32
    return %arg0, %c0_i32 : i32, i32
  }
}

module attributes {stable_mosaic.version = 14 : i64} {
  func.func @_upat_kernel(%arg0: i32, %arg1: i32, %arg2: i32, %arg3: memref<1024x512xbf16, #tpu.memory_space<vmem>>, %arg4: memref<512x2048xbf16, #tpu.memory_space<vmem>>, %arg5: memref<1x2048xbf16, #tpu.memory_space<vmem>>, %arg6: memref<1024x2048xbf16, #tpu.memory_space<vmem>>, %arg7: memref<1024x2048xf32, #tpu.memory_space<vmem>>) attributes {dimension_semantics = [#tpu.dimension_semantics<arbitrary>, #tpu.dimension_semantics<arbitrary>, #tpu.dimension_semantics<arbitrary>], iteration_bounds = array<i64: 4, 2, 8>, scalar_prefetch = 0 : i64, scratch_operands = 1 : i64, tpu.core_type = #tpu.core_type<tc>, window_params = [{transform_indices = @transform_0, window_bounds = array<i64: 1024, 512>}, {transform_indices = @transform_1, window_bounds = array<i64: 512, 2048>}, {transform_indices = @transform_2, window_bounds = array<i64: 1, 2048>}, {transform_indices = @transform_3, window_bounds = array<i64: 1024, 2048>}]} {
    %eq3A = arith.constant 0 : i32
    %eq3A_0 = arith.cmpi eq, %arg2, %eq3A : i32
    %convert_element_type3A = arith.extui %eq3A_0 : i1 to i32
    %cond3A = arith.constant 0 : i32
    %cond3A_1 = arith.cmpi ne, %convert_element_type3A, %cond3A : i32
    scf.if %cond3A_1 {
      %broadcast_in_dim3A_23 = arith.constant 0.000000e+00 : f32
      %broadcast_in_dim3A_24 = vector.broadcast %broadcast_in_dim3A_23 : f32 to vector<1024x2048xf32>
      %swap3A_25 = arith.constant 0 : index
      %swap3A_26 = arith.constant 0 : index
      %swap3A_27 = vector.load %arg7[%swap3A_25, %swap3A_26] : memref<1024x2048xf32, #tpu.memory_space<vmem>>, vector<1024x2048xf32>
      tpu.vector_store %arg7[%swap3A_25, %swap3A_26], %broadcast_in_dim3A_24 {strides = array<i32>} : memref<1024x2048xf32, #tpu.memory_space<vmem>>, vector<1024x2048xf32>,
    } else {
    }
    %get3A = arith.constant 0 : index
    %get3A_2 = arith.constant 0 : index
    %get3A_3 = vector.load %arg4[%get3A, %get3A_2] : memref<512x2048xbf16, #tpu.memory_space<vmem>>, vector<512x2048xbf16>
    %get3A_4 = arith.constant 0 : index
    %get3A_5 = arith.constant 0 : index
    %get3A_6 = vector.load %arg5[%get3A_4, %get3A_5] : memref<1x2048xbf16, #tpu.memory_space<vmem>>, vector<1x2048xbf16>
    %get3A_7 = vector.shape_cast %get3A_6 : vector<1x2048xbf16> to vector<2048xbf16>
    %broadcast_in_dim3A = vector.shape_cast %get3A_7 : vector<2048xbf16> to vector<1x2048xbf16>
    %mul3A = vector.broadcast %broadcast_in_dim3A : vector<1x2048xbf16> to vector<512x2048xbf16>
    %mul3A_8 = arith.mulf %get3A_3, %mul3A : vector<512x2048xbf16>
    %get3A_9 = arith.constant 0 : index
    %get3A_10 = arith.constant 0 : index
    %get3A_11 = vector.load %arg7[%get3A_9, %get3A_10] : memref<1024x2048xf32, #tpu.memory_space<vmem>>, vector<1024x2048xf32>
    %get3A_12 = arith.constant 0 : index
    %get3A_13 = arith.constant 0 : index
    %get3A_14 = vector.load %arg3[%get3A_12, %get3A_13] : memref<1024x512xbf16, #tpu.memory_space<vmem>>, vector<1024x512xbf16>
    %dot_general3A = arith.constant dense<0.000000e+00> : vector<1024x2048xf32>
    %dot_general3A_15 = tpu.matmul %get3A_14, %mul3A_8, %dot_general3A {dimension_numbers = #tpu.dot_dimension_numbers<[1], [0], [0], [1], [0, 0, 1, 1], [], []>, transpose_lhs_hint = false} : vector<1024x512xbf16>, vector<512x2048xbf16>, vector<1024x2048xf32> -> vector<1024x2048xf32>
    %add3A = arith.addf %get3A_11, %dot_general3A_15 : vector<1024x2048xf32>
    %swap3A = arith.constant 0 : index
    %swap3A_16 = arith.constant 0 : index
    %swap3A_17 = vector.load %arg7[%swap3A, %swap3A_16] : memref<1024x2048xf32, #tpu.memory_space<vmem>>, vector<1024x2048xf32>
    tpu.vector_store %arg7[%swap3A, %swap3A_16], %add3A {strides = array<i32>} : memref<1024x2048xf32, #tpu.memory_space<vmem>>, vector<1024x2048xf32>,
    %eq3A_18 = arith.constant 7 : i32
    %eq3A_19 = arith.cmpi eq, %arg2, %eq3A_18 : i32
    %convert_element_type3A_20 = arith.extui %eq3A_19 : i1 to i32
    %cond3A_21 = arith.constant 0 : i32
    %cond3A_22 = arith.cmpi ne, %convert_element_type3A_20, %cond3A_21 : i32
    scf.if %cond3A_22 {
      %get3A_23 = arith.constant 0 : index
      %get3A_24 = arith.constant 0 : index
      %get3A_25 = vector.load %arg7[%get3A_23, %get3A_24] : memref<1024x2048xf32, #tpu.memory_space<vmem>>, vector<1024x2048xf32>
      %gt3A = arith.constant 0.000000e+00 : f32
      %gt3A_26 = vector.broadcast %gt3A : f32 to vector<1024x2048xf32>
      %gt3A_27 = arith.cmpf ogt, %get3A_25, %gt3A_26 : vector<1024x2048xf32>
      %convert_element_type3A_28 = arith.extui %gt3A_27 : vector<1024x2048xi1> to vector<1024x2048xi32>
      %convert_element_type3A_29 = arith.sitofp %convert_element_type3A_28 : vector<1024x2048xi32> to vector<1024x2048xf32>
      %convert_element_type3A_30 = arith.truncf %convert_element_type3A_29 : vector<1024x2048xf32> to vector<1024x2048xbf16>
      %swap3A_31 = arith.constant 0 : index
      %swap3A_32 = arith.constant 0 : index
      %swap3A_33 = vector.load %arg6[%swap3A_31, %swap3A_32] : memref<1024x2048xbf16, #tpu.memory_space<vmem>>, vector<1024x2048xbf16>
      tpu.vector_store %arg6[%swap3A_31, %swap3A_32], %convert_element_type3A_30 {strides = array<i32>} : memref<1024x2048xbf16, #tpu.memory_space<vmem>>, vector<1024x2048xbf16>,
    } else {
    }
    return
  }
  func.func @transform_0(%arg0: i32, %arg1: i32, %arg2: i32) -> (i32, i32) {
    %c0_i32 = arith.constant 0 : i32
    return %arg0, %arg2 : i32, i32
  }
  func.func @transform_1(%arg0: i32, %arg1: i32, %arg2: i32) -> (i32, i32) {
    %c0_i32 = arith.constant 0 : i32
    return %arg2, %arg1 : i32, i32
  }
  func.func @transform_2(%arg0: i32, %arg1: i32, %arg2: i32) -> (i32, i32) {
    %c0_i32 = arith.constant 0 : i32
    %c0_i32_0 = arith.constant 0 : i32
    return %c0_i32, %arg1 : i32, i32
  }
  func.func @transform_3(%arg0: i32, %arg1: i32, %arg2: i32) -> (i32, i32) {
    %c0_i32 = arith.constant 0 : i32
    return %arg0, %arg1 : i32, i32
  }
}

module attributes {stable_mosaic.version = 14 : i64} {
  func.func @_vpat_kernel(%arg0: i32, %arg1: i32, %arg2: i32, %arg3: memref<512x1024xbf16, #tpu.memory_space<vmem>>, %arg4: memref<512x2048xbf16, #tpu.memory_space<vmem>>, %arg5: memref<1x1024xbf16, #tpu.memory_space<vmem>>, %arg6: memref<1024x2048xbf16, #tpu.memory_space<vmem>>, %arg7: memref<1x2048xf32, #tpu.memory_space<vmem>>, %arg8: memref<1024x2048xf32, #tpu.memory_space<vmem>>) attributes {dimension_semantics = [#tpu.dimension_semantics<arbitrary>, #tpu.dimension_semantics<arbitrary>, #tpu.dimension_semantics<arbitrary>], iteration_bounds = array<i64: 2, 4, 8>, scalar_prefetch = 0 : i64, scratch_operands = 1 : i64, tpu.core_type = #tpu.core_type<tc>, window_params = [{transform_indices = @transform_0, window_bounds = array<i64: 512, 1024>}, {transform_indices = @transform_1, window_bounds = array<i64: 512, 2048>}, {transform_indices = @transform_2, window_bounds = array<i64: 1, 1024>}, {transform_indices = @transform_3, window_bounds = array<i64: 1024, 2048>}, {transform_indices = @transform_4, window_bounds = array<i64: 1, 2048>}]} {
    %eq3A = arith.constant 0 : i32
    %eq3A_0 = arith.cmpi eq, %arg2, %eq3A : i32
    %convert_element_type3A = arith.extui %eq3A_0 : i1 to i32
    %cond3A = arith.constant 0 : i32
    %cond3A_1 = arith.cmpi ne, %convert_element_type3A, %cond3A : i32
    scf.if %cond3A_1 {
      %broadcast_in_dim3A_23 = arith.constant 0.000000e+00 : f32
      %broadcast_in_dim3A_24 = vector.broadcast %broadcast_in_dim3A_23 : f32 to vector<1024x2048xf32>
      %swap3A_25 = arith.constant 0 : index
      %swap3A_26 = arith.constant 0 : index
      %swap3A_27 = vector.load %arg8[%swap3A_25, %swap3A_26] : memref<1024x2048xf32, #tpu.memory_space<vmem>>, vector<1024x2048xf32>
      tpu.vector_store %arg8[%swap3A_25, %swap3A_26], %broadcast_in_dim3A_24 {strides = array<i32>} : memref<1024x2048xf32, #tpu.memory_space<vmem>>, vector<1024x2048xf32>,
    } else {
    }
    %get3A = arith.constant 0 : index
    %get3A_2 = arith.constant 0 : index
    %get3A_3 = vector.load %arg3[%get3A, %get3A_2] : memref<512x1024xbf16, #tpu.memory_space<vmem>>, vector<512x1024xbf16>
    %get3A_4 = arith.constant 0 : index
    %get3A_5 = arith.constant 0 : index
    %get3A_6 = vector.load %arg5[%get3A_4, %get3A_5] : memref<1x1024xbf16, #tpu.memory_space<vmem>>, vector<1x1024xbf16>
    %get3A_7 = vector.shape_cast %get3A_6 : vector<1x1024xbf16> to vector<1024xbf16>
    %broadcast_in_dim3A = vector.shape_cast %get3A_7 : vector<1024xbf16> to vector<1x1024xbf16>
    %mul3A = vector.broadcast %broadcast_in_dim3A : vector<1x1024xbf16> to vector<512x1024xbf16>
    %mul3A_8 = arith.mulf %get3A_3, %mul3A : vector<512x1024xbf16>
    %get3A_9 = arith.constant 0 : index
    %get3A_10 = arith.constant 0 : index
    %get3A_11 = vector.load %arg8[%get3A_9, %get3A_10] : memref<1024x2048xf32, #tpu.memory_space<vmem>>, vector<1024x2048xf32>
    %get3A_12 = arith.constant 0 : index
    %get3A_13 = arith.constant 0 : index
    %get3A_14 = vector.load %arg4[%get3A_12, %get3A_13] : memref<512x2048xbf16, #tpu.memory_space<vmem>>, vector<512x2048xbf16>
    %dot_general3A = arith.constant dense<0.000000e+00> : vector<1024x2048xf32>
    %dot_general3A_15 = tpu.matmul %mul3A_8, %get3A_14, %dot_general3A {dimension_numbers = #tpu.dot_dimension_numbers<[0], [0], [1], [1], [0, 1, 1, 1], [], []>, transpose_lhs_hint = false} : vector<512x1024xbf16>, vector<512x2048xbf16>, vector<1024x2048xf32> -> vector<1024x2048xf32>
    %add3A = arith.addf %get3A_11, %dot_general3A_15 : vector<1024x2048xf32>
    %swap3A = arith.constant 0 : index
    %swap3A_16 = arith.constant 0 : index
    %swap3A_17 = vector.load %arg8[%swap3A, %swap3A_16] : memref<1024x2048xf32, #tpu.memory_space<vmem>>, vector<1024x2048xf32>
    tpu.vector_store %arg8[%swap3A, %swap3A_16], %add3A {strides = array<i32>} : memref<1024x2048xf32, #tpu.memory_space<vmem>>, vector<1024x2048xf32>,
    %eq3A_18 = arith.constant 7 : i32
    %eq3A_19 = arith.cmpi eq, %arg2, %eq3A_18 : i32
    %convert_element_type3A_20 = arith.extui %eq3A_19 : i1 to i32
    %cond3A_21 = arith.constant 0 : i32
    %cond3A_22 = arith.cmpi ne, %convert_element_type3A_20, %cond3A_21 : i32
    scf.if %cond3A_22 {
      %mul3A_23 = arith.constant 1024 : i32
      %mul3A_24 = arith.muli %arg1, %mul3A_23 : i32
      %iota3A = tpu.iota {dimensions = array<i32: 0>} : vector<1024x2048xi32>
      %add3A_25 = vector.broadcast %mul3A_24 : i32 to vector<1024x2048xi32>
      %add3A_26 = arith.addi %add3A_25, %iota3A : vector<1024x2048xi32>
      %mul3A_27 = arith.constant 2048 : i32
      %mul3A_28 = arith.muli %arg0, %mul3A_27 : i32
      %iota3A_29 = tpu.iota {dimensions = array<i32: 1>} : vector<1024x2048xi32>
      %add3A_30 = vector.broadcast %mul3A_28 : i32 to vector<1024x2048xi32>
      %add3A_31 = arith.addi %add3A_30, %iota3A_29 : vector<1024x2048xi32>
      %get3A_32 = arith.constant 0 : index
      %get3A_33 = arith.constant 0 : index
      %get3A_34 = vector.load %arg8[%get3A_32, %get3A_33] : memref<1024x2048xf32, #tpu.memory_space<vmem>>, vector<1024x2048xf32>
      %gt3A = arith.constant 0.000000e+00 : f32
      %gt3A_35 = vector.broadcast %gt3A : f32 to vector<1024x2048xf32>
      %gt3A_36 = arith.cmpf ogt, %get3A_34, %gt3A_35 : vector<1024x2048xf32>
      %ne3A = arith.cmpi ne, %add3A_26, %add3A_31 : vector<1024x2048xi32>
      %and3A = arith.andi %gt3A_36, %ne3A : vector<1024x2048xi1>
      %jit3A = arith.constant 1.000000e+00 : f32
      %jit3A_37 = arith.constant 0.000000e+00 : f32
      %broadcast_in_dim3A_38 = vector.broadcast %jit3A : f32 to vector<1024x2048xf32>
      %broadcast_in_dim3A_39 = vector.broadcast %jit3A_37 : f32 to vector<1024x2048xf32>
      %select_n3A = arith.select %and3A, %broadcast_in_dim3A_38, %broadcast_in_dim3A_39 : vector<1024x2048xi1>, vector<1024x2048xf32>
      %convert_element_type3A_40 = arith.truncf %select_n3A : vector<1024x2048xf32> to vector<1024x2048xbf16>
      %swap3A_41 = arith.constant 0 : index
      %swap3A_42 = arith.constant 0 : index
      %swap3A_43 = vector.load %arg6[%swap3A_41, %swap3A_42] : memref<1024x2048xbf16, #tpu.memory_space<vmem>>, vector<1024x2048xbf16>
      tpu.vector_store %arg6[%swap3A_41, %swap3A_42], %convert_element_type3A_40 {strides = array<i32>} : memref<1024x2048xbf16, #tpu.memory_space<vmem>>, vector<1024x2048xbf16>,
      %eq3A_44 = arith.constant 0 : i32
      %eq3A_45 = arith.cmpi eq, %arg1, %eq3A_44 : i32
      %convert_element_type3A_46 = arith.extui %eq3A_45 : i1 to i32
      %cond3A_47 = arith.constant 0 : i32
      %cond3A_48 = arith.cmpi ne, %convert_element_type3A_46, %cond3A_47 : i32
      scf.if %cond3A_48 {
        %broadcast_in_dim3A_58 = arith.constant 0.000000e+00 : f32
        %broadcast_in_dim3A_59 = vector.broadcast %broadcast_in_dim3A_58 : f32 to vector<1x2048xf32>
        %swap3A_60 = arith.constant 0 : index
        %swap3A_61 = arith.constant 0 : index
        %swap3A_62 = vector.load %arg7[%swap3A_60, %swap3A_61] : memref<1x2048xf32, #tpu.memory_space<vmem>>, vector<1x2048xf32>
        tpu.vector_store %arg7[%swap3A_60, %swap3A_61], %broadcast_in_dim3A_59 {strides = array<i32>} : memref<1x2048xf32, #tpu.memory_space<vmem>>, vector<1x2048xf32>,
      } else {
      }
      %get3A_49 = arith.constant 0 : index
      %get3A_50 = arith.constant 0 : index
      %get3A_51 = vector.load %arg7[%get3A_49, %get3A_50] : memref<1x2048xf32, #tpu.memory_space<vmem>>, vector<1x2048xf32>
      %reduce_sum3A = arith.constant dense<0.000000e+00> : vector<2048xf32>
      %reduce_sum3A_52 = vector.multi_reduction <add>, %select_n3A, %reduce_sum3A [0] : vector<1024x2048xf32> to vector<2048xf32>
      %broadcast_in_dim3A_53 = vector.shape_cast %reduce_sum3A_52 : vector<2048xf32> to vector<1x2048xf32>
      %add3A_54 = arith.addf %get3A_51, %broadcast_in_dim3A_53 : vector<1x2048xf32>
      %swap3A_55 = arith.constant 0 : index
      %swap3A_56 = arith.constant 0 : index
      %swap3A_57 = vector.load %arg7[%swap3A_55, %swap3A_56] : memref<1x2048xf32, #tpu.memory_space<vmem>>, vector<1x2048xf32>
      tpu.vector_store %arg7[%swap3A_55, %swap3A_56], %add3A_54 {strides = array<i32>} : memref<1x2048xf32, #tpu.memory_space<vmem>>, vector<1x2048xf32>,
    } else {
    }
    return
  }
  func.func @transform_0(%arg0: i32, %arg1: i32, %arg2: i32) -> (i32, i32) {
    %c0_i32 = arith.constant 0 : i32
    return %arg2, %arg1 : i32, i32
  }
  func.func @transform_1(%arg0: i32, %arg1: i32, %arg2: i32) -> (i32, i32) {
    %c0_i32 = arith.constant 0 : i32
    return %arg2, %arg0 : i32, i32
  }
  func.func @transform_2(%arg0: i32, %arg1: i32, %arg2: i32) -> (i32, i32) {
    %c0_i32 = arith.constant 0 : i32
    %c0_i32_0 = arith.constant 0 : i32
    return %c0_i32, %arg1 : i32, i32
  }
  func.func @transform_3(%arg0: i32, %arg1: i32, %arg2: i32) -> (i32, i32) {
    %c0_i32 = arith.constant 0 : i32
    return %arg1, %arg0 : i32, i32
  }
  func.func @transform_4(%arg0: i32, %arg1: i32, %arg2: i32) -> (i32, i32) {
    %c0_i32 = arith.constant 0 : i32
    %c0_i32_0 = arith.constant 0 : i32
    return %c0_i32, %arg0 : i32, i32
  }
}

module attributes {stable_mosaic.version = 14 : i64} {
  func.func @_final_kernel(%arg0: i32, %arg1: memref<512x4096xbf16, #tpu.memory_space<vmem>>, %arg2: memref<1x4096xf32, #tpu.memory_space<vmem>>, %arg3: memref<1x4096xf32, #tpu.memory_space<vmem>>, %arg4: memref<1x512xf32, #tpu.memory_space<vmem>>, %arg5: memref<1x512xf32, #tpu.memory_space<vmem>>, %arg6: memref<1x512xf32, #tpu.memory_space<vmem>>, %arg7: memref<512x128xf32, #tpu.memory_space<vmem>>, %arg8: memref<128x128xf32, #tpu.memory_space<vmem>>, %arg9: memref<1x128xf32, #tpu.memory_space<vmem>>, %arg10: memref<1x128xf32, #tpu.memory_space<vmem>>, %arg11: memref<1x128xf32, #tpu.memory_space<vmem>>) attributes {dimension_semantics = [#tpu.dimension_semantics<arbitrary>], iteration_bounds = array<i64: 8>, scalar_prefetch = 0 : i64, scratch_operands = 0 : i64, tpu.core_type = #tpu.core_type<tc>, window_params = [{transform_indices = @transform_0, window_bounds = array<i64: 512, 4096>}, {pipeline_mode = #tpu.pipeline_mode<synchronous>, transform_indices = @transform_1, window_bounds = array<i64: 1, 4096>}, {pipeline_mode = #tpu.pipeline_mode<synchronous>, transform_indices = @transform_2, window_bounds = array<i64: 1, 4096>}, {transform_indices = @transform_3, window_bounds = array<i64: 1, 512>}, {transform_indices = @transform_4, window_bounds = array<i64: 1, 512>}, {transform_indices = @transform_5, window_bounds = array<i64: 1, 512>}, {transform_indices = @transform_6, window_bounds = array<i64: 512, 128>}, {pipeline_mode = #tpu.pipeline_mode<synchronous>, transform_indices = @transform_7, window_bounds = array<i64: 128, 128>}, {pipeline_mode = #tpu.pipeline_mode<synchronous>, transform_indices = @transform_8, window_bounds = array<i64: 1, 128>}, {pipeline_mode = #tpu.pipeline_mode<synchronous>, transform_indices = @transform_9, window_bounds = array<i64: 1, 128>}, {pipeline_mode = #tpu.pipeline_mode<synchronous>, transform_indices = @transform_10, window_bounds = array<i64: 1, 128>}]} {
    %get3A = arith.constant 0 : index
    %get3A_0 = arith.constant 0 : index
    %get3A_1 = vector.load %arg2[%get3A, %get3A_0] : memref<1x4096xf32, #tpu.memory_space<vmem>>, vector<1x4096xf32>
    %get3A_2 = vector.shape_cast %get3A_1 : vector<1x4096xf32> to vector<4096xf32>
    %get3A_3 = arith.constant 0 : index
    %get3A_4 = arith.constant 0 : index
    %get3A_5 = vector.load %arg3[%get3A_3, %get3A_4] : memref<1x4096xf32, #tpu.memory_space<vmem>>, vector<1x4096xf32>
    %get3A_6 = vector.shape_cast %get3A_5 : vector<1x4096xf32> to vector<4096xf32>
    %gt3A = arith.constant 0.000000e+00 : f32
    %gt3A_7 = vector.broadcast %gt3A : f32 to vector<4096xf32>
    %gt3A_8 = arith.cmpf ogt, %get3A_6, %gt3A_7 : vector<4096xf32>
    %add3A = arith.addf %get3A_2, %get3A_6 : vector<4096xf32>
    %max3A = arith.constant 1.000000e+00 : f32
    %max3A_9 = vector.broadcast %max3A : f32 to vector<4096xf32>
    %max3A_10 = arith.maximumf %add3A, %max3A_9 : vector<4096xf32>
    %rsqrt3A = math.rsqrt %max3A_10 : vector<4096xf32>
    %jit3A = arith.constant 0.000000e+00 : f32
    %broadcast_in_dim3A = vector.broadcast %jit3A : f32 to vector<4096xf32>
    %select_n3A = arith.select %gt3A_8, %rsqrt3A, %broadcast_in_dim3A : vector<4096xi1>, vector<4096xf32>
    %get3A_11 = arith.constant 0 : index
    %get3A_12 = arith.constant 0 : index
    %get3A_13 = vector.load %arg4[%get3A_11, %get3A_12] : memref<1x512xf32, #tpu.memory_space<vmem>>, vector<1x512xf32>
    %get3A_14 = vector.shape_cast %get3A_13 : vector<1x512xf32> to vector<512xf32>
    %get3A_15 = arith.constant 0 : index
    %get3A_16 = arith.constant 0 : index
    %get3A_17 = vector.load %arg5[%get3A_15, %get3A_16] : memref<1x512xf32, #tpu.memory_space<vmem>>, vector<1x512xf32>
    %get3A_18 = vector.shape_cast %get3A_17 : vector<1x512xf32> to vector<512xf32>
    %gt3A_19 = arith.constant 0.000000e+00 : f32
    %gt3A_20 = vector.broadcast %gt3A_19 : f32 to vector<512xf32>
    %gt3A_21 = arith.cmpf ogt, %get3A_18, %gt3A_20 : vector<512xf32>
    %add3A_22 = arith.addf %get3A_14, %get3A_18 : vector<512xf32>
    %max3A_23 = arith.constant 1.000000e+00 : f32
    %max3A_24 = vector.broadcast %max3A_23 : f32 to vector<512xf32>
    %max3A_25 = arith.maximumf %add3A_22, %max3A_24 : vector<512xf32>
    %rsqrt3A_26 = math.rsqrt %max3A_25 : vector<512xf32>
    %jit3A_27 = arith.constant 0.000000e+00 : f32
    %broadcast_in_dim3A_28 = vector.broadcast %jit3A_27 : f32 to vector<512xf32>
    %select_n3A_29 = arith.select %gt3A_21, %rsqrt3A_26, %broadcast_in_dim3A_28 : vector<512xi1>, vector<512xf32>
    %get3A_30 = arith.constant 0 : index
    %get3A_31 = arith.constant 0 : index
    %get3A_32 = vector.load %arg1[%get3A_30, %get3A_31] : memref<512x4096xbf16, #tpu.memory_space<vmem>>, vector<512x4096xbf16>
    %convert_element_type3A = arith.extf %get3A_32 : vector<512x4096xbf16> to vector<512x4096xf32>
    %broadcast_in_dim3A_33 = vector.shape_cast %select_n3A : vector<4096xf32> to vector<1x4096xf32>
    %mul3A = vector.broadcast %broadcast_in_dim3A_33 : vector<1x4096xf32> to vector<512x4096xf32>
    %mul3A_34 = arith.mulf %convert_element_type3A, %mul3A : vector<512x4096xf32>
    %reduce_sum3A = arith.constant dense<0.000000e+00> : vector<512xf32>
    %reduce_sum3A_35 = vector.multi_reduction <add>, %mul3A_34, %reduce_sum3A [1] : vector<512x4096xf32> to vector<512xf32>
    %get3A_36 = arith.constant 0 : index
    %get3A_37 = arith.constant 0 : index
    %get3A_38 = vector.load %arg5[%get3A_36, %get3A_37] : memref<1x512xf32, #tpu.memory_space<vmem>>, vector<1x512xf32>
    %get3A_39 = vector.shape_cast %get3A_38 : vector<1x512xf32> to vector<512xf32>
    %mul3A_40 = arith.mulf %get3A_39, %select_n3A_29 : vector<512xf32>
    %add3A_41 = arith.addf %reduce_sum3A_35, %mul3A_40 : vector<512xf32>
    %get3A_42 = arith.constant 0 : index
    %get3A_43 = arith.constant 0 : index
    %get3A_44 = vector.load %arg6[%get3A_42, %get3A_43] : memref<1x512xf32, #tpu.memory_space<vmem>>, vector<1x512xf32>
    %get3A_45 = vector.shape_cast %get3A_44 : vector<1x512xf32> to vector<512xf32>
    %mul3A_46 = arith.mulf %get3A_45, %select_n3A_29 : vector<512xf32>
    %mul3A_47 = arith.mulf %mul3A_46, %add3A_41 : vector<512xf32>
    %mul3A_48 = arith.constant 4.8828125E-4 : f32
    %mul3A_49 = vector.broadcast %mul3A_48 : f32 to vector<512xf32>
    %mul3A_50 = arith.mulf %mul3A_47, %mul3A_49 : vector<512xf32>
    %broadcast_in_dim3A_51 = vector.shape_cast %mul3A_50 : vector<512xf32> to vector<1x512xf32>
    %eq3A = arith.constant 0 : i32
    %eq3A_52 = arith.cmpi eq, %arg0, %eq3A : i32
    %convert_element_type3A_53 = arith.extui %eq3A_52 : i1 to i32
    %cond3A = arith.constant 0 : i32
    %cond3A_54 = arith.cmpi ne, %convert_element_type3A_53, %cond3A : i32
    scf.if %cond3A_54 {
      %broadcast_in_dim3A_70 = arith.constant 0.000000e+00 : f32
      %broadcast_in_dim3A_71 = vector.broadcast %broadcast_in_dim3A_70 : f32 to vector<1x128xf32>
      %swap3A_72 = arith.constant 0 : index
      %swap3A_73 = arith.constant 0 : index
      %swap3A_74 = vector.load %arg11[%swap3A_72, %swap3A_73] : memref<1x128xf32, #tpu.memory_space<vmem>>, vector<1x128xf32>
      tpu.vector_store %arg11[%swap3A_72, %swap3A_73], %broadcast_in_dim3A_71 {strides = array<i32>} : memref<1x128xf32, #tpu.memory_space<vmem>>, vector<1x128xf32>,
      %broadcast_in_dim3A_75 = arith.constant 0.000000e+00 : f32
      %broadcast_in_dim3A_76 = vector.broadcast %broadcast_in_dim3A_75 : f32 to vector<1x128xf32>
      %swap3A_77 = arith.constant 0 : index
      %swap3A_78 = arith.constant 0 : index
      %swap3A_79 = vector.load %arg10[%swap3A_77, %swap3A_78] : memref<1x128xf32, #tpu.memory_space<vmem>>, vector<1x128xf32>
      tpu.vector_store %arg10[%swap3A_77, %swap3A_78], %broadcast_in_dim3A_76 {strides = array<i32>} : memref<1x128xf32, #tpu.memory_space<vmem>>, vector<1x128xf32>,
    } else {
    }
    %get3A_55 = arith.constant 0 : index
    %get3A_56 = arith.constant 0 : index
    %get3A_57 = vector.load %arg11[%get3A_55, %get3A_56] : memref<1x128xf32, #tpu.memory_space<vmem>>, vector<1x128xf32>
    %get3A_58 = arith.constant 0 : index
    %get3A_59 = arith.constant 0 : index
    %get3A_60 = vector.load %arg7[%get3A_58, %get3A_59] : memref<512x128xf32, #tpu.memory_space<vmem>>, vector<512x128xf32>
    %dot_general3A = arith.constant dense<0.000000e+00> : vector<1x128xf32>
    %dot_general3A_61 = tpu.matmul %broadcast_in_dim3A_51, %get3A_60, %dot_general3A {dimension_numbers = #tpu.dot_dimension_numbers<[1], [0], [0], [1], [0, 0, 1, 1], [], []>, transpose_lhs_hint = false} : vector<1x512xf32>, vector<512x128xf32>, vector<1x128xf32> -> vector<1x128xf32>
    %add3A_62 = arith.addf %get3A_57, %dot_general3A_61 : vector<1x128xf32>
    %swap3A = arith.constant 0 : index
    %swap3A_63 = arith.constant 0 : index
    %swap3A_64 = vector.load %arg11[%swap3A, %swap3A_63] : memref<1x128xf32, #tpu.memory_space<vmem>>, vector<1x128xf32>
    tpu.vector_store %arg11[%swap3A, %swap3A_63], %add3A_62 {strides = array<i32>} : memref<1x128xf32, #tpu.memory_space<vmem>>, vector<1x128xf32>,
    %eq3A_65 = arith.constant 7 : i32
    %eq3A_66 = arith.cmpi eq, %arg0, %eq3A_65 : i32
    %convert_element_type3A_67 = arith.extui %eq3A_66 : i1 to i32
    %cond3A_68 = arith.constant 0 : i32
    %cond3A_69 = arith.cmpi ne, %convert_element_type3A_67, %cond3A_68 : i32
    scf.if %cond3A_69 {
      %get3A_70 = arith.constant 0 : index
      %get3A_71 = arith.constant 0 : index
      %get3A_72 = vector.load %arg11[%get3A_70, %get3A_71] : memref<1x128xf32, #tpu.memory_space<vmem>>, vector<1x128xf32>
      %get3A_73 = arith.constant 0 : index
      %get3A_74 = arith.constant 0 : index
      %get3A_75 = vector.load %arg8[%get3A_73, %get3A_74] : memref<128x128xf32, #tpu.memory_space<vmem>>, vector<128x128xf32>
      %dot_general3A_76 = arith.constant dense<0.000000e+00> : vector<1x128xf32>
      %dot_general3A_77 = tpu.matmul %get3A_72, %get3A_75, %dot_general3A_76 {dimension_numbers = #tpu.dot_dimension_numbers<[1], [0], [0], [1], [0, 0, 1, 1], [], []>, transpose_lhs_hint = false} : vector<1x128xf32>, vector<128x128xf32>, vector<1x128xf32> -> vector<1x128xf32>
      %get3A_78 = arith.constant 0 : index
      %get3A_79 = arith.constant 0 : index
      %get3A_80 = vector.load %arg9[%get3A_78, %get3A_79] : memref<1x128xf32, #tpu.memory_space<vmem>>, vector<1x128xf32>
      %get3A_81 = vector.shape_cast %get3A_80 : vector<1x128xf32> to vector<128xf32>
      %broadcast_in_dim3A_82 = vector.shape_cast %get3A_81 : vector<128xf32> to vector<1x128xf32>
      %add3A_83 = arith.addf %dot_general3A_77, %broadcast_in_dim3A_82 : vector<1x128xf32>
      %swap3A_84 = arith.constant 0 : index
      %swap3A_85 = arith.constant 0 : index
      %swap3A_86 = vector.load %arg10[%swap3A_84, %swap3A_85] : memref<1x128xf32, #tpu.memory_space<vmem>>, vector<1x128xf32>
      tpu.vector_store %arg10[%swap3A_84, %swap3A_85], %add3A_83 {strides = array<i32>} : memref<1x128xf32, #tpu.memory_space<vmem>>, vector<1x128xf32>,
    } else {
    }
    return
  }
  func.func @transform_0(%arg0: i32) -> (i32, i32) {
    %c0_i32 = arith.constant 0 : i32
    %c0_i32_0 = arith.constant 0 : i32
    return %arg0, %c0_i32 : i32, i32
  }
  func.func @transform_1(%arg0: i32) -> (i32, i32) {
    %c0_i32 = arith.constant 0 : i32
    %c0_i32_0 = arith.constant 0 : i32
    %c0_i32_1 = arith.constant 0 : i32
    return %c0_i32, %c0_i32_0 : i32, i32
  }
  func.func @transform_2(%arg0: i32) -> (i32, i32) {
    %c0_i32 = arith.constant 0 : i32
    %c0_i32_0 = arith.constant 0 : i32
    %c0_i32_1 = arith.constant 0 : i32
    return %c0_i32, %c0_i32_0 : i32, i32
  }
  func.func @transform_3(%arg0: i32) -> (i32, i32) {
    %c0_i32 = arith.constant 0 : i32
    %c0_i32_0 = arith.constant 0 : i32
    return %c0_i32, %arg0 : i32, i32
  }
  func.func @transform_4(%arg0: i32) -> (i32, i32) {
    %c0_i32 = arith.constant 0 : i32
    %c0_i32_0 = arith.constant 0 : i32
    return %c0_i32, %arg0 : i32, i32
  }
  func.func @transform_5(%arg0: i32) -> (i32, i32) {
    %c0_i32 = arith.constant 0 : i32
    %c0_i32_0 = arith.constant 0 : i32
    return %c0_i32, %arg0 : i32, i32
  }
  func.func @transform_6(%arg0: i32) -> (i32, i32) {
    %c0_i32 = arith.constant 0 : i32
    %c0_i32_0 = arith.constant 0 : i32
    return %arg0, %c0_i32 : i32, i32
  }
  func.func @transform_7(%arg0: i32) -> (i32, i32) {
    %c0_i32 = arith.constant 0 : i32
    %c0_i32_0 = arith.constant 0 : i32
    %c0_i32_1 = arith.constant 0 : i32
    return %c0_i32, %c0_i32_0 : i32, i32
  }
  func.func @transform_8(%arg0: i32) -> (i32, i32) {
    %c0_i32 = arith.constant 0 : i32
    %c0_i32_0 = arith.constant 0 : i32
    %c0_i32_1 = arith.constant 0 : i32
    return %c0_i32, %c0_i32_0 : i32, i32
  }
  func.func @transform_9(%arg0: i32) -> (i32, i32) {
    %c0_i32 = arith.constant 0 : i32
    %c0_i32_0 = arith.constant 0 : i32
    %c0_i32_1 = arith.constant 0 : i32
    return %c0_i32, %c0_i32_0 : i32, i32
  }
  func.func @transform_10(%arg0: i32) -> (i32, i32) {
    %c0_i32 = arith.constant 0 : i32
    %c0_i32_0 = arith.constant 0 : i32
    %c0_i32_1 = arith.constant 0 : i32
    return %c0_i32, %c0_i32_0 : i32, i32
  }
}

</mosaic_0001>

<sc_bundles>
// kernel: kernel.12.cloned.1.call-start
scs
__scs_entry_jumppad:
0x0: {  	(pc) =	sbr.rel $0x88, $3  }
0x1: {  	(tag) =	ssettag $0x0;
	lr =	simm.s32 $0x1  }
0x2: {  	[smem:$0x3F92] =	sst lr;
	_ =	strace $0xD0000000  }
0x3: {  	_ = 	snop  }
0x4: {  	_ = 	snop  }
0x5: {  	_ = 	snop  }
0x6: {  	_ = 	snop  }
0x7: {  	_ = 	snop  }
__scs_overlays_trampoline_lowered:
0x8: {  	[smem:$0x3FA1] =	sst s0  }
0x9: {  	[smem:$0x3FA2] =	sst s1  }
0xa: {  	[smem:$0x3FA3] =	sst s2  }
0xb: {  	[smem:$0x3FA4] =	sst s3  }
0xc: {  	[smem:$0x3FA5] =	sst s4  }
0xd: {  	[smem:$0x3FA6] =	sst s5  }
0xe: {  	[smem:$0x3FA7] =	sst s6  }
0xf: {  	[smem:$0x3FA8] =	sst s7  }
0x10: {  	[smem:$0x3FA9] =	sst s8  }
0x11: {  	[smem:$0x3FAA] =	sst s9;
	s0 =	simm.s32 @!p0 $0x0  }
0x12: {  	s1 =	sld [smem:$0x3F90];
	s0 =	simm.s32 @p0 $0x1  }
0x13: {  	[smem:$0x3FAB] =	sst s0;
	s0 =	simm.s32 @!p1 $0x0  }
0x14: {  	s2 =	sld [smem:$0x3F8F];
	s0 =	simm.s32 @p1 $0x1  }
0x15: {  	[smem:$0x3FAC] =	sst s0;
	s0 =	simm.s32 @!p2 $0x0  }
0x16: {  	s3 =	sld [smem:$0x3FDB];
	s0 =	simm.s32 @p2 $0x1  }
0x17: {  	s4 =	simm.s32 $0x1BF5;
	[smem:$0x3FAE] =	sst s0  }
0x18: {  	s0 =	sld [smem:$0x3F91];
	_ =	swait.ge [sflag:s4], $0x0  }
0x19: {  	s7 =	sld [smem:$0x3F92]  }
0x1a: {  	s8 =	sadd.s32 $0xFFFFE003, lr  }
0x1b: {  	s9 =	sadd.s32 $0xFFFFFEF7, lr;
	s5 =	simm.s32 $0xFFFFFFFF;
	p2 =	slt.u32 s8, $0xFFFFF086  }
0x1c: {  	p1 =	slt.u32 s9, $0xF7A;
	s5 =	simm.s32 @!p2 $0x0  }
0x1d: {  	s5 =	simm.s32 @p1 $0x1;
	p0 =	seq.s32 s7, s2  }
0x1e: {  	s7 =	smul.u32 @!p0 $0xF7A, s2;
	p2 =	seq.s32 @!p0 s5, $0x0  }
0x1f: {  	s9 =	smul.u32 $0xF7A, s1;
	s8 =	simm.s32 @!p0 $0x1BF5;
	p2 =	por !p2, p0  }
0x20: {  	[sflag:s8] =	ssyncset.s32 @!p0 $0xFFFFF086;
	s6 =	sadd.s32 @!p0 s3, s7;
	s7 =	simm.s32 @!p0 $0x108  }
0x21: {  	s3 =	sadd.s32 s3, s9;
	s6 =	sadd.s32 @!p0 $0x88, s6;
	s7 =	simm.s32 @p2 $0x1082  }
0x22: {  	[simem:s7], [sflag:s8] =	dma.local @!p0 [hbm:s6], $0xF7A  }
0x23: {  	s9 =	sor.u32 $0xD0000000, s2;
	s6 =	simm.s32 $0x108;
	_ =	swait.ge @!p0 [sflag:s8], $0x0  }
0x24: {  	s3 =	sadd.s32 $0x88, s3;
	s6 =	simm.s32 @!p1 $0x1082;
	[sflag:s4] =	ssyncset.s32 $0xFFFFF086  }
0x25: {  	[simem:s6], [sflag:s4] =	dma.local [hbm:s3], $0xF7A  }
0x26: {  	[smem:$0x3F92] =	sst s1;
	(tag) =	ssettag s2;
	_ =	strace s9  }
0x27: {  	s1 =	sld [smem:$0x3FA2]  }
0x28: {  	s2 =	sld [smem:$0x3FA3]  }
0x29: {  	s4 =	sld [smem:$0x3FA5]  }
0x2a: {  	p0 =	seq.s32 s5, $0x0;
	s5 =	sld [smem:$0x3FA6]  }
0x2b: {  	s6 =	sld [smem:$0x3FA7]  }
0x2c: {  	s7 =	sld [smem:$0x3FA8]  }
0x2d: {  	s3 =	simm.s32 $0x108;
	s8 =	sld [smem:$0x3FA9]  }
0x2e: {  	s3 =	simm.s32 @!p0 $0x1082;
	s9 =	sld [smem:$0x3FAA]  }
0x2f: {  	lr =	sadd.s32 s0, s3;
	s0 =	sld [smem:$0x3FA1]  }
0x30: {  	s3 =	sld [smem:$0x3FA4]  }
0x31: {  	[smem:$0x3FAD] =	sst s10  }
0x32: {  	s10 =	sld [smem:$0x3FAB];
	_ =	sdelay $0x3  }
0x33: {  	p0 =	seq.s32 s10, $0x1;
	s10 =	sld [smem:$0x3FAD];
	_ =	sdelay $0x3  }
0x34: {  	[smem:$0x3FAD] =	sst s10  }
0x35: {  	s10 =	sld [smem:$0x3FAC];
	_ =	sdelay $0x3  }
0x36: {  	p1 =	seq.s32 s10, $0x1;
	s10 =	sld [smem:$0x3FAD];
	_ =	sdelay $0x3  }
0x37: {  	[smem:$0x3FAD] =	sst s10  }
0x38: {  	s10 =	sld [smem:$0x3FAE]  }
0x39: {  	_ = 	snop;
	(pc) =	sbr.ind lr, $3  }
0x3a: {  	_ = 	snop  }
0x3b: {  	_ = 	snop  }
0x3c: {  	p2 =	seq.s32 s10, $0x1;
	s10 =	sld [smem:$0x3FAD]  }
0x3d: {  	_ =	shalt  }
0x3e: {  	_ =	shalt  }
0x3f: {  	_ =	shalt  }
0x40: {  	_ =	shalt  }
0x41: {  	_ =	shalt  }
0x42: {  	_ =	shalt  }
0x43: {  	_ =	shalt  }
0x44: {  	_ =	shalt  }
0x45: {  	_ =	shalt  }
0x46: {  	_ =	shalt  }
0x47: {  	_ =	shalt  }
0x48: {  	_ =	shalt  }
0x49: {  	_ =	shalt  }
0x4a: {  	_ =	shalt  }
0x4b: {  	_ =	shalt  }
0x4c: {  	_ =	shalt  }
0x4d: {  	_ =	shalt  }
0x4e: {  	_ =	shalt  }
0x4f: {  	_ =	shalt  }
0x50: {  	_ =	shalt  }
0x51: {  	_ =	shalt  }
0x52: {  	_ =	shalt  }
0x53: {  	_ =	shalt  }
0x54: {  	_ =	shalt  }
0x55: {  	_ =	shalt  }
0x56: {  	_ =	shalt  }
0x57: {  	_ =	shalt  }
0x58: {  	_ =	shalt  }
0x59: {  	_ =	shalt  }
0x5a: {  	_ =	shalt  }
0x5b: {  	_ =	shalt  }
0x5c: {  	_ =	shalt  }
0x5d: {  	_ =	shalt  }
0x5e: {  	_ =	shalt  }
0x5f: {  	_ =	shalt  }
0x60: {  	_ =	shalt  }
0x61: {  	_ =	shalt  }
0x62: {  	_ =	shalt  }
0x63: {  	_ =	shalt  }
0x64: {  	_ =	shalt  }
0x65: {  	_ =	shalt  }
0x66: {  	_ =	shalt  }
0x67: {  	_ =	shalt  }
0x68: {  	_ =	shalt  }
0x69: {  	_ =	shalt  }
0x6a: {  	_ =	shalt  }
0x6b: {  	_ =	shalt  }
0x6c: {  	_ =	shalt  }
0x6d: {  	_ =	shalt  }
0x6e: {  	_ =	shalt  }
0x6f: {  	_ =	shalt  }
0x70: {  	_ =	shalt  }
0x71: {  	_ =	shalt  }
0x72: {  	_ =	shalt  }
0x73: {  	_ =	shalt  }
0x74: {  	_ =	shalt  }
0x75: {  	_ =	shalt  }
0x76: {  	_ =	shalt  }
0x77: {  	_ =	shalt  }
0x78: {  	_ =	shalt  }
0x79: {  	_ =	shalt  }
0x7a: {  	_ =	shalt  }
0x7b: {  	_ =	shalt  }
0x7c: {  	_ =	shalt  }
0x7d: {  	_ =	shalt  }
0x7e: {  	_ =	shalt  }
0x7f: {  	_ =	shalt  }
0x80: {  	_ =	shalt  }
0x81: {  	_ =	shalt  }
0x82: {  	_ =	shalt  }
0x83: {  	_ =	shalt  }
0x84: {  	_ =	shalt  }
0x85: {  	_ =	shalt  }
0x86: {  	_ =	shalt  }
0x87: {  	_ =	shalt  }
.Lfunc_end0:
.L_simem_size_0:
called_computation.2_lowered:
.L_overlay_start_0:
0x88: {  	s2 =	sld [smem:$0x3FD9]  }
0x89: {  	s3 =	sld [smem:$0x3FFE];
	_ =	sdelay $0x1  }
0x8a: {  	s1 =	srdreg.scid  }
0x8b: {  	s0 =	sand.u32 $0x1, s1  }
0x8c: {  	s16 =	sshll.u32 s0, $0xA;
	s2 =	sadd.s32 s3, s2  }
0x8d: {  	s2 =	sadd.s32 s2, s16  }
0x8e: {  	[smem:$0x3FB9] =	sst s2  }
0x8f: {  	_ = 	snop  }
0x90: {  	(tm) =	ssettm $0x1  }
0x91: {  	s17 =	sld [smem:$0x3FFB];
	_ =	sdelay $0x3  }
0x92: {  	_ =	strace s17  }
0x93: {  	s2 =	sld [smem:$0x3FFC];
	_ =	sdelay $0x3  }
0x94: {  	_ =	strace s2  }
0x95: {  	s2 =	sld [smem:$0x3FFD];
	_ =	sdelay $0x3  }
0x96: {  	_ =	strace s2  }
0x97: {  	_ =	strace $0x8FFFFFFF  }
0x98: {  	s18 =	sld [smem:$0x3FDB];
	_ =	sdelay $0x1  }
0x99: {  	s19 =	simm.s32 $_scs_section_size  }
0x9a: {  	s4 =	simm.s32 $_size__tile_overlayer_lowered;
	s5 =	simm.s32 $_tile_overlayer_lowered  }
0x9b: {  	s22 =	simm.s32 $0x1BFF;
	s21 =	sshll.u32 s5, $0x1;
	s2 =	sadd.s32 s19, s18  }
0x9c: {  	s6 =	simm.s32 $0x0;
	s20 =	sshll.u32 s4, $0x1;
	s4 =	sadd.s32 s21, s2  }
0x9d: {  	[timem:s6], [sflag:s22] =	dma.local [hbm:s4], s20  }
0x9e: {  	_ =	swait.ge [sflag:s22], s20  }
0x9f: {  	s3 =	ssub.s32 $0x0, s20;
	[sflag:s22] =	ssyncset.done $0x0  }
0xa0: {  	[sflag:s22] =	ssyncadd.s32 s3;
	_ =	sdelay $0x1  }
0xa1: {  	s23 =	simm.s32 $0x1B8B  }
0xa2: {  	_ =	swait.ge [sflag:s23], $0x1  }
0xa3: {  	[sflag:s23] =	ssyncset.done $0x0  }
0xa4: {  	s25 =	simm.s32 $0x1B8E;
	s24 =	sld [smem:$0x3FFE];
	[sflag:s23] =	ssyncadd.s32 $0xFFFFFFFF  }
0xa5: {  	s26 =	simm.s32 $execute0_lowered;
	[smem:$0x3FD2] =	sst s25  }
0xa6: {  	s4 =	sshll.u32 s26, $0x1;
	_ =	strace $0x80000046;
	[dreg:$0x1] =	wrdreg $0xFFFFFFFF  }
0xa7: {  	s28 =	simm.s32 $_size_execute0_lowered;
	s2 =	sadd.s32 s2, s4;
	[dreg:$0x0] =	wrdreg $0x0  }
0xa8: {  	s4 =	sshll.u32 s28, $0x1;
	[dreg:$0x2] =	wrdreg s2  }
0xa9: {  	[dreg:$0x3] =	wrdreg s4  }
0xaa: {  	[dreg:$0x4] =	wrdreg $0xC0  }
0xab: {  	_ =	task [dreg:s6], $0x5FFFF  }
0xac: {  	[dreg:$0x1] =	wrdreg $0xFFFFFFFF  }
0xad: {  	[dreg:$0x0] =	wrdreg $0x60  }
0xae: {  	[dreg:$0x2] =	wrdreg s24  }
0xaf: {  	[dreg:$0x3] =	wrdreg $0x48000  }
0xb0: {  	[dreg:$0x4] =	wrdreg $0x9  }
0xb1: {  	_ =	task.clear_ibuf [dreg:s6], $0x5FFFF;
	_ =	strace $0x90000046  }
0xb2: {  	s29 =	simm.s32 $0x9;
	_ =	strace $0x80000048  }
0xb3: {  	_ =	swait.ge [sflag:s29], $0x1  }
0xb4: {  	[sflag:s29] =	ssyncadd.s32 $0xFFFFFFFF  }
0xb5: {  	_ =	strace $0x90000048  }
0xb6: {  	_ =	sfence  }
0xb7: {  	s30 =	sld [smem:$0x0];
	_ =	sdelay $0x2  }
0xb8: {  	s31 =	sshll.u32 s1, $0xD;
	s1 =	sshrl.u32 s1, $0x2  }
0xb9: {  	s3 =	sand.u32 $0x4000, s31;
	s1 =	sadd.s32 s1, s30  }
0xba: {  	s0 =	sor.u32 s3, s0;
	s1 =	sshll.u32 s1, $0x11  }
0xbb: {  	s0 =	sor.u32 s1, s0  }
0xbc: {  	s0 =	sadd.s32 $0x8F2B, s0  }
0xbd: {  	[sflag:s0] =	ssyncadd.remote.s32 $0x1  }
0xbe: {  	_ =	sfence.sel $0xFFFF  }
0xbf: {  	[dreg:$0x0] =	wrdreg $0xFFFFFFFF;
	(pc) =	sbr.abs _section_cstart, $3  }
0xc0: {  	[dreg:$0x1] =	wrdreg $0xFFFFFFFF  }
0xc1: {  	_ =	task.clear_ibuf [dreg:s6], $0x2FFFF;
	_ =	strace $0x9FFFFFFF  }
0xc2: {  	(tm) =	ssettm $0x7FFFFFFF  }
0xc3: {  	_ =	shalt  }
tec
execute0_lowered:
.L_overlay_start_1:
0x0: {  	(tag) =	ssettag $0x1  }
0x1: {  	s9 =	rddreg [dreg:$0x0]  }
0x2: {  	s2 =	rddreg [dreg:$0x1]  }
0x3: {  	s0 =	rddreg [dreg:$0x2];
	s3 =	simm.s32 $0x0;
	s4 =	srdreg.scid  }
0x4: {  	s1 =	stileid.u32;
	[smem:$0x7FF] =	sst s3;
	s26 =	sand.u32 $0x1, s4  }
0x5: {  	s29 =	sshll.u32 s1, $0xC;
	s30 =	sshll.u32 s1, $0xF;
	s31 =	sshll.u32 s1, $0x6  }
0x6: {  	_ =	strace $0x80000047;
	s5 =	sshll.u32 s26, $0xB;
	s28 =	sadd.s32 s29, s9  }
0x7: {  	s6 =	sadd.s32 s30, s2;
	s8 =	sor.u32 s5, s29;
	s4 =	sadd.s32 $0x4800, s28  }
0x8: {  	s5 =	sor.u32 $0x1C01, s31;
	s7 =	sshrl.u32 s6, $0x3;
	s6 =	simm.s32 $0x1  }
0x9: {  	[spmem:s7], [sflag:s5] =	dma.local [hbm:s4], $0x1000  }
0xa: {  	s8 =	sshrl.u32 s8, $0x3;
	_ =	swait.ge [sflag:s6], $0x1000  }
0xb: {  	s8 =	sadd.s32 s8, s9;
	[sflag:s6] =	ssyncset.done $0x0  }
0xc: {  	s8 =	sadd.s32 $0x2000, s8;
	[sflag:s6] =	ssyncadd.s32 $0xFFFFF000  }
0xd: {  	[tilespmem:s3], [sflag:$0x1] =	stream.linear.gather [hbm4b:s8+s3], $0x800, $0x38;
	[tilespmem:$0xC800] =	vst v63  }
0xe: {  	_ =	swait.ge [sflag:s6], $0x800  }
0xf: {  	[sflag:s6] =	ssyncset.done $0x0  }
0x10: {  	[sflag:s6] =	ssyncadd.s32 $0xFFFFF800  }
0x11: {  	s10 =	simm.s32 $0x800;
	s9 =	sadd.s32 $0x4000, s9;
	[bflag:$0x0] =	sbarrier.arrive $0xFFFF  }
0x12: {  	[tilespmem:s10], [sflag:$0x1] =	stream.linear.gather [hbm4b:s9+s3], $0x4000, $0x38;
	[tilespmem:$0xC800] =	vst v63  }
0x13: {  	_ =	swait.ge [sflag:s6], $0x4000  }
0x14: {  	[sflag:s6] =	ssyncset.done $0x0  }
0x15: {  	s11 =	simm.s32 $0x80;
	[sflag:s6] =	ssyncadd.s32 $0xFFFFC000  }
0x16: {  	[spmem:s2] =	stream.indirect.scatter.add.f32 [tilespmem:s10], [sflag:$0x1], $0x80, s3, s11, $0xb8;
	[tilespmem:$0xC800] =	vst v63  }
0x17: {  	_ =	swait.ge [sflag:s6], $0x4000  }
0x18: {  	[sflag:s6] =	ssyncset.done $0x0  }
0x19: {  	[sflag:s6] =	ssyncadd.s32 $0xFFFFC000  }
0x1a: {  	[spmem:s2] =	stream.indirect.scatter.add.f32 [tilespmem:s10], [sflag:$0x1], $0x80, s11, s11, $0xb8;
	[tilespmem:$0xC800] =	vst v63  }
0x1b: {  	_ =	swait.ge [sflag:s6], $0x4000  }
0x1c: {  	[sflag:s6] =	ssyncset.done $0x0  }
0x1d: {  	s12 =	simm.s32 $0x100;
	[sflag:s6] =	ssyncadd.s32 $0xFFFFC000  }
0x1e: {  	[spmem:s2] =	stream.indirect.scatter.add.f32 [tilespmem:s10], [sflag:$0x1], $0x80, s12, s11, $0xb8;
	[tilespmem:$0xC800] =	vst v63  }
0x1f: {  	_ =	swait.ge [sflag:s6], $0x4000  }
0x20: {  	[sflag:s6] =	ssyncset.done $0x0  }
0x21: {  	s13 =	simm.s32 $0x180;
	[sflag:s6] =	ssyncadd.s32 $0xFFFFC000  }
0x22: {  	[spmem:s2] =	stream.indirect.scatter.add.f32 [tilespmem:s10], [sflag:$0x1], $0x80, s13, s11, $0xb8;
	[tilespmem:$0xC800] =	vst v63  }
0x23: {  	_ =	swait.ge [sflag:s6], $0x4000  }
0x24: {  	[sflag:s6] =	ssyncset.done $0x0  }
0x25: {  	s14 =	simm.s32 $0x200;
	[sflag:s6] =	ssyncadd.s32 $0xFFFFC000  }
0x26: {  	[spmem:s2] =	stream.indirect.scatter.add.f32 [tilespmem:s10], [sflag:$0x1], $0x80, s14, s11, $0xb8;
	[tilespmem:$0xC800] =	vst v63  }
0x27: {  	_ =	swait.ge [sflag:s6], $0x4000  }
0x28: {  	[sflag:s6] =	ssyncset.done $0x0  }
0x29: {  	s15 =	simm.s32 $0x280;
	[sflag:s6] =	ssyncadd.s32 $0xFFFFC000  }
0x2a: {  	[spmem:s2] =	stream.indirect.scatter.add.f32 [tilespmem:s10], [sflag:$0x1], $0x80, s15, s11, $0xb8;
	[tilespmem:$0xC800] =	vst v63  }
0x2b: {  	_ =	swait.ge [sflag:s6], $0x4000  }
0x2c: {  	[sflag:s6] =	ssyncset.done $0x0  }
0x2d: {  	s16 =	simm.s32 $0x300;
	[sflag:s6] =	ssyncadd.s32 $0xFFFFC000  }
0x2e: {  	[spmem:s2] =	stream.indirect.scatter.add.f32 [tilespmem:s10], [sflag:$0x1], $0x80, s16, s11, $0xb8;
	[tilespmem:$0xC800] =	vst v63  }
0x2f: {  	_ =	swait.ge [sflag:s6], $0x4000  }
0x30: {  	[sflag:s6] =	ssyncset.done $0x0  }
0x31: {  	s17 =	simm.s32 $0x380;
	[sflag:s6] =	ssyncadd.s32 $0xFFFFC000  }
0x32: {  	[spmem:s2] =	stream.indirect.scatter.add.f32 [tilespmem:s10], [sflag:$0x1], $0x80, s17, s11, $0xb8;
	[tilespmem:$0xC800] =	vst v63  }
0x33: {  	_ =	swait.ge [sflag:s6], $0x4000  }
0x34: {  	[sflag:s6] =	ssyncset.done $0x0  }
0x35: {  	s18 =	simm.s32 $0x400;
	[sflag:s6] =	ssyncadd.s32 $0xFFFFC000  }
0x36: {  	[spmem:s2] =	stream.indirect.scatter.add.f32 [tilespmem:s10], [sflag:$0x1], $0x80, s18, s11, $0xb8;
	[tilespmem:$0xC800] =	vst v63  }
0x37: {  	_ =	swait.ge [sflag:s6], $0x4000  }
0x38: {  	[sflag:s6] =	ssyncset.done $0x0  }
0x39: {  	s19 =	simm.s32 $0x480;
	[sflag:s6] =	ssyncadd.s32 $0xFFFFC000  }
0x3a: {  	[spmem:s2] =	stream.indirect.scatter.add.f32 [tilespmem:s10], [sflag:$0x1], $0x80, s19, s11, $0xb8;
	[tilespmem:$0xC800] =	vst v63  }
0x3b: {  	_ =	swait.ge [sflag:s6], $0x4000  }
0x3c: {  	[sflag:s6] =	ssyncset.done $0x0  }
0x3d: {  	s20 =	simm.s32 $0x500;
	[sflag:s6] =	ssyncadd.s32 $0xFFFFC000  }
0x3e: {  	[spmem:s2] =	stream.indirect.scatter.add.f32 [tilespmem:s10], [sflag:$0x1], $0x80, s20, s11, $0xb8;
	[tilespmem:$0xC800] =	vst v63  }
0x3f: {  	_ =	swait.ge [sflag:s6], $0x4000  }
0x40: {  	[sflag:s6] =	ssyncset.done $0x0  }
0x41: {  	s21 =	simm.s32 $0x580;
	[sflag:s6] =	ssyncadd.s32 $0xFFFFC000  }
0x42: {  	[spmem:s2] =	stream.indirect.scatter.add.f32 [tilespmem:s10], [sflag:$0x1], $0x80, s21, s11, $0xb8;
	[tilespmem:$0xC800] =	vst v63  }
0x43: {  	_ =	swait.ge [sflag:s6], $0x4000  }
0x44: {  	[sflag:s6] =	ssyncset.done $0x0  }
0x45: {  	s22 =	simm.s32 $0x600;
	[sflag:s6] =	ssyncadd.s32 $0xFFFFC000  }
0x46: {  	[spmem:s2] =	stream.indirect.scatter.add.f32 [tilespmem:s10], [sflag:$0x1], $0x80, s22, s11, $0xb8;
	[tilespmem:$0xC800] =	vst v63  }
0x47: {  	_ =	swait.ge [sflag:s6], $0x4000  }
0x48: {  	[sflag:s6] =	ssyncset.done $0x0  }
0x49: {  	s23 =	simm.s32 $0x680;
	[sflag:s6] =	ssyncadd.s32 $0xFFFFC000  }
0x4a: {  	[spmem:s2] =	stream.indirect.scatter.add.f32 [tilespmem:s10], [sflag:$0x1], $0x80, s23, s11, $0xb8;
	[tilespmem:$0xC800] =	vst v63  }
0x4b: {  	_ =	swait.ge [sflag:s6], $0x4000  }
0x4c: {  	[sflag:s6] =	ssyncset.done $0x0  }
0x4d: {  	s24 =	simm.s32 $0x700;
	[sflag:s6] =	ssyncadd.s32 $0xFFFFC000  }
0x4e: {  	[spmem:s2] =	stream.indirect.scatter.add.f32 [tilespmem:s10], [sflag:$0x1], $0x80, s24, s11, $0xb8;
	[tilespmem:$0xC800] =	vst v63  }
0x4f: {  	s29 =	ssub.s32 $0x2, s26;
	_ =	swait.ge [sflag:s6], $0x4000  }
0x50: {  	s25 =	simm.s32 $0x780;
	s30 =	sshrl.u32 s29, $0x1;
	[sflag:s6] =	ssyncset.done $0x0  }
0x51: {  	s26 =	sshll.u32 s26, $0x10;
	s29 =	ssub.s32 s29, s30;
	[sflag:s6] =	ssyncadd.s32 $0xFFFFC000  }
0x52: {  	[spmem:s2] =	stream.indirect.scatter.add.f32 [tilespmem:s10], [sflag:$0x1], $0x80, s25, s11, $0xb8;
	[tilespmem:$0xC800] =	vst v63  }
0x53: {  	s26 =	sadd.s32 s26, s28;
	s28 =	smax.u32 s29, $0x1;
	_ =	swait.ge [sflag:s6], $0x4000  }
0x54: {  	p0 =	sne.s32 s28, $0x1;
	[sflag:s6] =	ssyncset.done $0x0  }
.Ltmp0:
0x55: {  	[sflag:s6] =	ssyncadd.s32 $0xFFFFC000;
	(pc) =	sbr.rel @!p0 .LBB2_2-.Ltmp0, $4  }
0x56: {  	s26 =	sadd.s32 $0x14A00, s26;
	[bflag:$0x0] =	sbarrier.arrive $0xFFFF  }
0x57: {  	[hbm:s26], [sflag:s5] =	dma.local [spmem:s7], $0x1000  }
0x58: {  	_ =	swait.ge [sflag:s6], $0x1000  }
0x59: {  	s28 =	sadd.s32 $0xFFFFFFFF, s28;
	[sflag:s6] =	ssyncset.done $0x0  }
.LBB2_1:
0x5a: {  	p0 =	sne.s32 s28, $0x1;
	s28 =	sadd.s32 $0xFFFFFFFF, s28;
	[sflag:s6] =	ssyncadd.s32 $0xFFFFF000  }
0x5b: {  	[spmem:s7], [sflag:s5] =	dma.local [hbm:s4], $0x1000  }
0x5c: {  	_ =	swait.ge [sflag:s6], $0x1000  }
0x5d: {  	[sflag:s6] =	ssyncset.done $0x0  }
0x5e: {  	[sflag:s6] =	ssyncadd.s32 $0xFFFFF000  }
0x5f: {  	[tilespmem:s3], [sflag:$0x1] =	stream.linear.gather [hbm4b:s8+s3], $0x800, $0x38;
	[tilespmem:$0xC800] =	vst v63  }
0x60: {  	_ =	swait.ge [sflag:s6], $0x800  }
0x61: {  	[sflag:s6] =	ssyncset.done $0x0  }
0x62: {  	[sflag:s6] =	ssyncadd.s32 $0xFFFFF800  }
0x63: {  	[bflag:$0x0] =	sbarrier.arrive $0xFFFF  }
0x64: {  	[tilespmem:s10], [sflag:$0x1] =	stream.linear.gather [hbm4b:s9+s3], $0x4000, $0x38;
	[tilespmem:$0xC800] =	vst v63  }
0x65: {  	_ =	swait.ge [sflag:s6], $0x4000  }
0x66: {  	[sflag:s6] =	ssyncset.done $0x0  }
0x67: {  	[sflag:s6] =	ssyncadd.s32 $0xFFFFC000  }
0x68: {  	[spmem:s2] =	stream.indirect.scatter.add.f32 [tilespmem:s10], [sflag:$0x1], $0x80, s3, s11, $0xb8;
	[tilespmem:$0xC800] =	vst v63  }
0x69: {  	_ =	swait.ge [sflag:s6], $0x4000  }
0x6a: {  	[sflag:s6] =	ssyncset.done $0x0  }
0x6b: {  	[sflag:s6] =	ssyncadd.s32 $0xFFFFC000  }
0x6c: {  	[spmem:s2] =	stream.indirect.scatter.add.f32 [tilespmem:s10], [sflag:$0x1], $0x80, s11, s11, $0xb8;
	[tilespmem:$0xC800] =	vst v63  }
0x6d: {  	_ =	swait.ge [sflag:s6], $0x4000  }
0x6e: {  	[sflag:s6] =	ssyncset.done $0x0  }
0x6f: {  	[sflag:s6] =	ssyncadd.s32 $0xFFFFC000  }
0x70: {  	[spmem:s2] =	stream.indirect.scatter.add.f32 [tilespmem:s10], [sflag:$0x1], $0x80, s12, s11, $0xb8;
	[tilespmem:$0xC800] =	vst v63  }
0x71: {  	_ =	swait.ge [sflag:s6], $0x4000  }
0x72: {  	[sflag:s6] =	ssyncset.done $0x0  }
0x73: {  	[sflag:s6] =	ssyncadd.s32 $0xFFFFC000  }
0x74: {  	[spmem:s2] =	stream.indirect.scatter.add.f32 [tilespmem:s10], [sflag:$0x1], $0x80, s13, s11, $0xb8;
	[tilespmem:$0xC800] =	vst v63  }
0x75: {  	_ =	swait.ge [sflag:s6], $0x4000  }
0x76: {  	[sflag:s6] =	ssyncset.done $0x0  }
0x77: {  	[sflag:s6] =	ssyncadd.s32 $0xFFFFC000  }
0x78: {  	[spmem:s2] =	stream.indirect.scatter.add.f32 [tilespmem:s10], [sflag:$0x1], $0x80, s14, s11, $0xb8;
	[tilespmem:$0xC800] =	vst v63  }
0x79: {  	_ =	swait.ge [sflag:s6], $0x4000  }
0x7a: {  	[sflag:s6] =	ssyncset.done $0x0  }
0x7b: {  	[sflag:s6] =	ssyncadd.s32 $0xFFFFC000  }
0x7c: {  	[spmem:s2] =	stream.indirect.scatter.add.f32 [tilespmem:s10], [sflag:$0x1], $0x80, s15, s11, $0xb8;
	[tilespmem:$0xC800] =	vst v63  }
0x7d: {  	_ =	swait.ge [sflag:s6], $0x4000  }
0x7e: {  	[sflag:s6] =	ssyncset.done $0x0  }
0x7f: {  	[sflag:s6] =	ssyncadd.s32 $0xFFFFC000  }
0x80: {  	[spmem:s2] =	stream.indirect.scatter.add.f32 [tilespmem:s10], [sflag:$0x1], $0x80, s16, s11, $0xb8;
	[tilespmem:$0xC800] =	vst v63  }
0x81: {  	_ =	swait.ge [sflag:s6], $0x4000  }
0x82: {  	[sflag:s6] =	ssyncset.done $0x0  }
0x83: {  	[sflag:s6] =	ssyncadd.s32 $0xFFFFC000  }
0x84: {  	[spmem:s2] =	stream.indirect.scatter.add.f32 [tilespmem:s10], [sflag:$0x1], $0x80, s17, s11, $0xb8;
	[tilespmem:$0xC800] =	vst v63  }
0x85: {  	_ =	swait.ge [sflag:s6], $0x4000  }
0x86: {  	[sflag:s6] =	ssyncset.done $0x0  }
0x87: {  	[sflag:s6] =	ssyncadd.s32 $0xFFFFC000  }
0x88: {  	[spmem:s2] =	stream.indirect.scatter.add.f32 [tilespmem:s10], [sflag:$0x1], $0x80, s18, s11, $0xb8;
	[tilespmem:$0xC800] =	vst v63  }
0x89: {  	_ =	swait.ge [sflag:s6], $0x4000  }
0x8a: {  	[sflag:s6] =	ssyncset.done $0x0  }
0x8b: {  	[sflag:s6] =	ssyncadd.s32 $0xFFFFC000  }
0x8c: {  	[spmem:s2] =	stream.indirect.scatter.add.f32 [tilespmem:s10], [sflag:$0x1], $0x80, s19, s11, $0xb8;
	[tilespmem:$0xC800] =	vst v63  }
0x8d: {  	_ =	swait.ge [sflag:s6], $0x4000  }
0x8e: {  	[sflag:s6] =	ssyncset.done $0x0  }
0x8f: {  	[sflag:s6] =	ssyncadd.s32 $0xFFFFC000  }
0x90: {  	[spmem:s2] =	stream.indirect.scatter.add.f32 [tilespmem:s10], [sflag:$0x1], $0x80, s20, s11, $0xb8;
	[tilespmem:$0xC800] =	vst v63  }
0x91: {  	_ =	swait.ge [sflag:s6], $0x4000  }
0x92: {  	[sflag:s6] =	ssyncset.done $0x0  }
0x93: {  	[sflag:s6] =	ssyncadd.s32 $0xFFFFC000  }
0x94: {  	[spmem:s2] =	stream.indirect.scatter.add.f32 [tilespmem:s10], [sflag:$0x1], $0x80, s21, s11, $0xb8;
	[tilespmem:$0xC800] =	vst v63  }
0x95: {  	_ =	swait.ge [sflag:s6], $0x4000  }
0x96: {  	[sflag:s6] =	ssyncset.done $0x0  }
0x97: {  	[sflag:s6] =	ssyncadd.s32 $0xFFFFC000  }
0x98: {  	[spmem:s2] =	stream.indirect.scatter.add.f32 [tilespmem:s10], [sflag:$0x1], $0x80, s22, s11, $0xb8;
	[tilespmem:$0xC800] =	vst v63  }
0x99: {  	_ =	swait.ge [sflag:s6], $0x4000  }
0x9a: {  	[sflag:s6] =	ssyncset.done $0x0  }
0x9b: {  	[sflag:s6] =	ssyncadd.s32 $0xFFFFC000  }
0x9c: {  	[spmem:s2] =	stream.indirect.scatter.add.f32 [tilespmem:s10], [sflag:$0x1], $0x80, s23, s11, $0xb8;
	[tilespmem:$0xC800] =	vst v63  }
0x9d: {  	_ =	swait.ge [sflag:s6], $0x4000  }
0x9e: {  	[sflag:s6] =	ssyncset.done $0x0  }
0x9f: {  	[sflag:s6] =	ssyncadd.s32 $0xFFFFC000  }
0xa0: {  	[spmem:s2] =	stream.indirect.scatter.add.f32 [tilespmem:s10], [sflag:$0x1], $0x80, s24, s11, $0xb8;
	[tilespmem:$0xC800] =	vst v63  }
0xa1: {  	_ =	swait.ge [sflag:s6], $0x4000  }
0xa2: {  	[sflag:s6] =	ssyncset.done $0x0  }
0xa3: {  	[sflag:s6] =	ssyncadd.s32 $0xFFFFC000  }
0xa4: {  	[spmem:s2] =	stream.indirect.scatter.add.f32 [tilespmem:s10], [sflag:$0x1], $0x80, s25, s11, $0xb8;
	[tilespmem:$0xC800] =	vst v63  }
0xa5: {  	_ =	swait.ge [sflag:s6], $0x4000  }
0xa6: {  	[sflag:s6] =	ssyncset.done $0x0  }
.Ltmp1:
0xa7: {  	[sflag:s6] =	ssyncadd.s32 $0xFFFFC000;
	(pc) =	sbr.rel @p0 .LBB2_1-.Ltmp1, $4  }
0xa8: {  	[bflag:$0x0] =	sbarrier.arrive $0xFFFF  }
0xa9: {  	[hbm:s26], [sflag:s5] =	dma.local [spmem:s7], $0x1000  }
0xaa: {  	_ =	swait.ge [sflag:s6], $0x1000  }
0xab: {  	[sflag:s6] =	ssyncset.done $0x0  }
.LBB2_2:
0xac: {  	[sflag:s6] =	ssyncadd.s32 $0xFFFFF000  }
0xad: {  	_ =	sfence.sel $0x180000  }
0xae: {  	[bflag:$0x0] =	sbarrier.arrive $0xFFFF  }
0xaf: {  	p0 =	sne.s32 s1, $0x0;
	_ =	strace $0x90000047  }
0xb0: {  	s0 =	sadd.s32 @!p0 $0x100000, s0;
	[bflag:$0x2] =	sbarrier.arrive $0xFFFF  }
0xb1: {  	[sflag:s0] =	ssyncadd.tile.s32 @!p0 $0x1;
	_ =	shalt  }
.Lfunc_end2:
_tile_overlayer_lowered:
.L_overlay_start_2:
0xb2: {  	(tag) =	ssettag $0x2  }
0xb3: {  	s0 =	rddreg [dreg:$0x0];
	s2 =	stileid.u32  }
0xb4: {  	s1 =	rddreg [dreg:$0x1];
	p0 =	sne.s32 s2, $0x0  }
0xb5: {  	s3 =	rddreg [dreg:$0x2];
	[bflag:$0x3] =	sbarrier.arrive $0xFFFF;
	s2 =	simm.s32 @!p0 $0x1C01  }
0xb6: {  	[timem:s3], [sflag:s2] =	dma.local @!p0 [hbm:s0], s1  }
0xb7: {  	s0 =	simm.s32 @!p0 $0x1  }
0xb8: {  	_ =	swait.ge @!p0 [sflag:s0], s1  }
0xb9: {  	s1 =	ssub.s32 @!p0 $0x0, s1;
	[sflag:s0] =	ssyncset.done @!p0 $0x0  }
0xba: {  	[sflag:s0] =	ssyncadd.s32 @!p0 s1  }
0xbb: {  	[bflag:$0x3] =	sbarrier.arrive $0xFFFF  }
0xbc: {  	_ =	shalt  }

// kernel: kernel.15.cloned.1.call-start
scs
__scs_entry_jumppad:
0x0: {  	(pc) =	sbr.rel $0x88, $3  }
0x1: {  	(tag) =	ssettag $0x0;
	lr =	simm.s32 $0x1  }
0x2: {  	[smem:$0x3F92] =	sst lr;
	_ =	strace $0xD0000000  }
0x3: {  	_ = 	snop  }
0x4: {  	_ = 	snop  }
0x5: {  	_ = 	snop  }
0x6: {  	_ = 	snop  }
0x7: {  	_ = 	snop  }
__scs_overlays_trampoline_lowered:
0x8: {  	[smem:$0x3FA1] =	sst s0  }
0x9: {  	[smem:$0x3FA2] =	sst s1  }
0xa: {  	[smem:$0x3FA3] =	sst s2  }
0xb: {  	[smem:$0x3FA4] =	sst s3  }
0xc: {  	[smem:$0x3FA5] =	sst s4  }
0xd: {  	[smem:$0x3FA6] =	sst s5  }
0xe: {  	[smem:$0x3FA7] =	sst s6  }
0xf: {  	[smem:$0x3FA8] =	sst s7  }
0x10: {  	[smem:$0x3FA9] =	sst s8  }
0x11: {  	[smem:$0x3FAA] =	sst s9;
	s0 =	simm.s32 @!p0 $0x0  }
0x12: {  	s1 =	sld [smem:$0x3F90];
	s0 =	simm.s32 @p0 $0x1  }
0x13: {  	[smem:$0x3FAB] =	sst s0;
	s0 =	simm.s32 @!p1 $0x0  }
0x14: {  	s2 =	sld [smem:$0x3F8F];
	s0 =	simm.s32 @p1 $0x1  }
0x15: {  	[smem:$0x3FAC] =	sst s0;
	s0 =	simm.s32 @!p2 $0x0  }
0x16: {  	s3 =	sld [smem:$0x3FDB];
	s0 =	simm.s32 @p2 $0x1  }
0x17: {  	s4 =	simm.s32 $0x1BF5;
	[smem:$0x3FAE] =	sst s0  }
0x18: {  	s0 =	sld [smem:$0x3F91];
	_ =	swait.ge [sflag:s4], $0x0  }
0x19: {  	s7 =	sld [smem:$0x3F92]  }
0x1a: {  	s8 =	sadd.s32 $0xFFFFE003, lr  }
0x1b: {  	s9 =	sadd.s32 $0xFFFFFEF7, lr;
	s5 =	simm.s32 $0xFFFFFFFF;
	p2 =	slt.u32 s8, $0xFFFFF086  }
0x1c: {  	p1 =	slt.u32 s9, $0xF7A;
	s5 =	simm.s32 @!p2 $0x0  }
0x1d: {  	s5 =	simm.s32 @p1 $0x1;
	p0 =	seq.s32 s7, s2  }
0x1e: {  	s7 =	smul.u32 @!p0 $0xF7A, s2;
	p2 =	seq.s32 @!p0 s5, $0x0  }
0x1f: {  	s9 =	smul.u32 $0xF7A, s1;
	s8 =	simm.s32 @!p0 $0x1BF5;
	p2 =	por !p2, p0  }
0x20: {  	[sflag:s8] =	ssyncset.s32 @!p0 $0xFFFFF086;
	s6 =	sadd.s32 @!p0 s3, s7;
	s7 =	simm.s32 @!p0 $0x108  }
0x21: {  	s3 =	sadd.s32 s3, s9;
	s6 =	sadd.s32 @!p0 $0x88, s6;
	s7 =	simm.s32 @p2 $0x1082  }
0x22: {  	[simem:s7], [sflag:s8] =	dma.local @!p0 [hbm:s6], $0xF7A  }
0x23: {  	s9 =	sor.u32 $0xD0000000, s2;
	s6 =	simm.s32 $0x108;
	_ =	swait.ge @!p0 [sflag:s8], $0x0  }
0x24: {  	s3 =	sadd.s32 $0x88, s3;
	s6 =	simm.s32 @!p1 $0x1082;
	[sflag:s4] =	ssyncset.s32 $0xFFFFF086  }
0x25: {  	[simem:s6], [sflag:s4] =	dma.local [hbm:s3], $0xF7A  }
0x26: {  	[smem:$0x3F92] =	sst s1;
	(tag) =	ssettag s2;
	_ =	strace s9  }
0x27: {  	s1 =	sld [smem:$0x3FA2]  }
0x28: {  	s2 =	sld [smem:$0x3FA3]  }
0x29: {  	s4 =	sld [smem:$0x3FA5]  }
0x2a: {  	p0 =	seq.s32 s5, $0x0;
	s5 =	sld [smem:$0x3FA6]  }
0x2b: {  	s6 =	sld [smem:$0x3FA7]  }
0x2c: {  	s7 =	sld [smem:$0x3FA8]  }
0x2d: {  	s3 =	simm.s32 $0x108;
	s8 =	sld [smem:$0x3FA9]  }
0x2e: {  	s3 =	simm.s32 @!p0 $0x1082;
	s9 =	sld [smem:$0x3FAA]  }
0x2f: {  	lr =	sadd.s32 s0, s3;
	s0 =	sld [smem:$0x3FA1]  }
0x30: {  	s3 =	sld [smem:$0x3FA4]  }
0x31: {  	[smem:$0x3FAD] =	sst s10  }
0x32: {  	s10 =	sld [smem:$0x3FAB];
	_ =	sdelay $0x3  }
0x33: {  	p0 =	seq.s32 s10, $0x1;
	s10 =	sld [smem:$0x3FAD];
	_ =	sdelay $0x3  }
0x34: {  	[smem:$0x3FAD] =	sst s10  }
0x35: {  	s10 =	sld [smem:$0x3FAC];
	_ =	sdelay $0x3  }
0x36: {  	p1 =	seq.s32 s10, $0x1;
	s10 =	sld [smem:$0x3FAD];
	_ =	sdelay $0x3  }
0x37: {  	[smem:$0x3FAD] =	sst s10  }
0x38: {  	s10 =	sld [smem:$0x3FAE]  }
0x39: {  	_ = 	snop;
	(pc) =	sbr.ind lr, $3  }
0x3a: {  	_ = 	snop  }
0x3b: {  	_ = 	snop  }
0x3c: {  	p2 =	seq.s32 s10, $0x1;
	s10 =	sld [smem:$0x3FAD]  }
0x3d: {  	_ =	shalt  }
0x3e: {  	_ =	shalt  }
0x3f: {  	_ =	shalt  }
0x40: {  	_ =	shalt  }
0x41: {  	_ =	shalt  }
0x42: {  	_ =	shalt  }
0x43: {  	_ =	shalt  }
0x44: {  	_ =	shalt  }
0x45: {  	_ =	shalt  }
0x46: {  	_ =	shalt  }
0x47: {  	_ =	shalt  }
0x48: {  	_ =	shalt  }
0x49: {  	_ =	shalt  }
0x4a: {  	_ =	shalt  }
0x4b: {  	_ =	shalt  }
0x4c: {  	_ =	shalt  }
0x4d: {  	_ =	shalt  }
0x4e: {  	_ =	shalt  }
0x4f: {  	_ =	shalt  }
0x50: {  	_ =	shalt  }
0x51: {  	_ =	shalt  }
0x52: {  	_ =	shalt  }
0x53: {  	_ =	shalt  }
0x54: {  	_ =	shalt  }
0x55: {  	_ =	shalt  }
0x56: {  	_ =	shalt  }
0x57: {  	_ =	shalt  }
0x58: {  	_ =	shalt  }
0x59: {  	_ =	shalt  }
0x5a: {  	_ =	shalt  }
0x5b: {  	_ =	shalt  }
0x5c: {  	_ =	shalt  }
0x5d: {  	_ =	shalt  }
0x5e: {  	_ =	shalt  }
0x5f: {  	_ =	shalt  }
0x60: {  	_ =	shalt  }
0x61: {  	_ =	shalt  }
0x62: {  	_ =	shalt  }
0x63: {  	_ =	shalt  }
0x64: {  	_ =	shalt  }
0x65: {  	_ =	shalt  }
0x66: {  	_ =	shalt  }
0x67: {  	_ =	shalt  }
0x68: {  	_ =	shalt  }
0x69: {  	_ =	shalt  }
0x6a: {  	_ =	shalt  }
0x6b: {  	_ =	shalt  }
0x6c: {  	_ =	shalt  }
0x6d: {  	_ =	shalt  }
0x6e: {  	_ =	shalt  }
0x6f: {  	_ =	shalt  }
0x70: {  	_ =	shalt  }
0x71: {  	_ =	shalt  }
0x72: {  	_ =	shalt  }
0x73: {  	_ =	shalt  }
0x74: {  	_ =	shalt  }
0x75: {  	_ =	shalt  }
0x76: {  	_ =	shalt  }
0x77: {  	_ =	shalt  }
0x78: {  	_ =	shalt  }
0x79: {  	_ =	shalt  }
0x7a: {  	_ =	shalt  }
0x7b: {  	_ =	shalt  }
0x7c: {  	_ =	shalt  }
0x7d: {  	_ =	shalt  }
0x7e: {  	_ =	shalt  }
0x7f: {  	_ =	shalt  }
0x80: {  	_ =	shalt  }
0x81: {  	_ =	shalt  }
0x82: {  	_ =	shalt  }
0x83: {  	_ =	shalt  }
0x84: {  	_ =	shalt  }
0x85: {  	_ =	shalt  }
0x86: {  	_ =	shalt  }
0x87: {  	_ =	shalt  }
.Lfunc_end0:
.L_simem_size_0:
called_computation.3_lowered:
.L_overlay_start_0:
0x88: {  	s2 =	sld [smem:$0x3FD9]  }
0x89: {  	s3 =	sld [smem:$0x3FFE];
	_ =	sdelay $0x1  }
0x8a: {  	s1 =	srdreg.scid  }
0x8b: {  	s0 =	sand.u32 $0x1, s1  }
0x8c: {  	s16 =	sshll.u32 s0, $0xA;
	s2 =	sadd.s32 s3, s2  }
0x8d: {  	s2 =	sadd.s32 s2, s16  }
0x8e: {  	[smem:$0x3FB9] =	sst s2  }
0x8f: {  	_ = 	snop  }
0x90: {  	(tm) =	ssettm $0x1  }
0x91: {  	s17 =	sld [smem:$0x3FFB];
	_ =	sdelay $0x3  }
0x92: {  	_ =	strace s17  }
0x93: {  	s2 =	sld [smem:$0x3FFC];
	_ =	sdelay $0x3  }
0x94: {  	_ =	strace s2  }
0x95: {  	s2 =	sld [smem:$0x3FFD];
	_ =	sdelay $0x3  }
0x96: {  	_ =	strace s2  }
0x97: {  	_ =	strace $0x8FFFFFFF  }
0x98: {  	s18 =	sld [smem:$0x3FDB];
	_ =	sdelay $0x1  }
0x99: {  	s19 =	simm.s32 $_scs_section_size  }
0x9a: {  	s4 =	simm.s32 $_size__tile_overlayer_lowered;
	s5 =	simm.s32 $_tile_overlayer_lowered  }
0x9b: {  	s22 =	simm.s32 $0x1BFF;
	s21 =	sshll.u32 s5, $0x1;
	s2 =	sadd.s32 s19, s18  }
0x9c: {  	s6 =	simm.s32 $0x0;
	s20 =	sshll.u32 s4, $0x1;
	s4 =	sadd.s32 s21, s2  }
0x9d: {  	[timem:s6], [sflag:s22] =	dma.local [hbm:s4], s20  }
0x9e: {  	_ =	swait.ge [sflag:s22], s20  }
0x9f: {  	s3 =	ssub.s32 $0x0, s20;
	[sflag:s22] =	ssyncset.done $0x0  }
0xa0: {  	[sflag:s22] =	ssyncadd.s32 s3;
	_ =	sdelay $0x1  }
0xa1: {  	s23 =	simm.s32 $0x1B8B  }
0xa2: {  	_ =	swait.ge [sflag:s23], $0x1  }
0xa3: {  	[sflag:s23] =	ssyncset.done $0x0  }
0xa4: {  	s25 =	simm.s32 $0x1B8E;
	s24 =	sld [smem:$0x3FFE];
	[sflag:s23] =	ssyncadd.s32 $0xFFFFFFFF  }
0xa5: {  	s26 =	simm.s32 $execute0_lowered;
	[smem:$0x3FD2] =	sst s25  }
0xa6: {  	s4 =	sshll.u32 s26, $0x1;
	_ =	strace $0x80000049;
	[dreg:$0x1] =	wrdreg $0xFFFFFFFF  }
0xa7: {  	s28 =	simm.s32 $_size_execute0_lowered;
	s2 =	sadd.s32 s2, s4;
	[dreg:$0x0] =	wrdreg $0x0  }
0xa8: {  	s4 =	sshll.u32 s28, $0x1;
	[dreg:$0x2] =	wrdreg s2  }
0xa9: {  	[dreg:$0x3] =	wrdreg s4  }
0xaa: {  	[dreg:$0x4] =	wrdreg $0xC0  }
0xab: {  	_ =	task [dreg:s6], $0x5FFFF  }
0xac: {  	[dreg:$0x1] =	wrdreg $0xFFFFFFFF  }
0xad: {  	[dreg:$0x0] =	wrdreg $0x60  }
0xae: {  	[dreg:$0x2] =	wrdreg s24  }
0xaf: {  	[dreg:$0x3] =	wrdreg $0x90000  }
0xb0: {  	[dreg:$0x4] =	wrdreg $0x9  }
0xb1: {  	_ =	task.clear_ibuf [dreg:s6], $0x5FFFF;
	_ =	strace $0x90000049  }
0xb2: {  	s29 =	simm.s32 $0x9;
	_ =	strace $0x8000004B  }
0xb3: {  	_ =	swait.ge [sflag:s29], $0x1  }
0xb4: {  	[sflag:s29] =	ssyncadd.s32 $0xFFFFFFFF  }
0xb5: {  	_ =	strace $0x9000004B  }
0xb6: {  	_ =	sfence  }
0xb7: {  	s30 =	sld [smem:$0x0];
	_ =	sdelay $0x2  }
0xb8: {  	s31 =	sshll.u32 s1, $0xD;
	s1 =	sshrl.u32 s1, $0x2  }
0xb9: {  	s3 =	sand.u32 $0x4000, s31;
	s1 =	sadd.s32 s1, s30  }
0xba: {  	s0 =	sor.u32 s3, s0;
	s1 =	sshll.u32 s1, $0x11  }
0xbb: {  	s0 =	sor.u32 s1, s0  }
0xbc: {  	s0 =	sadd.s32 $0x8F2B, s0  }
0xbd: {  	[sflag:s0] =	ssyncadd.remote.s32 $0x1  }
0xbe: {  	_ =	sfence.sel $0xFFFF  }
0xbf: {  	[dreg:$0x0] =	wrdreg $0xFFFFFFFF;
	(pc) =	sbr.abs _section_cstart, $3  }
0xc0: {  	[dreg:$0x1] =	wrdreg $0xFFFFFFFF  }
0xc1: {  	_ =	task.clear_ibuf [dreg:s6], $0x2FFFF;
	_ =	strace $0x9FFFFFFF  }
0xc2: {  	(tm) =	ssettm $0x7FFFFFFF  }
0xc3: {  	_ =	shalt  }
tec
execute0_lowered:
.L_overlay_start_1:
0x0: {  	(tag) =	ssettag $0x1  }
0x1: {  	s6 =	rddreg [dreg:$0x0]  }
0x2: {  	s2 =	rddreg [dreg:$0x1]  }
0x3: {  	s0 =	rddreg [dreg:$0x2];
	s3 =	simm.s32 $0x0  }
0x4: {  	s1 =	stileid.u32;
	s4 =	srdreg.scid;
	s13 =	simm.s32 $0x1000  }
0x5: {  	s14 =	simm.s32 $0x1;
	s15 =	simm.s32 $0x80;
	s16 =	simm.s32 $0xF80  }
0x6: {  	s17 =	simm.s32 $0x5000;
	s18 =	simm.s32 $0x0;
	[smem:$0x7FF] =	sst s3  }
0x7: {  	s5 =	sshll.u32 s1, $0xC;
	s7 =	sand.u32 $0x1, s4;
	s4 =	sadd.s32 $0x14A00, s6  }
0x8: {  	s11 =	sshll.u32 s1, $0xF;
	s30 =	sshll.u32 s1, $0x6;
	_ =	strace $0x8000004A  }
0x9: {  	s8 =	sadd.s32 s5, s6;
	s9 =	ssub.s32 $0x2, s7;
	s12 =	sshll.u32 s7, $0xB  }
0xa: {  	s11 =	sadd.s32 s11, s2;
	s7 =	sshll.u32 s7, $0x10;
	s10 =	sshrl.u32 s9, $0x1  }
0xb: {  	s29 =	sor.u32 s12, s5;
	s5 =	sadd.s32 $0x4800, s8;
	s31 =	sadd.s32 s7, s8  }
0xc: {  	s7 =	sor.u32 $0x1C02, s30;
	s10 =	ssub.s32 s9, s10;
	s9 =	sshrl.u32 s29, $0x3  }
0xd: {  	s11 =	sshrl.u32 s11, $0x3;
	s12 =	simm.s32 $0x2;
	s6 =	sadd.s32 s6, s9  }
0xe: {  	s9 =	sadd.s32 $0x24A00, s31;
	s10 =	smax.u32 s10, $0x1;
	s8 =	sadd.s32 $0x2000, s6  }
.LBB2_1:
0xf: {  	[spmem:s11], [sflag:s7] =	dma.local [hbm:s5], $0x1000  }
0x10: {  	_ =	swait.ge [sflag:s12], $0x1000  }
0x11: {  	[sflag:s12] =	ssyncset.done $0x0  }
0x12: {  	[sflag:s12] =	ssyncadd.s32 $0xFFFFF000  }
0x13: {  	[tilespmem:s3], [sflag:$0x2] =	stream.linear.gather [hbm4b:s6+s3], $0x800, $0x38;
	[tilespmem:$0x11000] =	vst v63  }
0x14: {  	_ =	swait.ge [sflag:s12], $0x800  }
0x15: {  	[sflag:s12] =	ssyncset.done $0x0  }
0x16: {  	s19 =	simm.s32 $0x800;
	[sflag:s12] =	ssyncadd.s32 $0xFFFFF800  }
0x17: {  	[tilespmem:s19], [sflag:$0x2] =	stream.linear.gather [hbm4b:s8+s3], $0x800, $0x38;
	[tilespmem:$0x11000] =	vst v63  }
0x18: {  	_ =	swait.ge [sflag:s12], $0x800  }
0x19: {  	[sflag:s12] =	ssyncset.done $0x0  }
0x1a: {  	s20 =	sand.u32 $0x1, s3;
	[sflag:s12] =	ssyncadd.s32 $0xFFFFF800  }
0x1b: {  	p0 =	seq.s32 s20, $0x1;
	[bflag:$0x0] =	sbarrier.arrive $0xFFFF  }
0x1c: {  	[tilespmem:s13], [sflag:$0x1] =	stream.indirect.gather [hbm4b:s4+s15], $0x80, s3, s15, $0xb8;
	[tilespmem:$0x11000] =	vst v63  }
0x1d: {  	s20 =	simm.s32 @p0 $0x80;
	s21 =	simm.s32 @p0 $0x1000;
	s22 =	simm.s32 @p0 $0x1  }
0x1e: {  	[tilespmem:s21], [sflag:$0x1] =	stream.indirect.gather @p0 [hbm4b:s4+s20], $0x80, s15, s20, $0xb8;
	[tilespmem:$0x11000] =	vst v63  }
0x1f: {  	_ =	swait.ge @p0 [sflag:s22], $0x4000  }
0x20: {  	[sflag:s22] =	ssyncset.done @p0 $0x0  }
0x21: {  	s21 =	simm.s32 @p0 $0x5000;
	[sflag:s22] =	ssyncadd.s32 @p0 $0xFFFFC000  }
0x22: {  	[spmem:s2] =	stream.indirect.scatter.add.f32 @p0 [tilespmem:s21], [sflag:$0x2], $0x80, s19, s20, $0xb8;
	[tilespmem:$0x11000] =	vst v63  }
0x23: {  	s23 =	simm.s32 @!p0 $0x1;
	s20 =	simm.s32 @!p0 $0x80;
	s21 =	simm.s32 @!p0 $0x5000  }
0x24: {  	[tilespmem:s21], [sflag:$0x1] =	stream.indirect.gather @!p0 [hbm4b:s4+s20], $0x80, s15, s20, $0xb8;
	[tilespmem:$0x11000] =	vst v63  }
0x25: {  	_ =	swait.ge @!p0 [sflag:s23], $0x4000  }
0x26: {  	s24 =	simm.s32 $0x1;
	s22 =	simm.s32 @!p0 $0x3;
	[sflag:s23] =	ssyncset.done @!p0 $0x0  }
0x27: {  	s22 =	simm.s32 @p0 $0x2;
	s21 =	simm.s32 @!p0 $0x1000;
	[sflag:s23] =	ssyncadd.s32 @!p0 $0xFFFFC000  }
0x28: {  	[spmem:s2] =	stream.indirect.scatter.add.f32 @!p0 [tilespmem:s21], [sflag:$0x3], $0x80, s19, s20, $0xb8;
	[tilespmem:$0x11000] =	vst v63  }
0x29: {  	s23 =	sand.u32 $0x1, s24;
	s21 =	simm.s32 $0x2;
	_ =	swait.ge [sflag:s22], $0x4000  }
0x2a: {  	s20 =	simm.s32 $0x100;
	s19 =	simm.s32 $0x880;
	[sflag:s22] =	ssyncset.done $0x0  }
.LBB2_2:
0x2b: {  	p0 =	seq.s32 s23, $0x1  }
0x2c: {  	[sflag:s22] =	ssyncadd.s32 $0xFFFFC000;
	s23 =	smov.u32 s21;
	s21 =	sadd.s32 $0x1, s21  }
0x2d: {  	s24 =	simm.s32 @p0 $0x80;
	s22 =	simm.s32 @p0 $0x1000;
	s25 =	simm.s32 @p0 $0x1  }
0x2e: {  	[tilespmem:s22], [sflag:$0x1] =	stream.indirect.gather @p0 [hbm4b:s4+s24], $0x80, s20, s24, $0xb8;
	[tilespmem:$0x11000] =	vst v63  }
0x2f: {  	p1 =	sne.s32 s21, $0xF;
	s22 =	simm.s32 @!p0 $0x3;
	_ =	swait.ge @p0 [sflag:s25], $0x4000  }
0x30: {  	[sflag:s25] =	ssyncset.done @p0 $0x0  }
0x31: {  	[sflag:s25] =	ssyncadd.s32 @p0 $0xFFFFC000;
	s25 =	simm.s32 @p0 $0x5000  }
0x32: {  	[spmem:s2] =	stream.indirect.scatter.add.f32 @p0 [tilespmem:s25], [sflag:$0x2], $0x80, s19, s24, $0xb8;
	[tilespmem:$0x11000] =	vst v63  }
0x33: {  	s26 =	simm.s32 @!p0 $0x1;
	s24 =	simm.s32 @!p0 $0x80;
	s25 =	simm.s32 @!p0 $0x5000  }
0x34: {  	[tilespmem:s25], [sflag:$0x1] =	stream.indirect.gather @!p0 [hbm4b:s4+s24], $0x80, s20, s24, $0xb8;
	[tilespmem:$0x11000] =	vst v63  }
0x35: {  	_ =	swait.ge @!p0 [sflag:s26], $0x4000  }
.Ltmp0:
0x36: {  	[sflag:s26] =	ssyncset.done @!p0 $0x0;
	(pc) =	sbr.rel @p1 .LBB2_2-.Ltmp0, $4  }
0x37: {  	s22 =	simm.s32 @p0 $0x2;
	s25 =	simm.s32 @!p0 $0x1000;
	[sflag:s26] =	ssyncadd.s32 @!p0 $0xFFFFC000  }
0x38: {  	[spmem:s2] =	stream.indirect.scatter.add.f32 @!p0 [tilespmem:s25], [sflag:$0x3], $0x80, s19, s24, $0xb8;
	[tilespmem:$0x11000] =	vst v63  }
0x39: {  	s20 =	sadd.s32 $0x80, s20;
	_ =	swait.ge [sflag:s22], $0x4000  }
0x3a: {  	s23 =	sand.u32 $0x1, s23;
	s19 =	sadd.s32 $0x80, s19;
	[sflag:s22] =	ssyncset.done $0x0  }
0x3b: {  	p0 =	seq.s32 s23, $0x1;
	[sflag:s22] =	ssyncadd.s32 $0xFFFFC000  }
0x3c: {  	s21 =	simm.s32 @p0 $0x80;
	s22 =	simm.s32 @p0 $0x1000;
	s23 =	simm.s32 @p0 $0x1  }
0x3d: {  	[tilespmem:s22], [sflag:$0x1] =	stream.indirect.gather @p0 [hbm4b:s4+s21], $0x80, s20, s21, $0xb8;
	[tilespmem:$0x11000] =	vst v63  }
0x3e: {  	_ =	swait.ge @p0 [sflag:s23], $0x4000  }
0x3f: {  	[sflag:s23] =	ssyncset.done @p0 $0x0  }
0x40: {  	s22 =	simm.s32 @p0 $0x5000;
	[sflag:s23] =	ssyncadd.s32 @p0 $0xFFFFC000  }
0x41: {  	[spmem:s2] =	stream.indirect.scatter.add.f32 @p0 [tilespmem:s22], [sflag:$0x2], $0x80, s19, s21, $0xb8;
	[tilespmem:$0x11000] =	vst v63  }
0x42: {  	s23 =	simm.s32 @!p0 $0x1;
	s21 =	simm.s32 @!p0 $0x80;
	s22 =	simm.s32 @!p0 $0x5000  }
0x43: {  	[tilespmem:s22], [sflag:$0x1] =	stream.indirect.gather @!p0 [hbm4b:s4+s21], $0x80, s20, s21, $0xb8;
	[tilespmem:$0x11000] =	vst v63  }
0x44: {  	_ =	swait.ge @!p0 [sflag:s23], $0x4000  }
0x45: {  	s20 =	simm.s32 @!p0 $0x3;
	[sflag:s23] =	ssyncset.done @!p0 $0x0  }
0x46: {  	s22 =	simm.s32 @!p0 $0x1000;
	s20 =	simm.s32 @p0 $0x2;
	[sflag:s23] =	ssyncadd.s32 @!p0 $0xFFFFC000  }
0x47: {  	[spmem:s2] =	stream.indirect.scatter.add.f32 @!p0 [tilespmem:s22], [sflag:$0x3], $0x80, s19, s21, $0xb8;
	[tilespmem:$0x11000] =	vst v63  }
0x48: {  	_ =	swait.ge [sflag:s20], $0x4000  }
0x49: {  	[sflag:s20] =	ssyncset.done $0x0  }
0x4a: {  	[sflag:s20] =	ssyncadd.s32 $0xFFFFC000  }
0x4b: {  	_ =	swait.ge [sflag:s14], $0x4000  }
0x4c: {  	[sflag:s14] =	ssyncset.done $0x0  }
0x4d: {  	[sflag:s14] =	ssyncadd.s32 $0xFFFFC000  }
0x4e: {  	[spmem:s2] =	stream.indirect.scatter.add.f32 [tilespmem:s17], [sflag:$0x2], $0x80, s16, s15, $0xb8;
	[tilespmem:$0x11000] =	vst v63  }
0x4f: {  	_ =	swait.ge [sflag:s12], $0x4000  }
0x50: {  	s18 =	sadd.s32 $0x1, s18;
	[sflag:s12] =	ssyncset.done $0x0  }
0x51: {  	p0 =	sne.s32 s18, s10;
	[sflag:s12] =	ssyncadd.s32 $0xFFFFC000  }
.Ltmp1:
0x52: {  	[bflag:$0x0] =	sbarrier.arrive $0xFFFF;
	(pc) =	sbr.rel @p0 .LBB2_1-.Ltmp1, $4  }
0x53: {  	[hbm:s9], [sflag:s7] =	dma.local [spmem:s11], $0x1000  }
0x54: {  	_ =	swait.ge [sflag:s12], $0x1000  }
0x55: {  	[sflag:s12] =	ssyncset.done $0x0  }
0x56: {  	[sflag:s12] =	ssyncadd.s32 $0xFFFFF000  }
0x57: {  	_ =	sfence.sel $0x180000  }
0x58: {  	[bflag:$0x0] =	sbarrier.arrive $0xFFFF  }
0x59: {  	p0 =	sne.s32 s1, $0x0;
	_ =	strace $0x9000004A  }
0x5a: {  	s0 =	sadd.s32 @!p0 $0x100000, s0;
	[bflag:$0x2] =	sbarrier.arrive $0xFFFF  }
0x5b: {  	[sflag:s0] =	ssyncadd.tile.s32 @!p0 $0x1;
	_ =	shalt  }
.Lfunc_end2:
_tile_overlayer_lowered:
.L_overlay_start_2:
0x5c: {  	(tag) =	ssettag $0x2  }
0x5d: {  	s0 =	rddreg [dreg:$0x0];
	s2 =	stileid.u32  }
0x5e: {  	s1 =	rddreg [dreg:$0x1];
	p0 =	sne.s32 s2, $0x0  }
0x5f: {  	s3 =	rddreg [dreg:$0x2];
	[bflag:$0x3] =	sbarrier.arrive $0xFFFF;
	s2 =	simm.s32 @!p0 $0x1C02  }
0x60: {  	[timem:s3], [sflag:s2] =	dma.local @!p0 [hbm:s0], s1  }
0x61: {  	s0 =	simm.s32 @!p0 $0x2  }
0x62: {  	_ =	swait.ge @!p0 [sflag:s0], s1  }
0x63: {  	s1 =	ssub.s32 @!p0 $0x0, s1;
	[sflag:s0] =	ssyncset.done @!p0 $0x0  }
0x64: {  	[sflag:s0] =	ssyncadd.s32 @!p0 s1  }
0x65: {  	[bflag:$0x3] =	sbarrier.arrive $0xFFFF  }
0x66: {  	_ =	shalt  }

// kernel: kernel.18.cloned.1.call-start
scs
__scs_entry_jumppad:
0x0: {  	(pc) =	sbr.rel $0x88, $3  }
0x1: {  	(tag) =	ssettag $0x0;
	lr =	simm.s32 $0x1  }
0x2: {  	[smem:$0x3F92] =	sst lr;
	_ =	strace $0xD0000000  }
0x3: {  	_ = 	snop  }
0x4: {  	_ = 	snop  }
0x5: {  	_ = 	snop  }
0x6: {  	_ = 	snop  }
0x7: {  	_ = 	snop  }
__scs_overlays_trampoline_lowered:
0x8: {  	[smem:$0x3FA1] =	sst s0  }
0x9: {  	[smem:$0x3FA2] =	sst s1  }
0xa: {  	[smem:$0x3FA3] =	sst s2  }
0xb: {  	[smem:$0x3FA4] =	sst s3  }
0xc: {  	[smem:$0x3FA5] =	sst s4  }
0xd: {  	[smem:$0x3FA6] =	sst s5  }
0xe: {  	[smem:$0x3FA7] =	sst s6  }
0xf: {  	[smem:$0x3FA8] =	sst s7  }
0x10: {  	[smem:$0x3FA9] =	sst s8  }
0x11: {  	[smem:$0x3FAA] =	sst s9;
	s0 =	simm.s32 @!p0 $0x0  }
0x12: {  	s1 =	sld [smem:$0x3F90];
	s0 =	simm.s32 @p0 $0x1  }
0x13: {  	[smem:$0x3FAB] =	sst s0;
	s0 =	simm.s32 @!p1 $0x0  }
0x14: {  	s2 =	sld [smem:$0x3F8F];
	s0 =	simm.s32 @p1 $0x1  }
0x15: {  	[smem:$0x3FAC] =	sst s0;
	s0 =	simm.s32 @!p2 $0x0  }
0x16: {  	s3 =	sld [smem:$0x3FDB];
	s0 =	simm.s32 @p2 $0x1  }
0x17: {  	s4 =	simm.s32 $0x1BF5;
	[smem:$0x3FAE] =	sst s0  }
0x18: {  	s0 =	sld [smem:$0x3F91];
	_ =	swait.ge [sflag:s4], $0x0  }
0x19: {  	s7 =	sld [smem:$0x3F92]  }
0x1a: {  	s8 =	sadd.s32 $0xFFFFE003, lr  }
0x1b: {  	s9 =	sadd.s32 $0xFFFFFEF7, lr;
	s5 =	simm.s32 $0xFFFFFFFF;
	p2 =	slt.u32 s8, $0xFFFFF086  }
0x1c: {  	p1 =	slt.u32 s9, $0xF7A;
	s5 =	simm.s32 @!p2 $0x0  }
0x1d: {  	s5 =	simm.s32 @p1 $0x1;
	p0 =	seq.s32 s7, s2  }
0x1e: {  	s7 =	smul.u32 @!p0 $0xF7A, s2;
	p2 =	seq.s32 @!p0 s5, $0x0  }
0x1f: {  	s9 =	smul.u32 $0xF7A, s1;
	s8 =	simm.s32 @!p0 $0x1BF5;
	p2 =	por !p2, p0  }
0x20: {  	[sflag:s8] =	ssyncset.s32 @!p0 $0xFFFFF086;
	s6 =	sadd.s32 @!p0 s3, s7;
	s7 =	simm.s32 @!p0 $0x108  }
0x21: {  	s3 =	sadd.s32 s3, s9;
	s6 =	sadd.s32 @!p0 $0x88, s6;
	s7 =	simm.s32 @p2 $0x1082  }
0x22: {  	[simem:s7], [sflag:s8] =	dma.local @!p0 [hbm:s6], $0xF7A  }
0x23: {  	s9 =	sor.u32 $0xD0000000, s2;
	s6 =	simm.s32 $0x108;
	_ =	swait.ge @!p0 [sflag:s8], $0x0  }
0x24: {  	s3 =	sadd.s32 $0x88, s3;
	s6 =	simm.s32 @!p1 $0x1082;
	[sflag:s4] =	ssyncset.s32 $0xFFFFF086  }
0x25: {  	[simem:s6], [sflag:s4] =	dma.local [hbm:s3], $0xF7A  }
0x26: {  	[smem:$0x3F92] =	sst s1;
	(tag) =	ssettag s2;
	_ =	strace s9  }
0x27: {  	s1 =	sld [smem:$0x3FA2]  }
0x28: {  	s2 =	sld [smem:$0x3FA3]  }
0x29: {  	s4 =	sld [smem:$0x3FA5]  }
0x2a: {  	p0 =	seq.s32 s5, $0x0;
	s5 =	sld [smem:$0x3FA6]  }
0x2b: {  	s6 =	sld [smem:$0x3FA7]  }
0x2c: {  	s7 =	sld [smem:$0x3FA8]  }
0x2d: {  	s3 =	simm.s32 $0x108;
	s8 =	sld [smem:$0x3FA9]  }
0x2e: {  	s3 =	simm.s32 @!p0 $0x1082;
	s9 =	sld [smem:$0x3FAA]  }
0x2f: {  	lr =	sadd.s32 s0, s3;
	s0 =	sld [smem:$0x3FA1]  }
0x30: {  	s3 =	sld [smem:$0x3FA4]  }
0x31: {  	[smem:$0x3FAD] =	sst s10  }
0x32: {  	s10 =	sld [smem:$0x3FAB];
	_ =	sdelay $0x3  }
0x33: {  	p0 =	seq.s32 s10, $0x1;
	s10 =	sld [smem:$0x3FAD];
	_ =	sdelay $0x3  }
0x34: {  	[smem:$0x3FAD] =	sst s10  }
0x35: {  	s10 =	sld [smem:$0x3FAC];
	_ =	sdelay $0x3  }
0x36: {  	p1 =	seq.s32 s10, $0x1;
	s10 =	sld [smem:$0x3FAD];
	_ =	sdelay $0x3  }
0x37: {  	[smem:$0x3FAD] =	sst s10  }
0x38: {  	s10 =	sld [smem:$0x3FAE]  }
0x39: {  	_ = 	snop;
	(pc) =	sbr.ind lr, $3  }
0x3a: {  	_ = 	snop  }
0x3b: {  	_ = 	snop  }
0x3c: {  	p2 =	seq.s32 s10, $0x1;
	s10 =	sld [smem:$0x3FAD]  }
0x3d: {  	_ =	shalt  }
0x3e: {  	_ =	shalt  }
0x3f: {  	_ =	shalt  }
0x40: {  	_ =	shalt  }
0x41: {  	_ =	shalt  }
0x42: {  	_ =	shalt  }
0x43: {  	_ =	shalt  }
0x44: {  	_ =	shalt  }
0x45: {  	_ =	shalt  }
0x46: {  	_ =	shalt  }
0x47: {  	_ =	shalt  }
0x48: {  	_ =	shalt  }
0x49: {  	_ =	shalt  }
0x4a: {  	_ =	shalt  }
0x4b: {  	_ =	shalt  }
0x4c: {  	_ =	shalt  }
0x4d: {  	_ =	shalt  }
0x4e: {  	_ =	shalt  }
0x4f: {  	_ =	shalt  }
0x50: {  	_ =	shalt  }
0x51: {  	_ =	shalt  }
0x52: {  	_ =	shalt  }
0x53: {  	_ =	shalt  }
0x54: {  	_ =	shalt  }
0x55: {  	_ =	shalt  }
0x56: {  	_ =	shalt  }
0x57: {  	_ =	shalt  }
0x58: {  	_ =	shalt  }
0x59: {  	_ =	shalt  }
0x5a: {  	_ =	shalt  }
0x5b: {  	_ =	shalt  }
0x5c: {  	_ =	shalt  }
0x5d: {  	_ =	shalt  }
0x5e: {  	_ =	shalt  }
0x5f: {  	_ =	shalt  }
0x60: {  	_ =	shalt  }
0x61: {  	_ =	shalt  }
0x62: {  	_ =	shalt  }
0x63: {  	_ =	shalt  }
0x64: {  	_ =	shalt  }
0x65: {  	_ =	shalt  }
0x66: {  	_ =	shalt  }
0x67: {  	_ =	shalt  }
0x68: {  	_ =	shalt  }
0x69: {  	_ =	shalt  }
0x6a: {  	_ =	shalt  }
0x6b: {  	_ =	shalt  }
0x6c: {  	_ =	shalt  }
0x6d: {  	_ =	shalt  }
0x6e: {  	_ =	shalt  }
0x6f: {  	_ =	shalt  }
0x70: {  	_ =	shalt  }
0x71: {  	_ =	shalt  }
0x72: {  	_ =	shalt  }
0x73: {  	_ =	shalt  }
0x74: {  	_ =	shalt  }
0x75: {  	_ =	shalt  }
0x76: {  	_ =	shalt  }
0x77: {  	_ =	shalt  }
0x78: {  	_ =	shalt  }
0x79: {  	_ =	shalt  }
0x7a: {  	_ =	shalt  }
0x7b: {  	_ =	shalt  }
0x7c: {  	_ =	shalt  }
0x7d: {  	_ =	shalt  }
0x7e: {  	_ =	shalt  }
0x7f: {  	_ =	shalt  }
0x80: {  	_ =	shalt  }
0x81: {  	_ =	shalt  }
0x82: {  	_ =	shalt  }
0x83: {  	_ =	shalt  }
0x84: {  	_ =	shalt  }
0x85: {  	_ =	shalt  }
0x86: {  	_ =	shalt  }
0x87: {  	_ =	shalt  }
.Lfunc_end0:
.L_simem_size_0:
called_computation.4_lowered:
.L_overlay_start_0:
0x88: {  	s2 =	sld [smem:$0x3FD9]  }
0x89: {  	s3 =	sld [smem:$0x3FFE];
	_ =	sdelay $0x1  }
0x8a: {  	s1 =	srdreg.scid  }
0x8b: {  	s0 =	sand.u32 $0x1, s1  }
0x8c: {  	s17 =	sshll.u32 s0, $0xA;
	s2 =	sadd.s32 s3, s2  }
0x8d: {  	s2 =	sadd.s32 s2, s17  }
0x8e: {  	[smem:$0x3FB9] =	sst s2  }
0x8f: {  	_ = 	snop  }
0x90: {  	(tm) =	ssettm $0x1  }
0x91: {  	s18 =	sld [smem:$0x3FFB];
	_ =	sdelay $0x3  }
0x92: {  	_ =	strace s18  }
0x93: {  	s2 =	sld [smem:$0x3FFC];
	_ =	sdelay $0x3  }
0x94: {  	_ =	strace s2  }
0x95: {  	s2 =	sld [smem:$0x3FFD];
	_ =	sdelay $0x3  }
0x96: {  	_ =	strace s2  }
0x97: {  	_ =	strace $0x8FFFFFFF  }
0x98: {  	s19 =	sld [smem:$0x3FDB];
	_ =	sdelay $0x1  }
0x99: {  	s20 =	simm.s32 $_scs_section_size  }
0x9a: {  	s4 =	simm.s32 $_size__tile_overlayer_lowered;
	s5 =	simm.s32 $_tile_overlayer_lowered  }
0x9b: {  	s6 =	simm.s32 $0x1BFF;
	s21 =	sshll.u32 s5, $0x1;
	s3 =	sadd.s32 s20, s19  }
0x9c: {  	s22 =	simm.s32 $0x0;
	s4 =	sshll.u32 s4, $0x1;
	s5 =	sadd.s32 s21, s3  }
0x9d: {  	[timem:s22], [sflag:s6] =	dma.local [hbm:s5], s4  }
0x9e: {  	_ =	swait.ge [sflag:s6], s4  }
0x9f: {  	s4 =	ssub.s32 $0x0, s4;
	[sflag:s6] =	ssyncset.done $0x0  }
0xa0: {  	[sflag:s6] =	ssyncadd.s32 s4;
	_ =	sdelay $0x1  }
0xa1: {  	s23 =	simm.s32 $0x1B8B  }
0xa2: {  	_ =	swait.ge [sflag:s23], $0x1  }
0xa3: {  	[sflag:s23] =	ssyncset.done $0x0  }
0xa4: {  	[sflag:s23] =	ssyncadd.s32 $0xFFFFFFFF  }
0xa5: {  	s4 =	sld [smem:$0x0]  }
0xa6: {  	s5 =	sand.u32 $0xFFFFFFFE, s1  }
0xa7: {  	p0 =	sne.s32 s1, s5  }
0xa8: {  	s5 =	sshll.u32 @p0 s5, $0xE  }
0xa9: {  	s5 =	sadd.s32 @p0 $0x11B8D, s5;
	s6 =	sshll.u32 @p0 s4, $0x11  }
0xaa: {  	s5 =	sor.u32 @p0 s6, s5  }
0xab: {  	[sflag:s5] =	ssyncadd.remote.s32 @p0 $0x1;
	_ =	sdelay $0x1  }
0xac: {  	s5 =	simm.s32 @p0 $0x1B8D  }
0xad: {  	_ =	swait.eq @p0 [sflag:s5], $0x1  }
0xae: {  	[sflag:s5] =	ssyncadd.s32 @p0 $0xFFFFFFFF  }
0xaf: {  	s6 =	sshll.u32 @!p0 s1, $0xE  }
0xb0: {  	s6 =	sor.u32 @!p0 $0x4000, s6;
	s5 =	simm.s32 @!p0 $0x1B8D  }
0xb1: {  	s4 =	sshll.u32 @!p0 s4, $0x11;
	s6 =	sadd.s32 @!p0 $0x11B8D, s6;
	_ =	swait.eq @!p0 [sflag:s5], $0x1  }
0xb2: {  	s4 =	sor.u32 @!p0 s4, s6;
	[sflag:s5] =	ssyncadd.s32 @!p0 $0xFFFFFFFF  }
0xb3: {  	s25 =	simm.s32 $0x1B8E;
	s24 =	sld [smem:$0x3FFE];
	[sflag:s4] =	ssyncadd.remote.s32 @!p0 $0x1  }
0xb4: {  	s26 =	simm.s32 $execute0_lowered;
	[smem:$0x3FD2] =	sst s25  }
0xb5: {  	s5 =	sshll.u32 s26, $0x1;
	_ =	strace $0x80000052;
	[dreg:$0x1] =	wrdreg $0xFFFFFFFF  }
0xb6: {  	s28 =	simm.s32 $_size_execute0_lowered;
	s3 =	sadd.s32 s3, s5;
	[dreg:$0x0] =	wrdreg $0x0  }
0xb7: {  	s5 =	sshll.u32 s28, $0x1;
	[dreg:$0x2] =	wrdreg s3  }
0xb8: {  	[dreg:$0x3] =	wrdreg s5  }
0xb9: {  	[dreg:$0x4] =	wrdreg $0xC0  }
0xba: {  	_ =	task [dreg:s22], $0x5FFFF  }
0xbb: {  	[dreg:$0x1] =	wrdreg $0xFFFFFFFF  }
0xbc: {  	[dreg:$0x0] =	wrdreg $0x60  }
0xbd: {  	[dreg:$0x2] =	wrdreg s24  }
0xbe: {  	[dreg:$0x3] =	wrdreg $0xB0000  }
0xbf: {  	[dreg:$0x4] =	wrdreg $0x9  }
0xc0: {  	_ =	task.clear_ibuf [dreg:s22], $0x5FFFF;
	_ =	strace $0x90000052  }
0xc1: {  	s29 =	simm.s32 $0x9;
	_ =	strace $0x80000054  }
0xc2: {  	_ =	swait.ge [sflag:s29], $0x1  }
0xc3: {  	[sflag:s29] =	ssyncadd.s32 $0xFFFFFFFF  }
0xc4: {  	_ =	strace $0x90000054  }
0xc5: {  	_ =	sfence  }
0xc6: {  	s30 =	sld [smem:$0x0];
	_ =	sdelay $0x2  }
0xc7: {  	s31 =	sshll.u32 s1, $0xD;
	s1 =	sshrl.u32 s1, $0x2  }
0xc8: {  	s4 =	sand.u32 $0x4000, s31;
	s1 =	sadd.s32 s1, s30  }
0xc9: {  	s0 =	sor.u32 s4, s0;
	s1 =	sshll.u32 s1, $0x11  }
0xca: {  	s0 =	sor.u32 s1, s0  }
0xcb: {  	s0 =	sadd.s32 $0x8F2B, s0  }
0xcc: {  	[sflag:s0] =	ssyncadd.remote.s32 $0x1  }
0xcd: {  	_ =	sfence.sel $0xFFFF  }
0xce: {  	[dreg:$0x0] =	wrdreg $0xFFFFFFFF;
	(pc) =	sbr.abs _section_cstart, $3  }
0xcf: {  	[dreg:$0x1] =	wrdreg $0xFFFFFFFF  }
0xd0: {  	_ =	task.clear_ibuf [dreg:s22], $0x2FFFF;
	_ =	strace $0x9FFFFFFF  }
0xd1: {  	(tm) =	ssettm $0x7FFFFFFF  }
tec
execute0_lowered:
.L_overlay_start_1:
0x0: {  	(tag) =	ssettag $0x1  }
0x1: {  	s8 =	rddreg [dreg:$0x0]  }
0x2: {  	s1 =	rddreg [dreg:$0x1]  }
0x3: {  	s2 =	simm.s32 $0x0;
	s3 =	srdreg.scid;
	s15 =	simm.s32 $0x800  }
0x4: {  	s16 =	simm.s32 $0x9000;
	s17 =	simm.s32 $0xA000;
	s18 =	simm.s32 $0x1000  }
0x5: {  	s19 =	simm.s32 $0x1;
	s20 =	simm.s32 $0x80;
	s21 =	simm.s32 $0xF80  }
0x6: {  	s22 =	simm.s32 $0x5000;
	s23 =	simm.s32 $0x0;
	[smem:$0x7FF] =	sst s2  }
0x7: {  	s4 =	sadd.s32 $0xACA00, s8;
	s9 =	sand.u32 $0x1, s3;
	s5 =	sadd.s32 $0x4400, s8  }
0x8: {  	s3 =	stileid.u32;
	s6 =	sadd.s32 $0x4200, s8;
	_ =	strace $0x80000053  }
0x9: {  	s7 =	ssub.s32 $0x2, s9;
	s10 =	sshll.u32 s3, $0xD;
	s28 =	sshll.u32 s3, $0x10  }
0xa: {  	s29 =	sshll.u32 s3, $0x9;
	s14 =	sshll.u32 s9, $0x8;
	s9 =	sshll.u32 s9, $0x11  }
0xb: {  	s30 =	sshll.u32 s3, $0x6;
	s11 =	sshrl.u32 s7, $0x1;
	s10 =	sadd.s32 s10, s8  }
0xc: {  	s13 =	sadd.s32 s28, s1;
	s12 =	ssub.s32 s7, s11;
	s7 =	sadd.s32 $0x4CA00, s10  }
0xd: {  	s11 =	sor.u32 s14, s29;
	s31 =	sadd.s32 s9, s10;
	s9 =	sor.u32 $0x1C02, s30  }
0xe: {  	s13 =	sshrl.u32 s13, $0x3;
	s14 =	simm.s32 $0x2;
	s8 =	sadd.s32 s8, s11  }
0xf: {  	v0 =	vimm.s32 $0x0;
	s11 =	sadd.s32 $0xCCA00, s31;
	s12 =	smax.u32 s12, $0x1;
	s10 =	sadd.s32 $0x2000, s8  }
.LBB2_1:
0x10: {  	[spmem:s13], [sflag:s9] =	dma.local [hbm:s7], $0x2000  }
0x11: {  	_ =	swait.ge [sflag:s14], $0x2000  }
0x12: {  	[sflag:s14] =	ssyncset.done $0x0  }
0x13: {  	[sflag:s14] =	ssyncadd.s32 $0xFFFFE000  }
0x14: {  	[tilespmem:s2], [sflag:$0x2] =	stream.linear.gather [hbm4b:s8+s2], $0x800, $0x38;
	[tilespmem:$0x1B000] =	vst v63  }
0x15: {  	_ =	swait.ge [sflag:s14], $0x800  }
0x16: {  	[sflag:s14] =	ssyncset.done $0x0  }
0x17: {  	[sflag:s14] =	ssyncadd.s32 $0xFFFFF800  }
0x18: {  	[tilespmem:s15], [sflag:$0x2] =	stream.linear.gather [hbm4b:s10+s2], $0x800, $0x38;
	[tilespmem:$0x1B000] =	vst v63  }
0x19: {  	_ =	swait.ge [sflag:s14], $0x800  }
0x1a: {  	[sflag:s14] =	ssyncset.done $0x0  }
0x1b: {  	[sflag:s14] =	ssyncadd.s32 $0xFFFFF800  }
0x1c: {  	[tilespmem:s16], [sflag:$0x2] =	stream.linear.gather [hbm4b:s5+s2], $0x1000, $0x38;
	[tilespmem:$0x1B000] =	vst v63  }
0x1d: {  	_ =	swait.ge [sflag:s14], $0x1000  }
0x1e: {  	[sflag:s14] =	ssyncset.done $0x0  }
0x1f: {  	[sflag:s14] =	ssyncadd.s32 $0xFFFFF000  }
0x20: {  	[tilespmem:s17], [sflag:$0x2] =	stream.linear.gather [hbm4b:s6+s2], $0x1000, $0x38;
	[tilespmem:$0x1B000] =	vst v63  }
0x21: {  	_ =	swait.ge [sflag:s14], $0x1000  }
0x22: {  	[sflag:s14] =	ssyncset.done $0x0  }
0x23: {  	[sflag:s14] =	ssyncadd.s32 $0xFFFFF000  }
0x24: {  	s24 =	simm.s32 $0x0;
	[bflag:$0x0] =	sbarrier.arrive $0xFFFF  }
0x25: {  	v1 =	vld [tilespmem:s24+$0x0]  }
0x26: {  	v2 =	vld [tilespmem:s24+$0x800];
	_ =	sdelay $0x6  }
0x27: {  	v3 =	vld.idx.msk [tilespmem:v1+s17+$0x0], $0xffff  }
0x28: {  	v4 =	vld.idx.msk [tilespmem:v2+s16+$0x0], $0xffff;
	_ =	sdelay $0x3  }
0x29: {  	v5 =	vld [tilespmem:s24+$0x810]  }
0x2a: {  	v3 =	vadd.f32 v3, v4;
	v4 =	vld [tilespmem:s24+$0x10];
	_ =	sdelay $0x1  }
0x2b: {  	vm0 =	vlt.f32 v3, $0.0e+00  }
0x2c: {  	v3 =	vsel vm0, $0x1000, v0  }
0x2d: {  	v1 =	vadd.s32 v1, v3  }
0x2e: {  	v2 =	vadd.s32 v2, v3;
	[tilespmem:s24+$0x0] =	vst v1  }
0x2f: {  	[tilespmem:s24+$0x800] =	vst v2  }
0x30: {  	v1 =	vld.idx.msk [tilespmem:v5+s16+$0x0], $0xffff  }
0x31: {  	v2 =	vld.idx.msk [tilespmem:v4+s17+$0x0], $0xffff;
	_ =	sdelay $0x3  }
0x32: {  	v3 =	vld [tilespmem:s24+$0x820]  }
0x33: {  	v1 =	vadd.f32 v2, v1;
	v2 =	vld [tilespmem:s24+$0x20];
	_ =	sdelay $0x1  }
0x34: {  	vm10 =	vlt.f32 v1, $0.0e+00  }
0x35: {  	v1 =	vsel vm10, $0x1000, v0  }
0x36: {  	v4 =	vadd.s32 v4, v1  }
0x37: {  	v1 =	vadd.s32 v5, v1;
	[tilespmem:s24+$0x10] =	vst v4  }
0x38: {  	[tilespmem:s24+$0x810] =	vst v1  }
0x39: {  	v1 =	vld.idx.msk [tilespmem:v3+s16+$0x0], $0xffff  }
0x3a: {  	v4 =	vld.idx.msk [tilespmem:v2+s17+$0x0], $0xffff;
	_ =	sdelay $0x3  }
0x3b: {  	v5 =	vld [tilespmem:s24+$0x830]  }
0x3c: {  	v1 =	vadd.f32 v4, v1;
	v4 =	vld [tilespmem:s24+$0x30];
	_ =	sdelay $0x1  }
0x3d: {  	vm11 =	vlt.f32 v1, $0.0e+00  }
0x3e: {  	v1 =	vsel vm11, $0x1000, v0  }
0x3f: {  	v2 =	vadd.s32 v2, v1  }
0x40: {  	v1 =	vadd.s32 v3, v1;
	[tilespmem:s24+$0x20] =	vst v2  }
0x41: {  	[tilespmem:s24+$0x820] =	vst v1  }
0x42: {  	v1 =	vld.idx.msk [tilespmem:v5+s16+$0x0], $0xffff  }
0x43: {  	v2 =	vld.idx.msk [tilespmem:v4+s17+$0x0], $0xffff;
	_ =	sdelay $0x3  }
0x44: {  	v3 =	vld [tilespmem:s24+$0x840]  }
0x45: {  	v1 =	vadd.f32 v2, v1;
	v2 =	vld [tilespmem:s24+$0x40];
	_ =	sdelay $0x1  }
0x46: {  	vm12 =	vlt.f32 v1, $0.0e+00  }
0x47: {  	v1 =	vsel vm12, $0x1000, v0  }
0x48: {  	v4 =	vadd.s32 v4, v1  }
0x49: {  	v1 =	vadd.s32 v5, v1;
	[tilespmem:s24+$0x30] =	vst v4  }
0x4a: {  	[tilespmem:s24+$0x830] =	vst v1  }
0x4b: {  	v1 =	vld.idx.msk [tilespmem:v3+s16+$0x0], $0xffff  }
0x4c: {  	v4 =	vld.idx.msk [tilespmem:v2+s17+$0x0], $0xffff;
	_ =	sdelay $0x3  }
0x4d: {  	v5 =	vld [tilespmem:s24+$0x850]  }
0x4e: {  	v1 =	vadd.f32 v4, v1;
	v4 =	vld [tilespmem:s24+$0x50];
	_ =	sdelay $0x1  }
0x4f: {  	vm13 =	vlt.f32 v1, $0.0e+00  }
0x50: {  	v1 =	vsel vm13, $0x1000, v0  }
0x51: {  	v2 =	vadd.s32 v2, v1  }
0x52: {  	v1 =	vadd.s32 v3, v1;
	[tilespmem:s24+$0x40] =	vst v2  }
0x53: {  	[tilespmem:s24+$0x840] =	vst v1  }
0x54: {  	v2 =	vld.idx.msk [tilespmem:v5+s16+$0x0], $0xffff  }
0x55: {  	v3 =	vld.idx.msk [tilespmem:v4+s17+$0x0], $0xffff;
	_ =	sdelay $0x3  }
0x56: {  	v1 =	vld [tilespmem:s24+$0x860]  }
0x57: {  	v2 =	vadd.f32 v3, v2;
	v3 =	vld [tilespmem:s24+$0x60];
	_ =	sdelay $0x1  }
0x58: {  	vm14 =	vlt.f32 v2, $0.0e+00  }
0x59: {  	v2 =	vsel vm14, $0x1000, v0  }
0x5a: {  	v4 =	vadd.s32 v4, v2  }
0x5b: {  	v2 =	vadd.s32 v5, v2;
	[tilespmem:s24+$0x50] =	vst v4  }
0x5c: {  	[tilespmem:s24+$0x850] =	vst v2  }
0x5d: {  	v2 =	vld.idx.msk [tilespmem:v1+s16+$0x0], $0xffff  }
0x5e: {  	v4 =	vld.idx.msk [tilespmem:v3+s17+$0x0], $0xffff;
	_ =	sdelay $0x4  }
0x5f: {  	v4 =	vadd.f32 v4, v2  }
0x60: {  	v2 =	vld [tilespmem:s24+$0x870]  }
0x61: {  	vm15 =	vlt.f32 v4, $0.0e+00;
	v4 =	vld [tilespmem:s24+$0x70];
	_ =	sdelay $0x2  }
0x62: {  	s25 =	simm.s32 $0x200;
	v5 =	vsel vm15, $0x1000, v0  }
.LBB2_2:
0x63: {  	p0 =	sne.s32 s25, $0x1E00;
	v3 =	vadd.s32 v3, v5;
	v1 =	vadd.s32 v1, v5;
	s26 =	smov.u32 s25;
	s25 =	sadd.s32 $0x200, s25  }
0x64: {  	[tilespmem:s24+$0x60] =	vst v3  }
0x65: {  	[tilespmem:s24+$0x860] =	vst v1  }
0x66: {  	v1 =	vld.idx.msk [tilespmem:v2+s16+$0x0], $0xffff  }
0x67: {  	v3 =	vld.idx.msk [tilespmem:v4+s17+$0x0], $0xffff;
	_ =	sdelay $0x3  }
0x68: {  	s26 =	sshra.s32 s26, $0x2  }
0x69: {  	v5 =	vld [tilespmem:s26+$0x0]  }
0x6a: {  	v1 =	vadd.f32 v3, v1;
	v6 =	vld [tilespmem:s26+$0x800];
	_ =	sdelay $0x1  }
0x6b: {  	vm0 =	vlt.f32 v1, $0.0e+00  }
0x6c: {  	v1 =	vsel vm0, $0x1000, v0  }
0x6d: {  	v3 =	vadd.s32 v4, v1;
	v1 =	vadd.s32 v2, v1  }
0x6e: {  	[tilespmem:s24+$0x70] =	vst v3  }
0x6f: {  	[tilespmem:s24+$0x870] =	vst v1;
	s24 =	smov.u32 s26  }
0x70: {  	v1 =	vld.idx.msk [tilespmem:v5+s17+$0x0], $0xffff  }
0x71: {  	v2 =	vld.idx.msk [tilespmem:v6+s16+$0x0], $0xffff;
	_ =	sdelay $0x4  }
0x72: {  	v3 =	vld [tilespmem:s24+$0x810]  }
0x73: {  	v1 =	vadd.f32 v1, v2;
	v2 =	vld [tilespmem:s24+$0x10];
	_ =	sdelay $0x1  }
0x74: {  	vm0 =	vlt.f32 v1, $0.0e+00  }
0x75: {  	v1 =	vsel vm0, $0x1000, v0  }
0x76: {  	v4 =	vadd.s32 v5, v1;
	v1 =	vadd.s32 v6, v1  }
0x77: {  	[tilespmem:s24+$0x0] =	vst v4  }
0x78: {  	[tilespmem:s24+$0x800] =	vst v1  }
0x79: {  	v1 =	vld.idx.msk [tilespmem:v3+s16+$0x0], $0xffff  }
0x7a: {  	v4 =	vld.idx.msk [tilespmem:v2+s17+$0x0], $0xffff;
	_ =	sdelay $0x4  }
0x7b: {  	v5 =	vld [tilespmem:s24+$0x820]  }
0x7c: {  	v1 =	vadd.f32 v4, v1;
	v4 =	vld [tilespmem:s24+$0x20];
	_ =	sdelay $0x1  }
0x7d: {  	vm0 =	vlt.f32 v1, $0.0e+00  }
0x7e: {  	v1 =	vsel vm0, $0x1000, v0  }
0x7f: {  	v2 =	vadd.s32 v2, v1;
	v1 =	vadd.s32 v3, v1  }
0x80: {  	[tilespmem:s24+$0x10] =	vst v2  }
0x81: {  	[tilespmem:s24+$0x810] =	vst v1  }
0x82: {  	v1 =	vld.idx.msk [tilespmem:v5+s16+$0x0], $0xffff  }
0x83: {  	v2 =	vld.idx.msk [tilespmem:v4+s17+$0x0], $0xffff;
	_ =	sdelay $0x4  }
0x84: {  	v3 =	vld [tilespmem:s24+$0x830]  }
0x85: {  	v1 =	vadd.f32 v2, v1;
	v2 =	vld [tilespmem:s24+$0x30];
	_ =	sdelay $0x1  }
0x86: {  	vm0 =	vlt.f32 v1, $0.0e+00  }
0x87: {  	v1 =	vsel vm0, $0x1000, v0  }
0x88: {  	v4 =	vadd.s32 v4, v1;
	v1 =	vadd.s32 v5, v1  }
0x89: {  	[tilespmem:s24+$0x20] =	vst v4  }
0x8a: {  	[tilespmem:s24+$0x820] =	vst v1  }
0x8b: {  	v1 =	vld.idx.msk [tilespmem:v3+s16+$0x0], $0xffff  }
0x8c: {  	v4 =	vld.idx.msk [tilespmem:v2+s17+$0x0], $0xffff;
	_ =	sdelay $0x4  }
0x8d: {  	v5 =	vld [tilespmem:s24+$0x840]  }
0x8e: {  	v1 =	vadd.f32 v4, v1;
	v4 =	vld [tilespmem:s24+$0x40];
	_ =	sdelay $0x1  }
0x8f: {  	vm0 =	vlt.f32 v1, $0.0e+00  }
0x90: {  	v1 =	vsel vm0, $0x1000, v0  }
0x91: {  	v2 =	vadd.s32 v2, v1;
	v1 =	vadd.s32 v3, v1  }
0x92: {  	[tilespmem:s24+$0x30] =	vst v2  }
0x93: {  	[tilespmem:s24+$0x830] =	vst v1  }
0x94: {  	v1 =	vld.idx.msk [tilespmem:v5+s16+$0x0], $0xffff  }
0x95: {  	v2 =	vld.idx.msk [tilespmem:v4+s17+$0x0], $0xffff;
	_ =	sdelay $0x4  }
0x96: {  	v6 =	vld [tilespmem:s24+$0x850]  }
0x97: {  	v1 =	vadd.f32 v2, v1;
	v2 =	vld [tilespmem:s24+$0x50];
	_ =	sdelay $0x1  }
0x98: {  	vm0 =	vlt.f32 v1, $0.0e+00  }
0x99: {  	v1 =	vsel vm0, $0x1000, v0  }
0x9a: {  	v3 =	vadd.s32 v4, v1;
	v1 =	vadd.s32 v5, v1  }
0x9b: {  	[tilespmem:s24+$0x40] =	vst v3  }
0x9c: {  	[tilespmem:s24+$0x840] =	vst v1  }
0x9d: {  	v3 =	vld.idx.msk [tilespmem:v6+s16+$0x0], $0xffff  }
0x9e: {  	v4 =	vld.idx.msk [tilespmem:v2+s17+$0x0], $0xffff;
	_ =	sdelay $0x4  }
0x9f: {  	v1 =	vld [tilespmem:s24+$0x860]  }
0xa0: {  	v4 =	vadd.f32 v4, v3;
	v3 =	vld [tilespmem:s24+$0x60];
	_ =	sdelay $0x1  }
0xa1: {  	vm0 =	vlt.f32 v4, $0.0e+00  }
0xa2: {  	v4 =	vsel vm0, $0x1000, v0  }
0xa3: {  	v2 =	vadd.s32 v2, v4;
	v4 =	vadd.s32 v6, v4  }
0xa4: {  	[tilespmem:s24+$0x50] =	vst v2  }
0xa5: {  	[tilespmem:s24+$0x850] =	vst v4  }
0xa6: {  	v4 =	vld.idx.msk [tilespmem:v1+s16+$0x0], $0xffff  }
0xa7: {  	v5 =	vld.idx.msk [tilespmem:v3+s17+$0x0], $0xffff;
	_ =	sdelay $0x4  }
.Ltmp0:
0xa8: {  	v2 =	vld [tilespmem:s24+$0x870];
	(pc) =	sbr.rel @p0 .LBB2_2-.Ltmp0, $3  }
0xa9: {  	v5 =	vadd.f32 v5, v4;
	v4 =	vld [tilespmem:s24+$0x70];
	_ =	sdelay $0x1  }
0xaa: {  	vm0 =	vlt.f32 v5, $0.0e+00  }
0xab: {  	v5 =	vsel vm0, $0x1000, v0  }
0xac: {  	_ = 	snop  }
0xad: {  	v3 =	vadd.s32 v3, v5  }
0xae: {  	v1 =	vadd.s32 v1, v5;
	[tilespmem:s24+$0x60] =	vst v3  }
0xaf: {  	[tilespmem:s24+$0x860] =	vst v1  }
0xb0: {  	v1 =	vld.idx.msk [tilespmem:v2+s16+$0x0], $0xffff  }
0xb1: {  	v3 =	vld.idx.msk [tilespmem:v4+s17+$0x0], $0xffff;
	_ =	sdelay $0x4  }
0xb2: {  	v1 =	vadd.f32 v3, v1;
	_ =	sdelay $0x1  }
0xb3: {  	vm0 =	vlt.f32 v1, $0.0e+00  }
0xb4: {  	v1 =	vsel vm0, $0x1000, v0  }
0xb5: {  	v3 =	vadd.s32 v4, v1  }
0xb6: {  	v1 =	vadd.s32 v2, v1;
	[tilespmem:s24+$0x70] =	vst v3  }
0xb7: {  	s25 =	simm.s32 $0x0;
	[tilespmem:s24+$0x870] =	vst v1;
	s24 =	simm.s32 $0x80  }
0xb8: {  	[tilespmem:s18], [sflag:$0x1] =	stream.indirect.gather [hbm4b:s4+s24], $0x80, s25, s24, $0xb8;
	[tilespmem:$0x1B000] =	vst v63  }
0xb9: {  	s25 =	sand.u32 $0x1, s25  }
0xba: {  	p0 =	seq.s32 s25, $0x1  }
0xbb: {  	s25 =	simm.s32 @p0 $0x80;
	s26 =	simm.s32 @p0 $0x1000;
	s28 =	simm.s32 @p0 $0x1  }
0xbc: {  	[tilespmem:s26], [sflag:$0x1] =	stream.indirect.gather @p0 [hbm4b:s4+s25], $0x80, s24, s25, $0xb8;
	[tilespmem:$0x1B000] =	vst v63  }
0xbd: {  	_ =	swait.ge @p0 [sflag:s28], $0x4000  }
0xbe: {  	[sflag:s28] =	ssyncset.done @p0 $0x0  }
0xbf: {  	s26 =	simm.s32 $0x800;
	[sflag:s28] =	ssyncadd.s32 @p0 $0xFFFFC000;
	s28 =	simm.s32 @p0 $0x5000  }
0xc0: {  	[spmem:s1] =	stream.indirect.scatter.add.f32 @p0 [tilespmem:s28], [sflag:$0x2], $0x80, s26, s25, $0xb8;
	[tilespmem:$0x1B000] =	vst v63  }
0xc1: {  	s29 =	simm.s32 @!p0 $0x1;
	s25 =	simm.s32 @!p0 $0x80;
	s28 =	simm.s32 @!p0 $0x5000  }
0xc2: {  	[tilespmem:s28], [sflag:$0x1] =	stream.indirect.gather @!p0 [hbm4b:s4+s25], $0x80, s24, s25, $0xb8;
	[tilespmem:$0x1B000] =	vst v63  }
0xc3: {  	_ =	swait.ge @!p0 [sflag:s29], $0x4000  }
0xc4: {  	s31 =	simm.s32 $0x1;
	s28 =	simm.s32 @!p0 $0x3;
	[sflag:s29] =	ssyncset.done @!p0 $0x0  }
0xc5: {  	s28 =	simm.s32 @p0 $0x2;
	[sflag:s29] =	ssyncadd.s32 @!p0 $0xFFFFC000;
	s29 =	simm.s32 @!p0 $0x1000  }
0xc6: {  	[spmem:s1] =	stream.indirect.scatter.add.f32 @!p0 [tilespmem:s29], [sflag:$0x3], $0x80, s26, s25, $0xb8;
	[tilespmem:$0x1B000] =	vst v63  }
0xc7: {  	s24 =	simm.s32 $0x880;
	s26 =	simm.s32 $0x2;
	_ =	swait.ge [sflag:s28], $0x4000  }
0xc8: {  	s25 =	simm.s32 $0x100;
	s29 =	sand.u32 $0x1, s31;
	[sflag:s28] =	ssyncset.done $0x0  }
.LBB2_4:
0xc9: {  	p0 =	seq.s32 s29, $0x1  }
0xca: {  	[sflag:s28] =	ssyncadd.s32 $0xFFFFC000;
	s29 =	smov.u32 s26;
	s26 =	sadd.s32 $0x1, s26  }
0xcb: {  	s30 =	simm.s32 @p0 $0x80;
	s28 =	simm.s32 @p0 $0x1000;
	s31 =	simm.s32 @p0 $0x1  }
0xcc: {  	[tilespmem:s28], [sflag:$0x1] =	stream.indirect.gather @p0 [hbm4b:s4+s30], $0x80, s25, s30, $0xb8;
	[tilespmem:$0x1B000] =	vst v63  }
0xcd: {  	p1 =	sne.s32 s26, $0xF;
	s28 =	simm.s32 @!p0 $0x3;
	_ =	swait.ge @p0 [sflag:s31], $0x4000  }
0xce: {  	[sflag:s31] =	ssyncset.done @p0 $0x0  }
0xcf: {  	[sflag:s31] =	ssyncadd.s32 @p0 $0xFFFFC000;
	s31 =	simm.s32 @p0 $0x5000  }
0xd0: {  	[spmem:s1] =	stream.indirect.scatter.add.f32 @p0 [tilespmem:s31], [sflag:$0x2], $0x80, s24, s30, $0xb8;
	[tilespmem:$0x1B000] =	vst v63  }
0xd1: {  	s0 =	simm.s32 @!p0 $0x1;
	s30 =	simm.s32 @!p0 $0x80;
	s31 =	simm.s32 @!p0 $0x5000  }
0xd2: {  	[tilespmem:s31], [sflag:$0x1] =	stream.indirect.gather @!p0 [hbm4b:s4+s30], $0x80, s25, s30, $0xb8;
	[tilespmem:$0x1B000] =	vst v63  }
0xd3: {  	_ =	swait.ge @!p0 [sflag:s0], $0x4000  }
.Ltmp1:
0xd4: {  	[sflag:s0] =	ssyncset.done @!p0 $0x0;
	(pc) =	sbr.rel @p1 .LBB2_4-.Ltmp1, $4  }
0xd5: {  	s28 =	simm.s32 @p0 $0x2;
	[sflag:s0] =	ssyncadd.s32 @!p0 $0xFFFFC000;
	s0 =	simm.s32 @!p0 $0x1000  }
0xd6: {  	[spmem:s1] =	stream.indirect.scatter.add.f32 @!p0 [tilespmem:s0], [sflag:$0x3], $0x80, s24, s30, $0xb8;
	[tilespmem:$0x1B000] =	vst v63  }
0xd7: {  	s25 =	sadd.s32 $0x80, s25;
	_ =	swait.ge [sflag:s28], $0x4000  }
0xd8: {  	s29 =	sand.u32 $0x1, s29;
	s24 =	sadd.s32 $0x80, s24;
	[sflag:s28] =	ssyncset.done $0x0  }
0xd9: {  	p0 =	seq.s32 s29, $0x1;
	[sflag:s28] =	ssyncadd.s32 $0xFFFFC000  }
0xda: {  	s0 =	simm.s32 @p0 $0x80;
	s26 =	simm.s32 @p0 $0x1000;
	s28 =	simm.s32 @p0 $0x1  }
0xdb: {  	[tilespmem:s26], [sflag:$0x1] =	stream.indirect.gather @p0 [hbm4b:s4+s0], $0x80, s25, s0, $0xb8;
	[tilespmem:$0x1B000] =	vst v63  }
0xdc: {  	_ =	swait.ge @p0 [sflag:s28], $0x4000  }
0xdd: {  	[sflag:s28] =	ssyncset.done @p0 $0x0  }
0xde: {  	s26 =	simm.s32 @p0 $0x5000;
	[sflag:s28] =	ssyncadd.s32 @p0 $0xFFFFC000  }
0xdf: {  	[spmem:s1] =	stream.indirect.scatter.add.f32 @p0 [tilespmem:s26], [sflag:$0x2], $0x80, s24, s0, $0xb8;
	[tilespmem:$0x1B000] =	vst v63  }
0xe0: {  	s28 =	simm.s32 @!p0 $0x1;
	s0 =	simm.s32 @!p0 $0x80;
	s26 =	simm.s32 @!p0 $0x5000  }
0xe1: {  	[tilespmem:s26], [sflag:$0x1] =	stream.indirect.gather @!p0 [hbm4b:s4+s0], $0x80, s25, s0, $0xb8;
	[tilespmem:$0x1B000] =	vst v63  }
0xe2: {  	_ =	swait.ge @!p0 [sflag:s28], $0x4000  }
0xe3: {  	s25 =	simm.s32 @!p0 $0x3;
	[sflag:s28] =	ssyncset.done @!p0 $0x0  }
0xe4: {  	s26 =	simm.s32 @!p0 $0x1000;
	s25 =	simm.s32 @p0 $0x2;
	[sflag:s28] =	ssyncadd.s32 @!p0 $0xFFFFC000  }
0xe5: {  	[spmem:s1] =	stream.indirect.scatter.add.f32 @!p0 [tilespmem:s26], [sflag:$0x3], $0x80, s24, s0, $0xb8;
	[tilespmem:$0x1B000] =	vst v63  }
0xe6: {  	_ =	swait.ge [sflag:s25], $0x4000  }
0xe7: {  	[sflag:s25] =	ssyncset.done $0x0  }
0xe8: {  	[sflag:s25] =	ssyncadd.s32 $0xFFFFC000  }
0xe9: {  	_ =	swait.ge [sflag:s19], $0x4000  }
0xea: {  	[sflag:s19] =	ssyncset.done $0x0  }
0xeb: {  	[sflag:s19] =	ssyncadd.s32 $0xFFFFC000  }
0xec: {  	[spmem:s1] =	stream.indirect.scatter.add.f32 [tilespmem:s22], [sflag:$0x2], $0x80, s21, s20, $0xb8;
	[tilespmem:$0x1B000] =	vst v63  }
0xed: {  	_ =	swait.ge [sflag:s14], $0x4000  }
0xee: {  	s23 =	sadd.s32 $0x1, s23;
	[sflag:s14] =	ssyncset.done $0x0  }
0xef: {  	p0 =	sne.s32 s23, s12;
	[sflag:s14] =	ssyncadd.s32 $0xFFFFC000  }
.Ltmp2:
0xf0: {  	[bflag:$0x0] =	sbarrier.arrive $0xFFFF;
	(pc) =	sbr.rel @p0 .LBB2_1-.Ltmp2, $4  }
0xf1: {  	[hbm:s11], [sflag:s9] =	dma.local [spmem:s13], $0x2000  }
0xf2: {  	_ =	swait.ge [sflag:s14], $0x2000  }
0xf3: {  	[sflag:s14] =	ssyncset.done $0x0  }
0xf4: {  	[sflag:s14] =	ssyncadd.s32 $0xFFFFE000  }
0xf5: {  	_ =	sfence.sel $0x180000  }
0xf6: {  	[bflag:$0x0] =	sbarrier.arrive $0xFFFF  }
0xf7: {  	_ =	strace $0x90000053  }
0xf8: {  	[bflag:$0x2] =	sbarrier.arrive $0xFFFF  }
0xf9: {  	p0 =	sne.s32 s3, $0x0;
	s0 =	rddreg [dreg:$0x2]  }
0xfa: {  	s0 =	sadd.s32 @!p0 $0x100000, s0  }
0xfb: {  	[sflag:s0] =	ssyncadd.tile.s32 @!p0 $0x1;
	_ =	shalt  }
.Lfunc_end2:
_tile_overlayer_lowered:
.L_overlay_start_2:
0xfc: {  	(tag) =	ssettag $0x2  }
0xfd: {  	s0 =	rddreg [dreg:$0x0];
	s2 =	stileid.u32  }
0xfe: {  	s1 =	rddreg [dreg:$0x1];
	p0 =	sne.s32 s2, $0x0  }
0xff: {  	s3 =	rddreg [dreg:$0x2];
	[bflag:$0x3] =	sbarrier.arrive $0xFFFF;
	s2 =	simm.s32 @!p0 $0x1C02  }
0x100: {  	[timem:s3], [sflag:s2] =	dma.local @!p0 [hbm:s0], s1  }
0x101: {  	s0 =	simm.s32 @!p0 $0x2  }
0x102: {  	_ =	swait.ge @!p0 [sflag:s0], s1  }
0x103: {  	s1 =	ssub.s32 @!p0 $0x0, s1;
	[sflag:s0] =	ssyncset.done @!p0 $0x0  }
0x104: {  	[sflag:s0] =	ssyncadd.s32 @!p0 s1  }
0x105: {  	[bflag:$0x3] =	sbarrier.arrive $0xFFFF  }
0x106: {  	_ =	shalt  }

// kernel: kernel.21.cloned.1.call-start
scs
__scs_entry_jumppad:
0x0: {  	(pc) =	sbr.rel $0x88, $3  }
0x1: {  	(tag) =	ssettag $0x0;
	lr =	simm.s32 $0x1  }
0x2: {  	[smem:$0x3F92] =	sst lr;
	_ =	strace $0xD0000000  }
0x3: {  	_ = 	snop  }
0x4: {  	_ = 	snop  }
0x5: {  	_ = 	snop  }
0x6: {  	_ = 	snop  }
0x7: {  	_ = 	snop  }
__scs_overlays_trampoline_lowered:
0x8: {  	[smem:$0x3FA1] =	sst s0  }
0x9: {  	[smem:$0x3FA2] =	sst s1  }
0xa: {  	[smem:$0x3FA3] =	sst s2  }
0xb: {  	[smem:$0x3FA4] =	sst s3  }
0xc: {  	[smem:$0x3FA5] =	sst s4  }
0xd: {  	[smem:$0x3FA6] =	sst s5  }
0xe: {  	[smem:$0x3FA7] =	sst s6  }
0xf: {  	[smem:$0x3FA8] =	sst s7  }
0x10: {  	[smem:$0x3FA9] =	sst s8  }
0x11: {  	[smem:$0x3FAA] =	sst s9;
	s0 =	simm.s32 @!p0 $0x0  }
0x12: {  	s1 =	sld [smem:$0x3F90];
	s0 =	simm.s32 @p0 $0x1  }
0x13: {  	[smem:$0x3FAB] =	sst s0;
	s0 =	simm.s32 @!p1 $0x0  }
0x14: {  	s2 =	sld [smem:$0x3F8F];
	s0 =	simm.s32 @p1 $0x1  }
0x15: {  	[smem:$0x3FAC] =	sst s0;
	s0 =	simm.s32 @!p2 $0x0  }
0x16: {  	s3 =	sld [smem:$0x3FDB];
	s0 =	simm.s32 @p2 $0x1  }
0x17: {  	s4 =	simm.s32 $0x1BF5;
	[smem:$0x3FAE] =	sst s0  }
0x18: {  	s0 =	sld [smem:$0x3F91];
	_ =	swait.ge [sflag:s4], $0x0  }
0x19: {  	s7 =	sld [smem:$0x3F92]  }
0x1a: {  	s8 =	sadd.s32 $0xFFFFE003, lr  }
0x1b: {  	s9 =	sadd.s32 $0xFFFFFEF7, lr;
	s5 =	simm.s32 $0xFFFFFFFF;
	p2 =	slt.u32 s8, $0xFFFFF086  }
0x1c: {  	p1 =	slt.u32 s9, $0xF7A;
	s5 =	simm.s32 @!p2 $0x0  }
0x1d: {  	s5 =	simm.s32 @p1 $0x1;
	p0 =	seq.s32 s7, s2  }
0x1e: {  	s7 =	smul.u32 @!p0 $0xF7A, s2;
	p2 =	seq.s32 @!p0 s5, $0x0  }
0x1f: {  	s9 =	smul.u32 $0xF7A, s1;
	s8 =	simm.s32 @!p0 $0x1BF5;
	p2 =	por !p2, p0  }
0x20: {  	[sflag:s8] =	ssyncset.s32 @!p0 $0xFFFFF086;
	s6 =	sadd.s32 @!p0 s3, s7;
	s7 =	simm.s32 @!p0 $0x108  }
0x21: {  	s3 =	sadd.s32 s3, s9;
	s6 =	sadd.s32 @!p0 $0x88, s6;
	s7 =	simm.s32 @p2 $0x1082  }
0x22: {  	[simem:s7], [sflag:s8] =	dma.local @!p0 [hbm:s6], $0xF7A  }
0x23: {  	s9 =	sor.u32 $0xD0000000, s2;
	s6 =	simm.s32 $0x108;
	_ =	swait.ge @!p0 [sflag:s8], $0x0  }
0x24: {  	s3 =	sadd.s32 $0x88, s3;
	s6 =	simm.s32 @!p1 $0x1082;
	[sflag:s4] =	ssyncset.s32 $0xFFFFF086  }
0x25: {  	[simem:s6], [sflag:s4] =	dma.local [hbm:s3], $0xF7A  }
0x26: {  	[smem:$0x3F92] =	sst s1;
	(tag) =	ssettag s2;
	_ =	strace s9  }
0x27: {  	s1 =	sld [smem:$0x3FA2]  }
0x28: {  	s2 =	sld [smem:$0x3FA3]  }
0x29: {  	s4 =	sld [smem:$0x3FA5]  }
0x2a: {  	p0 =	seq.s32 s5, $0x0;
	s5 =	sld [smem:$0x3FA6]  }
0x2b: {  	s6 =	sld [smem:$0x3FA7]  }
0x2c: {  	s7 =	sld [smem:$0x3FA8]  }
0x2d: {  	s3 =	simm.s32 $0x108;
	s8 =	sld [smem:$0x3FA9]  }
0x2e: {  	s3 =	simm.s32 @!p0 $0x1082;
	s9 =	sld [smem:$0x3FAA]  }
0x2f: {  	lr =	sadd.s32 s0, s3;
	s0 =	sld [smem:$0x3FA1]  }
0x30: {  	s3 =	sld [smem:$0x3FA4]  }
0x31: {  	[smem:$0x3FAD] =	sst s10  }
0x32: {  	s10 =	sld [smem:$0x3FAB];
	_ =	sdelay $0x3  }
0x33: {  	p0 =	seq.s32 s10, $0x1;
	s10 =	sld [smem:$0x3FAD];
	_ =	sdelay $0x3  }
0x34: {  	[smem:$0x3FAD] =	sst s10  }
0x35: {  	s10 =	sld [smem:$0x3FAC];
	_ =	sdelay $0x3  }
0x36: {  	p1 =	seq.s32 s10, $0x1;
	s10 =	sld [smem:$0x3FAD];
	_ =	sdelay $0x3  }
0x37: {  	[smem:$0x3FAD] =	sst s10  }
0x38: {  	s10 =	sld [smem:$0x3FAE]  }
0x39: {  	_ = 	snop;
	(pc) =	sbr.ind lr, $3  }
0x3a: {  	_ = 	snop  }
0x3b: {  	_ = 	snop  }
0x3c: {  	p2 =	seq.s32 s10, $0x1;
	s10 =	sld [smem:$0x3FAD]  }
0x3d: {  	_ =	shalt  }
0x3e: {  	_ =	shalt  }
0x3f: {  	_ =	shalt  }
0x40: {  	_ =	shalt  }
0x41: {  	_ =	shalt  }
0x42: {  	_ =	shalt  }
0x43: {  	_ =	shalt  }
0x44: {  	_ =	shalt  }
0x45: {  	_ =	shalt  }
0x46: {  	_ =	shalt  }
0x47: {  	_ =	shalt  }
0x48: {  	_ =	shalt  }
0x49: {  	_ =	shalt  }
0x4a: {  	_ =	shalt  }
0x4b: {  	_ =	shalt  }
0x4c: {  	_ =	shalt  }
0x4d: {  	_ =	shalt  }
0x4e: {  	_ =	shalt  }
0x4f: {  	_ =	shalt  }
0x50: {  	_ =	shalt  }
0x51: {  	_ =	shalt  }
0x52: {  	_ =	shalt  }
0x53: {  	_ =	shalt  }
0x54: {  	_ =	shalt  }
0x55: {  	_ =	shalt  }
0x56: {  	_ =	shalt  }
0x57: {  	_ =	shalt  }
0x58: {  	_ =	shalt  }
0x59: {  	_ =	shalt  }
0x5a: {  	_ =	shalt  }
0x5b: {  	_ =	shalt  }
0x5c: {  	_ =	shalt  }
0x5d: {  	_ =	shalt  }
0x5e: {  	_ =	shalt  }
0x5f: {  	_ =	shalt  }
0x60: {  	_ =	shalt  }
0x61: {  	_ =	shalt  }
0x62: {  	_ =	shalt  }
0x63: {  	_ =	shalt  }
0x64: {  	_ =	shalt  }
0x65: {  	_ =	shalt  }
0x66: {  	_ =	shalt  }
0x67: {  	_ =	shalt  }
0x68: {  	_ =	shalt  }
0x69: {  	_ =	shalt  }
0x6a: {  	_ =	shalt  }
0x6b: {  	_ =	shalt  }
0x6c: {  	_ =	shalt  }
0x6d: {  	_ =	shalt  }
0x6e: {  	_ =	shalt  }
0x6f: {  	_ =	shalt  }
0x70: {  	_ =	shalt  }
0x71: {  	_ =	shalt  }
0x72: {  	_ =	shalt  }
0x73: {  	_ =	shalt  }
0x74: {  	_ =	shalt  }
0x75: {  	_ =	shalt  }
0x76: {  	_ =	shalt  }
0x77: {  	_ =	shalt  }
0x78: {  	_ =	shalt  }
0x79: {  	_ =	shalt  }
0x7a: {  	_ =	shalt  }
0x7b: {  	_ =	shalt  }
0x7c: {  	_ =	shalt  }
0x7d: {  	_ =	shalt  }
0x7e: {  	_ =	shalt  }
0x7f: {  	_ =	shalt  }
0x80: {  	_ =	shalt  }
0x81: {  	_ =	shalt  }
0x82: {  	_ =	shalt  }
0x83: {  	_ =	shalt  }
0x84: {  	_ =	shalt  }
0x85: {  	_ =	shalt  }
0x86: {  	_ =	shalt  }
0x87: {  	_ =	shalt  }
.Lfunc_end0:
.L_simem_size_0:
called_computation.5_lowered:
.L_overlay_start_0:
0x88: {  	s2 =	sld [smem:$0x3FD9]  }
0x89: {  	s3 =	sld [smem:$0x3FFE];
	_ =	sdelay $0x1  }
0x8a: {  	s1 =	srdreg.scid  }
0x8b: {  	s0 =	sand.u32 $0x1, s1  }
0x8c: {  	s16 =	sshll.u32 s0, $0xA;
	s2 =	sadd.s32 s3, s2  }
0x8d: {  	s2 =	sadd.s32 s2, s16  }
0x8e: {  	[smem:$0x3FB9] =	sst s2  }
0x8f: {  	_ = 	snop  }
0x90: {  	(tm) =	ssettm $0x1  }
0x91: {  	s17 =	sld [smem:$0x3FFB];
	_ =	sdelay $0x3  }
0x92: {  	_ =	strace s17  }
0x93: {  	s2 =	sld [smem:$0x3FFC];
	_ =	sdelay $0x3  }
0x94: {  	_ =	strace s2  }
0x95: {  	s2 =	sld [smem:$0x3FFD];
	_ =	sdelay $0x3  }
0x96: {  	_ =	strace s2  }
0x97: {  	_ =	strace $0x8FFFFFFF  }
0x98: {  	s18 =	sld [smem:$0x3FDB];
	_ =	sdelay $0x1  }
0x99: {  	s19 =	simm.s32 $_scs_section_size  }
0x9a: {  	s4 =	simm.s32 $_size__tile_overlayer_lowered;
	s5 =	simm.s32 $_tile_overlayer_lowered  }
0x9b: {  	s22 =	simm.s32 $0x1BFF;
	s21 =	sshll.u32 s5, $0x1;
	s2 =	sadd.s32 s19, s18  }
0x9c: {  	s6 =	simm.s32 $0x0;
	s20 =	sshll.u32 s4, $0x1;
	s4 =	sadd.s32 s21, s2  }
0x9d: {  	[timem:s6], [sflag:s22] =	dma.local [hbm:s4], s20  }
0x9e: {  	_ =	swait.ge [sflag:s22], s20  }
0x9f: {  	s3 =	ssub.s32 $0x0, s20;
	[sflag:s22] =	ssyncset.done $0x0  }
0xa0: {  	[sflag:s22] =	ssyncadd.s32 s3;
	_ =	sdelay $0x1  }
0xa1: {  	s23 =	simm.s32 $0x1B8B  }
0xa2: {  	_ =	swait.ge [sflag:s23], $0x1  }
0xa3: {  	[sflag:s23] =	ssyncset.done $0x0  }
0xa4: {  	s25 =	simm.s32 $0x1B8E;
	s24 =	sld [smem:$0x3FFE];
	[sflag:s23] =	ssyncadd.s32 $0xFFFFFFFF  }
0xa5: {  	s26 =	simm.s32 $execute0_lowered;
	[smem:$0x3FD2] =	sst s25  }
0xa6: {  	s4 =	sshll.u32 s26, $0x1;
	_ =	strace $0x8000004F;
	[dreg:$0x1] =	wrdreg $0xFFFFFFFF  }
0xa7: {  	s28 =	simm.s32 $_size_execute0_lowered;
	s2 =	sadd.s32 s2, s4;
	[dreg:$0x0] =	wrdreg $0x0  }
0xa8: {  	s4 =	sshll.u32 s28, $0x1;
	[dreg:$0x2] =	wrdreg s2  }
0xa9: {  	[dreg:$0x3] =	wrdreg s4  }
0xaa: {  	[dreg:$0x4] =	wrdreg $0xC0  }
0xab: {  	_ =	task [dreg:s6], $0x5FFFF  }
0xac: {  	[dreg:$0x1] =	wrdreg $0xFFFFFFFF  }
0xad: {  	[dreg:$0x0] =	wrdreg $0x60  }
0xae: {  	[dreg:$0x2] =	wrdreg s24  }
0xaf: {  	[dreg:$0x3] =	wrdreg $0xB0000  }
0xb0: {  	[dreg:$0x4] =	wrdreg $0xA  }
0xb1: {  	_ =	task.clear_ibuf [dreg:s6], $0x5FFFF;
	_ =	strace $0x9000004F  }
0xb2: {  	s29 =	simm.s32 $0xA;
	_ =	strace $0x80000051  }
0xb3: {  	_ =	swait.ge [sflag:s29], $0x1  }
0xb4: {  	[sflag:s29] =	ssyncadd.s32 $0xFFFFFFFF  }
0xb5: {  	_ =	strace $0x90000051  }
0xb6: {  	_ =	sfence  }
0xb7: {  	s30 =	sld [smem:$0x0];
	_ =	sdelay $0x2  }
0xb8: {  	s31 =	sshll.u32 s1, $0xD;
	s1 =	sshrl.u32 s1, $0x2  }
0xb9: {  	s3 =	sand.u32 $0x4000, s31;
	s1 =	sadd.s32 s1, s30  }
0xba: {  	s0 =	sor.u32 s3, s0;
	s1 =	sshll.u32 s1, $0x11  }
0xbb: {  	s0 =	sor.u32 s1, s0  }
0xbc: {  	s0 =	sadd.s32 $0x8F2B, s0  }
0xbd: {  	[sflag:s0] =	ssyncadd.remote.s32 $0x1  }
0xbe: {  	_ =	sfence.sel $0xFFFF  }
0xbf: {  	[dreg:$0x0] =	wrdreg $0xFFFFFFFF;
	(pc) =	sbr.abs _section_cstart, $3  }
0xc0: {  	[dreg:$0x1] =	wrdreg $0xFFFFFFFF  }
0xc1: {  	_ =	task.clear_ibuf [dreg:s6], $0x2FFFF;
	_ =	strace $0x9FFFFFFF  }
0xc2: {  	(tm) =	ssettm $0x7FFFFFFF  }
0xc3: {  	_ =	shalt  }
tec
execute0_lowered:
.L_overlay_start_1:
0x0: {  	(tag) =	ssettag $0x1  }
0x1: {  	s8 =	rddreg [dreg:$0x0]  }
0x2: {  	s1 =	rddreg [dreg:$0x1]  }
0x3: {  	s2 =	simm.s32 $0x0;
	s3 =	srdreg.scid;
	s15 =	simm.s32 $0x800  }
0x4: {  	s16 =	simm.s32 $0x9000;
	s17 =	simm.s32 $0xA000;
	s18 =	simm.s32 $0x1000  }
0x5: {  	s19 =	simm.s32 $0x1;
	s20 =	simm.s32 $0x80;
	s21 =	simm.s32 $0xF80  }
0x6: {  	s22 =	simm.s32 $0x5000;
	s23 =	simm.s32 $0x0;
	[smem:$0x7FF] =	sst s2  }
0x7: {  	s4 =	sadd.s32 $0x14A00, s8;
	s9 =	sand.u32 $0x1, s3;
	s5 =	sadd.s32 $0x4400, s8  }
0x8: {  	s3 =	stileid.u32;
	s6 =	sadd.s32 $0x4200, s8;
	_ =	strace $0x80000050  }
0x9: {  	s7 =	ssub.s32 $0x2, s9;
	s10 =	sshll.u32 s3, $0xD;
	s28 =	sshll.u32 s3, $0x10  }
0xa: {  	s29 =	sshll.u32 s3, $0x9;
	s14 =	sshll.u32 s9, $0x8;
	s9 =	sshll.u32 s9, $0x11  }
0xb: {  	s30 =	sshll.u32 s3, $0x6;
	s11 =	sshrl.u32 s7, $0x1;
	s10 =	sadd.s32 s10, s8  }
0xc: {  	s13 =	sadd.s32 s28, s1;
	s12 =	ssub.s32 s7, s11;
	s7 =	sadd.s32 $0x4CA00, s10  }
0xd: {  	s11 =	sor.u32 s14, s29;
	s31 =	sadd.s32 s9, s10;
	s9 =	sor.u32 $0x1C02, s30  }
0xe: {  	s13 =	sshrl.u32 s13, $0x3;
	s14 =	simm.s32 $0x2;
	s8 =	sadd.s32 s8, s11  }
0xf: {  	v0 =	vimm.s32 $0x0;
	s11 =	sadd.s32 $0x6CA00, s31;
	s12 =	smax.u32 s12, $0x1;
	s10 =	sadd.s32 $0x2000, s8  }
.LBB2_1:
0x10: {  	[spmem:s13], [sflag:s9] =	dma.local [hbm:s7], $0x2000  }
0x11: {  	_ =	swait.ge [sflag:s14], $0x2000  }
0x12: {  	[sflag:s14] =	ssyncset.done $0x0  }
0x13: {  	[sflag:s14] =	ssyncadd.s32 $0xFFFFE000  }
0x14: {  	[tilespmem:s2], [sflag:$0x2] =	stream.linear.gather [hbm4b:s8+s2], $0x800, $0x38;
	[tilespmem:$0x1B000] =	vst v63  }
0x15: {  	_ =	swait.ge [sflag:s14], $0x800  }
0x16: {  	[sflag:s14] =	ssyncset.done $0x0  }
0x17: {  	[sflag:s14] =	ssyncadd.s32 $0xFFFFF800  }
0x18: {  	[tilespmem:s15], [sflag:$0x2] =	stream.linear.gather [hbm4b:s10+s2], $0x800, $0x38;
	[tilespmem:$0x1B000] =	vst v63  }
0x19: {  	_ =	swait.ge [sflag:s14], $0x800  }
0x1a: {  	[sflag:s14] =	ssyncset.done $0x0  }
0x1b: {  	[sflag:s14] =	ssyncadd.s32 $0xFFFFF800  }
0x1c: {  	[tilespmem:s16], [sflag:$0x2] =	stream.linear.gather [hbm4b:s5+s2], $0x1000, $0x38;
	[tilespmem:$0x1B000] =	vst v63  }
0x1d: {  	_ =	swait.ge [sflag:s14], $0x1000  }
0x1e: {  	[sflag:s14] =	ssyncset.done $0x0  }
0x1f: {  	[sflag:s14] =	ssyncadd.s32 $0xFFFFF000  }
0x20: {  	[tilespmem:s17], [sflag:$0x2] =	stream.linear.gather [hbm4b:s6+s2], $0x1000, $0x38;
	[tilespmem:$0x1B000] =	vst v63  }
0x21: {  	_ =	swait.ge [sflag:s14], $0x1000  }
0x22: {  	[sflag:s14] =	ssyncset.done $0x0  }
0x23: {  	[sflag:s14] =	ssyncadd.s32 $0xFFFFF000  }
0x24: {  	s24 =	simm.s32 $0x0;
	[bflag:$0x0] =	sbarrier.arrive $0xFFFF  }
0x25: {  	v1 =	vld [tilespmem:s24+$0x0]  }
0x26: {  	v2 =	vld [tilespmem:s24+$0x800];
	_ =	sdelay $0x6  }
0x27: {  	v3 =	vld.idx.msk [tilespmem:v1+s17+$0x0], $0xffff  }
0x28: {  	v4 =	vld.idx.msk [tilespmem:v2+s16+$0x0], $0xffff;
	_ =	sdelay $0x3  }
0x29: {  	v5 =	vld [tilespmem:s24+$0x810]  }
0x2a: {  	v3 =	vadd.f32 v3, v4;
	v4 =	vld [tilespmem:s24+$0x10];
	_ =	sdelay $0x1  }
0x2b: {  	vm0 =	vlt.f32 v3, $0.0e+00  }
0x2c: {  	v3 =	vsel vm0, $0x1000, v0  }
0x2d: {  	v1 =	vadd.s32 v1, v3  }
0x2e: {  	v2 =	vadd.s32 v2, v3;
	[tilespmem:s24+$0x0] =	vst v1  }
0x2f: {  	[tilespmem:s24+$0x800] =	vst v2  }
0x30: {  	v1 =	vld.idx.msk [tilespmem:v5+s16+$0x0], $0xffff  }
0x31: {  	v2 =	vld.idx.msk [tilespmem:v4+s17+$0x0], $0xffff;
	_ =	sdelay $0x3  }
0x32: {  	v3 =	vld [tilespmem:s24+$0x820]  }
0x33: {  	v1 =	vadd.f32 v2, v1;
	v2 =	vld [tilespmem:s24+$0x20];
	_ =	sdelay $0x1  }
0x34: {  	vm10 =	vlt.f32 v1, $0.0e+00  }
0x35: {  	v1 =	vsel vm10, $0x1000, v0  }
0x36: {  	v4 =	vadd.s32 v4, v1  }
0x37: {  	v1 =	vadd.s32 v5, v1;
	[tilespmem:s24+$0x10] =	vst v4  }
0x38: {  	[tilespmem:s24+$0x810] =	vst v1  }
0x39: {  	v1 =	vld.idx.msk [tilespmem:v3+s16+$0x0], $0xffff  }
0x3a: {  	v4 =	vld.idx.msk [tilespmem:v2+s17+$0x0], $0xffff;
	_ =	sdelay $0x3  }
0x3b: {  	v5 =	vld [tilespmem:s24+$0x830]  }
0x3c: {  	v1 =	vadd.f32 v4, v1;
	v4 =	vld [tilespmem:s24+$0x30];
	_ =	sdelay $0x1  }
0x3d: {  	vm11 =	vlt.f32 v1, $0.0e+00  }
0x3e: {  	v1 =	vsel vm11, $0x1000, v0  }
0x3f: {  	v2 =	vadd.s32 v2, v1  }
0x40: {  	v1 =	vadd.s32 v3, v1;
	[tilespmem:s24+$0x20] =	vst v2  }
0x41: {  	[tilespmem:s24+$0x820] =	vst v1  }
0x42: {  	v1 =	vld.idx.msk [tilespmem:v5+s16+$0x0], $0xffff  }
0x43: {  	v2 =	vld.idx.msk [tilespmem:v4+s17+$0x0], $0xffff;
	_ =	sdelay $0x3  }
0x44: {  	v3 =	vld [tilespmem:s24+$0x840]  }
0x45: {  	v1 =	vadd.f32 v2, v1;
	v2 =	vld [tilespmem:s24+$0x40];
	_ =	sdelay $0x1  }
0x46: {  	vm12 =	vlt.f32 v1, $0.0e+00  }
0x47: {  	v1 =	vsel vm12, $0x1000, v0  }
0x48: {  	v4 =	vadd.s32 v4, v1  }
0x49: {  	v1 =	vadd.s32 v5, v1;
	[tilespmem:s24+$0x30] =	vst v4  }
0x4a: {  	[tilespmem:s24+$0x830] =	vst v1  }
0x4b: {  	v1 =	vld.idx.msk [tilespmem:v3+s16+$0x0], $0xffff  }
0x4c: {  	v4 =	vld.idx.msk [tilespmem:v2+s17+$0x0], $0xffff;
	_ =	sdelay $0x3  }
0x4d: {  	v5 =	vld [tilespmem:s24+$0x850]  }
0x4e: {  	v1 =	vadd.f32 v4, v1;
	v4 =	vld [tilespmem:s24+$0x50];
	_ =	sdelay $0x1  }
0x4f: {  	vm13 =	vlt.f32 v1, $0.0e+00  }
0x50: {  	v1 =	vsel vm13, $0x1000, v0  }
0x51: {  	v2 =	vadd.s32 v2, v1  }
0x52: {  	v1 =	vadd.s32 v3, v1;
	[tilespmem:s24+$0x40] =	vst v2  }
0x53: {  	[tilespmem:s24+$0x840] =	vst v1  }
0x54: {  	v2 =	vld.idx.msk [tilespmem:v5+s16+$0x0], $0xffff  }
0x55: {  	v3 =	vld.idx.msk [tilespmem:v4+s17+$0x0], $0xffff;
	_ =	sdelay $0x3  }
0x56: {  	v1 =	vld [tilespmem:s24+$0x860]  }
0x57: {  	v2 =	vadd.f32 v3, v2;
	v3 =	vld [tilespmem:s24+$0x60];
	_ =	sdelay $0x1  }
0x58: {  	vm14 =	vlt.f32 v2, $0.0e+00  }
0x59: {  	v2 =	vsel vm14, $0x1000, v0  }
0x5a: {  	v4 =	vadd.s32 v4, v2  }
0x5b: {  	v2 =	vadd.s32 v5, v2;
	[tilespmem:s24+$0x50] =	vst v4  }
0x5c: {  	[tilespmem:s24+$0x850] =	vst v2  }
0x5d: {  	v2 =	vld.idx.msk [tilespmem:v1+s16+$0x0], $0xffff  }
0x5e: {  	v4 =	vld.idx.msk [tilespmem:v3+s17+$0x0], $0xffff;
	_ =	sdelay $0x4  }
0x5f: {  	v4 =	vadd.f32 v4, v2  }
0x60: {  	v2 =	vld [tilespmem:s24+$0x870]  }
0x61: {  	vm15 =	vlt.f32 v4, $0.0e+00;
	v4 =	vld [tilespmem:s24+$0x70];
	_ =	sdelay $0x2  }
0x62: {  	s25 =	simm.s32 $0x200;
	v5 =	vsel vm15, $0x1000, v0  }
.LBB2_2:
0x63: {  	p0 =	sne.s32 s25, $0x1E00;
	v3 =	vadd.s32 v3, v5;
	v1 =	vadd.s32 v1, v5;
	s26 =	smov.u32 s25;
	s25 =	sadd.s32 $0x200, s25  }
0x64: {  	[tilespmem:s24+$0x60] =	vst v3  }
0x65: {  	[tilespmem:s24+$0x860] =	vst v1  }
0x66: {  	v1 =	vld.idx.msk [tilespmem:v2+s16+$0x0], $0xffff  }
0x67: {  	v3 =	vld.idx.msk [tilespmem:v4+s17+$0x0], $0xffff;
	_ =	sdelay $0x3  }
0x68: {  	s26 =	sshra.s32 s26, $0x2  }
0x69: {  	v5 =	vld [tilespmem:s26+$0x0]  }
0x6a: {  	v1 =	vadd.f32 v3, v1;
	v6 =	vld [tilespmem:s26+$0x800];
	_ =	sdelay $0x1  }
0x6b: {  	vm0 =	vlt.f32 v1, $0.0e+00  }
0x6c: {  	v1 =	vsel vm0, $0x1000, v0  }
0x6d: {  	v3 =	vadd.s32 v4, v1;
	v1 =	vadd.s32 v2, v1  }
0x6e: {  	[tilespmem:s24+$0x70] =	vst v3  }
0x6f: {  	[tilespmem:s24+$0x870] =	vst v1;
	s24 =	smov.u32 s26  }
0x70: {  	v1 =	vld.idx.msk [tilespmem:v5+s17+$0x0], $0xffff  }
0x71: {  	v2 =	vld.idx.msk [tilespmem:v6+s16+$0x0], $0xffff;
	_ =	sdelay $0x4  }
0x72: {  	v3 =	vld [tilespmem:s24+$0x810]  }
0x73: {  	v1 =	vadd.f32 v1, v2;
	v2 =	vld [tilespmem:s24+$0x10];
	_ =	sdelay $0x1  }
0x74: {  	vm0 =	vlt.f32 v1, $0.0e+00  }
0x75: {  	v1 =	vsel vm0, $0x1000, v0  }
0x76: {  	v4 =	vadd.s32 v5, v1;
	v1 =	vadd.s32 v6, v1  }
0x77: {  	[tilespmem:s24+$0x0] =	vst v4  }
0x78: {  	[tilespmem:s24+$0x800] =	vst v1  }
0x79: {  	v1 =	vld.idx.msk [tilespmem:v3+s16+$0x0], $0xffff  }
0x7a: {  	v4 =	vld.idx.msk [tilespmem:v2+s17+$0x0], $0xffff;
	_ =	sdelay $0x4  }
0x7b: {  	v5 =	vld [tilespmem:s24+$0x820]  }
0x7c: {  	v1 =	vadd.f32 v4, v1;
	v4 =	vld [tilespmem:s24+$0x20];
	_ =	sdelay $0x1  }
0x7d: {  	vm0 =	vlt.f32 v1, $0.0e+00  }
0x7e: {  	v1 =	vsel vm0, $0x1000, v0  }
0x7f: {  	v2 =	vadd.s32 v2, v1;
	v1 =	vadd.s32 v3, v1  }
0x80: {  	[tilespmem:s24+$0x10] =	vst v2  }
0x81: {  	[tilespmem:s24+$0x810] =	vst v1  }
0x82: {  	v1 =	vld.idx.msk [tilespmem:v5+s16+$0x0], $0xffff  }
0x83: {  	v2 =	vld.idx.msk [tilespmem:v4+s17+$0x0], $0xffff;
	_ =	sdelay $0x4  }
0x84: {  	v3 =	vld [tilespmem:s24+$0x830]  }
0x85: {  	v1 =	vadd.f32 v2, v1;
	v2 =	vld [tilespmem:s24+$0x30];
	_ =	sdelay $0x1  }
0x86: {  	vm0 =	vlt.f32 v1, $0.0e+00  }
0x87: {  	v1 =	vsel vm0, $0x1000, v0  }
0x88: {  	v4 =	vadd.s32 v4, v1;
	v1 =	vadd.s32 v5, v1  }
0x89: {  	[tilespmem:s24+$0x20] =	vst v4  }
0x8a: {  	[tilespmem:s24+$0x820] =	vst v1  }
0x8b: {  	v1 =	vld.idx.msk [tilespmem:v3+s16+$0x0], $0xffff  }
0x8c: {  	v4 =	vld.idx.msk [tilespmem:v2+s17+$0x0], $0xffff;
	_ =	sdelay $0x4  }
0x8d: {  	v5 =	vld [tilespmem:s24+$0x840]  }
0x8e: {  	v1 =	vadd.f32 v4, v1;
	v4 =	vld [tilespmem:s24+$0x40];
	_ =	sdelay $0x1  }
0x8f: {  	vm0 =	vlt.f32 v1, $0.0e+00  }
0x90: {  	v1 =	vsel vm0, $0x1000, v0  }
0x91: {  	v2 =	vadd.s32 v2, v1;
	v1 =	vadd.s32 v3, v1  }
0x92: {  	[tilespmem:s24+$0x30] =	vst v2  }
0x93: {  	[tilespmem:s24+$0x830] =	vst v1  }
0x94: {  	v1 =	vld.idx.msk [tilespmem:v5+s16+$0x0], $0xffff  }
0x95: {  	v2 =	vld.idx.msk [tilespmem:v4+s17+$0x0], $0xffff;
	_ =	sdelay $0x4  }
0x96: {  	v6 =	vld [tilespmem:s24+$0x850]  }
0x97: {  	v1 =	vadd.f32 v2, v1;
	v2 =	vld [tilespmem:s24+$0x50];
	_ =	sdelay $0x1  }
0x98: {  	vm0 =	vlt.f32 v1, $0.0e+00  }
0x99: {  	v1 =	vsel vm0, $0x1000, v0  }
0x9a: {  	v3 =	vadd.s32 v4, v1;
	v1 =	vadd.s32 v5, v1  }
0x9b: {  	[tilespmem:s24+$0x40] =	vst v3  }
0x9c: {  	[tilespmem:s24+$0x840] =	vst v1  }
0x9d: {  	v3 =	vld.idx.msk [tilespmem:v6+s16+$0x0], $0xffff  }
0x9e: {  	v4 =	vld.idx.msk [tilespmem:v2+s17+$0x0], $0xffff;
	_ =	sdelay $0x4  }
0x9f: {  	v1 =	vld [tilespmem:s24+$0x860]  }
0xa0: {  	v4 =	vadd.f32 v4, v3;
	v3 =	vld [tilespmem:s24+$0x60];
	_ =	sdelay $0x1  }
0xa1: {  	vm0 =	vlt.f32 v4, $0.0e+00  }
0xa2: {  	v4 =	vsel vm0, $0x1000, v0  }
0xa3: {  	v2 =	vadd.s32 v2, v4;
	v4 =	vadd.s32 v6, v4  }
0xa4: {  	[tilespmem:s24+$0x50] =	vst v2  }
0xa5: {  	[tilespmem:s24+$0x850] =	vst v4  }
0xa6: {  	v4 =	vld.idx.msk [tilespmem:v1+s16+$0x0], $0xffff  }
0xa7: {  	v5 =	vld.idx.msk [tilespmem:v3+s17+$0x0], $0xffff;
	_ =	sdelay $0x4  }
.Ltmp0:
0xa8: {  	v2 =	vld [tilespmem:s24+$0x870];
	(pc) =	sbr.rel @p0 .LBB2_2-.Ltmp0, $3  }
0xa9: {  	v5 =	vadd.f32 v5, v4;
	v4 =	vld [tilespmem:s24+$0x70];
	_ =	sdelay $0x1  }
0xaa: {  	vm0 =	vlt.f32 v5, $0.0e+00  }
0xab: {  	v5 =	vsel vm0, $0x1000, v0  }
0xac: {  	_ = 	snop  }
0xad: {  	v3 =	vadd.s32 v3, v5  }
0xae: {  	v1 =	vadd.s32 v1, v5;
	[tilespmem:s24+$0x60] =	vst v3  }
0xaf: {  	[tilespmem:s24+$0x860] =	vst v1  }
0xb0: {  	v1 =	vld.idx.msk [tilespmem:v2+s16+$0x0], $0xffff  }
0xb1: {  	v3 =	vld.idx.msk [tilespmem:v4+s17+$0x0], $0xffff;
	_ =	sdelay $0x4  }
0xb2: {  	v1 =	vadd.f32 v3, v1;
	_ =	sdelay $0x1  }
0xb3: {  	vm0 =	vlt.f32 v1, $0.0e+00  }
0xb4: {  	v1 =	vsel vm0, $0x1000, v0  }
0xb5: {  	v3 =	vadd.s32 v4, v1  }
0xb6: {  	v1 =	vadd.s32 v2, v1;
	[tilespmem:s24+$0x70] =	vst v3  }
0xb7: {  	s25 =	simm.s32 $0x0;
	[tilespmem:s24+$0x870] =	vst v1;
	s24 =	simm.s32 $0x80  }
0xb8: {  	[tilespmem:s18], [sflag:$0x1] =	stream.indirect.gather [hbm4b:s4+s24], $0x80, s25, s24, $0xb8;
	[tilespmem:$0x1B000] =	vst v63  }
0xb9: {  	s25 =	sand.u32 $0x1, s25  }
0xba: {  	p0 =	seq.s32 s25, $0x1  }
0xbb: {  	s25 =	simm.s32 @p0 $0x80;
	s26 =	simm.s32 @p0 $0x1000;
	s28 =	simm.s32 @p0 $0x1  }
0xbc: {  	[tilespmem:s26], [sflag:$0x1] =	stream.indirect.gather @p0 [hbm4b:s4+s25], $0x80, s24, s25, $0xb8;
	[tilespmem:$0x1B000] =	vst v63  }
0xbd: {  	_ =	swait.ge @p0 [sflag:s28], $0x4000  }
0xbe: {  	[sflag:s28] =	ssyncset.done @p0 $0x0  }
0xbf: {  	s26 =	simm.s32 $0x800;
	[sflag:s28] =	ssyncadd.s32 @p0 $0xFFFFC000;
	s28 =	simm.s32 @p0 $0x5000  }
0xc0: {  	[spmem:s1] =	stream.indirect.scatter.add.f32 @p0 [tilespmem:s28], [sflag:$0x2], $0x80, s26, s25, $0xb8;
	[tilespmem:$0x1B000] =	vst v63  }
0xc1: {  	s29 =	simm.s32 @!p0 $0x1;
	s25 =	simm.s32 @!p0 $0x80;
	s28 =	simm.s32 @!p0 $0x5000  }
0xc2: {  	[tilespmem:s28], [sflag:$0x1] =	stream.indirect.gather @!p0 [hbm4b:s4+s25], $0x80, s24, s25, $0xb8;
	[tilespmem:$0x1B000] =	vst v63  }
0xc3: {  	_ =	swait.ge @!p0 [sflag:s29], $0x4000  }
0xc4: {  	s31 =	simm.s32 $0x1;
	s28 =	simm.s32 @!p0 $0x3;
	[sflag:s29] =	ssyncset.done @!p0 $0x0  }
0xc5: {  	s28 =	simm.s32 @p0 $0x2;
	[sflag:s29] =	ssyncadd.s32 @!p0 $0xFFFFC000;
	s29 =	simm.s32 @!p0 $0x1000  }
0xc6: {  	[spmem:s1] =	stream.indirect.scatter.add.f32 @!p0 [tilespmem:s29], [sflag:$0x3], $0x80, s26, s25, $0xb8;
	[tilespmem:$0x1B000] =	vst v63  }
0xc7: {  	s24 =	simm.s32 $0x880;
	s26 =	simm.s32 $0x2;
	_ =	swait.ge [sflag:s28], $0x4000  }
0xc8: {  	s25 =	simm.s32 $0x100;
	s29 =	sand.u32 $0x1, s31;
	[sflag:s28] =	ssyncset.done $0x0  }
.LBB2_4:
0xc9: {  	p0 =	seq.s32 s29, $0x1  }
0xca: {  	[sflag:s28] =	ssyncadd.s32 $0xFFFFC000;
	s29 =	smov.u32 s26;
	s26 =	sadd.s32 $0x1, s26  }
0xcb: {  	s30 =	simm.s32 @p0 $0x80;
	s28 =	simm.s32 @p0 $0x1000;
	s31 =	simm.s32 @p0 $0x1  }
0xcc: {  	[tilespmem:s28], [sflag:$0x1] =	stream.indirect.gather @p0 [hbm4b:s4+s30], $0x80, s25, s30, $0xb8;
	[tilespmem:$0x1B000] =	vst v63  }
0xcd: {  	p1 =	sne.s32 s26, $0xF;
	s28 =	simm.s32 @!p0 $0x3;
	_ =	swait.ge @p0 [sflag:s31], $0x4000  }
0xce: {  	[sflag:s31] =	ssyncset.done @p0 $0x0  }
0xcf: {  	[sflag:s31] =	ssyncadd.s32 @p0 $0xFFFFC000;
	s31 =	simm.s32 @p0 $0x5000  }
0xd0: {  	[spmem:s1] =	stream.indirect.scatter.add.f32 @p0 [tilespmem:s31], [sflag:$0x2], $0x80, s24, s30, $0xb8;
	[tilespmem:$0x1B000] =	vst v63  }
0xd1: {  	s0 =	simm.s32 @!p0 $0x1;
	s30 =	simm.s32 @!p0 $0x80;
	s31 =	simm.s32 @!p0 $0x5000  }
0xd2: {  	[tilespmem:s31], [sflag:$0x1] =	stream.indirect.gather @!p0 [hbm4b:s4+s30], $0x80, s25, s30, $0xb8;
	[tilespmem:$0x1B000] =	vst v63  }
0xd3: {  	_ =	swait.ge @!p0 [sflag:s0], $0x4000  }
.Ltmp1:
0xd4: {  	[sflag:s0] =	ssyncset.done @!p0 $0x0;
	(pc) =	sbr.rel @p1 .LBB2_4-.Ltmp1, $4  }
0xd5: {  	s28 =	simm.s32 @p0 $0x2;
	[sflag:s0] =	ssyncadd.s32 @!p0 $0xFFFFC000;
	s0 =	simm.s32 @!p0 $0x1000  }
0xd6: {  	[spmem:s1] =	stream.indirect.scatter.add.f32 @!p0 [tilespmem:s0], [sflag:$0x3], $0x80, s24, s30, $0xb8;
	[tilespmem:$0x1B000] =	vst v63  }
0xd7: {  	s25 =	sadd.s32 $0x80, s25;
	_ =	swait.ge [sflag:s28], $0x4000  }
0xd8: {  	s29 =	sand.u32 $0x1, s29;
	s24 =	sadd.s32 $0x80, s24;
	[sflag:s28] =	ssyncset.done $0x0  }
0xd9: {  	p0 =	seq.s32 s29, $0x1;
	[sflag:s28] =	ssyncadd.s32 $0xFFFFC000  }
0xda: {  	s0 =	simm.s32 @p0 $0x80;
	s26 =	simm.s32 @p0 $0x1000;
	s28 =	simm.s32 @p0 $0x1  }
0xdb: {  	[tilespmem:s26], [sflag:$0x1] =	stream.indirect.gather @p0 [hbm4b:s4+s0], $0x80, s25, s0, $0xb8;
	[tilespmem:$0x1B000] =	vst v63  }
0xdc: {  	_ =	swait.ge @p0 [sflag:s28], $0x4000  }
0xdd: {  	[sflag:s28] =	ssyncset.done @p0 $0x0  }
0xde: {  	s26 =	simm.s32 @p0 $0x5000;
	[sflag:s28] =	ssyncadd.s32 @p0 $0xFFFFC000  }
0xdf: {  	[spmem:s1] =	stream.indirect.scatter.add.f32 @p0 [tilespmem:s26], [sflag:$0x2], $0x80, s24, s0, $0xb8;
	[tilespmem:$0x1B000] =	vst v63  }
0xe0: {  	s28 =	simm.s32 @!p0 $0x1;
	s0 =	simm.s32 @!p0 $0x80;
	s26 =	simm.s32 @!p0 $0x5000  }
0xe1: {  	[tilespmem:s26], [sflag:$0x1] =	stream.indirect.gather @!p0 [hbm4b:s4+s0], $0x80, s25, s0, $0xb8;
	[tilespmem:$0x1B000] =	vst v63  }
0xe2: {  	_ =	swait.ge @!p0 [sflag:s28], $0x4000  }
0xe3: {  	s25 =	simm.s32 @!p0 $0x3;
	[sflag:s28] =	ssyncset.done @!p0 $0x0  }
0xe4: {  	s26 =	simm.s32 @!p0 $0x1000;
	s25 =	simm.s32 @p0 $0x2;
	[sflag:s28] =	ssyncadd.s32 @!p0 $0xFFFFC000  }
0xe5: {  	[spmem:s1] =	stream.indirect.scatter.add.f32 @!p0 [tilespmem:s26], [sflag:$0x3], $0x80, s24, s0, $0xb8;
	[tilespmem:$0x1B000] =	vst v63  }
0xe6: {  	_ =	swait.ge [sflag:s25], $0x4000  }
0xe7: {  	[sflag:s25] =	ssyncset.done $0x0  }
0xe8: {  	[sflag:s25] =	ssyncadd.s32 $0xFFFFC000  }
0xe9: {  	_ =	swait.ge [sflag:s19], $0x4000  }
0xea: {  	[sflag:s19] =	ssyncset.done $0x0  }
0xeb: {  	[sflag:s19] =	ssyncadd.s32 $0xFFFFC000  }
0xec: {  	[spmem:s1] =	stream.indirect.scatter.add.f32 [tilespmem:s22], [sflag:$0x2], $0x80, s21, s20, $0xb8;
	[tilespmem:$0x1B000] =	vst v63  }
0xed: {  	_ =	swait.ge [sflag:s14], $0x4000  }
0xee: {  	s23 =	sadd.s32 $0x1, s23;
	[sflag:s14] =	ssyncset.done $0x0  }
0xef: {  	p0 =	sne.s32 s23, s12;
	[sflag:s14] =	ssyncadd.s32 $0xFFFFC000  }
.Ltmp2:
0xf0: {  	[bflag:$0x0] =	sbarrier.arrive $0xFFFF;
	(pc) =	sbr.rel @p0 .LBB2_1-.Ltmp2, $4  }
0xf1: {  	[hbm:s11], [sflag:s9] =	dma.local [spmem:s13], $0x2000  }
0xf2: {  	_ =	swait.ge [sflag:s14], $0x2000  }
0xf3: {  	[sflag:s14] =	ssyncset.done $0x0  }
0xf4: {  	[sflag:s14] =	ssyncadd.s32 $0xFFFFE000  }
0xf5: {  	_ =	sfence.sel $0x180000  }
0xf6: {  	[bflag:$0x0] =	sbarrier.arrive $0xFFFF  }
0xf7: {  	_ =	strace $0x90000050  }
0xf8: {  	[bflag:$0x2] =	sbarrier.arrive $0xFFFF  }
0xf9: {  	p0 =	sne.s32 s3, $0x0;
	s0 =	rddreg [dreg:$0x2]  }
0xfa: {  	s0 =	sadd.s32 @!p0 $0x100000, s0  }
0xfb: {  	[sflag:s0] =	ssyncadd.tile.s32 @!p0 $0x1;
	_ =	shalt  }
.Lfunc_end2:
_tile_overlayer_lowered:
.L_overlay_start_2:
0xfc: {  	(tag) =	ssettag $0x2  }
0xfd: {  	s0 =	rddreg [dreg:$0x0];
	s2 =	stileid.u32  }
0xfe: {  	s1 =	rddreg [dreg:$0x1];
	p0 =	sne.s32 s2, $0x0  }
0xff: {  	s3 =	rddreg [dreg:$0x2];
	[bflag:$0x3] =	sbarrier.arrive $0xFFFF;
	s2 =	simm.s32 @!p0 $0x1C02  }
0x100: {  	[timem:s3], [sflag:s2] =	dma.local @!p0 [hbm:s0], s1  }
0x101: {  	s0 =	simm.s32 @!p0 $0x2  }
0x102: {  	_ =	swait.ge @!p0 [sflag:s0], s1  }
0x103: {  	s1 =	ssub.s32 @!p0 $0x0, s1;
	[sflag:s0] =	ssyncset.done @!p0 $0x0  }
0x104: {  	[sflag:s0] =	ssyncadd.s32 @!p0 s1  }
0x105: {  	[bflag:$0x3] =	sbarrier.arrive $0xFFFF  }
0x106: {  	_ =	shalt  }

// kernel: kernel.24.cloned.1.call-start
scs
__scs_entry_jumppad:
0x0: {  	(pc) =	sbr.rel $0x88, $3  }
0x1: {  	(tag) =	ssettag $0x0;
	lr =	simm.s32 $0x1  }
0x2: {  	[smem:$0x3F92] =	sst lr;
	_ =	strace $0xD0000000  }
0x3: {  	_ = 	snop  }
0x4: {  	_ = 	snop  }
0x5: {  	_ = 	snop  }
0x6: {  	_ = 	snop  }
0x7: {  	_ = 	snop  }
__scs_overlays_trampoline_lowered:
0x8: {  	[smem:$0x3FA1] =	sst s0  }
0x9: {  	[smem:$0x3FA2] =	sst s1  }
0xa: {  	[smem:$0x3FA3] =	sst s2  }
0xb: {  	[smem:$0x3FA4] =	sst s3  }
0xc: {  	[smem:$0x3FA5] =	sst s4  }
0xd: {  	[smem:$0x3FA6] =	sst s5  }
0xe: {  	[smem:$0x3FA7] =	sst s6  }
0xf: {  	[smem:$0x3FA8] =	sst s7  }
0x10: {  	[smem:$0x3FA9] =	sst s8  }
0x11: {  	[smem:$0x3FAA] =	sst s9;
	s0 =	simm.s32 @!p0 $0x0  }
0x12: {  	s1 =	sld [smem:$0x3F90];
	s0 =	simm.s32 @p0 $0x1  }
0x13: {  	[smem:$0x3FAB] =	sst s0;
	s0 =	simm.s32 @!p1 $0x0  }
0x14: {  	s2 =	sld [smem:$0x3F8F];
	s0 =	simm.s32 @p1 $0x1  }
0x15: {  	[smem:$0x3FAC] =	sst s0;
	s0 =	simm.s32 @!p2 $0x0  }
0x16: {  	s3 =	sld [smem:$0x3FDB];
	s0 =	simm.s32 @p2 $0x1  }
0x17: {  	s4 =	simm.s32 $0x1BF5;
	[smem:$0x3FAE] =	sst s0  }
0x18: {  	s0 =	sld [smem:$0x3F91];
	_ =	swait.ge [sflag:s4], $0x0  }
0x19: {  	s7 =	sld [smem:$0x3F92]  }
0x1a: {  	s8 =	sadd.s32 $0xFFFFE003, lr  }
0x1b: {  	s9 =	sadd.s32 $0xFFFFFEF7, lr;
	s5 =	simm.s32 $0xFFFFFFFF;
	p2 =	slt.u32 s8, $0xFFFFF086  }
0x1c: {  	p1 =	slt.u32 s9, $0xF7A;
	s5 =	simm.s32 @!p2 $0x0  }
0x1d: {  	s5 =	simm.s32 @p1 $0x1;
	p0 =	seq.s32 s7, s2  }
0x1e: {  	s7 =	smul.u32 @!p0 $0xF7A, s2;
	p2 =	seq.s32 @!p0 s5, $0x0  }
0x1f: {  	s9 =	smul.u32 $0xF7A, s1;
	s8 =	simm.s32 @!p0 $0x1BF5;
	p2 =	por !p2, p0  }
0x20: {  	[sflag:s8] =	ssyncset.s32 @!p0 $0xFFFFF086;
	s6 =	sadd.s32 @!p0 s3, s7;
	s7 =	simm.s32 @!p0 $0x108  }
0x21: {  	s3 =	sadd.s32 s3, s9;
	s6 =	sadd.s32 @!p0 $0x88, s6;
	s7 =	simm.s32 @p2 $0x1082  }
0x22: {  	[simem:s7], [sflag:s8] =	dma.local @!p0 [hbm:s6], $0xF7A  }
0x23: {  	s9 =	sor.u32 $0xD0000000, s2;
	s6 =	simm.s32 $0x108;
	_ =	swait.ge @!p0 [sflag:s8], $0x0  }
0x24: {  	s3 =	sadd.s32 $0x88, s3;
	s6 =	simm.s32 @!p1 $0x1082;
	[sflag:s4] =	ssyncset.s32 $0xFFFFF086  }
0x25: {  	[simem:s6], [sflag:s4] =	dma.local [hbm:s3], $0xF7A  }
0x26: {  	[smem:$0x3F92] =	sst s1;
	(tag) =	ssettag s2;
	_ =	strace s9  }
0x27: {  	s1 =	sld [smem:$0x3FA2]  }
0x28: {  	s2 =	sld [smem:$0x3FA3]  }
0x29: {  	s4 =	sld [smem:$0x3FA5]  }
0x2a: {  	p0 =	seq.s32 s5, $0x0;
	s5 =	sld [smem:$0x3FA6]  }
0x2b: {  	s6 =	sld [smem:$0x3FA7]  }
0x2c: {  	s7 =	sld [smem:$0x3FA8]  }
0x2d: {  	s3 =	simm.s32 $0x108;
	s8 =	sld [smem:$0x3FA9]  }
0x2e: {  	s3 =	simm.s32 @!p0 $0x1082;
	s9 =	sld [smem:$0x3FAA]  }
0x2f: {  	lr =	sadd.s32 s0, s3;
	s0 =	sld [smem:$0x3FA1]  }
0x30: {  	s3 =	sld [smem:$0x3FA4]  }
0x31: {  	[smem:$0x3FAD] =	sst s10  }
0x32: {  	s10 =	sld [smem:$0x3FAB];
	_ =	sdelay $0x3  }
0x33: {  	p0 =	seq.s32 s10, $0x1;
	s10 =	sld [smem:$0x3FAD];
	_ =	sdelay $0x3  }
0x34: {  	[smem:$0x3FAD] =	sst s10  }
0x35: {  	s10 =	sld [smem:$0x3FAC];
	_ =	sdelay $0x3  }
0x36: {  	p1 =	seq.s32 s10, $0x1;
	s10 =	sld [smem:$0x3FAD];
	_ =	sdelay $0x3  }
0x37: {  	[smem:$0x3FAD] =	sst s10  }
0x38: {  	s10 =	sld [smem:$0x3FAE]  }
0x39: {  	_ = 	snop;
	(pc) =	sbr.ind lr, $3  }
0x3a: {  	_ = 	snop  }
0x3b: {  	_ = 	snop  }
0x3c: {  	p2 =	seq.s32 s10, $0x1;
	s10 =	sld [smem:$0x3FAD]  }
0x3d: {  	_ =	shalt  }
0x3e: {  	_ =	shalt  }
0x3f: {  	_ =	shalt  }
0x40: {  	_ =	shalt  }
0x41: {  	_ =	shalt  }
0x42: {  	_ =	shalt  }
0x43: {  	_ =	shalt  }
0x44: {  	_ =	shalt  }
0x45: {  	_ =	shalt  }
0x46: {  	_ =	shalt  }
0x47: {  	_ =	shalt  }
0x48: {  	_ =	shalt  }
0x49: {  	_ =	shalt  }
0x4a: {  	_ =	shalt  }
0x4b: {  	_ =	shalt  }
0x4c: {  	_ =	shalt  }
0x4d: {  	_ =	shalt  }
0x4e: {  	_ =	shalt  }
0x4f: {  	_ =	shalt  }
0x50: {  	_ =	shalt  }
0x51: {  	_ =	shalt  }
0x52: {  	_ =	shalt  }
0x53: {  	_ =	shalt  }
0x54: {  	_ =	shalt  }
0x55: {  	_ =	shalt  }
0x56: {  	_ =	shalt  }
0x57: {  	_ =	shalt  }
0x58: {  	_ =	shalt  }
0x59: {  	_ =	shalt  }
0x5a: {  	_ =	shalt  }
0x5b: {  	_ =	shalt  }
0x5c: {  	_ =	shalt  }
0x5d: {  	_ =	shalt  }
0x5e: {  	_ =	shalt  }
0x5f: {  	_ =	shalt  }
0x60: {  	_ =	shalt  }
0x61: {  	_ =	shalt  }
0x62: {  	_ =	shalt  }
0x63: {  	_ =	shalt  }
0x64: {  	_ =	shalt  }
0x65: {  	_ =	shalt  }
0x66: {  	_ =	shalt  }
0x67: {  	_ =	shalt  }
0x68: {  	_ =	shalt  }
0x69: {  	_ =	shalt  }
0x6a: {  	_ =	shalt  }
0x6b: {  	_ =	shalt  }
0x6c: {  	_ =	shalt  }
0x6d: {  	_ =	shalt  }
0x6e: {  	_ =	shalt  }
0x6f: {  	_ =	shalt  }
0x70: {  	_ =	shalt  }
0x71: {  	_ =	shalt  }
0x72: {  	_ =	shalt  }
0x73: {  	_ =	shalt  }
0x74: {  	_ =	shalt  }
0x75: {  	_ =	shalt  }
0x76: {  	_ =	shalt  }
0x77: {  	_ =	shalt  }
0x78: {  	_ =	shalt  }
0x79: {  	_ =	shalt  }
0x7a: {  	_ =	shalt  }
0x7b: {  	_ =	shalt  }
0x7c: {  	_ =	shalt  }
0x7d: {  	_ =	shalt  }
0x7e: {  	_ =	shalt  }
0x7f: {  	_ =	shalt  }
0x80: {  	_ =	shalt  }
0x81: {  	_ =	shalt  }
0x82: {  	_ =	shalt  }
0x83: {  	_ =	shalt  }
0x84: {  	_ =	shalt  }
0x85: {  	_ =	shalt  }
0x86: {  	_ =	shalt  }
0x87: {  	_ =	shalt  }
.Lfunc_end0:
.L_simem_size_0:
called_computation.6_lowered:
.L_overlay_start_0:
0x88: {  	s2 =	sld [smem:$0x3FD9]  }
0x89: {  	s3 =	sld [smem:$0x3FFE];
	_ =	sdelay $0x1  }
0x8a: {  	s1 =	srdreg.scid  }
0x8b: {  	s0 =	sand.u32 $0x1, s1  }
0x8c: {  	s17 =	sshll.u32 s0, $0xA;
	s2 =	sadd.s32 s3, s2  }
0x8d: {  	s2 =	sadd.s32 s2, s17  }
0x8e: {  	[smem:$0x3FB9] =	sst s2  }
0x8f: {  	_ = 	snop  }
0x90: {  	(tm) =	ssettm $0x1  }
0x91: {  	s18 =	sld [smem:$0x3FFB];
	_ =	sdelay $0x3  }
0x92: {  	_ =	strace s18  }
0x93: {  	s2 =	sld [smem:$0x3FFC];
	_ =	sdelay $0x3  }
0x94: {  	_ =	strace s2  }
0x95: {  	s2 =	sld [smem:$0x3FFD];
	_ =	sdelay $0x3  }
0x96: {  	_ =	strace s2  }
0x97: {  	_ =	strace $0x8FFFFFFF  }
0x98: {  	s19 =	sld [smem:$0x3FDB];
	_ =	sdelay $0x1  }
0x99: {  	s20 =	simm.s32 $_scs_section_size  }
0x9a: {  	s4 =	simm.s32 $_size__tile_overlayer_lowered;
	s5 =	simm.s32 $_tile_overlayer_lowered  }
0x9b: {  	s6 =	simm.s32 $0x1BFF;
	s21 =	sshll.u32 s5, $0x1;
	s3 =	sadd.s32 s20, s19  }
0x9c: {  	s22 =	simm.s32 $0x0;
	s4 =	sshll.u32 s4, $0x1;
	s5 =	sadd.s32 s21, s3  }
0x9d: {  	[timem:s22], [sflag:s6] =	dma.local [hbm:s5], s4  }
0x9e: {  	_ =	swait.ge [sflag:s6], s4  }
0x9f: {  	s4 =	ssub.s32 $0x0, s4;
	[sflag:s6] =	ssyncset.done $0x0  }
0xa0: {  	[sflag:s6] =	ssyncadd.s32 s4;
	_ =	sdelay $0x1  }
0xa1: {  	s23 =	simm.s32 $0x1B8B  }
0xa2: {  	_ =	swait.ge [sflag:s23], $0x1  }
0xa3: {  	[sflag:s23] =	ssyncset.done $0x0  }
0xa4: {  	[sflag:s23] =	ssyncadd.s32 $0xFFFFFFFF  }
0xa5: {  	s4 =	sld [smem:$0x0]  }
0xa6: {  	s5 =	sand.u32 $0xFFFFFFFE, s1  }
0xa7: {  	p0 =	sne.s32 s1, s5  }
0xa8: {  	s5 =	sshll.u32 @p0 s5, $0xE  }
0xa9: {  	s5 =	sadd.s32 @p0 $0x11B8D, s5;
	s6 =	sshll.u32 @p0 s4, $0x11  }
0xaa: {  	s5 =	sor.u32 @p0 s6, s5  }
0xab: {  	[sflag:s5] =	ssyncadd.remote.s32 @p0 $0x1;
	_ =	sdelay $0x1  }
0xac: {  	s5 =	simm.s32 @p0 $0x1B8D  }
0xad: {  	_ =	swait.eq @p0 [sflag:s5], $0x1  }
0xae: {  	[sflag:s5] =	ssyncadd.s32 @p0 $0xFFFFFFFF  }
0xaf: {  	s6 =	sshll.u32 @!p0 s1, $0xE  }
0xb0: {  	s6 =	sor.u32 @!p0 $0x4000, s6;
	s5 =	simm.s32 @!p0 $0x1B8D  }
0xb1: {  	s4 =	sshll.u32 @!p0 s4, $0x11;
	s6 =	sadd.s32 @!p0 $0x11B8D, s6;
	_ =	swait.eq @!p0 [sflag:s5], $0x1  }
0xb2: {  	s4 =	sor.u32 @!p0 s4, s6;
	[sflag:s5] =	ssyncadd.s32 @!p0 $0xFFFFFFFF  }
0xb3: {  	s25 =	simm.s32 $0x1B8E;
	s24 =	sld [smem:$0x3FFE];
	[sflag:s4] =	ssyncadd.remote.s32 @!p0 $0x1  }
0xb4: {  	s26 =	simm.s32 $execute0_lowered;
	[smem:$0x3FD2] =	sst s25  }
0xb5: {  	s5 =	sshll.u32 s26, $0x1;
	_ =	strace $0x80000058;
	[dreg:$0x1] =	wrdreg $0xFFFFFFFF  }
0xb6: {  	s28 =	simm.s32 $_size_execute0_lowered;
	s3 =	sadd.s32 s3, s5;
	[dreg:$0x0] =	wrdreg $0x0  }
0xb7: {  	s5 =	sshll.u32 s28, $0x1;
	[dreg:$0x2] =	wrdreg s3  }
0xb8: {  	[dreg:$0x3] =	wrdreg s5  }
0xb9: {  	[dreg:$0x4] =	wrdreg $0xC0  }
0xba: {  	_ =	task [dreg:s22], $0x5FFFF  }
0xbb: {  	[dreg:$0x1] =	wrdreg $0xFFFFFFFF  }
0xbc: {  	[dreg:$0x0] =	wrdreg $0x60  }
0xbd: {  	[dreg:$0x2] =	wrdreg s24  }
0xbe: {  	[dreg:$0x3] =	wrdreg $0x90000  }
0xbf: {  	[dreg:$0x4] =	wrdreg $0xA  }
0xc0: {  	_ =	task.clear_ibuf [dreg:s22], $0x5FFFF;
	_ =	strace $0x90000058  }
0xc1: {  	s29 =	simm.s32 $0xA;
	_ =	strace $0x8000005A  }
0xc2: {  	_ =	swait.ge [sflag:s29], $0x1  }
0xc3: {  	[sflag:s29] =	ssyncadd.s32 $0xFFFFFFFF  }
0xc4: {  	_ =	strace $0x9000005A  }
0xc5: {  	_ =	sfence  }
0xc6: {  	s30 =	sld [smem:$0x0];
	_ =	sdelay $0x2  }
0xc7: {  	s31 =	sshll.u32 s1, $0xD;
	s1 =	sshrl.u32 s1, $0x2  }
0xc8: {  	s4 =	sand.u32 $0x4000, s31;
	s1 =	sadd.s32 s1, s30  }
0xc9: {  	s0 =	sor.u32 s4, s0;
	s1 =	sshll.u32 s1, $0x11  }
0xca: {  	s0 =	sor.u32 s1, s0  }
0xcb: {  	s0 =	sadd.s32 $0x8F2B, s0  }
0xcc: {  	[sflag:s0] =	ssyncadd.remote.s32 $0x1  }
0xcd: {  	_ =	sfence.sel $0xFFFF  }
0xce: {  	[dreg:$0x0] =	wrdreg $0xFFFFFFFF;
	(pc) =	sbr.abs _section_cstart, $3  }
0xcf: {  	[dreg:$0x1] =	wrdreg $0xFFFFFFFF  }
0xd0: {  	_ =	task.clear_ibuf [dreg:s22], $0x2FFFF;
	_ =	strace $0x9FFFFFFF  }
0xd1: {  	(tm) =	ssettm $0x7FFFFFFF  }
tec
execute0_lowered:
.L_overlay_start_1:
0x0: {  	(tag) =	ssettag $0x1  }
0x1: {  	s6 =	rddreg [dreg:$0x0]  }
0x2: {  	s2 =	rddreg [dreg:$0x1]  }
0x3: {  	s0 =	rddreg [dreg:$0x2];
	s3 =	simm.s32 $0x0  }
0x4: {  	s1 =	stileid.u32;
	s4 =	srdreg.scid;
	s13 =	simm.s32 $0x1000  }
0x5: {  	s14 =	simm.s32 $0x1;
	s15 =	simm.s32 $0x80;
	s16 =	simm.s32 $0xF80  }
0x6: {  	s17 =	simm.s32 $0x5000;
	s18 =	simm.s32 $0x0;
	[smem:$0x7FF] =	sst s3  }
0x7: {  	s5 =	sshll.u32 s1, $0xC;
	s7 =	sand.u32 $0x1, s4;
	s4 =	sadd.s32 $0x24A00, s6  }
0x8: {  	s11 =	sshll.u32 s1, $0xF;
	s30 =	sshll.u32 s1, $0x6;
	_ =	strace $0x80000059  }
0x9: {  	s8 =	sadd.s32 s5, s6;
	s9 =	ssub.s32 $0x2, s7;
	s12 =	sshll.u32 s7, $0xB  }
0xa: {  	s11 =	sadd.s32 s11, s2;
	s7 =	sshll.u32 s7, $0x10;
	s10 =	sshrl.u32 s9, $0x1  }
0xb: {  	s29 =	sor.u32 s12, s5;
	s5 =	sadd.s32 $0x4800, s8;
	s31 =	sadd.s32 s7, s8  }
0xc: {  	s7 =	sor.u32 $0x1C02, s30;
	s10 =	ssub.s32 s9, s10;
	s9 =	sshrl.u32 s29, $0x3  }
0xd: {  	s11 =	sshrl.u32 s11, $0x3;
	s12 =	simm.s32 $0x2;
	s6 =	sadd.s32 s6, s9  }
0xe: {  	s9 =	sadd.s32 $0x238A00, s31;
	s10 =	smax.u32 s10, $0x1;
	s8 =	sadd.s32 $0x2000, s6  }
.LBB2_1:
0xf: {  	[spmem:s11], [sflag:s7] =	dma.local [hbm:s5], $0x1000  }
0x10: {  	_ =	swait.ge [sflag:s12], $0x1000  }
0x11: {  	[sflag:s12] =	ssyncset.done $0x0  }
0x12: {  	[sflag:s12] =	ssyncadd.s32 $0xFFFFF000  }
0x13: {  	[tilespmem:s3], [sflag:$0x2] =	stream.linear.gather [hbm4b:s6+s3], $0x800, $0x38;
	[tilespmem:$0x11000] =	vst v63  }
0x14: {  	_ =	swait.ge [sflag:s12], $0x800  }
0x15: {  	[sflag:s12] =	ssyncset.done $0x0  }
0x16: {  	s19 =	simm.s32 $0x800;
	[sflag:s12] =	ssyncadd.s32 $0xFFFFF800  }
0x17: {  	[tilespmem:s19], [sflag:$0x2] =	stream.linear.gather [hbm4b:s8+s3], $0x800, $0x38;
	[tilespmem:$0x11000] =	vst v63  }
0x18: {  	_ =	swait.ge [sflag:s12], $0x800  }
0x19: {  	[sflag:s12] =	ssyncset.done $0x0  }
0x1a: {  	s20 =	sand.u32 $0x1, s3;
	[sflag:s12] =	ssyncadd.s32 $0xFFFFF800  }
0x1b: {  	p0 =	seq.s32 s20, $0x1;
	[bflag:$0x0] =	sbarrier.arrive $0xFFFF  }
0x1c: {  	[tilespmem:s13], [sflag:$0x1] =	stream.indirect.gather [hbm4b:s4+s15], $0x80, s3, s15, $0xb8;
	[tilespmem:$0x11000] =	vst v63  }
0x1d: {  	s20 =	simm.s32 @p0 $0x80;
	s21 =	simm.s32 @p0 $0x1000;
	s22 =	simm.s32 @p0 $0x1  }
0x1e: {  	[tilespmem:s21], [sflag:$0x1] =	stream.indirect.gather @p0 [hbm4b:s4+s20], $0x80, s15, s20, $0xb8;
	[tilespmem:$0x11000] =	vst v63  }
0x1f: {  	_ =	swait.ge @p0 [sflag:s22], $0x4000  }
0x20: {  	[sflag:s22] =	ssyncset.done @p0 $0x0  }
0x21: {  	s21 =	simm.s32 @p0 $0x5000;
	[sflag:s22] =	ssyncadd.s32 @p0 $0xFFFFC000  }
0x22: {  	[spmem:s2] =	stream.indirect.scatter.add.f32 @p0 [tilespmem:s21], [sflag:$0x2], $0x80, s19, s20, $0xb8;
	[tilespmem:$0x11000] =	vst v63  }
0x23: {  	s23 =	simm.s32 @!p0 $0x1;
	s20 =	simm.s32 @!p0 $0x80;
	s21 =	simm.s32 @!p0 $0x5000  }
0x24: {  	[tilespmem:s21], [sflag:$0x1] =	stream.indirect.gather @!p0 [hbm4b:s4+s20], $0x80, s15, s20, $0xb8;
	[tilespmem:$0x11000] =	vst v63  }
0x25: {  	_ =	swait.ge @!p0 [sflag:s23], $0x4000  }
0x26: {  	s24 =	simm.s32 $0x1;
	s22 =	simm.s32 @!p0 $0x3;
	[sflag:s23] =	ssyncset.done @!p0 $0x0  }
0x27: {  	s22 =	simm.s32 @p0 $0x2;
	s21 =	simm.s32 @!p0 $0x1000;
	[sflag:s23] =	ssyncadd.s32 @!p0 $0xFFFFC000  }
0x28: {  	[spmem:s2] =	stream.indirect.scatter.add.f32 @!p0 [tilespmem:s21], [sflag:$0x3], $0x80, s19, s20, $0xb8;
	[tilespmem:$0x11000] =	vst v63  }
0x29: {  	s23 =	sand.u32 $0x1, s24;
	s21 =	simm.s32 $0x2;
	_ =	swait.ge [sflag:s22], $0x4000  }
0x2a: {  	s20 =	simm.s32 $0x100;
	s19 =	simm.s32 $0x880;
	[sflag:s22] =	ssyncset.done $0x0  }
.LBB2_2:
0x2b: {  	p0 =	seq.s32 s23, $0x1  }
0x2c: {  	[sflag:s22] =	ssyncadd.s32 $0xFFFFC000;
	s23 =	smov.u32 s21;
	s21 =	sadd.s32 $0x1, s21  }
0x2d: {  	s24 =	simm.s32 @p0 $0x80;
	s22 =	simm.s32 @p0 $0x1000;
	s25 =	simm.s32 @p0 $0x1  }
0x2e: {  	[tilespmem:s22], [sflag:$0x1] =	stream.indirect.gather @p0 [hbm4b:s4+s24], $0x80, s20, s24, $0xb8;
	[tilespmem:$0x11000] =	vst v63  }
0x2f: {  	p1 =	sne.s32 s21, $0xF;
	s22 =	simm.s32 @!p0 $0x3;
	_ =	swait.ge @p0 [sflag:s25], $0x4000  }
0x30: {  	[sflag:s25] =	ssyncset.done @p0 $0x0  }
0x31: {  	[sflag:s25] =	ssyncadd.s32 @p0 $0xFFFFC000;
	s25 =	simm.s32 @p0 $0x5000  }
0x32: {  	[spmem:s2] =	stream.indirect.scatter.add.f32 @p0 [tilespmem:s25], [sflag:$0x2], $0x80, s19, s24, $0xb8;
	[tilespmem:$0x11000] =	vst v63  }
0x33: {  	s26 =	simm.s32 @!p0 $0x1;
	s24 =	simm.s32 @!p0 $0x80;
	s25 =	simm.s32 @!p0 $0x5000  }
0x34: {  	[tilespmem:s25], [sflag:$0x1] =	stream.indirect.gather @!p0 [hbm4b:s4+s24], $0x80, s20, s24, $0xb8;
	[tilespmem:$0x11000] =	vst v63  }
0x35: {  	_ =	swait.ge @!p0 [sflag:s26], $0x4000  }
.Ltmp0:
0x36: {  	[sflag:s26] =	ssyncset.done @!p0 $0x0;
	(pc) =	sbr.rel @p1 .LBB2_2-.Ltmp0, $4  }
0x37: {  	s22 =	simm.s32 @p0 $0x2;
	s25 =	simm.s32 @!p0 $0x1000;
	[sflag:s26] =	ssyncadd.s32 @!p0 $0xFFFFC000  }
0x38: {  	[spmem:s2] =	stream.indirect.scatter.add.f32 @!p0 [tilespmem:s25], [sflag:$0x3], $0x80, s19, s24, $0xb8;
	[tilespmem:$0x11000] =	vst v63  }
0x39: {  	s20 =	sadd.s32 $0x80, s20;
	_ =	swait.ge [sflag:s22], $0x4000  }
0x3a: {  	s23 =	sand.u32 $0x1, s23;
	s19 =	sadd.s32 $0x80, s19;
	[sflag:s22] =	ssyncset.done $0x0  }
0x3b: {  	p0 =	seq.s32 s23, $0x1;
	[sflag:s22] =	ssyncadd.s32 $0xFFFFC000  }
0x3c: {  	s21 =	simm.s32 @p0 $0x80;
	s22 =	simm.s32 @p0 $0x1000;
	s23 =	simm.s32 @p0 $0x1  }
0x3d: {  	[tilespmem:s22], [sflag:$0x1] =	stream.indirect.gather @p0 [hbm4b:s4+s21], $0x80, s20, s21, $0xb8;
	[tilespmem:$0x11000] =	vst v63  }
0x3e: {  	_ =	swait.ge @p0 [sflag:s23], $0x4000  }
0x3f: {  	[sflag:s23] =	ssyncset.done @p0 $0x0  }
0x40: {  	s22 =	simm.s32 @p0 $0x5000;
	[sflag:s23] =	ssyncadd.s32 @p0 $0xFFFFC000  }
0x41: {  	[spmem:s2] =	stream.indirect.scatter.add.f32 @p0 [tilespmem:s22], [sflag:$0x2], $0x80, s19, s21, $0xb8;
	[tilespmem:$0x11000] =	vst v63  }
0x42: {  	s23 =	simm.s32 @!p0 $0x1;
	s21 =	simm.s32 @!p0 $0x80;
	s22 =	simm.s32 @!p0 $0x5000  }
0x43: {  	[tilespmem:s22], [sflag:$0x1] =	stream.indirect.gather @!p0 [hbm4b:s4+s21], $0x80, s20, s21, $0xb8;
	[tilespmem:$0x11000] =	vst v63  }
0x44: {  	_ =	swait.ge @!p0 [sflag:s23], $0x4000  }
0x45: {  	s20 =	simm.s32 @!p0 $0x3;
	[sflag:s23] =	ssyncset.done @!p0 $0x0  }
0x46: {  	s22 =	simm.s32 @!p0 $0x1000;
	s20 =	simm.s32 @p0 $0x2;
	[sflag:s23] =	ssyncadd.s32 @!p0 $0xFFFFC000  }
0x47: {  	[spmem:s2] =	stream.indirect.scatter.add.f32 @!p0 [tilespmem:s22], [sflag:$0x3], $0x80, s19, s21, $0xb8;
	[tilespmem:$0x11000] =	vst v63  }
0x48: {  	_ =	swait.ge [sflag:s20], $0x4000  }
0x49: {  	[sflag:s20] =	ssyncset.done $0x0  }
0x4a: {  	[sflag:s20] =	ssyncadd.s32 $0xFFFFC000  }
0x4b: {  	_ =	swait.ge [sflag:s14], $0x4000  }
0x4c: {  	[sflag:s14] =	ssyncset.done $0x0  }
0x4d: {  	[sflag:s14] =	ssyncadd.s32 $0xFFFFC000  }
0x4e: {  	[spmem:s2] =	stream.indirect.scatter.add.f32 [tilespmem:s17], [sflag:$0x2], $0x80, s16, s15, $0xb8;
	[tilespmem:$0x11000] =	vst v63  }
0x4f: {  	_ =	swait.ge [sflag:s12], $0x4000  }
0x50: {  	s18 =	sadd.s32 $0x1, s18;
	[sflag:s12] =	ssyncset.done $0x0  }
0x51: {  	p0 =	sne.s32 s18, s10;
	[sflag:s12] =	ssyncadd.s32 $0xFFFFC000  }
.Ltmp1:
0x52: {  	[bflag:$0x0] =	sbarrier.arrive $0xFFFF;
	(pc) =	sbr.rel @p0 .LBB2_1-.Ltmp1, $4  }
0x53: {  	[hbm:s9], [sflag:s7] =	dma.local [spmem:s11], $0x1000  }
0x54: {  	_ =	swait.ge [sflag:s12], $0x1000  }
0x55: {  	[sflag:s12] =	ssyncset.done $0x0  }
0x56: {  	[sflag:s12] =	ssyncadd.s32 $0xFFFFF000  }
0x57: {  	_ =	sfence.sel $0x180000  }
0x58: {  	[bflag:$0x0] =	sbarrier.arrive $0xFFFF  }
0x59: {  	p0 =	sne.s32 s1, $0x0;
	_ =	strace $0x90000059  }
0x5a: {  	s0 =	sadd.s32 @!p0 $0x100000, s0;
	[bflag:$0x2] =	sbarrier.arrive $0xFFFF  }
0x5b: {  	[sflag:s0] =	ssyncadd.tile.s32 @!p0 $0x1;
	_ =	shalt  }
.Lfunc_end2:
_tile_overlayer_lowered:
.L_overlay_start_2:
0x5c: {  	(tag) =	ssettag $0x2  }
0x5d: {  	s0 =	rddreg [dreg:$0x0];
	s2 =	stileid.u32  }
0x5e: {  	s1 =	rddreg [dreg:$0x1];
	p0 =	sne.s32 s2, $0x0  }
0x5f: {  	s3 =	rddreg [dreg:$0x2];
	[bflag:$0x3] =	sbarrier.arrive $0xFFFF;
	s2 =	simm.s32 @!p0 $0x1C02  }
0x60: {  	[timem:s3], [sflag:s2] =	dma.local @!p0 [hbm:s0], s1  }
0x61: {  	s0 =	simm.s32 @!p0 $0x2  }
0x62: {  	_ =	swait.ge @!p0 [sflag:s0], s1  }
0x63: {  	s1 =	ssub.s32 @!p0 $0x0, s1;
	[sflag:s0] =	ssyncset.done @!p0 $0x0  }
0x64: {  	[sflag:s0] =	ssyncadd.s32 @!p0 s1  }
0x65: {  	[bflag:$0x3] =	sbarrier.arrive $0xFFFF  }
0x66: {  	_ =	shalt  }

// kernel: scatter_offload_async_start.1
scs
__scs_entry_jumppad:
0x0: {  	(pc) =	sbr.rel $0x88, $3  }
0x1: {  	(tag) =	ssettag $0x0;
	lr =	simm.s32 $0x1  }
0x2: {  	[smem:$0x3F92] =	sst lr;
	_ =	strace $0xD0000000  }
0x3: {  	_ = 	snop  }
0x4: {  	_ = 	snop  }
0x5: {  	_ = 	snop  }
0x6: {  	_ = 	snop  }
0x7: {  	_ = 	snop  }
__scs_overlays_trampoline_lowered:
0x8: {  	[smem:$0x3FA1] =	sst s0  }
0x9: {  	[smem:$0x3FA2] =	sst s1  }
0xa: {  	[smem:$0x3FA3] =	sst s2  }
0xb: {  	[smem:$0x3FA4] =	sst s3  }
0xc: {  	[smem:$0x3FA5] =	sst s4  }
0xd: {  	[smem:$0x3FA6] =	sst s5  }
0xe: {  	[smem:$0x3FA7] =	sst s6  }
0xf: {  	[smem:$0x3FA8] =	sst s7  }
0x10: {  	[smem:$0x3FA9] =	sst s8  }
0x11: {  	[smem:$0x3FAA] =	sst s9;
	s0 =	simm.s32 @!p0 $0x0  }
0x12: {  	s1 =	sld [smem:$0x3F90];
	s0 =	simm.s32 @p0 $0x1  }
0x13: {  	[smem:$0x3FAB] =	sst s0;
	s0 =	simm.s32 @!p1 $0x0  }
0x14: {  	s2 =	sld [smem:$0x3F8F];
	s0 =	simm.s32 @p1 $0x1  }
0x15: {  	[smem:$0x3FAC] =	sst s0;
	s0 =	simm.s32 @!p2 $0x0  }
0x16: {  	s3 =	sld [smem:$0x3FDB];
	s0 =	simm.s32 @p2 $0x1  }
0x17: {  	s4 =	simm.s32 $0x1BF5;
	[smem:$0x3FAE] =	sst s0  }
0x18: {  	s0 =	sld [smem:$0x3F91];
	_ =	swait.ge [sflag:s4], $0x0  }
0x19: {  	s7 =	sld [smem:$0x3F92]  }
0x1a: {  	s8 =	sadd.s32 $0xFFFFE003, lr  }
0x1b: {  	s9 =	sadd.s32 $0xFFFFFEF7, lr;
	s5 =	simm.s32 $0xFFFFFFFF;
	p2 =	slt.u32 s8, $0xFFFFF086  }
0x1c: {  	p1 =	slt.u32 s9, $0xF7A;
	s5 =	simm.s32 @!p2 $0x0  }
0x1d: {  	s5 =	simm.s32 @p1 $0x1;
	p0 =	seq.s32 s7, s2  }
0x1e: {  	s7 =	smul.u32 @!p0 $0xF7A, s2;
	p2 =	seq.s32 @!p0 s5, $0x0  }
0x1f: {  	s9 =	smul.u32 $0xF7A, s1;
	s8 =	simm.s32 @!p0 $0x1BF5;
	p2 =	por !p2, p0  }
0x20: {  	[sflag:s8] =	ssyncset.s32 @!p0 $0xFFFFF086;
	s6 =	sadd.s32 @!p0 s3, s7;
	s7 =	simm.s32 @!p0 $0x108  }
0x21: {  	s3 =	sadd.s32 s3, s9;
	s6 =	sadd.s32 @!p0 $0x88, s6;
	s7 =	simm.s32 @p2 $0x1082  }
0x22: {  	[simem:s7], [sflag:s8] =	dma.local @!p0 [hbm:s6], $0xF7A  }
0x23: {  	s9 =	sor.u32 $0xD0000000, s2;
	s6 =	simm.s32 $0x108;
	_ =	swait.ge @!p0 [sflag:s8], $0x0  }
0x24: {  	s3 =	sadd.s32 $0x88, s3;
	s6 =	simm.s32 @!p1 $0x1082;
	[sflag:s4] =	ssyncset.s32 $0xFFFFF086  }
0x25: {  	[simem:s6], [sflag:s4] =	dma.local [hbm:s3], $0xF7A  }
0x26: {  	[smem:$0x3F92] =	sst s1;
	(tag) =	ssettag s2;
	_ =	strace s9  }
0x27: {  	s1 =	sld [smem:$0x3FA2]  }
0x28: {  	s2 =	sld [smem:$0x3FA3]  }
0x29: {  	s4 =	sld [smem:$0x3FA5]  }
0x2a: {  	p0 =	seq.s32 s5, $0x0;
	s5 =	sld [smem:$0x3FA6]  }
0x2b: {  	s6 =	sld [smem:$0x3FA7]  }
0x2c: {  	s7 =	sld [smem:$0x3FA8]  }
0x2d: {  	s3 =	simm.s32 $0x108;
	s8 =	sld [smem:$0x3FA9]  }
0x2e: {  	s3 =	simm.s32 @!p0 $0x1082;
	s9 =	sld [smem:$0x3FAA]  }
0x2f: {  	lr =	sadd.s32 s0, s3;
	s0 =	sld [smem:$0x3FA1]  }
0x30: {  	s3 =	sld [smem:$0x3FA4]  }
0x31: {  	[smem:$0x3FAD] =	sst s10  }
0x32: {  	s10 =	sld [smem:$0x3FAB];
	_ =	sdelay $0x3  }
0x33: {  	p0 =	seq.s32 s10, $0x1;
	s10 =	sld [smem:$0x3FAD];
	_ =	sdelay $0x3  }
0x34: {  	[smem:$0x3FAD] =	sst s10  }
0x35: {  	s10 =	sld [smem:$0x3FAC];
	_ =	sdelay $0x3  }
0x36: {  	p1 =	seq.s32 s10, $0x1;
	s10 =	sld [smem:$0x3FAD];
	_ =	sdelay $0x3  }
0x37: {  	[smem:$0x3FAD] =	sst s10  }
0x38: {  	s10 =	sld [smem:$0x3FAE]  }
0x39: {  	_ = 	snop;
	(pc) =	sbr.ind lr, $3  }
0x3a: {  	_ = 	snop  }
0x3b: {  	_ = 	snop  }
0x3c: {  	p2 =	seq.s32 s10, $0x1;
	s10 =	sld [smem:$0x3FAD]  }
0x3d: {  	_ =	shalt  }
0x3e: {  	_ =	shalt  }
0x3f: {  	_ =	shalt  }
0x40: {  	_ =	shalt  }
0x41: {  	_ =	shalt  }
0x42: {  	_ =	shalt  }
0x43: {  	_ =	shalt  }
0x44: {  	_ =	shalt  }
0x45: {  	_ =	shalt  }
0x46: {  	_ =	shalt  }
0x47: {  	_ =	shalt  }
0x48: {  	_ =	shalt  }
0x49: {  	_ =	shalt  }
0x4a: {  	_ =	shalt  }
0x4b: {  	_ =	shalt  }
0x4c: {  	_ =	shalt  }
0x4d: {  	_ =	shalt  }
0x4e: {  	_ =	shalt  }
0x4f: {  	_ =	shalt  }
0x50: {  	_ =	shalt  }
0x51: {  	_ =	shalt  }
0x52: {  	_ =	shalt  }
0x53: {  	_ =	shalt  }
0x54: {  	_ =	shalt  }
0x55: {  	_ =	shalt  }
0x56: {  	_ =	shalt  }
0x57: {  	_ =	shalt  }
0x58: {  	_ =	shalt  }
0x59: {  	_ =	shalt  }
0x5a: {  	_ =	shalt  }
0x5b: {  	_ =	shalt  }
0x5c: {  	_ =	shalt  }
0x5d: {  	_ =	shalt  }
0x5e: {  	_ =	shalt  }
0x5f: {  	_ =	shalt  }
0x60: {  	_ =	shalt  }
0x61: {  	_ =	shalt  }
0x62: {  	_ =	shalt  }
0x63: {  	_ =	shalt  }
0x64: {  	_ =	shalt  }
0x65: {  	_ =	shalt  }
0x66: {  	_ =	shalt  }
0x67: {  	_ =	shalt  }
0x68: {  	_ =	shalt  }
0x69: {  	_ =	shalt  }
0x6a: {  	_ =	shalt  }
0x6b: {  	_ =	shalt  }
0x6c: {  	_ =	shalt  }
0x6d: {  	_ =	shalt  }
0x6e: {  	_ =	shalt  }
0x6f: {  	_ =	shalt  }
0x70: {  	_ =	shalt  }
0x71: {  	_ =	shalt  }
0x72: {  	_ =	shalt  }
0x73: {  	_ =	shalt  }
0x74: {  	_ =	shalt  }
0x75: {  	_ =	shalt  }
0x76: {  	_ =	shalt  }
0x77: {  	_ =	shalt  }
0x78: {  	_ =	shalt  }
0x79: {  	_ =	shalt  }
0x7a: {  	_ =	shalt  }
0x7b: {  	_ =	shalt  }
0x7c: {  	_ =	shalt  }
0x7d: {  	_ =	shalt  }
0x7e: {  	_ =	shalt  }
0x7f: {  	_ =	shalt  }
0x80: {  	_ =	shalt  }
0x81: {  	_ =	shalt  }
0x82: {  	_ =	shalt  }
0x83: {  	_ =	shalt  }
0x84: {  	_ =	shalt  }
0x85: {  	_ =	shalt  }
0x86: {  	_ =	shalt  }
0x87: {  	_ =	shalt  }
.Lfunc_end0:
.L_simem_size_0:
called_computation.1_lowered:
.L_overlay_start_0:
0x88: {  	s0 =	sld [smem:$0x3FD9]  }
0x89: {  	s1 =	sld [smem:$0x3FFE];
	_ =	sdelay $0x3  }
0x8a: {  	s0 =	sadd.s32 s1, s0  }
0x8b: {  	[smem:$0x3FB9] =	sst s0  }
0x8c: {  	_ = 	snop  }
0x8d: {  	(tm) =	ssettm $0x1  }
0x8e: {  	s15 =	sld [smem:$0x3FFB];
	_ =	sdelay $0x3  }
0x8f: {  	_ =	strace s15  }
0x90: {  	s0 =	sld [smem:$0x3FFC];
	_ =	sdelay $0x3  }
0x91: {  	_ =	strace s0  }
0x92: {  	s0 =	sld [smem:$0x3FFD];
	_ =	sdelay $0x3  }
0x93: {  	_ =	strace s0  }
0x94: {  	_ =	strace $0x8FFFFFFF  }
0x95: {  	s16 =	sld [smem:$0x3FDB];
	_ =	sdelay $0x1  }
0x96: {  	s17 =	simm.s32 $_scs_section_size  }
0x97: {  	s2 =	simm.s32 $_size__tile_overlayer_lowered;
	s3 =	simm.s32 $_tile_overlayer_lowered  }
0x98: {  	s20 =	simm.s32 $0x1BFF;
	s19 =	sshll.u32 s3, $0x1;
	s0 =	sadd.s32 s17, s16  }
0x99: {  	s4 =	simm.s32 $0x0;
	s18 =	sshll.u32 s2, $0x1;
	s2 =	sadd.s32 s19, s0  }
0x9a: {  	[timem:s4], [sflag:s20] =	dma.local [hbm:s2], s18  }
0x9b: {  	_ =	swait.ge [sflag:s20], s18  }
0x9c: {  	s1 =	ssub.s32 $0x0, s18;
	[sflag:s20] =	ssyncset.done $0x0  }
0x9d: {  	[sflag:s20] =	ssyncadd.s32 s1;
	_ =	sdelay $0x1  }
0x9e: {  	s21 =	simm.s32 $0x1B8B  }
0x9f: {  	_ =	swait.ge [sflag:s21], $0x1  }
0xa0: {  	[sflag:s21] =	ssyncset.done $0x0  }
0xa1: {  	s23 =	simm.s32 $0x1B8E;
	s22 =	sld [smem:$0x3FFE];
	[sflag:s21] =	ssyncadd.s32 $0xFFFFFFFF  }
0xa2: {  	s24 =	simm.s32 $execute0_lowered;
	[smem:$0x3FD2] =	sst s23  }
0xa3: {  	s2 =	sshll.u32 s24, $0x1;
	_ =	strace $0x80000055;
	[dreg:$0x1] =	wrdreg $0xFFFFFFFF  }
0xa4: {  	s25 =	simm.s32 $_size_execute0_lowered;
	s0 =	sadd.s32 s0, s2;
	[dreg:$0x0] =	wrdreg $0x0  }
0xa5: {  	s2 =	sshll.u32 s25, $0x1;
	[dreg:$0x2] =	wrdreg s0  }
0xa6: {  	[dreg:$0x3] =	wrdreg s2  }
0xa7: {  	[dreg:$0x4] =	wrdreg $0xC0  }
0xa8: {  	_ =	task [dreg:s4], $0x5FFFF  }
0xa9: {  	[dreg:$0x1] =	wrdreg $0xFFFFFFFF  }
0xaa: {  	[dreg:$0x0] =	wrdreg $0x60  }
0xab: {  	[dreg:$0x2] =	wrdreg s22  }
0xac: {  	[dreg:$0x3] =	wrdreg $0x9  }
0xad: {  	_ =	task.clear_ibuf [dreg:s4], $0x4FFFF;
	_ =	strace $0x90000055  }
0xae: {  	s26 =	simm.s32 $0x9;
	_ =	strace $0x80000057  }
0xaf: {  	_ =	swait.ge [sflag:s26], $0x1  }
0xb0: {  	[sflag:s26] =	ssyncadd.s32 $0xFFFFFFFF  }
0xb1: {  	_ =	strace $0x90000057  }
0xb2: {  	_ =	sfence  }
0xb3: {  	s28 =	sld [smem:$0x0];
	_ =	sdelay $0x1  }
0xb4: {  	s29 =	srdreg.scid  }
0xb5: {  	s30 =	sshll.u32 s29, $0xD;
	s31 =	sshrl.u32 s29, $0x2  }
0xb6: {  	s1 =	sand.u32 $0x1, s29;
	s2 =	sand.u32 $0x4000, s30;
	s0 =	sadd.s32 s31, s28  }
0xb7: {  	s1 =	sor.u32 s2, s1;
	s0 =	sshll.u32 s0, $0x11  }
0xb8: {  	s0 =	sor.u32 s0, s1  }
0xb9: {  	s0 =	sadd.s32 $0x8F2B, s0  }
0xba: {  	[sflag:s0] =	ssyncadd.remote.s32 $0x1  }
0xbb: {  	_ =	sfence.sel $0xFFFF  }
0xbc: {  	[dreg:$0x0] =	wrdreg $0xFFFFFFFF;
	(pc) =	sbr.abs _section_cstart, $3  }
0xbd: {  	[dreg:$0x1] =	wrdreg $0xFFFFFFFF  }
0xbe: {  	_ =	task.clear_ibuf [dreg:s4], $0x2FFFF;
	_ =	strace $0x9FFFFFFF  }
0xbf: {  	(tm) =	ssettm $0x7FFFFFFF  }
tec
execute0_lowered:
.L_overlay_start_1:
0x0: {  	(tag) =	ssettag $0x1  }
0x1: {  	s0 =	rddreg [dreg:$0x0];
	_ =	strace $0x80000056;
	s3 =	simm.s32 $0x1  }
0x2: {  	v1 =	vimm.s32 $0xFFFFFFFF;
	[sflag:s3] =	ssyncpa.u1 $0x0  }
0x3: {  	[tilespmem:$0x10] =	vst v1  }
0x4: {  	v0 =	vimm.f32 $0.0e+00;
	[tilespmem:$0x20] =	vst v1  }
0x5: {  	[tilespmem:$0x30] =	vst v0  }
0x6: {  	s2 =	simm.s32 $0x2;
	s6 =	simm.s32 $0x7;
	s26 =	stileid.u32;
	[tilespmem:$0x40] =	vst v0  }
0x7: {  	s7 =	simm.s32 $0x8;
	s31 =	simm.s32 $0x9;
	s14 =	simm.s32 $0x0;
	[tilespmem:$0x50] =	vst v0  }
0x8: {  	s15 =	simm.s32 $0x100;
	s18 =	simm.s32 $0x10;
	s19 =	simm.s32 $0x9100;
	[tilespmem:$0x60] =	vst v1  }
0x9: {  	s20 =	simm.s32 $0xF;
	s21 =	simm.s32 $0x50;
	s22 =	simm.s32 $0x40FF;
	[tilespmem:$0x70] =	vst v1  }
0xa: {  	s23 =	simm.s32 $0x20;
	s24 =	simm.s32 $0x30;
	s25 =	simm.s32 $0x80FF;
	[tilespmem:$0x80] =	vst v1  }
0xb: {  	s30 =	simm.s32 $0x0;
	s29 =	simm.s32 $0x0;
	s1 =	sadd.s32 $0x38A00, s0;
	v1 =	vimm.s32 $0x0;
	[tilespmem:$0xB0] =	vst v0  }
.Ltmp0:
0xc: {  	s4 =	sadd.s32 $0x34A00, s0;
	s5 =	sadd.s32 $0x36A00, s0;
	[tilespmem:$0x90] =	vst v1;
	(pc) =	sbr.rel .LBB2_1-.Ltmp0, $4  }
0xd: {  	s8 =	sshll.u32 s26, $0xC;
	s10 =	sshll.u32 s26, $0x1;
	[tilespmem:$0xA0] =	vst v1;
	[sflag:s2] =	ssyncpa.u1 $0x0  }
0xe: {  	s12 =	sshllo.u32 s26, $0x1;
	s26 =	simm.s32 $0x80;
	[sflag:s6] =	ssyncpa.u1 $0x0  }
0xf: {  	vm0 =	vmmov $0xffff;
	v2 =	vlaneseq.u32;
	s9 =	sadd.s32 $0x1000, s8;
	s11 =	sor.u32 $0x81, s10;
	[sflag:s7] =	ssyncpa.u1 $0x0  }
0x10: {  	vm1 =	vmxor vm1, vm1;
	vm2 =	vmmov $0x1;
	vm3 =	vcmask $0x3F3C;
	s13 =	sor.u32 $0x80, s10;
	s28 =	smov.u32 s8;
	[sflag:s31] =	ssyncpa.u1 $0x0  }
.LBB2_3:
0x11: {  	s0 =	sshrl.u32 s28, $0x3  }
0x12: {  	s2 =	sand.u32 $0x7, s28;
	s0 =	sadd.s32 s4, s0  }
0x13: {  	[tilespmem:s15], [sflag:$0x7] =	stream.linear.gather [hbm4b:s0+s2], $0x1000, $0x38;
	[tilespmem:$0x9120] =	vst v63  }
.LBB2_4:
0x14: {  	s0 =	sadd.s32 $0x1000, s28  }
0x15: {  	s2 =	smov.u32 s8;
	s29 =	sadd.s32 $0x1, s29;
	p0 =	slt.s32 s0, s9  }
0x16: {  	s2 =	smov.u32 @p0 s0;
	p0 =	sne.s32 s29, $0x4  }
.Ltmp1:
0x17: {  	_ = 	snop;
	(pc) =	sbr.rel @!p0 .LBB2_13-.Ltmp1, $2  }
0x18: {  	_ =	sdelay $0x2  }
0x19: {  	s30 =	smov.u32 s28;
	s28 =	smov.u32 s2  }
.LBB2_1:
0x1a: {  	p0 =	sgt.s32 s29, $0x1  }
.Ltmp2:
0x1b: {  	_ = 	snop;
	(pc) =	sbr.rel @p0 .LBB2_11-.Ltmp2, $1  }
0x1c: {  	_ =	sdelay $0x3  }
0x1d: {  	p0 =	seq.s32 s29, $0x0  }
.Ltmp3:
0x1e: {  	_ = 	snop;
	(pc) =	sbr.rel @p0 .LBB2_3-.Ltmp3, $1  }
0x1f: {  	_ =	sdelay $0x3  }
0x20: {  	_ =	swait.ge [sflag:s6], $0x1000  }
0x21: {  	[sflag:s6] =	ssyncset.done $0x0  }
0x22: {  	[sflag:s6] =	ssyncadd.s32 $0xFFFFF000;
	(ifvalue) =	ssetifvalue $0xFFFFFFFF;
	v3 =	vld.msk [tilespmem:s15+$0x0 ss:$0x1], $0xffff;
	_ =	sdelay $0x4  }
0x23: {  	v4 =	vperm.xlane v3, v1  }
0x24: {  	vm4 =	vlt.u32 v3, $0x1000000  }
0x25: {  	v3 =	vnsel vm4, $0xFFFFFFFE, v3;
	vm4 =	vlt.u32 v4, $0x1000000  }
0x26: {  	[tilespmem:$0x70] =	vst v3;
	v3 =	vnsel vm4, $0xFFFFFFFE, v4  }
0x27: {  	s17 =	simm.s32 $0x10F0;
	[tilespmem:$0x80] =	vst v3  }
0x28: {  	v3 =	vld.msk [tilespmem:s17+$0x0 ss:$0x1], $0xffff;
	_ =	sdelay $0x4  }
0x29: {  	(xrf1) =	vunique.msk.u32 $0xffff, v3;
	_ =	sdelay $0xd  }
0x2a: {  	v4 =	vimm.s32 $0xFFFFFFFF;
	v5, _, _ =	vpop (xrf1)  }
0x2b: {  	vm5 =	vne.s32 v3, v4;
	vm4 =	veq.s32 v5, v2  }
0x2c: {  	vm6 =	vlt.u32 v3, $0x1000000;
	vm4 =	vmand vm5, vm4  }
0x2d: {  	vm4 =	vmand vm6, vm4  }
0x2e: {  	v4 =	vnsel vm4, $0xFFFFFFFF, v3;
	_ =	sdelay $0x3  }
0x2f: {  	s0 =	simm.s32 $0x40F0;
	(ifvalue) =	ssetifvalue $0xFFFFFFFF  }
0x30: {  	v3 =	vperm.xlane v3, v1;
	[tilespmem:s0], [sflag:$0x8] =	stream.indirect_vreg.gather [hbm4b:s1+s14], $0x1, v4, vm0, $0x4038;
	v4 =	vnsel vm6, $0xFFFFFFFE, v4;
	[tilespmem:$0x9120] =	vst v63  }
0x31: {  	s2 =	simm.s32 $0x0;
	s16 =	simm.s32 $0x10E0;
	[tilespmem:s17+$0x0] =	vst v4  }
.LBB2_6:
0x32: {  	v4 =	vld.msk [tilespmem:s16+$0x0 ss:$0x1], $0xffff;
	s2 =	sadd.s32 $0x10, s2;
	v5 =	vmov v3;
	s17 =	smov.u32 s16  }
0x33: {  	p0 =	slt.u32 s2, $0xFF0;
	_ =	sdelay $0x4  }
0x34: {  	v3 =	vperm.xlane v4, v1;
	(xrf1) =	vunique.msk.u32 $0xffff, v4;
	_ =	sdelay $0xd  }
0x35: {  	v6, _, _ =	vpop (xrf1)  }
0x36: {  	vm5 =	vne.s32 v4, v5;
	vm4 =	veq.s32 v6, v2  }
0x37: {  	vm6 =	vlt.u32 v4, $0x1000000;
	vm4 =	vmand vm5, vm4  }
0x38: {  	vm4 =	vmand vm6, vm4  }
0x39: {  	v4 =	vnsel vm4, $0xFFFFFFFF, v4  }
.Ltmp4:
0x3a: {  	v5 =	vnsel vm6, $0xFFFFFFFE, v4;
	(pc) =	sbr.rel @p0 .LBB2_6-.Ltmp4, $3  }
0x3b: {  	_ =	sdelay $0x1  }
0x3c: {  	s16 =	sadd.s32 $0xFFFFFFF0, s16;
	s0 =	sadd.s32 $0xFFFFFFF0, s0;
	(ifvalue) =	ssetifvalue $0xFFFFFFFF  }
0x3d: {  	[tilespmem:s0], [sflag:$0x8] =	stream.indirect_vreg.gather [hbm4b:s1+s14], $0x1, v4, vm0, $0x4038;
	[tilespmem:s17+$0x0] =	vst v5  }
.Ltmp5:
0x3e: {  	(pc) =	sbr.rel .LBB2_4-.Ltmp5, $4  }
0x3f: {  	_ = 	snop  }
0x40: {  	s0 =	sshrl.u32 s30, $0x3  }
0x41: {  	s2 =	simm.s32 $0x5100;
	s0 =	sadd.s32 s5, s0  }
0x42: {  	[tilespmem:s2], [sflag:$0x8] =	stream.linear.gather [hbm:s0], $0x1000, $0x38;
	[tilespmem:$0x9120] =	vst v63  }
.LBB2_11:
0x43: {  	p0 =	seq.s32 s29, $0x2  }
.Ltmp6:
0x44: {  	_ = 	snop;
	(pc) =	sbr.rel @!p0 .LBB2_12-.Ltmp6, $1  }
0x45: {  	_ =	sdelay $0x3  }
0x46: {  	_ =	swait.ge [sflag:s7], $0x2000  }
0x47: {  	[sflag:s7] =	ssyncset.done $0x0  }
0x48: {  	s0 =	simm.s32 $0x10FF;
	[sflag:s7] =	ssyncadd.s32 $0xFFFFE000  }
0x49: {  	[spmem:s11] =	stream.linear.scatter [tilespmem:s0], [sflag:$0x1], $0x1, $0x38;
	[tilespmem:$0x9120] =	vst v63  }
0x4a: {  	_ =	swait.ge [sflag:s3], $0x1  }
0x4b: {  	[sflag:s3] =	ssyncset.done $0x0  }
0x4c: {  	[sflag:s3] =	ssyncadd.s32 $0xFFFFFFFF  }
0x4d: {  	v4 =	vld [tilespmem:$0x10]  }
0x4e: {  	v5 =	vld [tilespmem:$0x70]  }
0x4f: {  	v3 =	vld [tilespmem:$0x80];
	_ =	sdelay $0x2  }
0x50: {  	(v2sf) =	vpush v4, $0x0  }
0x51: {  	(v2sf) =	vpush v5, $0x0  }
0x52: {  	(v2sf) =	vpush v3, $0x0;
	_ =	sdelay $0xc  }
0x53: {  	s16 =	spop (v2sf)  }
0x54: {  	s2 =	spop (v2sf)  }
0x55: {  	s30 =	spop (v2sf)  }
0x56: {  	p0 =	seq.s32 s16, s2;
	p1 =	seq.s32 s30, s16  }
0x57: {  	p1 =	por p0, p1  }
0x58: {  	v4 =	vpsel p1, $0xFFFFFFFF, v4  }
0x59: {  	[tilespmem:s18+$0x0] =	vst.msk $0x1, v4  }
0x5a: {  	v4 =	vld [tilespmem:$0x30]  }
0x5b: {  	v5 =	vld [tilespmem:$0x5100]  }
0x5c: {  	v6 =	vld [tilespmem:$0x40];
	_ =	sdelay $0x3  }
0x5d: {  	vm4 =	vmmov vm1;
	v5 =	vadd.f32 v5, v4  }
0x5e: {  	vm5 =	vmmov vm2;
	s31 =	simm.s32 $0x5100;
	vm4 =	vmmov @p0 vm2;
	v4 =	vadd.f32 v6, v4  }
0x5f: {  	vm5 =	vmmov @p1 vm1;
	[tilespmem:s31+$0x0] =	vst.msk vm4, v5  }
0x60: {  	[tilespmem:s19+$0x0] =	vst.msk vm5, v4  }
0x61: {  	v4 =	vld [tilespmem:$0x40F0];
	_ =	sdelay $0x3  }
0x62: {  	v5 =	vimm.f32 $0.0e+00  }
0x63: {  	v4 =	vshift.insert v4, v5, s20;
	_ =	sdelay $0x1  }
0x64: {  	[tilespmem:s21+$0x0] =	vst.msk $0x1, v4  }
0x65: {  	[tilespmem:s22+$0x0] =	vst.msk $0x1, v5  }
0x66: {  	v4 =	vld [tilespmem:$0x10F0];
	_ =	sdelay $0x4  }
0x67: {  	v4 =	vshift.insert v4, v1, s20;
	_ =	sdelay $0x1  }
0x68: {  	[tilespmem:s23+$0x0] =	vst.msk $0x1, v4  }
0x69: {  	s17 =	simm.s32 $0x100;
	v6 =	vld [tilespmem:s31+$0x0]  }
0x6a: {  	v7 =	vld [tilespmem:s17+$0x0];
	_ =	sdelay $0x3  }
0x6b: {  	v5 =	vadd.f32 v6, v5  }
0x6c: {  	vm4 =	vne.s32 v7, $0xFFFFFFFF  }
0x6d: {  	(xrf2) =	vadd.seg.scan.f32 vm4, v5;
	_ =	sdelay $0x3  }
0x6e: {  	s0 =	simm.s32 $0x3100;
	v5 =	vperm.xlane v4, v1  }
0x6f: {  	v6 =	vld [tilespmem:s0+$0x0]  }
0x70: {  	vm5 =	veq.s32 v7, v3;
	vm6 =	veq.s32 v7, v5  }
0x71: {  	vm7 =	vgt.u32 v7, $0xFFFFFFFD;
	vm6 =	vmor vm6, vm5  }
0x72: {  	vm6 =	vmor vm6, vm7  }
0x73: {  	v9 =	vld [tilespmem:$0xA0];
	v7 =	vsel vm6, $0xFFFFFFFF, v7  }
0x74: {  	v10 =	vld [tilespmem:$0x90];
	v6 =	vsel vm5, $0x0, v6;
	v8, _, _ =	vpop (xrf2)  }
0x75: {  	v6 =	vadd.f32 v8, v6  }
0x76: {  	s2 =	simm.s32 $0x7100  }
0x77: {  	vm4 =	vmand vm4, vm3;
	[tilespmem:s2+$0x0] =	vst v6;
	(ifvalue) =	ssetifvalue $0xFFFFFFFF  }
0x78: {  	vm6 =	veq.s32 v9, $0x1;
	[hbm4b:s1+s14] =	stream.indirect_vreg.scatter [tilespmem:s2], [sflag:$0x2], $0x1, v7, vm0, $0x4038;
	v7 =	vsel vm4, $0x0, v8;
	[tilespmem:$0x9120] =	vst v63  }
0x79: {  	s16 =	simm.s32 $0x0;
	s17 =	simm.s32 $0x110;
	vm4 =	vmor vm6, vm5;
	v6 =	vsel vm5, v8, v10;
	v7 =	vshift.insert v7, v0, s20  }
.LBB2_9:
0x7a: {  	v8 =	vld [tilespmem:s17+$0x0];
	s31 =	sadd.s32 $0x10, s31  }
0x7b: {  	s0 =	sadd.s32 $0x10, s0;
	v9 =	vld [tilespmem:s31+$0x0]  }
0x7c: {  	s16 =	sadd.s32 $0x10, s16;
	v10 =	vld [tilespmem:s0+$0x0]  }
0x7d: {  	p0 =	slt.u32 s16, $0xFF0;
	_ =	sdelay $0x2  }
0x7e: {  	v7 =	vadd.f32 v9, v7  }
0x7f: {  	vm5 =	vne.s32 v8, $0xFFFFFFFF  }
0x80: {  	vm6 =	vmand vm5, vm3;
	(xrf2) =	vadd.seg.scan.f32 vm5, v7;
	_ =	sdelay $0x5  }
0x81: {  	vm7 =	veq.s32 v8, v5;
	vm5 =	veq.s32 v8, v3  }
0x82: {  	vm8 =	vgt.u32 v8, $0xFFFFFFFD;
	vm4 =	vmor vm4, vm5;
	vm7 =	vmor vm7, vm5  }
0x83: {  	vm7 =	vmor vm7, vm8  }
0x84: {  	v8 =	vsel vm7, $0xFFFFFFFF, v8  }
.Ltmp7:
0x85: {  	v7 =	vsel vm5, $0x0, v10;
	v9, _, _ =	vpop (xrf2);
	(pc) =	sbr.rel @p0 .LBB2_9-.Ltmp7, $4  }
0x86: {  	v6 =	vsel vm5, v9, v6;
	v10 =	vadd.f32 v9, v7;
	v7 =	vsel vm6, $0x0, v9  }
0x87: {  	s2 =	sadd.s32 $0x10, s2;
	v7 =	vshift.insert v7, v0, s20  }
0x88: {  	s17 =	sadd.s32 $0x10, s17;
	[tilespmem:s2+$0x0] =	vst v10;
	(ifvalue) =	ssetifvalue $0xFFFFFFFF  }
0x89: {  	[hbm4b:s1+s14] =	stream.indirect_vreg.scatter [tilespmem:s2], [sflag:$0x2], $0x1, v8, vm0, $0x4038;
	[tilespmem:$0x9120] =	vst v63  }
0x8a: {  	v3 =	vld [tilespmem:$0x80F0];
	_ =	sdelay $0x4  }
0x8b: {  	v3 =	vshift.insert v3, v0, s20;
	_ =	sdelay $0x1  }
0x8c: {  	[tilespmem:s24+$0x0] =	vst.msk $0x1, v3  }
0x8d: {  	v3 =	vsel vm4, $0x1, v1;
	[tilespmem:$0x90] =	vst v6  }
0x8e: {  	[tilespmem:$0xA0] =	vst v3  }
0x8f: {  	[spmem:s12] =	stream.linear.scatter [tilespmem:s25], [sflag:$0x1], $0x1, $0x38;
	[tilespmem:$0x9120] =	vst v63  }
0x90: {  	v3 =	vmctz.xlane vm4;
	_ =	swait.ge [sflag:s3], $0x1  }
0x91: {  	(v2sf) =	vpush v4, $0x0  }
0x92: {  	(v2sf) =	vpush v3, $0x0;
	_ =	sdelay $0xd  }
0x93: {  	s0 =	spop (v2sf)  }
0x94: {  	s2 =	spop (v2sf)  }
0x95: {  	[sflag:s3] =	ssyncset.done $0x0;
	p0 =	sne.s32 s30, s0;
	p1 =	slt.s32 s2, $0xF  }
0x96: {  	[sflag:s3] =	ssyncadd.s32 $0xFFFFFFFF;
	v3 =	vimm.s32 @!p0 $0xFFFFFFFF;
	s2 =	simm.s32 @!p1 $0xF  }
0x97: {  	[tilespmem:$0x80] =	vst @!p0 v3;
	s31 =	sadd.s32 $0x90, s2  }
0x98: {  	[spmem:s10] =	stream.linear.scatter [tilespmem:s31], [sflag:$0x1], $0x1, $0x38;
	[tilespmem:$0x9120] =	vst v63  }
0x99: {  	_ =	swait.ge [sflag:s3], $0x1  }
0x9a: {  	[sflag:s3] =	ssyncset.done $0x0  }
0x9b: {  	[sflag:s3] =	ssyncadd.s32 $0xFFFFFFFF  }
0x9c: {  	[spmem:s13] =	stream.linear.scatter [tilespmem:s26], [sflag:$0x1], $0x1, $0x38;
	[tilespmem:$0x9120] =	vst v63  }
0x9d: {  	_ =	swait.ge [sflag:s3], $0x1  }
0x9e: {  	[sflag:s3] =	ssyncset.done $0x0  }
0x9f: {  	[sflag:s3] =	ssyncadd.s32 $0xFFFFFFFF;
	(ifvalue) =	ssetifvalue $0xFFFFFFFF;
	v3 =	vld [tilespmem:$0x10];
	_ =	sdelay $0x3  }
.Ltmp8:
0xa0: {  	_ = 	snop;
	(pc) =	sbr.rel .LBB2_4-.Ltmp8, $3  }
0xa1: {  	_ =	sdelay $0x1  }
0xa2: {  	(ifvalue) =	ssetifvalue $0xFFFFFFFF  }
0xa3: {  	[hbm4b:s1+s14] =	stream.indirect_vreg.scatter [tilespmem:s19], [sflag:$0x9], $0x1, v3, vm0, $0x4038;
	[tilespmem:$0x9120] =	vst v63  }
.LBB2_12:
0xa4: {  	s0 =	simm.s32 $0x2  }
0xa5: {  	_ =	swait.ge [sflag:s0], $0x1000  }
0xa6: {  	[sflag:s0] =	ssyncset.done $0x0  }
0xa7: {  	s31 =	simm.s32 $0x9;
	[sflag:s0] =	ssyncadd.s32 $0xFFFFF000  }
0xa8: {  	_ =	swait.ge [sflag:s31], $0x10  }
0xa9: {  	[sflag:s31] =	ssyncset.done $0x0  }
0xaa: {  	[sflag:s31] =	ssyncadd.s32 $0xFFFFFFF0  }
.LBB2_13:
0xab: {  	_ =	sfence.sel $0x180000  }
0xac: {  	s0 =	simm.s32 $0x7;
	[bflag:$0x0] =	sbarrier.arrive $0xFFFF  }
0xad: {  	s26 =	simm.s32 $0x8;
	[sflag:s0] =	ssyncpa.u1 $0x1  }
0xae: {  	s28 =	simm.s32 $0x9;
	[sflag:s26] =	ssyncpa.u1 $0x1  }
0xaf: {  	[sflag:s28] =	ssyncpa.u1 $0x1  }
0xb0: {  	_ =	sfence.stream.spmem  }
0xb1: {  	s29 =	simm.s32 $0x3;
	[bflag:$0x0] =	sbarrier.arrive $0xFFFF  }
0xb2: {  	s30 =	simm.s32 $0x4;
	[sflag:s29] =	ssyncpa.u1 $0x1  }
0xb3: {  	s31 =	simm.s32 $0x3C;
	s2 =	stileid.u32;
	[sflag:s30] =	ssyncpa.u1 $0x1  }
0xb4: {  	p0 =	sne.s32 s2, $0x0;
	[sflag:s31] =	ssyncpa.u1 $0x1  }
0xb5: {  	s0 =	simm.s32 @p0 $0x1;
	_ =	sfence @p0  }
0xb6: {  	[sflag:s0] =	ssyncpa.u1 @p0 $0x1;
	s0 =	simm.s32 @p0 $0x2  }
0xb7: {  	[sflag:s0] =	ssyncpa.u1 @p0 $0x1  }
0xb8: {  	_ =	strace @p0 $0x90000056  }
0xb9: {  	[bflag:$0x2] =	sbarrier.arrive @p0 $0xFFFF  }
0xba: {  	_ =	shalt @p0  }
.LBB2_14:
0xbb: {  	_ =	sfence.stream.spmem;
	s0 =	simm.s32 $0x5  }
0xbc: {  	s2 =	simm.s32 $0x80;
	s3 =	simm.s32 $0xC0;
	[sflag:s0] =	ssyncpa.u1 $0x0  }
0xbd: {  	[tilespmem:s3], [sflag:$0x5] =	stream.linear.gather [spmem:s2], $0x20, $0x38;
	[tilespmem:$0x9120] =	vst v63  }
0xbe: {  	s2 =	simm.s32 $0x0;
	s3 =	simm.s32 $0xE0  }
0xbf: {  	[tilespmem:s3], [sflag:$0x5] =	stream.linear.gather [spmem:s2], $0x20, $0x38;
	[tilespmem:$0x9120] =	vst v63  }
.Ltmp9:
0xc0: {  	_ = 	snop;
	(pc) =	sbr.rel .LBB2_15-.Ltmp9, $4  }
0xc1: {  	_ =	swait.ge [sflag:s0], $0x40  }
0xc2: {  	[sflag:s0] =	ssyncset.done $0x0  }
0xc3: {  	s31 =	simm.s32 $0x6;
	[sflag:s0] =	ssyncadd.s32 $0xFFFFFFC0  }
0xc4: {  	s4 =	simm.s32 $0x0;
	[sflag:s31] =	ssyncpa.u1 $0x0  }
.LBB2_20:
0xc5: {  	p0 =	sgt.u32 s0, $0xFFFFFF  }
0xc6: {  	s5 =	sshrl.u32 @!p0 s0, $0x3  }
0xc7: {  	s0 =	sand.u32 @!p0 $0x7, s0;
	s6 =	simm.s32 @!p0 $0xB0;
	s5 =	sadd.s32 @!p0 s1, s5  }
0xc8: {  	[tilespmem:s6], [sflag:$0x6] =	stream.linear.gather @!p0 [hbm4b:s5+s0], $0x1, $0x38;
	[tilespmem:$0x9120] =	vst v63  }
0xc9: {  	s0 =	simm.s32 @!p0 $0x6  }
0xca: {  	_ =	swait.ge @!p0 [sflag:s0], $0x1  }
0xcb: {  	[sflag:s0] =	ssyncset.done @!p0 $0x0  }
0xcc: {  	[sflag:s0] =	ssyncadd.s32 @!p0 $0xFFFFFFFF  }
0xcd: {  	v2 =	vmov @!p0 s4;
	v1 =	vld.msk @!p0 [tilespmem:$0xB0], $0x1;
	_ =	sdelay $0x3  }
0xce: {  	s0 =	simm.s32 @!p0 $0xE0  }
0xcf: {  	[tilespmem:v2+s0+$0x0], v1 =	vst.idx.ret.add.f32.msk @!p0 $0x1, v1  }
0xd0: {  	[tilespmem:s2+$0xC0] =	vst.msk $0x1, v0  }
0xd1: {  	v0 =	vld.msk [tilespmem:s4+$0xE0], $0x1;
	_ =	sdelay $0x4  }
0xd2: {  	[tilespmem:s2+$0xE0] =	vst.msk $0x1, v0;
	s2 =	sadd.s32 $0x1, s2  }
.LBB2_22:
0xd3: {  	s4 =	sadd.s32 $0x1, s4  }
0xd4: {  	p0 =	sne.s32 s4, $0x20  }
.Ltmp10:
0xd5: {  	_ = 	snop;
	(pc) =	sbr.rel @!p0 .LBB2_23-.Ltmp10, $1  }
0xd6: {  	_ =	sdelay $0x3  }
.LBB2_15:
0xd7: {  	v0 =	vld.msk [tilespmem:s4+$0xC0], $0x1;
	_ =	sdelay $0x4  }
0xd8: {  	(v2sf) =	vpush v0, $0x0;
	_ =	sdelay $0xe  }
0xd9: {  	s0 =	spop (v2sf)  }
0xda: {  	p0 =	seq.s32 s0, $0xFFFFFFFF  }
.Ltmp11:
0xdb: {  	_ = 	snop;
	(pc) =	sbr.rel @p0 .LBB2_22-.Ltmp11, $1  }
0xdc: {  	_ =	sdelay $0x3  }
0xdd: {  	p0 =	slt.s32 s2, $0x1  }
.Ltmp12:
0xde: {  	_ = 	snop;
	(pc) =	sbr.rel @p0 .LBB2_20-.Ltmp12, $1  }
0xdf: {  	_ =	sdelay $0x3  }
0xe0: {  	s5 =	simm.s32 $0xC0;
	p0 =	por $0x0, $0x0  }
0xe1: {  	v1 =	vld.msk @!p0 [tilespmem:s5+$0x0], $0x1;
	_ =	sdelay $0x4  }
0xe2: {  	(v2sf) =	vpush @!p0 v1, $0x0;
	_ =	sdelay $0xd  }
0xe3: {  	p2 =	sne.s32 s2, $0x1  }
.Ltmp13:
0xe4: {  	s6 =	spop @!p0 (v2sf);
	(pc) =	sbr.rel @!p2 .LBB2_19-.Ltmp13, $4  }
0xe5: {  	p1 =	seq.s32 @!p0 s0, s6  }
0xe6: {  	s6 =	simm.s32 $0x0;
	p1 =	por !p1, p0  }
0xe7: {  	s8 =	simm.s32 $0xFFFFFFFF;
	s6 =	simm.s32 @p1 $0xFFFFFFFF  }
0xe8: {  	s7 =	simm.s32 $0x1;
	s6 =	smov.u32 @p0 s8  }
.LBB2_18:
0xe9: {  	s8 =	smov.u32 s6;
	p0 =	sne.s32 s6, $0xFFFFFFFF  }
0xea: {  	s5 =	sadd.s32 $0x1, s5;
	s6 =	smov.u32 s7;
	s7 =	sadd.s32 $0x1, s7  }
0xeb: {  	p1 =	sne.s32 s2, s7;
	v1 =	vld.msk @!p0 [tilespmem:s5+$0x0], $0x1;
	_ =	sdelay $0x4  }
0xec: {  	(v2sf) =	vpush @!p0 v1, $0x0;
	_ =	sdelay $0xe  }
.Ltmp14:
0xed: {  	s9 =	spop @!p0 (v2sf);
	(pc) =	sbr.rel @p1 .LBB2_18-.Ltmp14, $4  }
0xee: {  	p2 =	seq.s32 @!p0 s0, s9  }
0xef: {  	p2 =	por !p2, p0  }
0xf0: {  	s6 =	simm.s32 @p2 $0xFFFFFFFF  }
0xf1: {  	s6 =	smov.u32 @p0 s8  }
.LBB2_19:
0xf2: {  	p0 =	sne.s32 s6, $0xFFFFFFFF  }
.Ltmp15:
0xf3: {  	_ = 	snop;
	(pc) =	sbr.rel @!p0 .LBB2_20-.Ltmp15, $1  }
0xf4: {  	_ =	sdelay $0x3  }
0xf5: {  	v0 =	vld.msk [tilespmem:s4+$0xE0], $0x1;
	v1 =	vmov s6  }
.Ltmp16:
0xf6: {  	_ = 	snop;
	(pc) =	sbr.rel .LBB2_22-.Ltmp16, $2  }
0xf7: {  	_ =	sdelay $0x2  }
0xf8: {  	[tilespmem:v1+s3+$0x0], v0 =	vst.idx.ret.add.f32.msk $0x1, v0  }
.LBB2_23:
0xf9: {  	p0 =	slt.s32 s2, $0x1  }
.Ltmp17:
0xfa: {  	_ = 	snop;
	(pc) =	sbr.rel @p0 .LBB2_27-.Ltmp17, $3  }
0xfb: {  	_ =	sdelay $0x1  }
0xfc: {  	s0 =	simm.s32 $0x6  }
0xfd: {  	[sflag:s0] =	ssyncpa.u1 $0x1;
	s0 =	simm.s32 $0x0  }
0xfe: {  	s3 =	simm.s32 $0xC0  }
0xff: {  	v0 =	vld.msk [tilespmem:s3+$0x0], $0x1;
	_ =	sdelay $0x4  }
0x100: {  	(v2sf) =	vpush v0, $0x0;
	_ =	sdelay $0xe  }
0x101: {  	s2 =	sadd.s32 $0xFFFFFFFF, s2;
	s4 =	spop (v2sf)  }
0x102: {  	p1 =	sne.s32 s2, $0x0;
	p0 =	sgt.u32 s4, $0xFFFFFF  }
.Ltmp18:
0x103: {  	s5 =	sshrl.u32 @!p0 s4, $0x3;
	(pc) =	sbr.rel @!p1 .LBB2_26-.Ltmp18, $4  }
0x104: {  	s3 =	simm.s32 $0xE0;
	s4 =	sand.u32 @!p0 $0x7, s4;
	s5 =	sadd.s32 @!p0 s1, s5  }
0x105: {  	[hbm4b:s5+s4] =	stream.linear.scatter @!p0 [tilespmem:s3], [sflag:$0x5], $0x1, $0x38;
	[tilespmem:$0x9120] =	vst v63  }
0x106: {  	s5 =	simm.s32 $0x0  }
0x107: {  	s4 =	simm.s32 $0xC1;
	s5 =	simm.s32 @!p0 $0x4  }
.LBB2_25:
0x108: {  	v0 =	vld.msk [tilespmem:s4+$0x0], $0x1;
	s2 =	sadd.s32 $0xFFFFFFFF, s2;
	s0 =	sadd.s32 s0, s5  }
0x109: {  	p0 =	sne.s32 s2, $0x0;
	_ =	sdelay $0x3  }
0x10a: {  	(v2sf) =	vpush v0, $0x0;
	_ =	sdelay $0xe  }
.Ltmp19:
0x10b: {  	s6 =	spop (v2sf);
	(pc) =	sbr.rel @p0 .LBB2_25-.Ltmp19, $4  }
0x10c: {  	s5 =	simm.s32 $0x0;
	p1 =	sgt.u32 s6, $0xFFFFFF  }
0x10d: {  	s3 =	sadd.s32 $0x1, s3;
	s5 =	simm.s32 @!p1 $0x4;
	s7 =	sshrl.u32 @!p1 s6, $0x3  }
0x10e: {  	s4 =	sadd.s32 $0x1, s4;
	s6 =	sand.u32 @!p1 $0x7, s6;
	s7 =	sadd.s32 @!p1 s1, s7  }
0x10f: {  	[hbm4b:s7+s6] =	stream.linear.scatter @!p1 [tilespmem:s3], [sflag:$0x5], $0x1, $0x38;
	[tilespmem:$0x9120] =	vst v63  }
.LBB2_26:
0x110: {  	s0 =	sadd.s32 s0, s5  }
0x111: {  	s0 =	sshrl.u32 s0, $0x2  }
.LBB2_27:
0x112: {  	s1 =	simm.s32 $0x5  }
0x113: {  	_ =	swait.ge [sflag:s1], s0  }
0x114: {  	s28 =	ssub.s32 $0x0, s0;
	[sflag:s1] =	ssyncset.done $0x0  }
0x115: {  	[sflag:s1] =	ssyncadd.s32 s28  }
0x116: {  	[sflag:s1] =	ssyncpa.u1 $0x1  }
0x117: {  	s29 =	simm.s32 $0x1;
	_ =	sfence  }
0x118: {  	s30 =	simm.s32 $0x2;
	[sflag:s29] =	ssyncpa.u1 $0x1  }
0x119: {  	[sflag:s30] =	ssyncpa.u1 $0x1  }
0x11a: {  	_ =	strace $0x90000056  }
0x11b: {  	[bflag:$0x2] =	sbarrier.arrive $0xFFFF  }
0x11c: {  	s31 =	rddreg [dreg:$0x1]  }
0x11d: {  	s0 =	sadd.s32 $0x100000, s31  }
0x11e: {  	[sflag:s0] =	ssyncadd.tile.s32 $0x1;
	_ =	shalt  }
.Lfunc_end2:
_tile_overlayer_lowered:
.L_overlay_start_2:
0x11f: {  	(tag) =	ssettag $0x2  }
0x120: {  	s0 =	rddreg [dreg:$0x0];
	s2 =	stileid.u32  }
0x121: {  	s1 =	rddreg [dreg:$0x1];
	p0 =	sne.s32 s2, $0x0  }
0x122: {  	s3 =	rddreg [dreg:$0x2];
	[bflag:$0x3] =	sbarrier.arrive $0xFFFF;
	s2 =	simm.s32 @!p0 $0x1C01  }
0x123: {  	[timem:s3], [sflag:s2] =	dma.local @!p0 [hbm:s0], s1  }
0x124: {  	s0 =	simm.s32 @!p0 $0x1  }
0x125: {  	_ =	swait.ge @!p0 [sflag:s0], s1  }
0x126: {  	s1 =	ssub.s32 @!p0 $0x0, s1;
	[sflag:s0] =	ssyncset.done @!p0 $0x0  }
0x127: {  	[sflag:s0] =	ssyncadd.s32 @!p0 s1  }
0x128: {  	[bflag:$0x3] =	sbarrier.arrive $0xFFFF  }
0x129: {  	_ =	shalt  }

// kernel: scatter_offload_async_start
scs
__scs_entry_jumppad:
0x0: {  	(pc) =	sbr.rel $0x88, $3  }
0x1: {  	(tag) =	ssettag $0x0;
	lr =	simm.s32 $0x1  }
0x2: {  	[smem:$0x3F92] =	sst lr;
	_ =	strace $0xD0000000  }
0x3: {  	_ = 	snop  }
0x4: {  	_ = 	snop  }
0x5: {  	_ = 	snop  }
0x6: {  	_ = 	snop  }
0x7: {  	_ = 	snop  }
__scs_overlays_trampoline_lowered:
0x8: {  	[smem:$0x3FA1] =	sst s0  }
0x9: {  	[smem:$0x3FA2] =	sst s1  }
0xa: {  	[smem:$0x3FA3] =	sst s2  }
0xb: {  	[smem:$0x3FA4] =	sst s3  }
0xc: {  	[smem:$0x3FA5] =	sst s4  }
0xd: {  	[smem:$0x3FA6] =	sst s5  }
0xe: {  	[smem:$0x3FA7] =	sst s6  }
0xf: {  	[smem:$0x3FA8] =	sst s7  }
0x10: {  	[smem:$0x3FA9] =	sst s8  }
0x11: {  	[smem:$0x3FAA] =	sst s9;
	s0 =	simm.s32 @!p0 $0x0  }
0x12: {  	s1 =	sld [smem:$0x3F90];
	s0 =	simm.s32 @p0 $0x1  }
0x13: {  	[smem:$0x3FAB] =	sst s0;
	s0 =	simm.s32 @!p1 $0x0  }
0x14: {  	s2 =	sld [smem:$0x3F8F];
	s0 =	simm.s32 @p1 $0x1  }
0x15: {  	[smem:$0x3FAC] =	sst s0;
	s0 =	simm.s32 @!p2 $0x0  }
0x16: {  	s3 =	sld [smem:$0x3FDB];
	s0 =	simm.s32 @p2 $0x1  }
0x17: {  	s4 =	simm.s32 $0x1BF5;
	[smem:$0x3FAE] =	sst s0  }
0x18: {  	s0 =	sld [smem:$0x3F91];
	_ =	swait.ge [sflag:s4], $0x0  }
0x19: {  	s7 =	sld [smem:$0x3F92]  }
0x1a: {  	s8 =	sadd.s32 $0xFFFFE003, lr  }
0x1b: {  	s9 =	sadd.s32 $0xFFFFFEF7, lr;
	s5 =	simm.s32 $0xFFFFFFFF;
	p2 =	slt.u32 s8, $0xFFFFF086  }
0x1c: {  	p1 =	slt.u32 s9, $0xF7A;
	s5 =	simm.s32 @!p2 $0x0  }
0x1d: {  	s5 =	simm.s32 @p1 $0x1;
	p0 =	seq.s32 s7, s2  }
0x1e: {  	s7 =	smul.u32 @!p0 $0xF7A, s2;
	p2 =	seq.s32 @!p0 s5, $0x0  }
0x1f: {  	s9 =	smul.u32 $0xF7A, s1;
	s8 =	simm.s32 @!p0 $0x1BF5;
	p2 =	por !p2, p0  }
0x20: {  	[sflag:s8] =	ssyncset.s32 @!p0 $0xFFFFF086;
	s6 =	sadd.s32 @!p0 s3, s7;
	s7 =	simm.s32 @!p0 $0x108  }
0x21: {  	s3 =	sadd.s32 s3, s9;
	s6 =	sadd.s32 @!p0 $0x88, s6;
	s7 =	simm.s32 @p2 $0x1082  }
0x22: {  	[simem:s7], [sflag:s8] =	dma.local @!p0 [hbm:s6], $0xF7A  }
0x23: {  	s9 =	sor.u32 $0xD0000000, s2;
	s6 =	simm.s32 $0x108;
	_ =	swait.ge @!p0 [sflag:s8], $0x0  }
0x24: {  	s3 =	sadd.s32 $0x88, s3;
	s6 =	simm.s32 @!p1 $0x1082;
	[sflag:s4] =	ssyncset.s32 $0xFFFFF086  }
0x25: {  	[simem:s6], [sflag:s4] =	dma.local [hbm:s3], $0xF7A  }
0x26: {  	[smem:$0x3F92] =	sst s1;
	(tag) =	ssettag s2;
	_ =	strace s9  }
0x27: {  	s1 =	sld [smem:$0x3FA2]  }
0x28: {  	s2 =	sld [smem:$0x3FA3]  }
0x29: {  	s4 =	sld [smem:$0x3FA5]  }
0x2a: {  	p0 =	seq.s32 s5, $0x0;
	s5 =	sld [smem:$0x3FA6]  }
0x2b: {  	s6 =	sld [smem:$0x3FA7]  }
0x2c: {  	s7 =	sld [smem:$0x3FA8]  }
0x2d: {  	s3 =	simm.s32 $0x108;
	s8 =	sld [smem:$0x3FA9]  }
0x2e: {  	s3 =	simm.s32 @!p0 $0x1082;
	s9 =	sld [smem:$0x3FAA]  }
0x2f: {  	lr =	sadd.s32 s0, s3;
	s0 =	sld [smem:$0x3FA1]  }
0x30: {  	s3 =	sld [smem:$0x3FA4]  }
0x31: {  	[smem:$0x3FAD] =	sst s10  }
0x32: {  	s10 =	sld [smem:$0x3FAB];
	_ =	sdelay $0x3  }
0x33: {  	p0 =	seq.s32 s10, $0x1;
	s10 =	sld [smem:$0x3FAD];
	_ =	sdelay $0x3  }
0x34: {  	[smem:$0x3FAD] =	sst s10  }
0x35: {  	s10 =	sld [smem:$0x3FAC];
	_ =	sdelay $0x3  }
0x36: {  	p1 =	seq.s32 s10, $0x1;
	s10 =	sld [smem:$0x3FAD];
	_ =	sdelay $0x3  }
0x37: {  	[smem:$0x3FAD] =	sst s10  }
0x38: {  	s10 =	sld [smem:$0x3FAE]  }
0x39: {  	_ = 	snop;
	(pc) =	sbr.ind lr, $3  }
0x3a: {  	_ = 	snop  }
0x3b: {  	_ = 	snop  }
0x3c: {  	p2 =	seq.s32 s10, $0x1;
	s10 =	sld [smem:$0x3FAD]  }
0x3d: {  	_ =	shalt  }
0x3e: {  	_ =	shalt  }
0x3f: {  	_ =	shalt  }
0x40: {  	_ =	shalt  }
0x41: {  	_ =	shalt  }
0x42: {  	_ =	shalt  }
0x43: {  	_ =	shalt  }
0x44: {  	_ =	shalt  }
0x45: {  	_ =	shalt  }
0x46: {  	_ =	shalt  }
0x47: {  	_ =	shalt  }
0x48: {  	_ =	shalt  }
0x49: {  	_ =	shalt  }
0x4a: {  	_ =	shalt  }
0x4b: {  	_ =	shalt  }
0x4c: {  	_ =	shalt  }
0x4d: {  	_ =	shalt  }
0x4e: {  	_ =	shalt  }
0x4f: {  	_ =	shalt  }
0x50: {  	_ =	shalt  }
0x51: {  	_ =	shalt  }
0x52: {  	_ =	shalt  }
0x53: {  	_ =	shalt  }
0x54: {  	_ =	shalt  }
0x55: {  	_ =	shalt  }
0x56: {  	_ =	shalt  }
0x57: {  	_ =	shalt  }
0x58: {  	_ =	shalt  }
0x59: {  	_ =	shalt  }
0x5a: {  	_ =	shalt  }
0x5b: {  	_ =	shalt  }
0x5c: {  	_ =	shalt  }
0x5d: {  	_ =	shalt  }
0x5e: {  	_ =	shalt  }
0x5f: {  	_ =	shalt  }
0x60: {  	_ =	shalt  }
0x61: {  	_ =	shalt  }
0x62: {  	_ =	shalt  }
0x63: {  	_ =	shalt  }
0x64: {  	_ =	shalt  }
0x65: {  	_ =	shalt  }
0x66: {  	_ =	shalt  }
0x67: {  	_ =	shalt  }
0x68: {  	_ =	shalt  }
0x69: {  	_ =	shalt  }
0x6a: {  	_ =	shalt  }
0x6b: {  	_ =	shalt  }
0x6c: {  	_ =	shalt  }
0x6d: {  	_ =	shalt  }
0x6e: {  	_ =	shalt  }
0x6f: {  	_ =	shalt  }
0x70: {  	_ =	shalt  }
0x71: {  	_ =	shalt  }
0x72: {  	_ =	shalt  }
0x73: {  	_ =	shalt  }
0x74: {  	_ =	shalt  }
0x75: {  	_ =	shalt  }
0x76: {  	_ =	shalt  }
0x77: {  	_ =	shalt  }
0x78: {  	_ =	shalt  }
0x79: {  	_ =	shalt  }
0x7a: {  	_ =	shalt  }
0x7b: {  	_ =	shalt  }
0x7c: {  	_ =	shalt  }
0x7d: {  	_ =	shalt  }
0x7e: {  	_ =	shalt  }
0x7f: {  	_ =	shalt  }
0x80: {  	_ =	shalt  }
0x81: {  	_ =	shalt  }
0x82: {  	_ =	shalt  }
0x83: {  	_ =	shalt  }
0x84: {  	_ =	shalt  }
0x85: {  	_ =	shalt  }
0x86: {  	_ =	shalt  }
0x87: {  	_ =	shalt  }
.Lfunc_end0:
.L_simem_size_0:
called_computation_lowered:
.L_overlay_start_0:
0x88: {  	s2 =	sld [smem:$0x3FD9]  }
0x89: {  	s3 =	sld [smem:$0x3FFE];
	_ =	sdelay $0x1  }
0x8a: {  	s1 =	srdreg.scid  }
0x8b: {  	s0 =	sand.u32 $0x1, s1  }
0x8c: {  	s15 =	sshll.u32 s0, $0xA;
	s2 =	sadd.s32 s3, s2  }
0x8d: {  	s2 =	sadd.s32 s2, s15  }
0x8e: {  	[smem:$0x3FB9] =	sst s2  }
0x8f: {  	_ = 	snop  }
0x90: {  	(tm) =	ssettm $0x1  }
0x91: {  	s16 =	sld [smem:$0x3FFB];
	_ =	sdelay $0x3  }
0x92: {  	_ =	strace s16  }
0x93: {  	s2 =	sld [smem:$0x3FFC];
	_ =	sdelay $0x3  }
0x94: {  	_ =	strace s2  }
0x95: {  	s2 =	sld [smem:$0x3FFD];
	_ =	sdelay $0x3  }
0x96: {  	_ =	strace s2  }
0x97: {  	_ =	strace $0x8FFFFFFF  }
0x98: {  	s17 =	sld [smem:$0x3FDB];
	_ =	sdelay $0x1  }
0x99: {  	s18 =	simm.s32 $_scs_section_size  }
0x9a: {  	s4 =	simm.s32 $_size__tile_overlayer_lowered;
	s5 =	simm.s32 $_tile_overlayer_lowered  }
0x9b: {  	s21 =	simm.s32 $0x1BFF;
	s20 =	sshll.u32 s5, $0x1;
	s2 =	sadd.s32 s18, s17  }
0x9c: {  	s6 =	simm.s32 $0x0;
	s19 =	sshll.u32 s4, $0x1;
	s4 =	sadd.s32 s20, s2  }
0x9d: {  	[timem:s6], [sflag:s21] =	dma.local [hbm:s4], s19  }
0x9e: {  	_ =	swait.ge [sflag:s21], s19  }
0x9f: {  	s3 =	ssub.s32 $0x0, s19;
	[sflag:s21] =	ssyncset.done $0x0  }
0xa0: {  	[sflag:s21] =	ssyncadd.s32 s3;
	_ =	sdelay $0x1  }
0xa1: {  	s22 =	simm.s32 $0x1B8B  }
0xa2: {  	_ =	swait.ge [sflag:s22], $0x1  }
0xa3: {  	[sflag:s22] =	ssyncset.done $0x0  }
0xa4: {  	s23 =	sld [smem:$0x3FFE];
	[sflag:s22] =	ssyncadd.s32 $0xFFFFFFFF  }
0xa5: {  	s25 =	simm.s32 $0x1B8E;
	s24 =	sld [smem:$0x0]  }
0xa6: {  	s26 =	simm.s32 $execute0_lowered;
	[smem:$0x3FD2] =	sst s25  }
0xa7: {  	s5 =	sshll.u32 s26, $0x1;
	_ =	strace $0x8000004C;
	[dreg:$0x1] =	wrdreg $0xFFFFFFFF  }
0xa8: {  	s28 =	simm.s32 $_size_execute0_lowered;
	s2 =	sadd.s32 s2, s5;
	[dreg:$0x0] =	wrdreg $0x0  }
0xa9: {  	s5 =	sshll.u32 s28, $0x1;
	[dreg:$0x2] =	wrdreg s2  }
0xaa: {  	[dreg:$0x3] =	wrdreg s5  }
0xab: {  	[dreg:$0x4] =	wrdreg $0xC0  }
0xac: {  	_ =	task [dreg:s6], $0x5FFFF  }
0xad: {  	[dreg:$0x1] =	wrdreg $0xFFFFFFFF  }
0xae: {  	[dreg:$0x0] =	wrdreg $0x60  }
0xaf: {  	[dreg:$0x2] =	wrdreg s23  }
0xb0: {  	[dreg:$0x3] =	wrdreg s1  }
0xb1: {  	[dreg:$0x4] =	wrdreg s24  }
0xb2: {  	[dreg:$0x5] =	wrdreg $0x9  }
0xb3: {  	_ =	task.clear_ibuf [dreg:s6], $0x6FFFF;
	_ =	strace $0x9000004C  }
0xb4: {  	s29 =	simm.s32 $0x9;
	_ =	strace $0x8000004E  }
0xb5: {  	_ =	swait.ge [sflag:s29], $0x1  }
0xb6: {  	[sflag:s29] =	ssyncadd.s32 $0xFFFFFFFF  }
0xb7: {  	_ =	strace $0x9000004E  }
0xb8: {  	_ =	sfence  }
0xb9: {  	s30 =	sld [smem:$0x0];
	_ =	sdelay $0x2  }
0xba: {  	s31 =	sshll.u32 s1, $0xD;
	s1 =	sshrl.u32 s1, $0x2  }
0xbb: {  	s3 =	sand.u32 $0x4000, s31;
	s1 =	sadd.s32 s1, s30  }
0xbc: {  	s0 =	sor.u32 s3, s0;
	s1 =	sshll.u32 s1, $0x11  }
0xbd: {  	s0 =	sor.u32 s1, s0  }
0xbe: {  	s0 =	sadd.s32 $0x8F2B, s0  }
0xbf: {  	[sflag:s0] =	ssyncadd.remote.s32 $0x1  }
0xc0: {  	_ =	sfence.sel $0xFFFF  }
0xc1: {  	[dreg:$0x0] =	wrdreg $0xFFFFFFFF;
	(pc) =	sbr.abs _section_cstart, $3  }
0xc2: {  	[dreg:$0x1] =	wrdreg $0xFFFFFFFF  }
0xc3: {  	_ =	task.clear_ibuf [dreg:s6], $0x2FFFF;
	_ =	strace $0x9FFFFFFF  }
0xc4: {  	(tm) =	ssettm $0x7FFFFFFF  }
0xc5: {  	_ =	shalt  }
tec
execute0_lowered:
.L_overlay_start_1:
0x0: {  	(tag) =	ssettag $0x1  }
0x1: {  	s0 =	rddreg [dreg:$0x0]  }
0x2: {  	s2 =	rddreg [dreg:$0x1];
	_ =	strace $0x8000004D;
	s1 =	simm.s32 $0x1  }
0x3: {  	s9 =	simm.s32 $0x108;
	v0 =	vimm.s32 $0x0;
	[sflag:s1] =	ssyncpa.u1 $0x0  }
0x4: {  	[tilespmem:s9+$0x70] =	vst v0  }
0x5: {  	[tilespmem:s9+$0x60] =	vst v0  }
0x6: {  	[tilespmem:s9+$0x50] =	vst v0  }
0x7: {  	[tilespmem:s9+$0x40] =	vst v0  }
0x8: {  	s1 =	sadd.s32 $0x24A00, s0;
	s15 =	sadd.s32 $0x44A00, s0;
	[tilespmem:s9+$0x30] =	vst v0  }
0x9: {  	s6 =	sadd.s32 $0x4CA00, s0;
	s2 =	sand.u32 $0x1, s2;
	s14 =	sadd.s32 $0x46A00, s0;
	[tilespmem:s9+$0x20] =	vst v0  }
0xa: {  	s0 =	simm.s32 $0x40;
	[dreg:$0x4] =	wrdreg s2;
	s16 =	sshll.u32 s2, $0xC;
	[tilespmem:s9+$0x10] =	vst v0  }
.LBB2_1:
0xb: {  	s0 =	sadd.s32 $0x40, s0;
	[tilespmem:s9+$0x0] =	vst v0;
	s9 =	sadd.s32 $0x80, s9  }
0xc: {  	p0 =	slt.u32 s0, $0x3C40;
	[tilespmem:s9+$0x70] =	vst v0  }
0xd: {  	[tilespmem:s9+$0x60] =	vst v0  }
.Ltmp0:
0xe: {  	[tilespmem:s9+$0x50] =	vst v0;
	(pc) =	sbr.rel @p0 .LBB2_1-.Ltmp0, $4  }
0xf: {  	[tilespmem:s9+$0x40] =	vst v0  }
0x10: {  	[tilespmem:s9+$0x30] =	vst v0  }
0x11: {  	[tilespmem:s9+$0x20] =	vst v0  }
0x12: {  	[tilespmem:s9+$0x10] =	vst v0  }
0x13: {  	s5 =	stileid.u32  }
0x14: {  	s0 =	smin.u32 s5, $0x9;
	s2 =	sshll.u32 s5, $0x3  }
0x15: {  	s0 =	sadd.s32 s0, s2  }
0x16: {  	p0 =	slt.u32 s5, $0x9;
	s7 =	smul.u32 $0xF0, s0;
	s0 =	simm.s32 $0x870  }
0x17: {  	s0 =	simm.s32 @!p0 $0x780  }
0x18: {  	s0 =	sadd.s32 s0, s7  }
0x19: {  	s8 =	smin.u32 s0, $0x8000  }
0x1a: {  	s0 =	ssub.s32 s8, s7  }
0x1b: {  	p0 =	sgt.s32 s0, $0x0  }
0x1c: {  	s0 =	simm.s32 @!p0 $0x0  }
0x1d: {  	s3 =	simm.s32 $0x2;
	s10 =	simm.s32 $0x9;
	s30 =	smul.u32 $0x8889, s0  }
0x1e: {  	s4 =	simm.s32 $0xA;
	s11 =	simm.s32 $0xB;
	s12 =	simm.s32 $0x1  }
0x1f: {  	s14 =	sadd.s32 s16, s14;
	s15 =	sadd.s32 s16, s15;
	s2 =	sshrl.u32 s30, $0x17  }
0x20: {  	s22 =	simm.s32 $0x0;
	s18 =	simm.s32 $0xC;
	s31 =	smul.u32 $0xF0, s2  }
.Ltmp1:
0x21: {  	[tilespmem:s9+$0x0] =	vst v0;
	v0 =	vimm.s32 $0xFFFFFFFF;
	s20 =	simm.s32 $0x0;
	[sflag:s3] =	ssyncpa.u1 $0x0;
	(pc) =	sbr.rel .LBB2_3-.Ltmp1, $4  }
0x22: {  	[tilespmem:$0xF208] =	vst v0;
	[sflag:s10] =	ssyncpa.u1 $0x0;
	p0 =	sne.s32 s0, s31;
	s0 =	simm.s32 $0x1  }
0x23: {  	s21 =	simm.s32 $0x0;
	[sflag:s4] =	ssyncpa.u1 $0x0;
	s0 =	simm.s32 @!p0 $0x0  }
0x24: {  	s16 =	sshll.u32 s5, $0x8;
	[sflag:s11] =	ssyncpa.u1 $0x0;
	s13 =	sadd.s32 s2, s0  }
0x25: {  	v0 =	vlaneseq.u32;
	s19 =	smov.u32 s7;
	p0 =	por $0x0, $0x0;
	s17 =	sadd.s32 $0x1, s13  }
.LBB2_18:
0x26: {  	s0 =	sshrl.u32 s31, $0x2  }
.LBB2_20:
0x27: {  	_ =	swait.ge [sflag:s18], s0  }
0x28: {  	s31 =	ssub.s32 $0x0, s0;
	v1 =	vmov s24;
	vm0 =	veq.s32 v0, $0x0;
	[sflag:s18] =	ssyncset.done $0x0  }
0x29: {  	vm15 =	veq.s32 v0, $0x2;
	v1 =	vsel vm0, s30, v1;
	[sflag:s18] =	ssyncadd.s32 s31  }
0x2a: {  	v1 =	vsel vm15, s22, v1;
	[sflag:s18] =	ssyncpa.u1 $0x1  }
0x2b: {  	[tilespmem:$0xF208] =	vst v1  }
.LBB2_21:
0x2c: {  	s0 =	sadd.s32 $0xF0, s19  }
0x2d: {  	s2 =	smov.u32 s7;
	p1 =	slt.s32 s0, s8  }
0x2e: {  	s2 =	smov.u32 @p1 s0;
	p1 =	sne.s32 s21, s17  }
.Ltmp2:
0x2f: {  	_ = 	snop;
	(pc) =	sbr.rel @!p1 .LBB2_22-.Ltmp2, $3  }
0x30: {  	_ =	sdelay $0x1  }
0x31: {  	s22 =	smov.u32 s20;
	s31 =	sadd.s32 $0x1, s21;
	s20 =	smov.u32 s19  }
0x32: {  	p0 =	por !p0, !p0;
	s21 =	smov.u32 s31;
	s19 =	smov.u32 s2  }
.LBB2_3:
0x33: {  	p1 =	sge.u32 s21, s13  }
0x34: {  	s0 =	smulhi.u32 @!p1 $0xAAAAAAAB, s21  }
0x35: {  	s2 =	smov.u32 s19;
	p2 =	sgt.s32 @!p1 s19, $0x7F10  }
0x36: {  	s3 =	sshra.s32 @!p1 s19, $0x1F;
	p2 =	por !p2, p1;
	s0 =	sshrl.u32 @!p1 s0, $0x1  }
0x37: {  	s3 =	sand.u32 @!p1 s3, s19;
	s2 =	simm.s32 @p2 $0x7F10;
	s0 =	smul.u32 @!p1 $0x3, s0  }
0x38: {  	s2 =	ssub.s32 @!p1 s2, s3  }
0x39: {  	s2 =	sadd.s32 @!p1 $0xFFFF80F0, s2;
	s0 =	ssub.s32 @!p1 s21, s0  }
0x3a: {  	s3 =	sshll.u32 @!p1 s2, $0x2;
	p2 =	sgt.s32 @!p1 s2, $0xEF;
	s0 =	smul.u32 @!p1 $0x3C0, s0  }
0x3b: {  	s4 =	sand.u32 @!p1 $0x7, s19;
	s2 =	ssub.s32 @!p1 $0x3C0, s3;
	p2 =	por !p2, p1  }
0x3c: {  	s3 =	sshrl.u32 @!p1 s19, $0x3;
	s2 =	sshrl.u32 @!p1 s2, $0x2;
	s0 =	sshrl.u32 @!p1 s0, $0x2  }
0x3d: {  	s3 =	sadd.s32 @!p1 s3, s14;
	s2 =	simm.s32 @!p2 $0x0;
	s0 =	sadd.s32 @!p1 $0x10248, s0  }
0x3e: {  	[tilespmem:s0], [sflag:$0xA] =	stream.linear.gather @!p1 [hbm4b:s3+s4], s2, $0x38;
	[tilespmem:$0x1F6F8] =	vst v63  }
0x3f: {  	s0 =	sadd.s32 $0xFFFFFFFF, s21  }
0x40: {  	p1 =	sge.u32 s0, s13  }
0x41: {  	p2 =	sgt.s32 @!p1 s20, $0x7F10  }
0x42: {  	s2 =	smov.u32 s20;
	s3 =	sshra.s32 @!p1 s20, $0x1F;
	p2 =	por !p2, p1  }
0x43: {  	s3 =	sand.u32 @!p1 s3, s20;
	s2 =	simm.s32 @p2 $0x7F10  }
0x44: {  	s2 =	ssub.s32 @!p1 s2, s3  }
0x45: {  	s2 =	sadd.s32 @!p1 $0xFFFF80F0, s2  }
0x46: {  	s4 =	sand.u32 @!p1 $0x1, s0;
	s3 =	sshll.u32 @!p1 s2, $0x2  }
0x47: {  	p2 =	sgt.s32 @!p1 s2, $0xEF;
	s2 =	ssub.s32 @!p1 $0x3C0, s3;
	s3 =	smulhi.u32 @!p1 $0xAAAAAAAB, s0  }
0x48: {  	s23 =	smul.u32 @!p1 $0x3C0, s4;
	p2 =	por !p2, p1;
	s2 =	sshrl.u32 @!p1 s2, $0x2  }
0x49: {  	s5 =	simm.s32 @!p1 $0xA;
	s2 =	simm.s32 @!p2 $0x0;
	s3 =	sshrl.u32 @!p1 s3, $0x1  }
0x4a: {  	s23 =	sshrl.u32 @!p1 s23, $0x2;
	_ =	swait.ge @!p1 [sflag:s5], s2;
	s3 =	smul.u32 @!p1 $0x3, s3  }
0x4b: {  	s23 =	sadd.s32 @!p1 $0x10518, s23;
	s24 =	ssub.s32 @!p1 $0x0, s2;
	[sflag:s5] =	ssyncset.done @!p1 $0x0  }
0x4c: {  	[sflag:s5] =	ssyncadd.s32 @!p1 s24;
	s5 =	sshrl.u32 @!p1 s20, $0x3;
	s0 =	ssub.s32 @!p1 s0, s3  }
0x4d: {  	s24 =	sand.u32 @!p1 $0x7, s20;
	s5 =	sadd.s32 @!p1 s5, s15;
	s0 =	smul.u32 @!p1 $0x3C0, s0  }
0x4e: {  	[tilespmem:s23], [sflag:$0xB] =	stream.linear.gather @!p1 [hbm4b:s5+s24], s2, $0x38;
	[tilespmem:$0x1F6F8] =	vst v63  }
0x4f: {  	s3 =	ssub.s32 @!p1 $0x8000, s20;
	s2 =	smul.u32 @!p1 $0x1E000, s4  }
0x50: {  	p2 =	slt.s32 @!p1 s3, $0xF0  }
0x51: {  	p2 =	por !p2, p1;
	s0 =	sshrl.u32 @!p1 s0, $0x2;
	s2 =	sshrl.u32 @!p1 s2, $0x2  }
0x52: {  	s3 =	simm.s32 @p2 $0xF0;
	s0 =	sadd.s32 @!p1 $0x10248, s0;
	s2 =	sor.u32 @!p1 $0x106F8, s2  }
0x53: {  	[tilespmem:s2], [sflag:$0x9] =	stream.indirect.gather @!p1 [hbm4b:s6+s3], $0x80, s0, s3, $0xb8;
	[tilespmem:$0x1F6F8] =	vst v63  }
0x54: {  	p1 =	slt.u32 s21, $0x2  }
.Ltmp3:
0x55: {  	_ = 	snop;
	(pc) =	sbr.rel @p1 .LBB2_21-.Ltmp3, $1  }
0x56: {  	_ =	sdelay $0x3  }
0x57: {  	p1 =	sgt.s32 s22, $0x7F10  }
0x58: {  	s0 =	smov.u32 s22;
	s2 =	sshra.s32 s22, $0x1F;
	s3 =	ssub.s32 $0x8000, s22  }
0x59: {  	s0 =	simm.s32 @!p1 $0x7F10;
	s2 =	sand.u32 s2, s22;
	p1 =	slt.s32 s3, $0xF0  }
0x5a: {  	s0 =	ssub.s32 s0, s2;
	s3 =	simm.s32 @!p1 $0xF0  }
0x5b: {  	s0 =	sadd.s32 $0xFFFF80F0, s0;
	s25 =	sshll.u32 s3, $0x7  }
0x5c: {  	s26 =	sshll.u32 s0, $0x2;
	s2 =	sand.u32 $0x3FFFFF80, s25  }
0x5d: {  	p1 =	sgt.s32 s0, $0xEF;
	s29 =	ssub.s32 $0x3C0, s26;
	_ =	swait.ge [sflag:s10], s2  }
0x5e: {  	s2 =	ssub.s32 $0x0, s2;
	[sflag:s10] =	ssyncset.done $0x0;
	s0 =	sshrl.u32 s29, $0x2  }
0x5f: {  	[sflag:s10] =	ssyncadd.s32 s2;
	s0 =	simm.s32 @p1 $0x0  }
0x60: {  	_ =	swait.ge [sflag:s11], s0  }
0x61: {  	s0 =	ssub.s32 $0x0, s0;
	[sflag:s11] =	ssyncset.done $0x0  }
0x62: {  	[sflag:s11] =	ssyncadd.s32 s0  }
0x63: {  	v1 =	vld [tilespmem:$0xF208];
	_ =	sdelay $0x4  }
0x64: {  	(v2sf) =	vpush v1, $0x0  }
0x65: {  	(v2sf) =	vpush v1, $0x1  }
0x66: {  	(v2sf) =	vpush v1, $0x2;
	_ =	sdelay $0x3  }
0x67: {  	s0 =	sadd.s32 $0xF0, s22  }
0x68: {  	s2 =	ssub.s32 $0x10000, s22;
	p1 =	slt.s32 s8, s0  }
0x69: {  	s0 =	smov.u32 @p1 s8;
	p1 =	sgt.s32 s2, $0x0  }
0x6a: {  	s26 =	ssub.s32 s0, s22;
	s2 =	simm.s32 @!p1 $0x0  }
0x6b: {  	p1 =	slt.s32 s2, s26  }
0x6c: {  	s26 =	smov.u32 @p1 s2  }
0x6d: {  	s25 =	simm.s32 $0x1;
	p1 =	slt.s32 s26, $0x1  }
.Ltmp4:
0x6e: {  	s25 =	simm.s32 @!p0 $0x0;
	(pc) =	sbr.rel @p1 .LBB2_8-.Ltmp4, $4  }
0x6f: {  	s31 =	smul.u32 $0x3C0, s25  }
0x70: {  	s28 =	spop (v2sf)  }
0x71: {  	s0 =	sshrl.u32 s31, $0x2;
	s30 =	spop (v2sf)  }
0x72: {  	s23 =	sadd.s32 $0x10518, s0;
	s22 =	spop (v2sf)  }
0x73: {  	s0 =	smin.u32 s26, $0x10  }
0x74: {  	v1 =	vmov s0  }
0x75: {  	p2 =	sgt.s32 s26, $0x10;
	vm1 =	vgt.u32 v1, v0  }
.Ltmp5:
0x76: {  	_ = 	snop;
	(pc) =	sbr.rel @!p2 .LBB2_7-.Ltmp5, $2  }
0x77: {  	_ =	sdelay $0x2  }
0x78: {  	s4 =	simm.s32 $0x10;
	s24 =	sadd.s32 $0xFFFFFFF0, s26;
	s0 =	smov.u32 s23;
	vm0 =	vmmov vm1  }
.LBB2_6:
0x79: {  	s2 =	smin.u32 s24, $0x10;
	s4 =	sadd.s32 $0x10, s4;
	v1 =	vld.msk [tilespmem:s0+$0x0 ss:$0x1], vm1  }
0x7a: {  	v2 =	vmov s2;
	p2 =	slt.s32 s4, s26  }
0x7b: {  	vm1 =	vgt.u32 v2, v0  }
.Ltmp6:
0x7c: {  	(pc) =	sbr.rel @p2 .LBB2_6-.Ltmp6, $3  }
0x7d: {  	_ =	sdelay $0x1  }
0x7e: {  	v1 =	vshll.u32 v1, $0x4  }
0x7f: {  	s24 =	sadd.s32 $0xFFFFFFF0, s24;
	[tilespmem:s0+$0x0] =	vst.msk vm0, v1;
	s0 =	sadd.s32 $0x10, s0;
	vm0 =	vmmov vm1  }
.LBB2_7:
0x80: {  	_ =	sdelay $0x4  }
0x81: {  	v1 =	vld.msk [tilespmem:s0+$0x0 ss:$0x1], vm1;
	_ =	sdelay $0x4  }
0x82: {  	v1 =	vshll.u32 v1, $0x4  }
0x83: {  	[tilespmem:s0+$0x0] =	vst.msk vm0, v1  }
.LBB2_8:
0x84: {  	s0 =	sand.u32 $0x1, s21  }
0x85: {  	s2 =	smul.u32 $0x7800, s0  }
0x86: {  	p2 =	sne.s32 s30, $0xFFFFFFFF  }
0x87: {  	v1 =	vld @!p2 [tilespmem:s2+$0x106F8];
	_ =	sdelay $0x2  }
0x88: {  	s0 =	smul.u32 $0xF0, s0;
	_ =	sdelay $0x1  }
0x89: {  	v2 =	vld.msk @!p2 [tilespmem:s0+$0x10518], $0x1;
	[tilespmem:$0x108] =	vst @!p2 v1  }
0x8a: {  	v1 =	vld @!p2 [tilespmem:s2+$0x10708];
	_ =	sdelay $0x4  }
0x8b: {  	[tilespmem:$0x118] =	vst @!p2 v1  }
0x8c: {  	v1 =	vld @!p2 [tilespmem:s2+$0x10718];
	_ =	sdelay $0x4  }
0x8d: {  	[tilespmem:$0x128] =	vst @!p2 v1  }
0x8e: {  	v1 =	vld @!p2 [tilespmem:s2+$0x10728];
	_ =	sdelay $0x4  }
0x8f: {  	[tilespmem:$0x138] =	vst @!p2 v1  }
0x90: {  	v1 =	vld @!p2 [tilespmem:s2+$0x10738];
	_ =	sdelay $0x4  }
0x91: {  	[tilespmem:$0x148] =	vst @!p2 v1  }
0x92: {  	(v2sf) =	vpush @!p2 v2, $0x0;
	v1 =	vld @!p2 [tilespmem:s2+$0x10748];
	_ =	sdelay $0x4  }
0x93: {  	[tilespmem:$0x158] =	vst @!p2 v1  }
0x94: {  	v1 =	vld @!p2 [tilespmem:s2+$0x10758];
	_ =	sdelay $0x4  }
0x95: {  	[tilespmem:$0x168] =	vst @!p2 v1  }
0x96: {  	v1 =	vld @!p2 [tilespmem:s2+$0x10768]  }
.Ltmp7:
0x97: {  	_ = 	snop;
	(pc) =	sbr.rel @p1 .LBB2_19-.Ltmp7, $4  }
0x98: {  	_ = 	snop  }
0x99: {  	s29 =	spop @!p2 (v2sf)  }
0x9a: {  	s22 =	simm.s32 @!p2 $0x0;
	s24 =	smov.u32 s29  }
0x9b: {  	s29 =	smov.u32 @p2 s28;
	s24 =	smov.u32 @p2 s30;
	[tilespmem:$0x178] =	vst @!p2 v1;
	[sflag:s18] =	ssyncpa.u1 $0x0  }
0x9c: {  	v1 =	vld.msk [tilespmem:s23+$0x0], $0x1;
	_ =	sdelay $0x4  }
0x9d: {  	(v2sf) =	vpush v1, $0x0;
	_ =	sdelay $0xe  }
0x9e: {  	s2 =	smul.u32 $0x1E000, s25;
	s0 =	spop (v2sf)  }
0x9f: {  	s26 =	ssub.s32 $0x0, s26;
	p1 =	seq.s32 s29, s0  }
0xa0: {  	s30 =	sadd.s32 $0x1, s26;
	s2 =	sshrl.u32 s2, $0x2;
	p2 =	sgt.s32 @!p1 s29, $0x0  }
0xa1: {  	s25 =	sor.u32 $0x10738, s2;
	s2 =	smov.u32 s29;
	p2 =	por !p2, p1  }
0xa2: {  	s2 =	simm.s32 @p2 $0x0;
	p2 =	seq.s32 s30, $0x0  }
.Ltmp8:
0xa3: {  	_ = 	snop;
	(pc) =	sbr.rel @p2 .LBB2_11-.Ltmp8, $4  }
0xa4: {  	_ = 	snop  }
0xa5: {  	s28 =	simm.s32 $0x0;
	s31 =	sadd.s32 $0x1, s23;
	s2 =	smin.u32 @!p1 s2, $0xFFF0  }
0xa6: {  	s4 =	simm.s32 @!p1 $0x1;
	s5 =	simm.s32 @!p1 $0x7988;
	s3 =	sand.u32 @!p1 $0xFFF8, s2  }
0xa7: {  	s4 =	smov.u32 @p1 s28;
	s2 =	sand.u32 @!p1 $0x7, s2;
	s3 =	sadd.s32 @!p1 s1, s3  }
.LBB2_10:
0xa8: {  	s9 =	smov.u32 s4  }
0xa9: {  	[tilespmem:s5], [sflag:$0x2] =	stream.linear.gather @!p1 [hbm4b:s3+s2], $0x80, $0x38;
	[tilespmem:$0x1F6F8] =	vst v63  }
0xaa: {  	s30 =	sadd.s32 $0x1, s30;
	s2 =	smov.u32 s0;
	v1 =	vld.msk [tilespmem:s31+$0x0], $0x1  }
0xab: {  	p2 =	seq.s32 s30, $0x0;
	_ =	sdelay $0x3  }
0xac: {  	(v2sf) =	vpush v1, $0x0;
	_ =	sdelay $0xe  }
0xad: {  	s0 =	spop (v2sf)  }
0xae: {  	p1 =	seq.s32 s2, s0  }
0xaf: {  	p3 =	sgt.s32 @!p1 s2, $0x0;
	s3 =	sshll.u32 @!p1 s4, $0x9;
	s4 =	sadd.s32 @!p1 $0x1, s4  }
.Ltmp9:
0xb0: {  	p3 =	por !p3, p1;
	s3 =	sshra.s32 @!p1 s3, $0x2;
	(pc) =	sbr.rel @!p2 .LBB2_10-.Ltmp9, $4  }
0xb1: {  	s4 =	smov.u32 @p1 s9;
	s2 =	simm.s32 @p3 $0x0;
	s5 =	sadd.s32 @!p1 $0x7988, s3  }
0xb2: {  	s2 =	smin.u32 @!p1 s2, $0xFFF0  }
0xb3: {  	s3 =	sand.u32 @!p1 $0xFFF8, s2;
	s2 =	sand.u32 @!p1 $0x7, s2  }
0xb4: {  	s31 =	sadd.s32 $0x1, s31;
	s3 =	sadd.s32 @!p1 s1, s3  }
.LBB2_11:
0xb5: {  	[tilespmem:s5], [sflag:$0x2] =	stream.linear.gather @!p1 [hbm4b:s3+s2], $0x80, $0x38;
	[tilespmem:$0x1F6F8] =	vst v63  }
.Ltmp10:
0xb6: {  	s0 =	sshll.u32 s4, $0x7;
	(pc) =	sbr.rel .LBB2_12-.Ltmp10, $4  }
0xb7: {  	s30 =	simm.s32 $0x2;
	s0 =	sand.u32 $0x3FFFFF80, s0  }
0xb8: {  	_ =	swait.ge [sflag:s30], s0  }
0xb9: {  	s0 =	ssub.s32 $0x0, s0;
	[sflag:s30] =	ssyncset.done $0x0  }
0xba: {  	s31 =	simm.s32 $0x0;
	[sflag:s30] =	ssyncadd.s32 s0  }
.LBB2_13:
0xbb: {  	s0 =	sshra.s32 s0, $0x2;
	v1 =	vld [tilespmem:s25+$0xFFFFFFC0]  }
0xbc: {  	v2 =	vld [tilespmem:s0+$0x108];
	_ =	sdelay $0x4  }
0xbd: {  	v1 =	vmax.f32 v1, v2  }
0xbe: {  	v2 =	vld [tilespmem:s0+$0x118];
	[tilespmem:s0+$0x108] =	vst v1  }
0xbf: {  	v1 =	vld [tilespmem:s25+$0xFFFFFFD0];
	_ =	sdelay $0x4  }
0xc0: {  	v1 =	vmax.f32 v1, v2  }
0xc1: {  	v2 =	vld [tilespmem:s0+$0x128];
	[tilespmem:s0+$0x118] =	vst v1  }
0xc2: {  	v1 =	vld [tilespmem:s25+$0xFFFFFFE0];
	_ =	sdelay $0x4  }
0xc3: {  	v1 =	vmax.f32 v1, v2  }
0xc4: {  	v2 =	vld [tilespmem:s0+$0x138];
	[tilespmem:s0+$0x128] =	vst v1  }
0xc5: {  	v1 =	vld [tilespmem:s25+$0xFFFFFFF0];
	_ =	sdelay $0x4  }
0xc6: {  	v1 =	vmax.f32 v1, v2  }
0xc7: {  	v2 =	vld [tilespmem:s0+$0x148];
	[tilespmem:s0+$0x138] =	vst v1  }
0xc8: {  	v1 =	vld [tilespmem:s25+$0x0];
	_ =	sdelay $0x4  }
0xc9: {  	v1 =	vmax.f32 v1, v2  }
0xca: {  	v2 =	vld [tilespmem:s0+$0x158];
	[tilespmem:s0+$0x148] =	vst v1  }
0xcb: {  	v1 =	vld [tilespmem:s25+$0x10];
	_ =	sdelay $0x4  }
0xcc: {  	v1 =	vmax.f32 v1, v2  }
0xcd: {  	v2 =	vld [tilespmem:s0+$0x168];
	[tilespmem:s0+$0x158] =	vst v1  }
0xce: {  	v1 =	vld [tilespmem:s25+$0x20];
	_ =	sdelay $0x4  }
0xcf: {  	v1 =	vmax.f32 v1, v2  }
0xd0: {  	v2 =	vld [tilespmem:s0+$0x178];
	[tilespmem:s0+$0x168] =	vst v1  }
0xd1: {  	v1 =	vld [tilespmem:s25+$0x30];
	_ =	sdelay $0x4  }
0xd2: {  	v1 =	vmax.f32 v1, v2  }
0xd3: {  	[tilespmem:s0+$0x178] =	vst v1  }
.LBB2_17:
0xd4: {  	s26 =	sadd.s32 $0x1, s26  }
0xd5: {  	p1 =	seq.s32 s26, $0x0  }
.Ltmp11:
0xd6: {  	_ = 	snop;
	(pc) =	sbr.rel @p1 .LBB2_18-.Ltmp11, $2  }
0xd7: {  	_ =	sdelay $0x2  }
0xd8: {  	s23 =	sadd.s32 $0x1, s23;
	s25 =	sadd.s32 $0x80, s25;
	s29 =	smov.u32 s30  }
.LBB2_12:
0xd9: {  	v1 =	vld.msk [tilespmem:s23+$0x0], $0x1;
	_ =	sdelay $0x4  }
0xda: {  	(v2sf) =	vpush v1, $0x0;
	_ =	sdelay $0xe  }
0xdb: {  	s30 =	spop (v2sf)  }
0xdc: {  	p1 =	sne.s32 s29, s30  }
.Ltmp12:
0xdd: {  	_ = 	snop;
	(pc) =	sbr.rel @!p1 .LBB2_13-.Ltmp12, $2  }
0xde: {  	_ =	sdelay $0x2  }
0xdf: {  	s0 =	sshll.u32 s22, $0x9  }
0xe0: {  	p1 =	seq.s32 s29, s24  }
.Ltmp13:
0xe1: {  	_ = 	snop;
	(pc) =	sbr.rel @!p1 .LBB2_15-.Ltmp13, $1  }
0xe2: {  	_ =	sdelay $0x3  }
0xe3: {  	s0 =	sshra.s32 s0, $0x2  }
.Ltmp14:
0xe4: {  	s0 =	sadd.s32 $0x108, s0;
	(pc) =	sbr.rel .LBB2_16-.Ltmp14, $4  }
0xe5: {  	[spmem:s16] =	stream.linear.scatter [tilespmem:s0], [sflag:$0x1], $0x80, $0x38;
	[tilespmem:$0x1F6F8] =	vst v63  }
0xe6: {  	_ =	swait.ge [sflag:s12], $0x80  }
0xe7: {  	[sflag:s12] =	ssyncset.done $0x0  }
0xe8: {  	[sflag:s12] =	ssyncadd.s32 $0xFFFFFF80  }
.LBB2_15:
0xe9: {  	s2 =	sshll.u32 s28, $0x9;
	s0 =	sshra.s32 s0, $0x2  }
0xea: {  	s2 =	sshra.s32 s2, $0x2;
	v2 =	vld [tilespmem:s0+$0x108]  }
0xeb: {  	v1 =	vld [tilespmem:s2+$0x7988];
	_ =	sdelay $0x4  }
0xec: {  	v1 =	vmax.f32 v1, v2  }
0xed: {  	v2 =	vld [tilespmem:s0+$0x118];
	[tilespmem:s0+$0x108] =	vst v1  }
0xee: {  	v1 =	vld [tilespmem:s2+$0x7998];
	_ =	sdelay $0x4  }
0xef: {  	v1 =	vmax.f32 v1, v2  }
0xf0: {  	v2 =	vld [tilespmem:s0+$0x128];
	[tilespmem:s0+$0x118] =	vst v1  }
0xf1: {  	v1 =	vld [tilespmem:s2+$0x79A8];
	_ =	sdelay $0x4  }
0xf2: {  	v1 =	vmax.f32 v1, v2  }
0xf3: {  	v2 =	vld [tilespmem:s0+$0x138];
	[tilespmem:s0+$0x128] =	vst v1  }
0xf4: {  	v1 =	vld [tilespmem:s2+$0x79B8];
	_ =	sdelay $0x4  }
0xf5: {  	v1 =	vmax.f32 v1, v2  }
0xf6: {  	v2 =	vld [tilespmem:s0+$0x148];
	[tilespmem:s0+$0x138] =	vst v1  }
0xf7: {  	v1 =	vld [tilespmem:s2+$0x79C8];
	_ =	sdelay $0x4  }
0xf8: {  	v1 =	vmax.f32 v1, v2  }
0xf9: {  	v2 =	vld [tilespmem:s0+$0x158];
	[tilespmem:s0+$0x148] =	vst v1  }
0xfa: {  	v1 =	vld [tilespmem:s2+$0x79D8];
	_ =	sdelay $0x4  }
0xfb: {  	v1 =	vmax.f32 v1, v2  }
0xfc: {  	v2 =	vld [tilespmem:s0+$0x168];
	[tilespmem:s0+$0x158] =	vst v1  }
0xfd: {  	v1 =	vld [tilespmem:s2+$0x79E8];
	_ =	sdelay $0x4  }
0xfe: {  	v1 =	vmax.f32 v1, v2  }
0xff: {  	v2 =	vld [tilespmem:s0+$0x178];
	[tilespmem:s0+$0x168] =	vst v1  }
0x100: {  	v1 =	vld [tilespmem:s2+$0x79F8];
	_ =	sdelay $0x3  }
0x101: {  	p1 =	sgt.u32 s29, $0xFFF0  }
0x102: {  	s2 =	sand.u32 @!p1 $0xFFF8, s29;
	v1 =	vmax.f32 v1, v2  }
0x103: {  	s3 =	sadd.s32 $0x108, s0;
	[tilespmem:s0+$0x178] =	vst v1;
	s0 =	sadd.s32 @!p1 s1, s2;
	s2 =	sand.u32 @!p1 $0x7, s29  }
0x104: {  	[hbm4b:s0+s2] =	stream.linear.scatter @!p1 [tilespmem:s3], [sflag:$0xC], $0x80, $0x38;
	[tilespmem:$0x1F6F8] =	vst v63  }
0x105: {  	s0 =	simm.s32 $0x0  }
0x106: {  	s0 =	simm.s32 @!p1 $0x200  }
0x107: {  	s31 =	sadd.s32 s0, s31  }
.LBB2_16:
0x108: {  	s0 =	sadd.s32 $0x1, s22  }
0x109: {  	s2 =	smulhi.u32 $0x88888889, s0;
	_ =	sdelay $0x1  }
0x10a: {  	v1 =	vld [tilespmem:s25+$0xFFFFFFC0];
	s2 =	sshrl.u32 s2, $0x7  }
0x10b: {  	s2 =	smul.u32 $0xF0, s2;
	_ =	sdelay $0x1  }
0x10c: {  	s22 =	ssub.s32 s0, s2  }
0x10d: {  	s0 =	sshll.u32 s22, $0x7  }
0x10e: {  	[tilespmem:s0+$0x108] =	vst v1  }
0x10f: {  	v1 =	vld [tilespmem:s25+$0xFFFFFFD0];
	_ =	sdelay $0x4  }
0x110: {  	[tilespmem:s0+$0x118] =	vst v1  }
0x111: {  	v1 =	vld [tilespmem:s25+$0xFFFFFFE0];
	_ =	sdelay $0x4  }
0x112: {  	[tilespmem:s0+$0x128] =	vst v1  }
0x113: {  	v1 =	vld [tilespmem:s25+$0xFFFFFFF0];
	_ =	sdelay $0x4  }
0x114: {  	[tilespmem:s0+$0x138] =	vst v1  }
0x115: {  	v1 =	vld [tilespmem:s25+$0x0];
	_ =	sdelay $0x4  }
0x116: {  	[tilespmem:s0+$0x148] =	vst v1  }
0x117: {  	v1 =	vld [tilespmem:s25+$0x10];
	_ =	sdelay $0x4  }
0x118: {  	[tilespmem:s0+$0x158] =	vst v1  }
0x119: {  	v1 =	vld [tilespmem:s25+$0x20];
	_ =	sdelay $0x4  }
0x11a: {  	[tilespmem:s0+$0x168] =	vst v1  }
0x11b: {  	v1 =	vld [tilespmem:s25+$0x30]  }
.Ltmp15:
0x11c: {  	_ = 	snop;
	(pc) =	sbr.rel .LBB2_17-.Ltmp15, $2  }
0x11d: {  	_ =	sdelay $0x2  }
0x11e: {  	s28 =	sadd.s32 $0x1, s28;
	[tilespmem:s0+$0x178] =	vst v1  }
.LBB2_19:
.Ltmp16:
0x11f: {  	(pc) =	sbr.rel .LBB2_20-.Ltmp16, $4  }
0x120: {  	_ = 	snop  }
0x121: {  	s0 =	simm.s32 $0x2  }
0x122: {  	_ =	swait.ge [sflag:s0], $0x0  }
0x123: {  	s30 =	smov.u32 s29;
	[sflag:s0] =	ssyncset.done $0x0;
	s0 =	simm.s32 $0x0  }
.LBB2_22:
0x124: {  	_ =	sfence.sel $0x180000  }
0x125: {  	s0 =	simm.s32 $0x9;
	[bflag:$0x0] =	sbarrier.arrive $0xFFFF  }
0x126: {  	s24 =	simm.s32 $0xA;
	[sflag:s0] =	ssyncpa.u1 $0x1  }
0x127: {  	s25 =	simm.s32 $0xB;
	[sflag:s24] =	ssyncpa.u1 $0x1  }
0x128: {  	s26 =	simm.s32 $0x2;
	[sflag:s25] =	ssyncpa.u1 $0x1  }
0x129: {  	[sflag:s26] =	ssyncpa.u1 $0x1  }
0x12a: {  	v0 =	vld [tilespmem:$0xF208];
	_ =	sdelay $0x4  }
0x12b: {  	(v2sf) =	vpush v0, $0x0  }
0x12c: {  	(v2sf) =	vpush v0, $0x1;
	_ =	sdelay $0x1  }
0x12d: {  	(v2sf) =	vpush v0, $0x2;
	_ =	sdelay $0xb  }
0x12e: {  	s0 =	spop (v2sf)  }
0x12f: {  	s2 =	spop (v2sf)  }
0x130: {  	s3 =	smov.u32 s0;
	p0 =	sne.s32 s0, s2  }
0x131: {  	s4 =	spop (v2sf);
	s3 =	simm.s32 @!p0 $0xFFFFFFFF  }
0x132: {  	v2 =	vimm.s32 $0x1;
	v3 =	vlaneseq.u32;
	p0 =	seq.s32 s4, $0xFFFFFFFF;
	v1 =	vmov s3  }
0x133: {  	s16 =	stileid.u32;
	v0 =	vperm.xlane v0, v2;
	p1 =	sne.s32 @!p0 s0, s2;
	v1 =	vperm.xlane v1, v3  }
0x134: {  	vm0 =	vcmask $0x3F04;
	s6 =	simm.s32 $0xF208;
	s0 =	simm.s32 @!p0 $0x1;
	p1 =	por !p1, p0  }
0x135: {  	s3 =	sshll.u32 s16, $0x1;
	s2 =	sshll.u32 @!p0 s4, $0x9;
	s0 =	simm.s32 @p1 $0x0;
	v0 =	vsel vm0, v1, v0  }
0x136: {  	s5 =	sor.u32 $0x1000, s3;
	s2 =	sshra.s32 @!p0 s2, $0x2;
	s0 =	sor.u32 @!p0 s0, s3;
	[tilespmem:$0xF208] =	vst v0  }
0x137: {  	[spmem:s5] =	stream.linear.scatter [tilespmem:s6], [sflag:$0x1], $0x2, $0x38;
	[tilespmem:$0x1F6F8] =	vst v63  }
0x138: {  	s2 =	sadd.s32 @!p0 $0x108, s2;
	s0 =	sshll.u32 @!p0 s0, $0x7  }
0x139: {  	[spmem:s0] =	stream.linear.scatter @!p0 [tilespmem:s2], [sflag:$0x1], $0x80, $0x38;
	[tilespmem:$0x1F6F8] =	vst v63  }
0x13a: {  	s0 =	simm.s32 @!p0 $0x82  }
0x13b: {  	s28 =	simm.s32 $0x1;
	s0 =	simm.s32 @p0 $0x2  }
0x13c: {  	_ =	swait.ge [sflag:s28], s0  }
0x13d: {  	s0 =	ssub.s32 $0x0, s0;
	[sflag:s28] =	ssyncset.done $0x0  }
0x13e: {  	p0 =	sne.s32 s16, $0x0;
	[sflag:s28] =	ssyncadd.s32 s0  }
.Ltmp17:
0x13f: {  	_ =	sfence.stream.spmem;
	(pc) =	sbr.rel @p0 .LBB2_39-.Ltmp17, $4  }
0x140: {  	s29 =	simm.s32 $0x3;
	[bflag:$0x0] =	sbarrier.arrive $0xFFFF  }
0x141: {  	s30 =	simm.s32 $0x4;
	[sflag:s29] =	ssyncpa.u1 $0x1  }
0x142: {  	s31 =	simm.s32 $0x3C;
	[sflag:s30] =	ssyncpa.u1 $0x1  }
0x143: {  	s15 =	rddreg [dreg:$0x4];
	[sflag:s31] =	ssyncpa.u1 $0x1  }
0x144: {  	_ =	sfence.stream.spmem;
	s0 =	simm.s32 $0x5  }
0x145: {  	s2 =	simm.s32 $0x1000;
	s3 =	simm.s32 $0xF218;
	[sflag:s0] =	ssyncpa.u1 $0x0  }
0x146: {  	[tilespmem:s3], [sflag:$0x5] =	stream.linear.gather [spmem:s2], $0x20, $0x38;
	[tilespmem:$0x1F6F8] =	vst v63  }
0x147: {  	s26 =	simm.s32 $0x0;
	s28 =	simm.s32 $0xF238  }
0x148: {  	[tilespmem:s28], [sflag:$0x5] =	stream.linear.gather [spmem:s26], $0x1000, $0x38;
	[tilespmem:$0x1F6F8] =	vst v63  }
0x149: {  	_ =	swait.ge [sflag:s0], $0x1020  }
0x14a: {  	[sflag:s0] =	ssyncset.done $0x0  }
0x14b: {  	s29 =	simm.s32 $0x0;
	[sflag:s0] =	ssyncadd.s32 $0xFFFFEFE0  }
0x14c: {  	v0 =	vld.msk [tilespmem:s29+$0xF218], $0x1;
	_ =	sdelay $0x1  }
0x14d: {  	s30 =	simm.s32 $0x1  }
0x14e: {  	v1 =	vld.msk [tilespmem:s30+$0xF218], $0x1;
	_ =	sdelay $0x1  }
0x14f: {  	(v2sf) =	vpush v0, $0x0;
	_ =	sdelay $0x2  }
0x150: {  	(v2sf) =	vpush v1, $0x0;
	_ =	sdelay $0x2  }
0x151: {  	s31 =	simm.s32 $0x2  }
0x152: {  	v0 =	vld.msk [tilespmem:s31+$0xF218], $0x1;
	_ =	sdelay $0x2  }
0x153: {  	s4 =	simm.s32 $0xFFFFFFFF;
	s5 =	simm.s32 $0xFFFFFFFF;
	s0 =	simm.s32 $0xC  }
.LBB2_24:
0x154: {  	s2 =	smov.u32 s5;
	s3 =	smov.u32 s4  }
0x155: {  	s4 =	sshra.s32 s0, $0x2;
	p1 =	sne.s32 s0, $0x7C;
	s0 =	sadd.s32 $0x4, s0;
	(v2sf) =	vpush v0, $0x0  }
0x156: {  	v0 =	vld.msk [tilespmem:s4+$0xF218], $0x1  }
.Ltmp18:
0x157: {  	(pc) =	sbr.rel @p1 .LBB2_24-.Ltmp18, $4  }
0x158: {  	s5 =	spop (v2sf)  }
0x159: {  	p2 =	sne.s32 s3, $0xFFFFFFFF;
	s4 =	smov.u32 s5  }
0x15a: {  	p3 =	seq.s32 s5, $0xFFFFFFFF;
	s4 =	smov.u32 @p2 s3  }
0x15b: {  	s5 =	smov.u32 @p3 s2;
	s4 =	smov.u32 @p3 s3  }
0x15c: {  	(v2sf) =	vpush v0, $0x0;
	_ =	sdelay $0x8  }
0x15d: {  	s0 =	spop (v2sf)  }
0x15e: {  	p1 =	sne.s32 s4, $0xFFFFFFFF;
	s2 =	smov.u32 s0  }
0x15f: {  	s9 =	simm.s32 $0x6;
	p2 =	seq.s32 s0, $0xFFFFFFFF;
	s2 =	smov.u32 @p1 s4  }
0x160: {  	s6 =	simm.s32 $0x0;
	s2 =	smov.u32 @p2 s4;
	s3 =	spop (v2sf)  }
0x161: {  	s0 =	smov.u32 @p2 s5;
	p1 =	sne.s32 s2, $0xFFFFFFFF;
	s4 =	smov.u32 s3  }
.Ltmp19:
0x162: {  	p2 =	seq.s32 s3, $0xFFFFFFFF;
	s4 =	smov.u32 @p1 s2;
	(pc) =	sbr.rel .LBB2_26-.Ltmp19, $4  }
0x163: {  	s10 =	simm.s32 $0xF188;
	s4 =	smov.u32 @p2 s2;
	s7 =	spop (v2sf)  }
0x164: {  	s11 =	simm.s32 $0x0;
	p1 =	sne.s32 s4, $0xFFFFFFFF;
	s8 =	smov.u32 s7  }
0x165: {  	s3 =	smov.u32 @p2 s0;
	p2 =	seq.s32 s7, $0xFFFFFFFF;
	s8 =	smov.u32 @p1 s4  }
0x166: {  	[sflag:s9] =	ssyncpa.u1 $0x0;
	s7 =	smov.u32 @p2 s3;
	s8 =	smov.u32 @p2 s4  }
.LBB2_32:
0x167: {  	p1 =	sgt.u32 s12, $0xFFF0  }
0x168: {  	p2 =	seq.s32 @!p1 s12, s8  }
0x169: {  	p1 =	por p1, p2  }
0x16a: {  	p2 =	sne.s32 @!p1 s12, s7  }
0x16b: {  	p1 =	por p1, !p2  }
0x16c: {  	s0 =	sshll.u32 @p1 s11, $0x9  }
0x16d: {  	s0 =	sand.u32 @!p1 $0xFFF8, s12  }
0x16e: {  	s2 =	sand.u32 @!p1 $0x7, s12;
	s0 =	sadd.s32 @!p1 s1, s0  }
0x16f: {  	[tilespmem:s10], [sflag:$0x6] =	stream.linear.gather @!p1 [hbm4b:s0+s2], $0x80, $0x38;
	[tilespmem:$0x1F6F8] =	vst v63  }
0x170: {  	_ =	swait.ge @!p1 [sflag:s9], $0x80  }
0x171: {  	[sflag:s9] =	ssyncset.done @!p1 $0x0  }
0x172: {  	s0 =	sshll.u32 @!p1 s11, $0x9;
	[sflag:s9] =	ssyncadd.s32 @!p1 $0xFFFFFF80  }
0x173: {  	s2 =	sshrl.u32 @!p1 s0, $0x2;
	v1 =	vld @!p1 [tilespmem:$0xF188]  }
0x174: {  	v2 =	vld @!p1 [tilespmem:s2+$0xF238];
	_ =	sdelay $0x4  }
0x175: {  	v1 =	vmax.f32 @!p1 v1, v2  }
0x176: {  	v2 =	vld @!p1 [tilespmem:s2+$0xF248];
	[tilespmem:s2+$0xF238] =	vst @!p1 v1  }
0x177: {  	v1 =	vld @!p1 [tilespmem:$0xF198];
	_ =	sdelay $0x4  }
0x178: {  	v1 =	vmax.f32 @!p1 v1, v2  }
0x179: {  	v2 =	vld @!p1 [tilespmem:s2+$0xF258];
	[tilespmem:s2+$0xF248] =	vst @!p1 v1  }
0x17a: {  	v1 =	vld @!p1 [tilespmem:$0xF1A8];
	_ =	sdelay $0x4  }
0x17b: {  	v1 =	vmax.f32 @!p1 v1, v2  }
0x17c: {  	v2 =	vld @!p1 [tilespmem:s2+$0xF268];
	[tilespmem:s2+$0xF258] =	vst @!p1 v1  }
0x17d: {  	v1 =	vld @!p1 [tilespmem:$0xF1B8];
	_ =	sdelay $0x4  }
0x17e: {  	v1 =	vmax.f32 @!p1 v1, v2  }
0x17f: {  	v2 =	vld @!p1 [tilespmem:s2+$0xF278];
	[tilespmem:s2+$0xF268] =	vst @!p1 v1  }
0x180: {  	v1 =	vld @!p1 [tilespmem:$0xF1C8];
	_ =	sdelay $0x4  }
0x181: {  	v1 =	vmax.f32 @!p1 v1, v2  }
0x182: {  	v2 =	vld @!p1 [tilespmem:s2+$0xF288];
	[tilespmem:s2+$0xF278] =	vst @!p1 v1  }
0x183: {  	v1 =	vld @!p1 [tilespmem:$0xF1D8];
	_ =	sdelay $0x4  }
0x184: {  	v1 =	vmax.f32 @!p1 v1, v2  }
0x185: {  	v2 =	vld @!p1 [tilespmem:s2+$0xF298];
	[tilespmem:s2+$0xF288] =	vst @!p1 v1  }
0x186: {  	v1 =	vld @!p1 [tilespmem:$0xF1E8];
	_ =	sdelay $0x4  }
0x187: {  	v1 =	vmax.f32 @!p1 v1, v2  }
0x188: {  	v2 =	vld @!p1 [tilespmem:s2+$0xF2A8];
	[tilespmem:s2+$0xF298] =	vst @!p1 v1  }
0x189: {  	v1 =	vld @!p1 [tilespmem:$0xF1F8];
	_ =	sdelay $0x4  }
0x18a: {  	v1 =	vmax.f32 @!p1 v1, v2  }
0x18b: {  	[tilespmem:s2+$0xF2A8] =	vst @!p1 v1  }
0x18c: {  	s0 =	sshrl.u32 s0, $0x2;
	[tilespmem:s6+$0xF218] =	vst.msk $0x1, v0  }
0x18d: {  	v0 =	vld [tilespmem:s0+$0xF238];
	_ =	sdelay $0x2  }
0x18e: {  	s31 =	sshll.u32 s6, $0x9  }
0x18f: {  	s2 =	sshra.s32 s31, $0x2  }
0x190: {  	[tilespmem:s2+$0xF238] =	vst v0  }
0x191: {  	v0 =	vld [tilespmem:s0+$0xF248];
	_ =	sdelay $0x4  }
0x192: {  	[tilespmem:s2+$0xF248] =	vst v0  }
0x193: {  	v0 =	vld [tilespmem:s0+$0xF258];
	_ =	sdelay $0x4  }
0x194: {  	[tilespmem:s2+$0xF258] =	vst v0  }
0x195: {  	v0 =	vld [tilespmem:s0+$0xF268];
	_ =	sdelay $0x4  }
0x196: {  	[tilespmem:s2+$0xF268] =	vst v0  }
0x197: {  	v0 =	vld [tilespmem:s0+$0xF278];
	_ =	sdelay $0x4  }
0x198: {  	[tilespmem:s2+$0xF278] =	vst v0  }
0x199: {  	v0 =	vld [tilespmem:s0+$0xF288];
	_ =	sdelay $0x4  }
0x19a: {  	[tilespmem:s2+$0xF288] =	vst v0  }
0x19b: {  	v0 =	vld [tilespmem:s0+$0xF298];
	_ =	sdelay $0x4  }
0x19c: {  	[tilespmem:s2+$0xF298] =	vst v0  }
0x19d: {  	v0 =	vld [tilespmem:s0+$0xF2A8];
	_ =	sdelay $0x4  }
0x19e: {  	s6 =	sadd.s32 $0x1, s6;
	[tilespmem:s2+$0xF2A8] =	vst v0  }
.LBB2_33:
0x19f: {  	s11 =	sadd.s32 $0x1, s11  }
0x1a0: {  	p1 =	sne.s32 s11, $0x20  }
.Ltmp20:
0x1a1: {  	_ = 	snop;
	(pc) =	sbr.rel @!p1 .LBB2_34-.Ltmp20, $1  }
0x1a2: {  	_ =	sdelay $0x3  }
.LBB2_26:
0x1a3: {  	v0 =	vld.msk [tilespmem:s11+$0xF218], $0x1;
	_ =	sdelay $0x4  }
0x1a4: {  	(v2sf) =	vpush v0, $0x0;
	_ =	sdelay $0xe  }
0x1a5: {  	s12 =	spop (v2sf)  }
0x1a6: {  	p1 =	seq.s32 s12, $0xFFFFFFFF  }
.Ltmp21:
0x1a7: {  	_ = 	snop;
	(pc) =	sbr.rel @p1 .LBB2_33-.Ltmp21, $1  }
0x1a8: {  	_ =	sdelay $0x3  }
0x1a9: {  	p1 =	slt.s32 s6, $0x1  }
.Ltmp22:
0x1aa: {  	_ = 	snop;
	(pc) =	sbr.rel @p1 .LBB2_32-.Ltmp22, $1  }
0x1ab: {  	_ =	sdelay $0x3  }
0x1ac: {  	s13 =	simm.s32 $0xF218;
	p1 =	por $0x0, $0x0  }
0x1ad: {  	v1 =	vld.msk @!p1 [tilespmem:s13+$0x0], $0x1;
	_ =	sdelay $0x4  }
0x1ae: {  	(v2sf) =	vpush @!p1 v1, $0x0;
	_ =	sdelay $0xd  }
0x1af: {  	p3 =	sne.s32 s6, $0x1  }
.Ltmp23:
0x1b0: {  	s0 =	spop @!p1 (v2sf);
	(pc) =	sbr.rel @!p3 .LBB2_30-.Ltmp23, $4  }
0x1b1: {  	p2 =	seq.s32 @!p1 s12, s0  }
0x1b2: {  	s14 =	simm.s32 $0x0;
	p2 =	por !p2, p1  }
0x1b3: {  	s2 =	simm.s32 $0xFFFFFFFF;
	s14 =	simm.s32 @p2 $0xFFFFFFFF  }
0x1b4: {  	s0 =	simm.s32 $0x1;
	s14 =	smov.u32 @p1 s2  }
.LBB2_29:
0x1b5: {  	s2 =	smov.u32 s14;
	p1 =	sne.s32 s14, $0xFFFFFFFF  }
0x1b6: {  	s13 =	sadd.s32 $0x1, s13;
	s14 =	smov.u32 s0;
	s0 =	sadd.s32 $0x1, s0  }
0x1b7: {  	p2 =	sne.s32 s6, s0;
	v1 =	vld.msk @!p1 [tilespmem:s13+$0x0], $0x1;
	_ =	sdelay $0x4  }
0x1b8: {  	(v2sf) =	vpush @!p1 v1, $0x0;
	_ =	sdelay $0xe  }
.Ltmp24:
0x1b9: {  	s3 =	spop @!p1 (v2sf);
	(pc) =	sbr.rel @p2 .LBB2_29-.Ltmp24, $4  }
0x1ba: {  	p3 =	seq.s32 @!p1 s12, s3  }
0x1bb: {  	p3 =	por !p3, p1  }
0x1bc: {  	s14 =	simm.s32 @p3 $0xFFFFFFFF  }
0x1bd: {  	s14 =	smov.u32 @p1 s2  }
.LBB2_30:
0x1be: {  	p1 =	seq.s32 s14, $0xFFFFFFFF  }
.Ltmp25:
0x1bf: {  	_ = 	snop;
	(pc) =	sbr.rel @p1 .LBB2_32-.Ltmp25, $1  }
0x1c0: {  	_ =	sdelay $0x3  }
0x1c1: {  	s0 =	sshll.u32 s11, $0x7  }
0x1c2: {  	s2 =	sshll.u32 s14, $0x9;
	s0 =	sand.u32 $0x3FFFFF80, s0  }
0x1c3: {  	s2 =	sshra.s32 s2, $0x2;
	v0 =	vld [tilespmem:s0+$0xF238]  }
0x1c4: {  	v1 =	vld [tilespmem:s2+$0xF238];
	_ =	sdelay $0x4  }
0x1c5: {  	v0 =	vmax.f32 v0, v1  }
0x1c6: {  	v57 =	vld [tilespmem:s2+$0xF248];
	[tilespmem:s2+$0xF238] =	vst v0  }
0x1c7: {  	v0 =	vld [tilespmem:s0+$0xF248];
	_ =	sdelay $0x4  }
0x1c8: {  	v0 =	vmax.f32 v0, v57  }
0x1c9: {  	v58 =	vld [tilespmem:s2+$0xF258];
	[tilespmem:s2+$0xF248] =	vst v0  }
0x1ca: {  	v0 =	vld [tilespmem:s0+$0xF258];
	_ =	sdelay $0x4  }
0x1cb: {  	v0 =	vmax.f32 v0, v58  }
0x1cc: {  	v59 =	vld [tilespmem:s2+$0xF268];
	[tilespmem:s2+$0xF258] =	vst v0  }
0x1cd: {  	v0 =	vld [tilespmem:s0+$0xF268];
	_ =	sdelay $0x4  }
0x1ce: {  	v0 =	vmax.f32 v0, v59  }
0x1cf: {  	v60 =	vld [tilespmem:s2+$0xF278];
	[tilespmem:s2+$0xF268] =	vst v0  }
0x1d0: {  	v0 =	vld [tilespmem:s0+$0xF278];
	_ =	sdelay $0x4  }
0x1d1: {  	v0 =	vmax.f32 v0, v60  }
0x1d2: {  	v61 =	vld [tilespmem:s2+$0xF288];
	[tilespmem:s2+$0xF278] =	vst v0  }
0x1d3: {  	v0 =	vld [tilespmem:s0+$0xF288];
	_ =	sdelay $0x4  }
0x1d4: {  	v0 =	vmax.f32 v0, v61  }
0x1d5: {  	v62 =	vld [tilespmem:s2+$0xF298];
	[tilespmem:s2+$0xF288] =	vst v0  }
0x1d6: {  	v0 =	vld [tilespmem:s0+$0xF298];
	_ =	sdelay $0x4  }
0x1d7: {  	v0 =	vmax.f32 v0, v62  }
0x1d8: {  	v63 =	vld [tilespmem:s2+$0xF2A8];
	[tilespmem:s2+$0xF298] =	vst v0  }
0x1d9: {  	v0 =	vld [tilespmem:s0+$0xF2A8];
	_ =	sdelay $0x1  }
.Ltmp26:
0x1da: {  	_ = 	snop;
	(pc) =	sbr.rel .LBB2_33-.Ltmp26, $3  }
0x1db: {  	_ =	sdelay $0x1  }
0x1dc: {  	v0 =	vmax.f32 v0, v63  }
0x1dd: {  	[tilespmem:s2+$0xF2A8] =	vst v0  }
.LBB2_34:
0x1de: {  	s0 =	simm.s32 $0x6;
	p1 =	seq.s32 s6, $0x0  }
0x1df: {  	[sflag:s0] =	ssyncpa.u1 $0x1;
	v0 =	vimm.s32 @p1 $0xFFFFFFFF  }
0x1e0: {  	s9 =	sadd.s32 $0xFFFFFFFF, s6;
	[tilespmem:$0x10238] =	vst @p1 v0  }
0x1e1: {  	v0 =	vld.msk @!p1 [tilespmem:s9+$0xF218], $0x1;
	_ =	sdelay $0x1  }
0x1e2: {  	v1 =	vld.msk @!p1 [tilespmem:$0xF218], $0x1;
	_ =	sdelay $0x2  }
0x1e3: {  	p2 =	seq.s32 @!p1 s9, $0x0;
	v0 =	vbroadcast @!p1 v0, $0x0  }
0x1e4: {  	vm0 =	vmmov @!p1 $0x1;
	p2 =	por !p2, p1  }
0x1e5: {  	v1 =	vnsel @!p1 vm0, $0xFFFFFFFF, v1;
	vm0 =	vcmask @!p1 $0x308;
	v0 =	vpsel !p2, $0xFFFFFFFF, v0  }
0x1e6: {  	p2 =	sne.s32 @!p1 s8, s7;
	v0 =	vsel @!p1 vm0, v1, v0  }
0x1e7: {  	s0 =	simm.s32 @!p1 $0xF238;
	s2 =	simm.s32 @!p1 $0x0;
	p3 =	por !p2, p1;
	[tilespmem:$0x10238] =	vst @!p1 v0  }
0x1e8: {  	[spmem:s2] =	stream.linear.scatter @!p1 [tilespmem:s0], [sflag:$0x1], $0x80, $0x38;
	[tilespmem:$0x1F6F8] =	vst v63  }
0x1e9: {  	s0 =	sshll.u32 @!p3 s9, $0x9  }
0x1ea: {  	s0 =	sshra.s32 @!p3 s0, $0x2  }
0x1eb: {  	s2 =	simm.s32 @!p3 $0x80;
	s0 =	sadd.s32 @!p3 $0xF238, s0  }
0x1ec: {  	[spmem:s2] =	stream.linear.scatter @!p3 [tilespmem:s0], [sflag:$0x1], $0x80, $0x38;
	[tilespmem:$0x1F6F8] =	vst v63  }
0x1ed: {  	s0 =	simm.s32 @!p3 $0x1  }
0x1ee: {  	_ =	swait.ge @!p3 [sflag:s0], $0x100  }
0x1ef: {  	p1 =	por p2, p1;
	[sflag:s0] =	ssyncset.done @!p3 $0x0  }
0x1f0: {  	[sflag:s0] =	ssyncadd.s32 @!p3 $0xFFFFFF00;
	s0 =	simm.s32 @!p1 $0x1  }
0x1f1: {  	_ =	swait.ge @!p1 [sflag:s0], $0x80  }
0x1f2: {  	s29 =	simm.s32 $0x10238;
	[sflag:s0] =	ssyncset.done @!p1 $0x0  }
0x1f3: {  	s30 =	simm.s32 $0x1000;
	s31 =	simm.s32 $0x1;
	[sflag:s0] =	ssyncadd.s32 @!p1 $0xFFFFFF80  }
0x1f4: {  	[spmem:s30] =	stream.linear.scatter [tilespmem:s29], [sflag:$0x1], $0x10, $0x38;
	[tilespmem:$0x1F6F8] =	vst v63  }
0x1f5: {  	_ =	swait.ge [sflag:s31], $0x10  }
0x1f6: {  	[sflag:s31] =	ssyncset.done $0x0  }
0x1f7: {  	p1 =	seq.s32 s15, $0x0;
	s8 =	rddreg [dreg:$0x1];
	[sflag:s31] =	ssyncadd.s32 $0xFFFFFFF0  }
0x1f8: {  	s2 =	sshll.u32 @p1 s8, $0xE;
	s7 =	rddreg [dreg:$0x2]  }
0x1f9: {  	s0 =	sadd.s32 @p1 $0x15C3C, s2;
	s2 =	sshll.u32 @p1 s7, $0x11  }
0x1fa: {  	_ =	sfence.stream.spmem;
	s0 =	sor.u32 @p1 s2, s0  }
0x1fb: {  	[sflag:s0] =	ssyncadd.remote.s32 @p1 $0x1;
	s0 =	simm.s32 @p1 $0x4  }
0x1fc: {  	s3 =	simm.s32 @!p1 $0x3C;
	s2 =	sand.u32 $0xFFFFFFFE, s8;
	_ =	swait.ge @p1 [sflag:s0], $0x22  }
0x1fd: {  	s4 =	simm.s32 @!p1 $0x0;
	s2 =	sadd.s32 @!p1 $0x4, s2;
	[sflag:s0] =	ssyncset.done @p1 $0x0  }
0x1fe: {  	s5 =	simm.s32 @!p1 $0x100;
	[sflag:s0] =	ssyncadd.s32 @p1 $0xFFFFFFDE;
	s0 =	sshll.u32 @!p1 s2, $0x1A  }
0x1ff: {  	s2 =	sshll.u32 @!p1 s2, $0xD;
	s0 =	sor.u32 @!p1 s0, s7;
	_ =	swait.eq @!p1 [sflag:s3], $0x1  }
0x200: {  	s2 =	sor.u32 @!p1 $0x1C04, s2;
	s3 =	simm.s32 @!p1 $0x1C03;
	s0 =	sor.u32 @!p1 $0x80004000, s0  }
0x201: {  	[spmem:s5], [sflag:s2] =	dma.general @!p1 [spmem:s4], [sflag:s3], length:$0x20, [dreg:$0x0], stride_count:$0x0, ici_dest:s0, dma_misc:DstOpCode:WRITE  }
0x202: {  	p2 =	slt.s32 s9, $0x2;
	s4 =	simm.s32 @!p1 $0x200;
	s5 =	simm.s32 @!p1 $0x202  }
0x203: {  	[spmem:s5], [sflag:s2] =	dma.general @!p1 [spmem:s4], [sflag:s3], length:$0x2, [dreg:$0x0], stride_count:$0x0, ici_dest:s0, dma_misc:DstOpCode:WRITE  }
.Ltmp27:
0x204: {  	s0 =	simm.s32 @!p1 $0x3;
	(pc) =	sbr.rel @p2 .LBB2_38-.Ltmp27, $4  }
0x205: {  	s2 =	sshll.u32 @!p1 s8, $0xE;
	_ =	swait.ge @!p1 [sflag:s0], $0x22  }
0x206: {  	s3 =	sshll.u32 @!p1 s7, $0x11;
	s2 =	sadd.s32 @!p1 $0x11C3C, s2;
	[sflag:s0] =	ssyncset.done @!p1 $0x0  }
0x207: {  	[sflag:s0] =	ssyncadd.s32 @!p1 $0xFFFFFFDE;
	s0 =	sor.u32 @!p1 s3, s2  }
0x208: {  	[sflag:s0] =	ssyncadd.remote.s32 @!p1 $0xFFFFFFFF;
	s0 =	simm.s32 $0x0  }
0x209: {  	s0 =	simm.s32 $0xF219  }
0x20a: {  	v0 =	vld.msk [tilespmem:s0+$0x0], $0x1;
	_ =	sdelay $0x4  }
0x20b: {  	(v2sf) =	vpush v0, $0x0;
	_ =	sdelay $0xb  }
0x20c: {  	s31 =	sadd.s32 $0xFFFFFFFE, s6  }
0x20d: {  	s0 =	sadd.s32 $0xFFFFFFFF, s31  }
0x20e: {  	p2 =	sne.s32 s0, $0x0  }
.Ltmp28:
0x20f: {  	s2 =	spop (v2sf);
	(pc) =	sbr.rel @!p2 .LBB2_37-.Ltmp28, $4  }
0x210: {  	s4 =	simm.s32 $0xF2B8;
	s7 =	simm.s32 $0x0;
	p1 =	sgt.u32 s2, $0xFFF0  }
0x211: {  	s5 =	simm.s32 $0x0;
	s6 =	simm.s32 $0xF21A;
	s3 =	sand.u32 @!p1 $0xFFF8, s2  }
0x212: {  	s2 =	sand.u32 @!p1 $0x7, s2;
	s7 =	simm.s32 @!p1 $0x200;
	s3 =	sadd.s32 @!p1 s1, s3  }
0x213: {  	[hbm4b:s3+s2] =	stream.linear.scatter @!p1 [tilespmem:s4], [sflag:$0x5], $0x80, $0x38;
	[tilespmem:$0x1F6F8] =	vst v63  }
.LBB2_36:
0x214: {  	v0 =	vld.msk [tilespmem:s6+$0x0], $0x1;
	s0 =	sadd.s32 $0xFFFFFFFF, s0;
	s5 =	sadd.s32 s5, s7  }
0x215: {  	p1 =	sne.s32 s0, $0x0;
	_ =	sdelay $0x3  }
0x216: {  	(v2sf) =	vpush v0, $0x0;
	_ =	sdelay $0xe  }
.Ltmp29:
0x217: {  	s2 =	spop (v2sf);
	(pc) =	sbr.rel @p1 .LBB2_36-.Ltmp29, $4  }
0x218: {  	s7 =	simm.s32 $0x0;
	p2 =	sgt.u32 s2, $0xFFF0  }
0x219: {  	s4 =	sadd.s32 $0x80, s4;
	s7 =	simm.s32 @!p2 $0x200;
	s3 =	sand.u32 @!p2 $0xFFF8, s2  }
0x21a: {  	s6 =	sadd.s32 $0x1, s6;
	s2 =	sand.u32 @!p2 $0x7, s2;
	s3 =	sadd.s32 @!p2 s1, s3  }
0x21b: {  	[hbm4b:s3+s2] =	stream.linear.scatter @!p2 [tilespmem:s4], [sflag:$0x5], $0x80, $0x38;
	[tilespmem:$0x1F6F8] =	vst v63  }
.LBB2_37:
0x21c: {  	s0 =	sadd.s32 s5, s7  }
0x21d: {  	s0 =	sshrl.u32 s0, $0x2  }
.LBB2_38:
0x21e: {  	s2 =	simm.s32 $0x5  }
0x21f: {  	_ =	swait.ge [sflag:s2], s0  }
0x220: {  	s31 =	ssub.s32 $0x0, s0;
	[sflag:s2] =	ssyncset.done $0x0  }
0x221: {  	[sflag:s2] =	ssyncadd.s32 s31  }
0x222: {  	[sflag:s2] =	ssyncpa.u1 $0x1  }
.LBB2_39:
0x223: {  	s0 =	sor.u32 s15, s16  }
0x224: {  	p1 =	sne.s32 s0, $0x0  }
.Ltmp30:
0x225: {  	_ = 	snop;
	(pc) =	sbr.rel @p1 .LBB2_54-.Ltmp30, $3  }
0x226: {  	_ =	sdelay $0x1  }
0x227: {  	[bflag:$0x0] =	sbarrier.arrive $0xFFFF  }
0x228: {  	_ =	sfence  }
0x229: {  	s0 =	simm.s32 $0x7  }
0x22a: {  	s2 =	simm.s32 $0x1000;
	s3 =	simm.s32 $0xF218;
	[sflag:s0] =	ssyncpa.u1 $0x0  }
0x22b: {  	[tilespmem:s3], [sflag:$0x7] =	stream.linear.gather [spmem:s2], $0x20, $0x38;
	[tilespmem:$0x1F6F8] =	vst v63  }
0x22c: {  	s30 =	simm.s32 $0xF238;
	s2 =	simm.s32 $0x0  }
0x22d: {  	[tilespmem:s30], [sflag:$0x7] =	stream.linear.gather [spmem:s2], $0x1000, $0x38;
	[tilespmem:$0x1F6F8] =	vst v63  }
.Ltmp31:
0x22e: {  	_ = 	snop;
	(pc) =	sbr.rel .LBB2_41-.Ltmp31, $4  }
0x22f: {  	_ =	swait.ge [sflag:s0], $0x1020  }
0x230: {  	[sflag:s0] =	ssyncset.done $0x0  }
0x231: {  	s31 =	simm.s32 $0x8;
	[sflag:s0] =	ssyncadd.s32 $0xFFFFEFE0  }
0x232: {  	s3 =	simm.s32 $0x0;
	[sflag:s31] =	ssyncpa.u1 $0x0  }
.LBB2_47:
0x233: {  	p1 =	slt.u32 s4, $0xFFF1  }
0x234: {  	s0 =	sand.u32 @p1 $0xFFF8, s4  }
0x235: {  	s4 =	sand.u32 @p1 $0x7, s4;
	s5 =	simm.s32 @p1 $0xF188;
	s0 =	sadd.s32 @p1 s1, s0  }
0x236: {  	[tilespmem:s5], [sflag:$0x8] =	stream.linear.gather @p1 [hbm4b:s0+s4], $0x80, $0x38;
	[tilespmem:$0x1F6F8] =	vst v63  }
0x237: {  	s0 =	simm.s32 @p1 $0x8  }
0x238: {  	_ =	swait.ge @p1 [sflag:s0], $0x80  }
0x239: {  	[sflag:s0] =	ssyncset.done @p1 $0x0  }
0x23a: {  	[sflag:s0] =	ssyncadd.s32 @p1 $0xFFFFFF80;
	s0 =	sshll.u32 @p1 s3, $0x9  }
0x23b: {  	s4 =	sshrl.u32 @p1 s0, $0x2;
	v1 =	vld @p1 [tilespmem:$0xF188]  }
0x23c: {  	v2 =	vld @p1 [tilespmem:s4+$0xF238];
	_ =	sdelay $0x4  }
0x23d: {  	v1 =	vmax.f32 @p1 v1, v2  }
0x23e: {  	v2 =	vld @p1 [tilespmem:s4+$0xF248];
	[tilespmem:s4+$0xF238] =	vst @p1 v1  }
0x23f: {  	v1 =	vld @p1 [tilespmem:$0xF198];
	_ =	sdelay $0x4  }
0x240: {  	v1 =	vmax.f32 @p1 v1, v2  }
0x241: {  	v2 =	vld @p1 [tilespmem:s4+$0xF258];
	[tilespmem:s4+$0xF248] =	vst @p1 v1  }
0x242: {  	v1 =	vld @p1 [tilespmem:$0xF1A8];
	_ =	sdelay $0x4  }
0x243: {  	v1 =	vmax.f32 @p1 v1, v2  }
0x244: {  	v2 =	vld @p1 [tilespmem:s4+$0xF268];
	[tilespmem:s4+$0xF258] =	vst @p1 v1  }
0x245: {  	v1 =	vld @p1 [tilespmem:$0xF1B8];
	_ =	sdelay $0x4  }
0x246: {  	v1 =	vmax.f32 @p1 v1, v2  }
0x247: {  	v2 =	vld @p1 [tilespmem:s4+$0xF278];
	[tilespmem:s4+$0xF268] =	vst @p1 v1  }
0x248: {  	v1 =	vld @p1 [tilespmem:$0xF1C8];
	_ =	sdelay $0x4  }
0x249: {  	v1 =	vmax.f32 @p1 v1, v2  }
0x24a: {  	v2 =	vld @p1 [tilespmem:s4+$0xF288];
	[tilespmem:s4+$0xF278] =	vst @p1 v1  }
0x24b: {  	v1 =	vld @p1 [tilespmem:$0xF1D8];
	_ =	sdelay $0x4  }
0x24c: {  	v1 =	vmax.f32 @p1 v1, v2  }
0x24d: {  	v2 =	vld @p1 [tilespmem:s4+$0xF298];
	[tilespmem:s4+$0xF288] =	vst @p1 v1  }
0x24e: {  	v1 =	vld @p1 [tilespmem:$0xF1E8];
	_ =	sdelay $0x4  }
0x24f: {  	v1 =	vmax.f32 @p1 v1, v2  }
0x250: {  	v2 =	vld @p1 [tilespmem:s4+$0xF2A8];
	[tilespmem:s4+$0xF298] =	vst @p1 v1  }
0x251: {  	v1 =	vld @p1 [tilespmem:$0xF1F8];
	_ =	sdelay $0x4  }
0x252: {  	s5 =	sshll.u32 @!p1 s3, $0x9;
	v1 =	vmax.f32 @p1 v1, v2  }
0x253: {  	s5 =	smov.u32 @p1 s0;
	[tilespmem:s4+$0xF2A8] =	vst @p1 v1  }
0x254: {  	s0 =	sshrl.u32 s5, $0x2;
	[tilespmem:s2+$0xF218] =	vst.msk $0x1, v0  }
0x255: {  	v0 =	vld [tilespmem:s0+$0xF238];
	_ =	sdelay $0x2  }
0x256: {  	s31 =	sshll.u32 s2, $0x9  }
0x257: {  	s4 =	sshra.s32 s31, $0x2  }
0x258: {  	[tilespmem:s4+$0xF238] =	vst v0  }
0x259: {  	v0 =	vld [tilespmem:s0+$0xF248];
	_ =	sdelay $0x4  }
0x25a: {  	[tilespmem:s4+$0xF248] =	vst v0  }
0x25b: {  	v0 =	vld [tilespmem:s0+$0xF258];
	_ =	sdelay $0x4  }
0x25c: {  	[tilespmem:s4+$0xF258] =	vst v0  }
0x25d: {  	v0 =	vld [tilespmem:s0+$0xF268];
	_ =	sdelay $0x4  }
0x25e: {  	[tilespmem:s4+$0xF268] =	vst v0  }
0x25f: {  	v0 =	vld [tilespmem:s0+$0xF278];
	_ =	sdelay $0x4  }
0x260: {  	[tilespmem:s4+$0xF278] =	vst v0  }
0x261: {  	v0 =	vld [tilespmem:s0+$0xF288];
	_ =	sdelay $0x4  }
0x262: {  	[tilespmem:s4+$0xF288] =	vst v0  }
0x263: {  	v0 =	vld [tilespmem:s0+$0xF298];
	_ =	sdelay $0x4  }
0x264: {  	[tilespmem:s4+$0xF298] =	vst v0  }
0x265: {  	v0 =	vld [tilespmem:s0+$0xF2A8];
	_ =	sdelay $0x4  }
0x266: {  	s2 =	sadd.s32 $0x1, s2;
	[tilespmem:s4+$0xF2A8] =	vst v0  }
.LBB2_48:
0x267: {  	s3 =	sadd.s32 $0x1, s3  }
0x268: {  	p1 =	sne.s32 s3, $0x20  }
.Ltmp32:
0x269: {  	_ = 	snop;
	(pc) =	sbr.rel @!p1 .LBB2_49-.Ltmp32, $1  }
0x26a: {  	_ =	sdelay $0x3  }
.LBB2_41:
0x26b: {  	v0 =	vld.msk [tilespmem:s3+$0xF218], $0x1;
	_ =	sdelay $0x4  }
0x26c: {  	(v2sf) =	vpush v0, $0x0;
	_ =	sdelay $0xe  }
0x26d: {  	s4 =	spop (v2sf)  }
0x26e: {  	p1 =	seq.s32 s4, $0xFFFFFFFF  }
.Ltmp33:
0x26f: {  	_ = 	snop;
	(pc) =	sbr.rel @p1 .LBB2_48-.Ltmp33, $1  }
0x270: {  	_ =	sdelay $0x3  }
0x271: {  	p1 =	slt.s32 s2, $0x1  }
.Ltmp34:
0x272: {  	_ = 	snop;
	(pc) =	sbr.rel @p1 .LBB2_47-.Ltmp34, $1  }
0x273: {  	_ =	sdelay $0x3  }
0x274: {  	s5 =	simm.s32 $0xF218;
	p1 =	por $0x0, $0x0  }
0x275: {  	v1 =	vld.msk @!p1 [tilespmem:s5+$0x0], $0x1;
	_ =	sdelay $0x4  }
0x276: {  	(v2sf) =	vpush @!p1 v1, $0x0;
	_ =	sdelay $0xd  }
0x277: {  	p3 =	sne.s32 s2, $0x1  }
.Ltmp35:
0x278: {  	s0 =	spop @!p1 (v2sf);
	(pc) =	sbr.rel @!p3 .LBB2_45-.Ltmp35, $4  }
0x279: {  	p2 =	seq.s32 @!p1 s4, s0  }
0x27a: {  	s6 =	simm.s32 $0x0;
	p2 =	por !p2, p1  }
0x27b: {  	s7 =	simm.s32 $0xFFFFFFFF;
	s6 =	simm.s32 @p2 $0xFFFFFFFF  }
0x27c: {  	s0 =	simm.s32 $0x1;
	s6 =	smov.u32 @p1 s7  }
.LBB2_44:
0x27d: {  	s7 =	smov.u32 s6;
	p1 =	sne.s32 s6, $0xFFFFFFFF  }
0x27e: {  	s5 =	sadd.s32 $0x1, s5;
	s6 =	smov.u32 s0;
	s0 =	sadd.s32 $0x1, s0  }
0x27f: {  	p2 =	sne.s32 s2, s0;
	v1 =	vld.msk @!p1 [tilespmem:s5+$0x0], $0x1;
	_ =	sdelay $0x4  }
0x280: {  	(v2sf) =	vpush @!p1 v1, $0x0;
	_ =	sdelay $0xe  }
.Ltmp36:
0x281: {  	s8 =	spop @!p1 (v2sf);
	(pc) =	sbr.rel @p2 .LBB2_44-.Ltmp36, $4  }
0x282: {  	p3 =	seq.s32 @!p1 s4, s8  }
0x283: {  	p3 =	por !p3, p1  }
0x284: {  	s6 =	simm.s32 @p3 $0xFFFFFFFF  }
0x285: {  	s6 =	smov.u32 @p1 s7  }
.LBB2_45:
0x286: {  	p1 =	seq.s32 s6, $0xFFFFFFFF  }
.Ltmp37:
0x287: {  	_ = 	snop;
	(pc) =	sbr.rel @p1 .LBB2_47-.Ltmp37, $1  }
0x288: {  	_ =	sdelay $0x3  }
0x289: {  	s0 =	sshll.u32 s3, $0x7  }
0x28a: {  	s4 =	sshll.u32 s6, $0x9;
	s0 =	sand.u32 $0x3FFFFF80, s0  }
0x28b: {  	s4 =	sshra.s32 s4, $0x2;
	v0 =	vld [tilespmem:s0+$0xF238]  }
0x28c: {  	v1 =	vld [tilespmem:s4+$0xF238];
	_ =	sdelay $0x4  }
0x28d: {  	v0 =	vmax.f32 v0, v1  }
0x28e: {  	v57 =	vld [tilespmem:s4+$0xF248];
	[tilespmem:s4+$0xF238] =	vst v0  }
0x28f: {  	v0 =	vld [tilespmem:s0+$0xF248];
	_ =	sdelay $0x4  }
0x290: {  	v0 =	vmax.f32 v0, v57  }
0x291: {  	v58 =	vld [tilespmem:s4+$0xF258];
	[tilespmem:s4+$0xF248] =	vst v0  }
0x292: {  	v0 =	vld [tilespmem:s0+$0xF258];
	_ =	sdelay $0x4  }
0x293: {  	v0 =	vmax.f32 v0, v58  }
0x294: {  	v59 =	vld [tilespmem:s4+$0xF268];
	[tilespmem:s4+$0xF258] =	vst v0  }
0x295: {  	v0 =	vld [tilespmem:s0+$0xF268];
	_ =	sdelay $0x4  }
0x296: {  	v0 =	vmax.f32 v0, v59  }
0x297: {  	v60 =	vld [tilespmem:s4+$0xF278];
	[tilespmem:s4+$0xF268] =	vst v0  }
0x298: {  	v0 =	vld [tilespmem:s0+$0xF278];
	_ =	sdelay $0x4  }
0x299: {  	v0 =	vmax.f32 v0, v60  }
0x29a: {  	v61 =	vld [tilespmem:s4+$0xF288];
	[tilespmem:s4+$0xF278] =	vst v0  }
0x29b: {  	v0 =	vld [tilespmem:s0+$0xF288];
	_ =	sdelay $0x4  }
0x29c: {  	v0 =	vmax.f32 v0, v61  }
0x29d: {  	v62 =	vld [tilespmem:s4+$0xF298];
	[tilespmem:s4+$0xF288] =	vst v0  }
0x29e: {  	v0 =	vld [tilespmem:s0+$0xF298];
	_ =	sdelay $0x4  }
0x29f: {  	v0 =	vmax.f32 v0, v62  }
0x2a0: {  	v63 =	vld [tilespmem:s4+$0xF2A8];
	[tilespmem:s4+$0xF298] =	vst v0  }
0x2a1: {  	v0 =	vld [tilespmem:s0+$0xF2A8];
	_ =	sdelay $0x1  }
.Ltmp38:
0x2a2: {  	_ = 	snop;
	(pc) =	sbr.rel .LBB2_48-.Ltmp38, $3  }
0x2a3: {  	_ =	sdelay $0x1  }
0x2a4: {  	v0 =	vmax.f32 v0, v63  }
0x2a5: {  	[tilespmem:s4+$0xF2A8] =	vst v0  }
.LBB2_49:
0x2a6: {  	p1 =	slt.s32 s2, $0x1  }
.Ltmp39:
0x2a7: {  	_ = 	snop;
	(pc) =	sbr.rel @p1 .LBB2_53-.Ltmp39, $3  }
0x2a8: {  	_ =	sdelay $0x1  }
0x2a9: {  	s0 =	simm.s32 $0x8  }
0x2aa: {  	s3 =	simm.s32 $0x0;
	[sflag:s0] =	ssyncpa.u1 $0x1  }
0x2ab: {  	s0 =	simm.s32 $0xF218  }
0x2ac: {  	v0 =	vld.msk [tilespmem:s0+$0x0], $0x1;
	_ =	sdelay $0x4  }
0x2ad: {  	(v2sf) =	vpush v0, $0x0;
	_ =	sdelay $0xe  }
0x2ae: {  	s0 =	sadd.s32 $0xFFFFFFFF, s2;
	s5 =	spop (v2sf)  }
0x2af: {  	p2 =	sne.s32 s0, $0x0;
	p1 =	sgt.u32 s5, $0xFFF0  }
.Ltmp40:
0x2b0: {  	s6 =	sand.u32 @!p1 $0xFFF8, s5;
	(pc) =	sbr.rel @!p2 .LBB2_52-.Ltmp40, $4  }
0x2b1: {  	s4 =	simm.s32 $0xF238;
	s5 =	sand.u32 @!p1 $0x7, s5;
	s2 =	sadd.s32 @!p1 s1, s6  }
0x2b2: {  	[hbm4b:s2+s5] =	stream.linear.scatter @!p1 [tilespmem:s4], [sflag:$0x7], $0x80, $0x38;
	[tilespmem:$0x1F6F8] =	vst v63  }
0x2b3: {  	s5 =	simm.s32 $0x0  }
0x2b4: {  	s2 =	simm.s32 $0xF219;
	s5 =	simm.s32 @!p1 $0x200  }
.LBB2_51:
0x2b5: {  	v0 =	vld.msk [tilespmem:s2+$0x0], $0x1;
	s0 =	sadd.s32 $0xFFFFFFFF, s0;
	s3 =	sadd.s32 s3, s5  }
0x2b6: {  	p1 =	sne.s32 s0, $0x0;
	_ =	sdelay $0x3  }
0x2b7: {  	(v2sf) =	vpush v0, $0x0;
	_ =	sdelay $0xe  }
.Ltmp41:
0x2b8: {  	s6 =	spop (v2sf);
	(pc) =	sbr.rel @p1 .LBB2_51-.Ltmp41, $4  }
0x2b9: {  	s5 =	simm.s32 $0x0;
	p2 =	sgt.u32 s6, $0xFFF0  }
0x2ba: {  	s4 =	sadd.s32 $0x80, s4;
	s5 =	simm.s32 @!p2 $0x200;
	s7 =	sand.u32 @!p2 $0xFFF8, s6  }
0x2bb: {  	s2 =	sadd.s32 $0x1, s2;
	s6 =	sand.u32 @!p2 $0x7, s6;
	s7 =	sadd.s32 @!p2 s1, s7  }
0x2bc: {  	[hbm4b:s7+s6] =	stream.linear.scatter @!p2 [tilespmem:s4], [sflag:$0x7], $0x80, $0x38;
	[tilespmem:$0x1F6F8] =	vst v63  }
.LBB2_52:
0x2bd: {  	s0 =	sadd.s32 s3, s5  }
0x2be: {  	s3 =	sshrl.u32 s0, $0x2  }
.LBB2_53:
0x2bf: {  	s0 =	simm.s32 $0x7  }
0x2c0: {  	_ =	swait.ge [sflag:s0], s3  }
0x2c1: {  	s1 =	ssub.s32 $0x0, s3;
	[sflag:s0] =	ssyncset.done $0x0  }
0x2c2: {  	[sflag:s0] =	ssyncadd.s32 s1  }
0x2c3: {  	[sflag:s0] =	ssyncpa.u1 $0x1  }
.LBB2_54:
0x2c4: {  	_ =	sfence;
	s0 =	simm.s32 $0x1  }
0x2c5: {  	[sflag:s0] =	ssyncpa.u1 $0x1  }
0x2c6: {  	_ =	strace $0x9000004D  }
0x2c7: {  	[bflag:$0x2] =	sbarrier.arrive $0xFFFF  }
0x2c8: {  	s0 =	rddreg [dreg:$0x3]  }
0x2c9: {  	s0 =	sadd.s32 @!p0 $0x100000, s0  }
0x2ca: {  	[sflag:s0] =	ssyncadd.tile.s32 @!p0 $0x1;
	_ =	shalt  }
.Lfunc_end2:
_tile_overlayer_lowered:
.L_overlay_start_2:
0x2cb: {  	(tag) =	ssettag $0x2  }
0x2cc: {  	s0 =	rddreg [dreg:$0x0];
	s2 =	stileid.u32  }
0x2cd: {  	s1 =	rddreg [dreg:$0x1];
	p0 =	sne.s32 s2, $0x0  }
0x2ce: {  	s3 =	rddreg [dreg:$0x2];
	[bflag:$0x3] =	sbarrier.arrive $0xFFFF;
	s2 =	simm.s32 @!p0 $0x1C01  }
0x2cf: {  	[timem:s3], [sflag:s2] =	dma.local @!p0 [hbm:s0], s1  }
0x2d0: {  	s0 =	simm.s32 @!p0 $0x1  }
0x2d1: {  	_ =	swait.ge @!p0 [sflag:s0], s1  }
0x2d2: {  	s1 =	ssub.s32 @!p0 $0x0, s1;
	[sflag:s0] =	ssyncset.done @!p0 $0x0  }
0x2d3: {  	[sflag:s0] =	ssyncadd.s32 @!p0 s1  }
0x2d4: {  	[bflag:$0x3] =	sbarrier.arrive $0xFFFF  }
0x2d5: {  	_ =	shalt  }

</sc_bundles>
